<compile_context>
chip_gen: v7x
topology: tpu7x:2x2x1
jax: 0.10.2.dev20260603
libtpu: 0.0.44.dev20260713+nightly
codegen_flags: <defaults>
</compile_context>

<pallas_src>
import functools

import jax
import jax.numpy as jnp
from jax import lax
from jax.experimental import pallas as pl
from jax.experimental.pallas import tpu as pltpu
from jax.experimental.pallas import tpu_sc as plsc

B, C, N, K, H = 1, 256, 10000, 16, 1
OUT = 256
NE = N * K
NC, NS = 2, 16
NW = NC * NS

P = 1
N_P = N // P
NE_P = NE // P
EPW = NE_P // NW
R = 40
NCHUNK = EPW // R

NB = 400
GRID_P = N_P // NB


QG = 6
QD = 2


def _sc_lo_f32(v):
    return lax.bitcast_convert_type(v << 16, jnp.float32)


def _sc_hi_f32(v):
    return lax.bitcast_convert_type((v >> 16) << 16, jnp.float32)


def _make_sc_gather_diff(part):
    mesh = plsc.VectorSubcoreMesh(
        core_axis_name="c", subcore_axis_name="s", num_cores=NC,
        num_subcores=NS)

    @functools.partial(
        pl.kernel,
        out_type=jax.ShapeDtypeStruct((NE_P, C // 2), jnp.int32),
        mesh=mesh,
        scratch_types=[
            pltpu.VMEM((EPW,), jnp.int32),
            pltpu.VMEM((EPW,), jnp.int32),
            [pltpu.VMEM((R, C // 2), jnp.int32)] * QG,
            [pltpu.VMEM((R, C // 2), jnp.int32)] * QG,
            [pltpu.VMEM((R, C // 2), jnp.int32)] * QD,
            [pltpu.SemaphoreType.DMA] * QG,
            [pltpu.SemaphoreType.DMA] * QD,
        ],
    )
    def k(xt_hbm, ej_hbm, ei_hbm, d_hbm, idxj_all, idxi_all, bjs, bis,
          bds, gsems, wsems):
        wid = lax.axis_index("s") * NC + lax.axis_index("c")
        src_base = part * NE_P + wid * EPW
        dst_base = wid * EPW
        pltpu.sync_copy(ej_hbm.at[pl.ds(src_base, EPW)], idxj_all)
        pltpu.sync_copy(ei_hbm.at[pl.ds(src_base, EPW)], idxi_all)

        def start(t, s):
            off = t * R
            pltpu.async_copy(
                xt_hbm.at[idxj_all.at[pl.ds(off, R)]], bjs[s], gsems[s])
            pltpu.async_copy(
                xt_hbm.at[idxi_all.at[pl.ds(off, R)]], bis[s], gsems[s])

        def wait_gather(s):
            pltpu.make_async_copy(
                xt_hbm.at[idxj_all.at[pl.ds(0, R)]], bjs[s],
                gsems[s]).wait()
            pltpu.make_async_copy(
                xt_hbm.at[idxi_all.at[pl.ds(0, R)]], bis[s],
                gsems[s]).wait()

        def wait_wb(sd):
            pltpu.make_async_copy(
                bds[sd], d_hbm.at[pl.ds(dst_base, R)], wsems[sd]).wait()

        for t in range(QG):
            start(t, t)

        def step(t, sg, sd):
            wait_gather(sg)

            @pl.when(t >= QD)
            def _():
                wait_wb(sd)

            bj, bi, bd = bjs[sg], bis[sg], bds[sd]

            def rowloop(r, c2):
                for cc in range(C // 32):
                    sl = pl.ds(cc * 16, 16)
                    a = bj[r, sl]
                    bb = bi[r, sl]
                    de = _sc_lo_f32(a) - _sc_lo_f32(bb)
                    do = _sc_hi_f32(a) - _sc_hi_f32(bb)
                    der = lax.bitcast_convert_type(de, jnp.int32) + 32768
                    dor = lax.bitcast_convert_type(do, jnp.int32) + 32768
                    bd[r, sl] = (
                        lax.shift_right_logical(der, 16)
                        | (dor & jnp.int32(-65536))
                    )
                return c2

            lax.fori_loop(0, R, rowloop, 0)
            pltpu.async_copy(bd, d_hbm.at[pl.ds(dst_base + t * R, R)],
                             wsems[sd])

            @pl.when(t + QG < NCHUNK)
            def _():
                start(t + QG, sg)

        def body(g, carry):
            for u in range(QG):
                t = QG * g + u

                @pl.when(t < NCHUNK)
                def _():
                    step(t, u, u % QD)
            return carry

        lax.fori_loop(0, (NCHUNK + QG - 1) // QG, body, 0)
        for t in range(NCHUNK - QD, NCHUNK):
            wait_wb(t % QD)

    return k


def _lo_f32(x32):
    return lax.bitcast_convert_type(x32 << 16, jnp.float32)


def _hi_f32(x32):
    return lax.bitcast_convert_type((x32 >> 16) << 16, jnp.float32)


def _tc_body(d_ref, xt_ref, atte_ref, atto_ref, wt1_ref,
             wt2e_ref, wt2o_ref, b_ref, out_ref):
    d32 = d_ref[...]
    d3e = _lo_f32(d32).reshape(NB, K, C // 2)
    d3o = _hi_f32(d32).reshape(NB, K, C // 2)
    acte = jnp.where(d3e >= 0, d3e, 0.2 * d3e)
    acto = jnp.where(d3o >= 0, d3o, 0.2 * d3o)
    logits = (
        jnp.sum(acte * atte_ref[...][None, :, :], axis=2)
        + jnp.sum(acto * atto_ref[...][None, :, :], axis=2)
    )
    m = jnp.max(logits, axis=1, keepdims=True)
    e = jnp.exp(logits - m)
    alpha = e / jnp.sum(e, axis=1, keepdims=True)
    aw = alpha[:, :, None]
    xmaxe = jnp.max(d3e * aw, axis=1)
    xmaxo = jnp.max(d3o * aw, axis=1)
    xt = xt_ref[...]
    y = (
        jnp.dot(xt, wt1_ref[...], preferred_element_type=jnp.float32)
        + jnp.dot(xmaxe, wt2e_ref[...], preferred_element_type=jnp.float32)
        + jnp.dot(xmaxo, wt2o_ref[...], preferred_element_type=jnp.float32)
        + b_ref[...]
    )
    out_ref[...] = y


def _tc_part(part, d32, xt, atte, atto, wt1, wt2e, wt2o, b2):
    return pl.pallas_call(
        _tc_body,
        grid=(GRID_P,),
        in_specs=[
            pl.BlockSpec((NB * K, C // 2), lambda i: (i, 0)),
            pl.BlockSpec((NB, C), lambda i, p=part: (i + p * GRID_P, 0)),
            pl.BlockSpec((1, C // 2), lambda i: (0, 0)),
            pl.BlockSpec((1, C // 2), lambda i: (0, 0)),
            pl.BlockSpec((C, OUT), lambda i: (0, 0)),
            pl.BlockSpec((C // 2, OUT), lambda i: (0, 0)),
            pl.BlockSpec((C // 2, OUT), lambda i: (0, 0)),
            pl.BlockSpec((1, OUT), lambda i: (0, 0)),
        ],
        out_specs=pl.BlockSpec((NB, OUT), lambda i: (i, 0)),
        out_shape=jax.ShapeDtypeStruct((N_P, OUT), jnp.float32),
    )(d32, xt, atte, atto, wt1, wt2e, wt2o, b2)


def kernel(x, edge_index, att, W, b):
    xt = jnp.transpose(x[0, :, :, 0])
    xbits = lax.bitcast_convert_type(xt, jnp.int32)
    lo = xbits[:, : C // 2] + 32768
    hi = xbits[:, C // 2:] + 32768
    xt32 = lax.shift_right_logical(lo, 16) | (hi & jnp.int32(-65536))
    ej = edge_index[0, 0].reshape(NE)
    ei = edge_index[1, 0].reshape(NE)
    att_v = att.reshape(1, C)
    atte = att_v[:, : C // 2]
    atto = att_v[:, C // 2:]
    wt = jnp.transpose(W)
    wt1 = wt[:C]
    wt2e = wt[C:C + C // 2]
    wt2o = wt[C + C // 2:]
    b2 = b.reshape(1, OUT)

    ds32 = [_make_sc_gather_diff(p)(xt32, ej, ei) for p in range(P)]
    yts = [
        _tc_part(p, ds32[p], xt, atte, atto, wt1, wt2e, wt2o, b2)
        for p in range(P)
    ]
    yt = jnp.concatenate(yts, axis=0)
    return jnp.transpose(yt)[None, :, :, None]

# --- scband reference (transcript-rebuilt; emitter-appended) ---
"""Pipeline reference for scband-mrconv-att-41308995453317 (READ-ONLY COPY).

The authoritative reference and input builder live on the scoring server;
editing this copy changes nothing except your own understanding.
"""

import jax, jax.numpy as jnp
import numpy as np

B, C, N, K, H = 1, 256, 10000, 16, 1
OUT = 256


def batched_index_select(x, idx):
    # x: [B, C, N, 1], idx: [B, N, K] -> [B, C, N, K]
    Bb, Cc, Nn, _ = x.shape
    Kk = idx.shape[-1]
    xt = jnp.squeeze(x, -1)  # [B, C, N]
    idx_flat = idx.reshape(Bb, Nn * Kk)  # [B, N*K]
    feat = jnp.take_along_axis(xt, idx_flat[:, None, :], axis=2)  # [B, C, N*K]
    return feat.reshape(Bb, Cc, Nn, Kk)


def setup_inputs(seed: int = 0):
    key = jax.random.key(seed)
    k1, k2, k3, k4 = jax.random.split(key, 4)
    x = jax.random.normal(k1, (B, C, N, 1), dtype=jnp.float32)
    edge_index = jax.random.randint(k2, (2, B, N, K), 0, N)
    # att: xavier_normal on [1, C, heads, 1, 1]
    att = jax.random.normal(k3, (1, C, H, 1, 1), dtype=jnp.float32) * float(np.sqrt(2.0 / (C * H + 1)))
    # BasicConv([2C, OUT]) with act=None, norm=None -> Conv2d(2C, OUT, 1, bias=True)
    W = jax.random.normal(k4, (OUT, 2 * C), dtype=jnp.float32) * float(1.0 / np.sqrt(2 * C))
    b = jnp.zeros((OUT,), dtype=jnp.float32)
    return {"x": x, "edge_index": edge_index, "att": att, "W": W, "b": b}


def reference(x, edge_index, att, W, b):
    x_i = batched_index_select(x, edge_index[1])  # [B, C, N, K]
    x_j = batched_index_select(x, edge_index[0])  # [B, C, N, K]
    x_diff = x_j - x_i
    x_diff_act = jnp.where(x_diff >= 0, x_diff, 0.2 * x_diff)  # leaky_relu(0.2)
    # alpha = (x_diff.unsqueeze(2) * att).sum(dim=1) -> [B, H, N, K]
    alpha = jnp.sum(x_diff_act[:, :, None, :, :] * att, axis=1)
    alpha = jax.nn.softmax(alpha, axis=-1)
    # ((x_j - x_i).unsqueeze(1) * alpha.unsqueeze(2)).mean(1).max(-1, keepdim)
    prod = x_diff[:, None, :, :, :] * alpha[:, :, None, :, :]  # [B, H, C, N, K]
    x_max = jnp.max(jnp.mean(prod, axis=1), axis=-1, keepdims=True)  # [B, C, N, 1]
    cat = jnp.concatenate([x, x_max], axis=1)  # [B, 2C, N, 1]
    y = jnp.einsum('oc,bcnk->bonk', W, cat) + b[None, :, None, None]
    return y

if __name__ == "__main__":
    import jax
    _d = setup_inputs()
    print(jax.jit(kernel)(*tuple(_d.values())))

</pallas_src>

<mosaic_0001>
#map = affine_map<(d0, d1) -> (0, 0)>
#map1 = affine_map<(d0, d1) -> (0)>
module attributes {stable_mosaic.version = 14 : i64} {
  func.func @k(%arg0: i32, %arg1: i32, %arg2: memref<10000x128xi32, #tpu.memory_space<hbm>>, %arg3: memref<160000xi32, #tpu.memory_space<hbm>>, %arg4: memref<160000xi32, #tpu.memory_space<hbm>>, %arg5: memref<160000x128xi32, #tpu.memory_space<hbm>>, %arg6: memref<5000xi32, #tpu.memory_space<vmem>>, %arg7: memref<5000xi32, #tpu.memory_space<vmem>>, %arg8: memref<40x128xi32, #tpu.memory_space<vmem>>, %arg9: memref<40x128xi32, #tpu.memory_space<vmem>>, %arg10: memref<40x128xi32, #tpu.memory_space<vmem>>, %arg11: memref<40x128xi32, #tpu.memory_space<vmem>>, %arg12: memref<40x128xi32, #tpu.memory_space<vmem>>, %arg13: memref<40x128xi32, #tpu.memory_space<vmem>>, %arg14: memref<40x128xi32, #tpu.memory_space<vmem>>, %arg15: memref<40x128xi32, #tpu.memory_space<vmem>>, %arg16: memref<40x128xi32, #tpu.memory_space<vmem>>, %arg17: memref<40x128xi32, #tpu.memory_space<vmem>>, %arg18: memref<40x128xi32, #tpu.memory_space<vmem>>, %arg19: memref<40x128xi32, #tpu.memory_space<vmem>>, %arg20: memref<40x128xi32, #tpu.memory_space<vmem>>, %arg21: memref<40x128xi32, #tpu.memory_space<vmem>>, %arg22: memref<!tpu.dma_semaphore, #tpu.memory_space<semaphore_mem>>, %arg23: memref<!tpu.dma_semaphore, #tpu.memory_space<semaphore_mem>>, %arg24: memref<!tpu.dma_semaphore, #tpu.memory_space<semaphore_mem>>, %arg25: memref<!tpu.dma_semaphore, #tpu.memory_space<semaphore_mem>>, %arg26: memref<!tpu.dma_semaphore, #tpu.memory_space<semaphore_mem>>, %arg27: memref<!tpu.dma_semaphore, #tpu.memory_space<semaphore_mem>>, %arg28: memref<!tpu.dma_semaphore, #tpu.memory_space<semaphore_mem>>, %arg29: memref<!tpu.dma_semaphore, #tpu.memory_space<semaphore_mem>>) attributes {dimension_semantics = [#tpu.dimension_semantics<core_parallel>, #tpu.dimension_semantics<subcore_parallel>], iteration_bounds = array<i64: 2, 16>, scalar_prefetch = 0 : i64, scratch_operands = 24 : i64, tpu.core_type = #tpu.core_type<sc_vector_subcore>, window_params = [{transform_indices = #map}, {transform_indices = #map1}, {transform_indices = #map1}, {transform_indices = #map}]} {
    %mul3A = arith.constant 2 : i32
    %mul3A_0 = arith.muli %arg1, %mul3A : i32
    %add3A = arith.addi %mul3A_0, %arg0 : i32
    %mul3A_1 = arith.constant 5000 : i32
    %mul3A_2 = arith.muli %add3A, %mul3A_1 : i32
    %add3A_3 = arith.constant 0 : i32
    %add3A_4 = arith.addi %add3A_3, %mul3A_2 : i32
    %mul3A_5 = arith.constant 5000 : i32
    %mul3A_6 = arith.muli %add3A, %mul3A_5 : i32
    "tpu.region"() ({
      %run_scoped3A = tpu.sem_alloc : memref<!tpu.dma_semaphore, #tpu.memory_space<semaphore_mem>>
      %dma_start3A_78 = tpu.memref_slice %arg3[%add3A_4] : memref<160000xi32, #tpu.memory_space<hbm>> -> memref<5000xi32, #tpu.memory_space<hbm>>
      %dma_start3A_79 = tpu.memref_slice %arg3[%add3A_4] : memref<160000xi32, #tpu.memory_space<hbm>> -> memref<5000xi32, #tpu.memory_space<hbm>>
      tpu.enqueue_dma source(%dma_start3A_79 : memref<5000xi32, #tpu.memory_space<hbm>>) target(%arg6 : memref<5000xi32, #tpu.memory_space<vmem>>) target_semaphore(%run_scoped3A : memref<!tpu.dma_semaphore, #tpu.memory_space<semaphore_mem>>)
      %dma_wait3A_80 = tpu.memref_slice %arg3[%add3A_4] : memref<160000xi32, #tpu.memory_space<hbm>> -> memref<5000xi32, #tpu.memory_space<hbm>>
      %dma_wait3A_81 = tpu.memref_slice %arg3[%add3A_4] : memref<160000xi32, #tpu.memory_space<hbm>> -> memref<5000xi32, #tpu.memory_space<hbm>>
      tpu.wait_dma2 semaphore(%run_scoped3A : memref<!tpu.dma_semaphore, #tpu.memory_space<semaphore_mem>>) src(%dma_wait3A_81 : memref<5000xi32, #tpu.memory_space<hbm>>) dst(%arg6 : memref<5000xi32, #tpu.memory_space<vmem>>)
      tpu.yield
    }) : () -> ()
    "tpu.region"() ({
      %run_scoped3A = tpu.sem_alloc : memref<!tpu.dma_semaphore, #tpu.memory_space<semaphore_mem>>
      %dma_start3A_78 = tpu.memref_slice %arg4[%add3A_4] : memref<160000xi32, #tpu.memory_space<hbm>> -> memref<5000xi32, #tpu.memory_space<hbm>>
      %dma_start3A_79 = tpu.memref_slice %arg4[%add3A_4] : memref<160000xi32, #tpu.memory_space<hbm>> -> memref<5000xi32, #tpu.memory_space<hbm>>
      tpu.enqueue_dma source(%dma_start3A_79 : memref<5000xi32, #tpu.memory_space<hbm>>) target(%arg7 : memref<5000xi32, #tpu.memory_space<vmem>>) target_semaphore(%run_scoped3A : memref<!tpu.dma_semaphore, #tpu.memory_space<semaphore_mem>>)
      %dma_wait3A_80 = tpu.memref_slice %arg4[%add3A_4] : memref<160000xi32, #tpu.memory_space<hbm>> -> memref<5000xi32, #tpu.memory_space<hbm>>
      %dma_wait3A_81 = tpu.memref_slice %arg4[%add3A_4] : memref<160000xi32, #tpu.memory_space<hbm>> -> memref<5000xi32, #tpu.memory_space<hbm>>
      tpu.wait_dma2 semaphore(%run_scoped3A : memref<!tpu.dma_semaphore, #tpu.memory_space<semaphore_mem>>) src(%dma_wait3A_81 : memref<5000xi32, #tpu.memory_space<hbm>>) dst(%arg7 : memref<5000xi32, #tpu.memory_space<vmem>>)
      tpu.yield
    }) : () -> ()
    %dma_start3A = arith.constant 0 : i32
    %dma_start3A_7 = tpu.memref_slice %arg6[%dma_start3A] : memref<5000xi32, #tpu.memory_space<vmem>> -> memref<40xi32, #tpu.memory_space<vmem>>
    %dma_start3A_8 = arith.constant 0 : i32
    %dma_start3A_9 = arith.constant 0 : i32
    %dma_start3A_10 = tpu.memref_slice %arg2[%dma_start3A_8, %dma_start3A_9] : memref<10000x128xi32, #tpu.memory_space<hbm>> -> memref<10000x128xi32, #tpu.memory_space<hbm>>
    tpu.enqueue_indirect_dma source(%dma_start3A_10 : memref<10000x128xi32, #tpu.memory_space<hbm>>) target(%arg8 : memref<40x128xi32, #tpu.memory_space<vmem>>) offsets(%dma_start3A_7 : memref<40xi32, #tpu.memory_space<vmem>>) semaphore(%arg22 : memref<!tpu.dma_semaphore, #tpu.memory_space<semaphore_mem>>)
    %dma_start3A_11 = arith.constant 0 : i32
    %dma_start3A_12 = tpu.memref_slice %arg7[%dma_start3A_11] : memref<5000xi32, #tpu.memory_space<vmem>> -> memref<40xi32, #tpu.memory_space<vmem>>
    %dma_start3A_13 = arith.constant 0 : i32
    %dma_start3A_14 = arith.constant 0 : i32
    %dma_start3A_15 = tpu.memref_slice %arg2[%dma_start3A_13, %dma_start3A_14] : memref<10000x128xi32, #tpu.memory_space<hbm>> -> memref<10000x128xi32, #tpu.memory_space<hbm>>
    tpu.enqueue_indirect_dma source(%dma_start3A_15 : memref<10000x128xi32, #tpu.memory_space<hbm>>) target(%arg14 : memref<40x128xi32, #tpu.memory_space<vmem>>) offsets(%dma_start3A_12 : memref<40xi32, #tpu.memory_space<vmem>>) semaphore(%arg22 : memref<!tpu.dma_semaphore, #tpu.memory_space<semaphore_mem>>)
    %dma_start3A_16 = arith.constant 40 : i32
    %dma_start3A_17 = tpu.memref_slice %arg6[%dma_start3A_16] : memref<5000xi32, #tpu.memory_space<vmem>> -> memref<40xi32, #tpu.memory_space<vmem>>
    %dma_start3A_18 = arith.constant 0 : i32
    %dma_start3A_19 = arith.constant 0 : i32
    %dma_start3A_20 = tpu.memref_slice %arg2[%dma_start3A_18, %dma_start3A_19] : memref<10000x128xi32, #tpu.memory_space<hbm>> -> memref<10000x128xi32, #tpu.memory_space<hbm>>
    tpu.enqueue_indirect_dma source(%dma_start3A_20 : memref<10000x128xi32, #tpu.memory_space<hbm>>) target(%arg9 : memref<40x128xi32, #tpu.memory_space<vmem>>) offsets(%dma_start3A_17 : memref<40xi32, #tpu.memory_space<vmem>>) semaphore(%arg23 : memref<!tpu.dma_semaphore, #tpu.memory_space<semaphore_mem>>)
    %dma_start3A_21 = arith.constant 40 : i32
    %dma_start3A_22 = tpu.memref_slice %arg7[%dma_start3A_21] : memref<5000xi32, #tpu.memory_space<vmem>> -> memref<40xi32, #tpu.memory_space<vmem>>
    %dma_start3A_23 = arith.constant 0 : i32
    %dma_start3A_24 = arith.constant 0 : i32
    %dma_start3A_25 = tpu.memref_slice %arg2[%dma_start3A_23, %dma_start3A_24] : memref<10000x128xi32, #tpu.memory_space<hbm>> -> memref<10000x128xi32, #tpu.memory_space<hbm>>
    tpu.enqueue_indirect_dma source(%dma_start3A_25 : memref<10000x128xi32, #tpu.memory_space<hbm>>) target(%arg15 : memref<40x128xi32, #tpu.memory_space<vmem>>) offsets(%dma_start3A_22 : memref<40xi32, #tpu.memory_space<vmem>>) semaphore(%arg23 : memref<!tpu.dma_semaphore, #tpu.memory_space<semaphore_mem>>)
    %dma_start3A_26 = arith.constant 80 : i32
    %dma_start3A_27 = tpu.memref_slice %arg6[%dma_start3A_26] : memref<5000xi32, #tpu.memory_space<vmem>> -> memref<40xi32, #tpu.memory_space<vmem>>
    %dma_start3A_28 = arith.constant 0 : i32
    %dma_start3A_29 = arith.constant 0 : i32
    %dma_start3A_30 = tpu.memref_slice %arg2[%dma_start3A_28, %dma_start3A_29] : memref<10000x128xi32, #tpu.memory_space<hbm>> -> memref<10000x128xi32, #tpu.memory_space<hbm>>
    tpu.enqueue_indirect_dma source(%dma_start3A_30 : memref<10000x128xi32, #tpu.memory_space<hbm>>) target(%arg10 : memref<40x128xi32, #tpu.memory_space<vmem>>) offsets(%dma_start3A_27 : memref<40xi32, #tpu.memory_space<vmem>>) semaphore(%arg24 : memref<!tpu.dma_semaphore, #tpu.memory_space<semaphore_mem>>)
    %dma_start3A_31 = arith.constant 80 : i32
    %dma_start3A_32 = tpu.memref_slice %arg7[%dma_start3A_31] : memref<5000xi32, #tpu.memory_space<vmem>> -> memref<40xi32, #tpu.memory_space<vmem>>
    %dma_start3A_33 = arith.constant 0 : i32
    %dma_start3A_34 = arith.constant 0 : i32
    %dma_start3A_35 = tpu.memref_slice %arg2[%dma_start3A_33, %dma_start3A_34] : memref<10000x128xi32, #tpu.memory_space<hbm>> -> memref<10000x128xi32, #tpu.memory_space<hbm>>
    tpu.enqueue_indirect_dma source(%dma_start3A_35 : memref<10000x128xi32, #tpu.memory_space<hbm>>) target(%arg16 : memref<40x128xi32, #tpu.memory_space<vmem>>) offsets(%dma_start3A_32 : memref<40xi32, #tpu.memory_space<vmem>>) semaphore(%arg24 : memref<!tpu.dma_semaphore, #tpu.memory_space<semaphore_mem>>)
    %dma_start3A_36 = arith.constant 120 : i32
    %dma_start3A_37 = tpu.memref_slice %arg6[%dma_start3A_36] : memref<5000xi32, #tpu.memory_space<vmem>> -> memref<40xi32, #tpu.memory_space<vmem>>
    %dma_start3A_38 = arith.constant 0 : i32
    %dma_start3A_39 = arith.constant 0 : i32
    %dma_start3A_40 = tpu.memref_slice %arg2[%dma_start3A_38, %dma_start3A_39] : memref<10000x128xi32, #tpu.memory_space<hbm>> -> memref<10000x128xi32, #tpu.memory_space<hbm>>
    tpu.enqueue_indirect_dma source(%dma_start3A_40 : memref<10000x128xi32, #tpu.memory_space<hbm>>) target(%arg11 : memref<40x128xi32, #tpu.memory_space<vmem>>) offsets(%dma_start3A_37 : memref<40xi32, #tpu.memory_space<vmem>>) semaphore(%arg25 : memref<!tpu.dma_semaphore, #tpu.memory_space<semaphore_mem>>)
    %dma_start3A_41 = arith.constant 120 : i32
    %dma_start3A_42 = tpu.memref_slice %arg7[%dma_start3A_41] : memref<5000xi32, #tpu.memory_space<vmem>> -> memref<40xi32, #tpu.memory_space<vmem>>
    %dma_start3A_43 = arith.constant 0 : i32
    %dma_start3A_44 = arith.constant 0 : i32
    %dma_start3A_45 = tpu.memref_slice %arg2[%dma_start3A_43, %dma_start3A_44] : memref<10000x128xi32, #tpu.memory_space<hbm>> -> memref<10000x128xi32, #tpu.memory_space<hbm>>
    tpu.enqueue_indirect_dma source(%dma_start3A_45 : memref<10000x128xi32, #tpu.memory_space<hbm>>) target(%arg17 : memref<40x128xi32, #tpu.memory_space<vmem>>) offsets(%dma_start3A_42 : memref<40xi32, #tpu.memory_space<vmem>>) semaphore(%arg25 : memref<!tpu.dma_semaphore, #tpu.memory_space<semaphore_mem>>)
    %dma_start3A_46 = arith.constant 160 : i32
    %dma_start3A_47 = tpu.memref_slice %arg6[%dma_start3A_46] : memref<5000xi32, #tpu.memory_space<vmem>> -> memref<40xi32, #tpu.memory_space<vmem>>
    %dma_start3A_48 = arith.constant 0 : i32
    %dma_start3A_49 = arith.constant 0 : i32
    %dma_start3A_50 = tpu.memref_slice %arg2[%dma_start3A_48, %dma_start3A_49] : memref<10000x128xi32, #tpu.memory_space<hbm>> -> memref<10000x128xi32, #tpu.memory_space<hbm>>
    tpu.enqueue_indirect_dma source(%dma_start3A_50 : memref<10000x128xi32, #tpu.memory_space<hbm>>) target(%arg12 : memref<40x128xi32, #tpu.memory_space<vmem>>) offsets(%dma_start3A_47 : memref<40xi32, #tpu.memory_space<vmem>>) semaphore(%arg26 : memref<!tpu.dma_semaphore, #tpu.memory_space<semaphore_mem>>)
    %dma_start3A_51 = arith.constant 160 : i32
    %dma_start3A_52 = tpu.memref_slice %arg7[%dma_start3A_51] : memref<5000xi32, #tpu.memory_space<vmem>> -> memref<40xi32, #tpu.memory_space<vmem>>
    %dma_start3A_53 = arith.constant 0 : i32
    %dma_start3A_54 = arith.constant 0 : i32
    %dma_start3A_55 = tpu.memref_slice %arg2[%dma_start3A_53, %dma_start3A_54] : memref<10000x128xi32, #tpu.memory_space<hbm>> -> memref<10000x128xi32, #tpu.memory_space<hbm>>
    tpu.enqueue_indirect_dma source(%dma_start3A_55 : memref<10000x128xi32, #tpu.memory_space<hbm>>) target(%arg18 : memref<40x128xi32, #tpu.memory_space<vmem>>) offsets(%dma_start3A_52 : memref<40xi32, #tpu.memory_space<vmem>>) semaphore(%arg26 : memref<!tpu.dma_semaphore, #tpu.memory_space<semaphore_mem>>)
    %dma_start3A_56 = arith.constant 200 : i32
    %dma_start3A_57 = tpu.memref_slice %arg6[%dma_start3A_56] : memref<5000xi32, #tpu.memory_space<vmem>> -> memref<40xi32, #tpu.memory_space<vmem>>
    %dma_start3A_58 = arith.constant 0 : i32
    %dma_start3A_59 = arith.constant 0 : i32
    %dma_start3A_60 = tpu.memref_slice %arg2[%dma_start3A_58, %dma_start3A_59] : memref<10000x128xi32, #tpu.memory_space<hbm>> -> memref<10000x128xi32, #tpu.memory_space<hbm>>
    tpu.enqueue_indirect_dma source(%dma_start3A_60 : memref<10000x128xi32, #tpu.memory_space<hbm>>) target(%arg13 : memref<40x128xi32, #tpu.memory_space<vmem>>) offsets(%dma_start3A_57 : memref<40xi32, #tpu.memory_space<vmem>>) semaphore(%arg27 : memref<!tpu.dma_semaphore, #tpu.memory_space<semaphore_mem>>)
    %dma_start3A_61 = arith.constant 200 : i32
    %dma_start3A_62 = tpu.memref_slice %arg7[%dma_start3A_61] : memref<5000xi32, #tpu.memory_space<vmem>> -> memref<40xi32, #tpu.memory_space<vmem>>
    %dma_start3A_63 = arith.constant 0 : i32
    %dma_start3A_64 = arith.constant 0 : i32
    %dma_start3A_65 = tpu.memref_slice %arg2[%dma_start3A_63, %dma_start3A_64] : memref<10000x128xi32, #tpu.memory_space<hbm>> -> memref<10000x128xi32, #tpu.memory_space<hbm>>
    tpu.enqueue_indirect_dma source(%dma_start3A_65 : memref<10000x128xi32, #tpu.memory_space<hbm>>) target(%arg19 : memref<40x128xi32, #tpu.memory_space<vmem>>) offsets(%dma_start3A_62 : memref<40xi32, #tpu.memory_space<vmem>>) semaphore(%arg27 : memref<!tpu.dma_semaphore, #tpu.memory_space<semaphore_mem>>)
    %scan3A = arith.constant 0 : i32
    %scan3A_66 = arith.constant 0 : i32
    %scan3A_67 = arith.constant 21 : i32
    %scan3A_68 = arith.addi %scan3A_66, %scan3A_67 : i32
    %scan3A_69 = arith.constant 1 : i32
    scf.for %scan3A_78 = %scan3A_66 to %scan3A_68 step %scan3A_69  : i32 {
      %mul3A_79 = arith.constant 6 : i32
      %mul3A_80 = arith.muli %mul3A_79, %scan3A_78 : i32
      %add3A_81 = arith.constant 0 : i32
      %add3A_82 = arith.addi %mul3A_80, %add3A_81 : i32
      %lt3A = arith.constant 125 : i32
      %lt3A_83 = arith.cmpi slt, %add3A_82, %lt3A : i32
      %convert_element_type3A = arith.extui %lt3A_83 : i1 to i32
      %cond3A = arith.constant 0 : i32
      %cond3A_84 = arith.cmpi ne, %convert_element_type3A, %cond3A : i32
      scf.if %cond3A_84 {
        %dma_wait3A_130 = arith.constant 0 : i32
        %dma_wait3A_131 = tpu.memref_slice %arg6[%dma_wait3A_130] : memref<5000xi32, #tpu.memory_space<vmem>> -> memref<40xi32, #tpu.memory_space<vmem>>
        %dma_wait3A_132 = arith.constant 0 : i32
        %dma_wait3A_133 = arith.constant 0 : i32
        %dma_wait3A_134 = tpu.memref_slice %arg2[%dma_wait3A_132, %dma_wait3A_133] : memref<10000x128xi32, #tpu.memory_space<hbm>> -> memref<10000x128xi32, #tpu.memory_space<hbm>>
        tpu.wait_indirect_dma semaphore(%arg22 : memref<!tpu.dma_semaphore, #tpu.memory_space<semaphore_mem>>) src(%dma_wait3A_134 : memref<10000x128xi32, #tpu.memory_space<hbm>>) dst(%arg8 : memref<40x128xi32, #tpu.memory_space<vmem>>)
        %dma_wait3A_135 = arith.constant 0 : i32
        %dma_wait3A_136 = tpu.memref_slice %arg7[%dma_wait3A_135] : memref<5000xi32, #tpu.memory_space<vmem>> -> memref<40xi32, #tpu.memory_space<vmem>>
        %dma_wait3A_137 = arith.constant 0 : i32
        %dma_wait3A_138 = arith.constant 0 : i32
        %dma_wait3A_139 = tpu.memref_slice %arg2[%dma_wait3A_137, %dma_wait3A_138] : memref<10000x128xi32, #tpu.memory_space<hbm>> -> memref<10000x128xi32, #tpu.memory_space<hbm>>
        tpu.wait_indirect_dma semaphore(%arg22 : memref<!tpu.dma_semaphore, #tpu.memory_space<semaphore_mem>>) src(%dma_wait3A_139 : memref<10000x128xi32, #tpu.memory_space<hbm>>) dst(%arg14 : memref<40x128xi32, #tpu.memory_space<vmem>>)
        %ge3A = arith.constant 2 : i32
        %ge3A_140 = arith.cmpi sge, %add3A_82, %ge3A : i32
        %convert_element_type3A_141 = arith.extui %ge3A_140 : i1 to i32
        %cond3A_142 = arith.constant 0 : i32
        %cond3A_143 = arith.cmpi ne, %convert_element_type3A_141, %cond3A_142 : i32
        scf.if %cond3A_143 {
          %dma_wait3A_164 = arith.constant 0 : i32
          %dma_wait3A_165 = tpu.memref_slice %arg5[%mul3A_6, %dma_wait3A_164] : memref<160000x128xi32, #tpu.memory_space<hbm>> -> memref<40x128xi32, #tpu.memory_space<hbm>>
          %dma_wait3A_166 = arith.constant 0 : i32
          %dma_wait3A_167 = tpu.memref_slice %arg5[%mul3A_6, %dma_wait3A_166] : memref<160000x128xi32, #tpu.memory_space<hbm>> -> memref<40x128xi32, #tpu.memory_space<hbm>>
          tpu.wait_dma2 semaphore(%arg28 : memref<!tpu.dma_semaphore, #tpu.memory_space<semaphore_mem>>) src(%arg20 : memref<40x128xi32, #tpu.memory_space<vmem>>) dst(%dma_wait3A_167 : memref<40x128xi32, #tpu.memory_space<hbm>>)
        } else {
        }
        %scan3A_144 = arith.constant 0 : i32
        %scan3A_145 = arith.constant 0 : i32
        %scan3A_146 = arith.constant 40 : i32
        %scan3A_147 = arith.addi %scan3A_145, %scan3A_146 : i32
        %scan3A_148 = arith.constant 1 : i32
        scf.for %scan3A_164 = %scan3A_145 to %scan3A_147 step %scan3A_148  : i32 {
          %get3A = arith.index_cast %scan3A_164 : i32 to index
          %get3A_165 = arith.constant 0 : index
          %get3A_166 = tpu.vector_load %arg8[%get3A, %get3A_165] {strides = array<i32>} : memref<40x128xi32, #tpu.memory_space<vmem>>, vector<1x16xi32>,
          %get3A_167 = vector.shape_cast %get3A_166 : vector<1x16xi32> to vector<16xi32>
          %get3A_168 = arith.index_cast %scan3A_164 : i32 to index
          %get3A_169 = arith.constant 0 : index
          %get3A_170 = tpu.vector_load %arg14[%get3A_168, %get3A_169] {strides = array<i32>} : memref<40x128xi32, #tpu.memory_space<vmem>>, vector<1x16xi32>,
          %get3A_171 = vector.shape_cast %get3A_170 : vector<1x16xi32> to vector<16xi32>
          %shift_left3A = arith.constant 16 : i32
          %shift_left3A_172 = vector.broadcast %shift_left3A : i32 to vector<16xi32>
          %shift_left3A_173 = arith.shli %get3A_167, %shift_left3A_172 : vector<16xi32>
          %bitcast_convert_type3A = tpu.bitcast %shift_left3A_173 : vector<16xi32> -> vector<16xf32>
          %shift_left3A_174 = arith.constant 16 : i32
          %shift_left3A_175 = vector.broadcast %shift_left3A_174 : i32 to vector<16xi32>
          %shift_left3A_176 = arith.shli %get3A_171, %shift_left3A_175 : vector<16xi32>
          %bitcast_convert_type3A_177 = tpu.bitcast %shift_left3A_176 : vector<16xi32> -> vector<16xf32>
          %sub3A = arith.subf %bitcast_convert_type3A, %bitcast_convert_type3A_177 : vector<16xf32>
          %shift_right_arithmetic3A = arith.constant 16 : i32
          %shift_right_arithmetic3A_178 = vector.broadcast %shift_right_arithmetic3A : i32 to vector<16xi32>
          %shift_right_arithmetic3A_179 = arith.shrsi %get3A_167, %shift_right_arithmetic3A_178 : vector<16xi32>
          %shift_left3A_180 = arith.constant 16 : i32
          %shift_left3A_181 = vector.broadcast %shift_left3A_180 : i32 to vector<16xi32>
          %shift_left3A_182 = arith.shli %shift_right_arithmetic3A_179, %shift_left3A_181 : vector<16xi32>
          %bitcast_convert_type3A_183 = tpu.bitcast %shift_left3A_182 : vector<16xi32> -> vector<16xf32>
          %shift_right_arithmetic3A_184 = arith.constant 16 : i32
          %shift_right_arithmetic3A_185 = vector.broadcast %shift_right_arithmetic3A_184 : i32 to vector<16xi32>
          %shift_right_arithmetic3A_186 = arith.shrsi %get3A_171, %shift_right_arithmetic3A_185 : vector<16xi32>
          %shift_left3A_187 = arith.constant 16 : i32
          %shift_left3A_188 = vector.broadcast %shift_left3A_187 : i32 to vector<16xi32>
          %shift_left3A_189 = arith.shli %shift_right_arithmetic3A_186, %shift_left3A_188 : vector<16xi32>
          %bitcast_convert_type3A_190 = tpu.bitcast %shift_left3A_189 : vector<16xi32> -> vector<16xf32>
          %sub3A_191 = arith.subf %bitcast_convert_type3A_183, %bitcast_convert_type3A_190 : vector<16xf32>
          %bitcast_convert_type3A_192 = tpu.bitcast %sub3A : vector<16xf32> -> vector<16xi32>
          %add3A_193 = arith.constant 32768 : i32
          %add3A_194 = vector.broadcast %add3A_193 : i32 to vector<16xi32>
          %add3A_195 = arith.addi %bitcast_convert_type3A_192, %add3A_194 : vector<16xi32>
          %bitcast_convert_type3A_196 = tpu.bitcast %sub3A_191 : vector<16xf32> -> vector<16xi32>
          %add3A_197 = arith.constant 32768 : i32
          %add3A_198 = vector.broadcast %add3A_197 : i32 to vector<16xi32>
          %add3A_199 = arith.addi %bitcast_convert_type3A_196, %add3A_198 : vector<16xi32>
          %shift_right_logical3A = arith.constant 16 : i32
          %shift_right_logical3A_200 = vector.broadcast %shift_right_logical3A : i32 to vector<16xi32>
          %shift_right_logical3A_201 = arith.shrui %add3A_195, %shift_right_logical3A_200 : vector<16xi32>
          %and3A = arith.constant -65536 : i32
          %and3A_202 = vector.broadcast %and3A : i32 to vector<16xi32>
          %and3A_203 = arith.andi %add3A_199, %and3A_202 : vector<16xi32>
          %or3A = arith.ori %shift_right_logical3A_201, %and3A_203 : vector<16xi32>
          %swap3A = arith.index_cast %scan3A_164 : i32 to index
          %swap3A_204 = arith.constant 0 : index
          %swap3A_205 = tpu.vector_load %arg20[%swap3A, %swap3A_204] {strides = array<i32>} : memref<40x128xi32, #tpu.memory_space<vmem>>, vector<1x16xi32>,
          %swap3A_206 = vector.shape_cast %swap3A_205 : vector<1x16xi32> to vector<16xi32>
          %swap3A_207 = vector.shape_cast %or3A : vector<16xi32> to vector<1x16xi32>
          tpu.vector_store %arg20[%swap3A, %swap3A_204], %swap3A_207 {strides = array<i32>} : memref<40x128xi32, #tpu.memory_space<vmem>>, vector<1x16xi32>,
          %get3A_208 = arith.index_cast %scan3A_164 : i32 to index
          %get3A_209 = arith.constant 16 : index
          %get3A_210 = tpu.vector_load %arg8[%get3A_208, %get3A_209] {strides = array<i32>} : memref<40x128xi32, #tpu.memory_space<vmem>>, vector<1x16xi32>,
          %get3A_211 = vector.shape_cast %get3A_210 : vector<1x16xi32> to vector<16xi32>
          %get3A_212 = arith.index_cast %scan3A_164 : i32 to index
          %get3A_213 = arith.constant 16 : index
          %get3A_214 = tpu.vector_load %arg14[%get3A_212, %get3A_213] {strides = array<i32>} : memref<40x128xi32, #tpu.memory_space<vmem>>, vector<1x16xi32>,
          %get3A_215 = vector.shape_cast %get3A_214 : vector<1x16xi32> to vector<16xi32>
          %shift_left3A_216 = arith.constant 16 : i32
          %shift_left3A_217 = vector.broadcast %shift_left3A_216 : i32 to vector<16xi32>
          %shift_left3A_218 = arith.shli %get3A_211, %shift_left3A_217 : vector<16xi32>
          %bitcast_convert_type3A_219 = tpu.bitcast %shift_left3A_218 : vector<16xi32> -> vector<16xf32>
          %shift_left3A_220 = arith.constant 16 : i32
          %shift_left3A_221 = vector.broadcast %shift_left3A_220 : i32 to vector<16xi32>
          %shift_left3A_222 = arith.shli %get3A_215, %shift_left3A_221 : vector<16xi32>
          %bitcast_convert_type3A_223 = tpu.bitcast %shift_left3A_222 : vector<16xi32> -> vector<16xf32>
          %sub3A_224 = arith.subf %bitcast_convert_type3A_219, %bitcast_convert_type3A_223 : vector<16xf32>
          %shift_right_arithmetic3A_225 = arith.constant 16 : i32
          %shift_right_arithmetic3A_226 = vector.broadcast %shift_right_arithmetic3A_225 : i32 to vector<16xi32>
          %shift_right_arithmetic3A_227 = arith.shrsi %get3A_211, %shift_right_arithmetic3A_226 : vector<16xi32>
          %shift_left3A_228 = arith.constant 16 : i32
          %shift_left3A_229 = vector.broadcast %shift_left3A_228 : i32 to vector<16xi32>
          %shift_left3A_230 = arith.shli %shift_right_arithmetic3A_227, %shift_left3A_229 : vector<16xi32>
          %bitcast_convert_type3A_231 = tpu.bitcast %shift_left3A_230 : vector<16xi32> -> vector<16xf32>
          %shift_right_arithmetic3A_232 = arith.constant 16 : i32
          %shift_right_arithmetic3A_233 = vector.broadcast %shift_right_arithmetic3A_232 : i32 to vector<16xi32>
          %shift_right_arithmetic3A_234 = arith.shrsi %get3A_215, %shift_right_arithmetic3A_233 : vector<16xi32>
          %shift_left3A_235 = arith.constant 16 : i32
          %shift_left3A_236 = vector.broadcast %shift_left3A_235 : i32 to vector<16xi32>
          %shift_left3A_237 = arith.shli %shift_right_arithmetic3A_234, %shift_left3A_236 : vector<16xi32>
          %bitcast_convert_type3A_238 = tpu.bitcast %shift_left3A_237 : vector<16xi32> -> vector<16xf32>
          %sub3A_239 = arith.subf %bitcast_convert_type3A_231, %bitcast_convert_type3A_238 : vector<16xf32>
          %bitcast_convert_type3A_240 = tpu.bitcast %sub3A_224 : vector<16xf32> -> vector<16xi32>
          %add3A_241 = arith.constant 32768 : i32
          %add3A_242 = vector.broadcast %add3A_241 : i32 to vector<16xi32>
          %add3A_243 = arith.addi %bitcast_convert_type3A_240, %add3A_242 : vector<16xi32>
          %bitcast_convert_type3A_244 = tpu.bitcast %sub3A_239 : vector<16xf32> -> vector<16xi32>
          %add3A_245 = arith.constant 32768 : i32
          %add3A_246 = vector.broadcast %add3A_245 : i32 to vector<16xi32>
          %add3A_247 = arith.addi %bitcast_convert_type3A_244, %add3A_246 : vector<16xi32>
          %shift_right_logical3A_248 = arith.constant 16 : i32
          %shift_right_logical3A_249 = vector.broadcast %shift_right_logical3A_248 : i32 to vector<16xi32>
          %shift_right_logical3A_250 = arith.shrui %add3A_243, %shift_right_logical3A_249 : vector<16xi32>
          %and3A_251 = arith.constant -65536 : i32
          %and3A_252 = vector.broadcast %and3A_251 : i32 to vector<16xi32>
          %and3A_253 = arith.andi %add3A_247, %and3A_252 : vector<16xi32>
          %or3A_254 = arith.ori %shift_right_logical3A_250, %and3A_253 : vector<16xi32>
          %swap3A_255 = arith.index_cast %scan3A_164 : i32 to index
          %swap3A_256 = arith.constant 16 : index
          %swap3A_257 = tpu.vector_load %arg20[%swap3A_255, %swap3A_256] {strides = array<i32>} : memref<40x128xi32, #tpu.memory_space<vmem>>, vector<1x16xi32>,
          %swap3A_258 = vector.shape_cast %swap3A_257 : vector<1x16xi32> to vector<16xi32>
          %swap3A_259 = vector.shape_cast %or3A_254 : vector<16xi32> to vector<1x16xi32>
          tpu.vector_store %arg20[%swap3A_255, %swap3A_256], %swap3A_259 {strides = array<i32>} : memref<40x128xi32, #tpu.memory_space<vmem>>, vector<1x16xi32>,
          %get3A_260 = arith.index_cast %scan3A_164 : i32 to index
          %get3A_261 = arith.constant 32 : index
          %get3A_262 = tpu.vector_load %arg8[%get3A_260, %get3A_261] {strides = array<i32>} : memref<40x128xi32, #tpu.memory_space<vmem>>, vector<1x16xi32>,
          %get3A_263 = vector.shape_cast %get3A_262 : vector<1x16xi32> to vector<16xi32>
          %get3A_264 = arith.index_cast %scan3A_164 : i32 to index
          %get3A_265 = arith.constant 32 : index
          %get3A_266 = tpu.vector_load %arg14[%get3A_264, %get3A_265] {strides = array<i32>} : memref<40x128xi32, #tpu.memory_space<vmem>>, vector<1x16xi32>,
          %get3A_267 = vector.shape_cast %get3A_266 : vector<1x16xi32> to vector<16xi32>
          %shift_left3A_268 = arith.constant 16 : i32
          %shift_left3A_269 = vector.broadcast %shift_left3A_268 : i32 to vector<16xi32>
          %shift_left3A_270 = arith.shli %get3A_263, %shift_left3A_269 : vector<16xi32>
          %bitcast_convert_type3A_271 = tpu.bitcast %shift_left3A_270 : vector<16xi32> -> vector<16xf32>
          %shift_left3A_272 = arith.constant 16 : i32
          %shift_left3A_273 = vector.broadcast %shift_left3A_272 : i32 to vector<16xi32>
          %shift_left3A_274 = arith.shli %get3A_267, %shift_left3A_273 : vector<16xi32>
          %bitcast_convert_type3A_275 = tpu.bitcast %shift_left3A_274 : vector<16xi32> -> vector<16xf32>
          %sub3A_276 = arith.subf %bitcast_convert_type3A_271, %bitcast_convert_type3A_275 : vector<16xf32>
          %shift_right_arithmetic3A_277 = arith.constant 16 : i32
          %shift_right_arithmetic3A_278 = vector.broadcast %shift_right_arithmetic3A_277 : i32 to vector<16xi32>
          %shift_right_arithmetic3A_279 = arith.shrsi %get3A_263, %shift_right_arithmetic3A_278 : vector<16xi32>
          %shift_left3A_280 = arith.constant 16 : i32
          %shift_left3A_281 = vector.broadcast %shift_left3A_280 : i32 to vector<16xi32>
          %shift_left3A_282 = arith.shli %shift_right_arithmetic3A_279, %shift_left3A_281 : vector<16xi32>
          %bitcast_convert_type3A_283 = tpu.bitcast %shift_left3A_282 : vector<16xi32> -> vector<16xf32>
          %shift_right_arithmetic3A_284 = arith.constant 16 : i32
          %shift_right_arithmetic3A_285 = vector.broadcast %shift_right_arithmetic3A_284 : i32 to vector<16xi32>
          %shift_right_arithmetic3A_286 = arith.shrsi %get3A_267, %shift_right_arithmetic3A_285 : vector<16xi32>
          %shift_left3A_287 = arith.constant 16 : i32
          %shift_left3A_288 = vector.broadcast %shift_left3A_287 : i32 to vector<16xi32>
          %shift_left3A_289 = arith.shli %shift_right_arithmetic3A_286, %shift_left3A_288 : vector<16xi32>
          %bitcast_convert_type3A_290 = tpu.bitcast %shift_left3A_289 : vector<16xi32> -> vector<16xf32>
          %sub3A_291 = arith.subf %bitcast_convert_type3A_283, %bitcast_convert_type3A_290 : vector<16xf32>
          %bitcast_convert_type3A_292 = tpu.bitcast %sub3A_276 : vector<16xf32> -> vector<16xi32>
          %add3A_293 = arith.constant 32768 : i32
          %add3A_294 = vector.broadcast %add3A_293 : i32 to vector<16xi32>
          %add3A_295 = arith.addi %bitcast_convert_type3A_292, %add3A_294 : vector<16xi32>
          %bitcast_convert_type3A_296 = tpu.bitcast %sub3A_291 : vector<16xf32> -> vector<16xi32>
          %add3A_297 = arith.constant 32768 : i32
          %add3A_298 = vector.broadcast %add3A_297 : i32 to vector<16xi32>
          %add3A_299 = arith.addi %bitcast_convert_type3A_296, %add3A_298 : vector<16xi32>
          %shift_right_logical3A_300 = arith.constant 16 : i32
          %shift_right_logical3A_301 = vector.broadcast %shift_right_logical3A_300 : i32 to vector<16xi32>
          %shift_right_logical3A_302 = arith.shrui %add3A_295, %shift_right_logical3A_301 : vector<16xi32>
          %and3A_303 = arith.constant -65536 : i32
          %and3A_304 = vector.broadcast %and3A_303 : i32 to vector<16xi32>
          %and3A_305 = arith.andi %add3A_299, %and3A_304 : vector<16xi32>
          %or3A_306 = arith.ori %shift_right_logical3A_302, %and3A_305 : vector<16xi32>
          %swap3A_307 = arith.index_cast %scan3A_164 : i32 to index
          %swap3A_308 = arith.constant 32 : index
          %swap3A_309 = tpu.vector_load %arg20[%swap3A_307, %swap3A_308] {strides = array<i32>} : memref<40x128xi32, #tpu.memory_space<vmem>>, vector<1x16xi32>,
          %swap3A_310 = vector.shape_cast %swap3A_309 : vector<1x16xi32> to vector<16xi32>
          %swap3A_311 = vector.shape_cast %or3A_306 : vector<16xi32> to vector<1x16xi32>
          tpu.vector_store %arg20[%swap3A_307, %swap3A_308], %swap3A_311 {strides = array<i32>} : memref<40x128xi32, #tpu.memory_space<vmem>>, vector<1x16xi32>,
          %get3A_312 = arith.index_cast %scan3A_164 : i32 to index
          %get3A_313 = arith.constant 48 : index
          %get3A_314 = tpu.vector_load %arg8[%get3A_312, %get3A_313] {strides = array<i32>} : memref<40x128xi32, #tpu.memory_space<vmem>>, vector<1x16xi32>,
          %get3A_315 = vector.shape_cast %get3A_314 : vector<1x16xi32> to vector<16xi32>
          %get3A_316 = arith.index_cast %scan3A_164 : i32 to index
          %get3A_317 = arith.constant 48 : index
          %get3A_318 = tpu.vector_load %arg14[%get3A_316, %get3A_317] {strides = array<i32>} : memref<40x128xi32, #tpu.memory_space<vmem>>, vector<1x16xi32>,
          %get3A_319 = vector.shape_cast %get3A_318 : vector<1x16xi32> to vector<16xi32>
          %shift_left3A_320 = arith.constant 16 : i32
          %shift_left3A_321 = vector.broadcast %shift_left3A_320 : i32 to vector<16xi32>
          %shift_left3A_322 = arith.shli %get3A_315, %shift_left3A_321 : vector<16xi32>
          %bitcast_convert_type3A_323 = tpu.bitcast %shift_left3A_322 : vector<16xi32> -> vector<16xf32>
          %shift_left3A_324 = arith.constant 16 : i32
          %shift_left3A_325 = vector.broadcast %shift_left3A_324 : i32 to vector<16xi32>
          %shift_left3A_326 = arith.shli %get3A_319, %shift_left3A_325 : vector<16xi32>
          %bitcast_convert_type3A_327 = tpu.bitcast %shift_left3A_326 : vector<16xi32> -> vector<16xf32>
          %sub3A_328 = arith.subf %bitcast_convert_type3A_323, %bitcast_convert_type3A_327 : vector<16xf32>
          %shift_right_arithmetic3A_329 = arith.constant 16 : i32
          %shift_right_arithmetic3A_330 = vector.broadcast %shift_right_arithmetic3A_329 : i32 to vector<16xi32>
          %shift_right_arithmetic3A_331 = arith.shrsi %get3A_315, %shift_right_arithmetic3A_330 : vector<16xi32>
          %shift_left3A_332 = arith.constant 16 : i32
          %shift_left3A_333 = vector.broadcast %shift_left3A_332 : i32 to vector<16xi32>
          %shift_left3A_334 = arith.shli %shift_right_arithmetic3A_331, %shift_left3A_333 : vector<16xi32>
          %bitcast_convert_type3A_335 = tpu.bitcast %shift_left3A_334 : vector<16xi32> -> vector<16xf32>
          %shift_right_arithmetic3A_336 = arith.constant 16 : i32
          %shift_right_arithmetic3A_337 = vector.broadcast %shift_right_arithmetic3A_336 : i32 to vector<16xi32>
          %shift_right_arithmetic3A_338 = arith.shrsi %get3A_319, %shift_right_arithmetic3A_337 : vector<16xi32>
          %shift_left3A_339 = arith.constant 16 : i32
          %shift_left3A_340 = vector.broadcast %shift_left3A_339 : i32 to vector<16xi32>
          %shift_left3A_341 = arith.shli %shift_right_arithmetic3A_338, %shift_left3A_340 : vector<16xi32>
          %bitcast_convert_type3A_342 = tpu.bitcast %shift_left3A_341 : vector<16xi32> -> vector<16xf32>
          %sub3A_343 = arith.subf %bitcast_convert_type3A_335, %bitcast_convert_type3A_342 : vector<16xf32>
          %bitcast_convert_type3A_344 = tpu.bitcast %sub3A_328 : vector<16xf32> -> vector<16xi32>
          %add3A_345 = arith.constant 32768 : i32
          %add3A_346 = vector.broadcast %add3A_345 : i32 to vector<16xi32>
          %add3A_347 = arith.addi %bitcast_convert_type3A_344, %add3A_346 : vector<16xi32>
          %bitcast_convert_type3A_348 = tpu.bitcast %sub3A_343 : vector<16xf32> -> vector<16xi32>
          %add3A_349 = arith.constant 32768 : i32
          %add3A_350 = vector.broadcast %add3A_349 : i32 to vector<16xi32>
          %add3A_351 = arith.addi %bitcast_convert_type3A_348, %add3A_350 : vector<16xi32>
          %shift_right_logical3A_352 = arith.constant 16 : i32
          %shift_right_logical3A_353 = vector.broadcast %shift_right_logical3A_352 : i32 to vector<16xi32>
          %shift_right_logical3A_354 = arith.shrui %add3A_347, %shift_right_logical3A_353 : vector<16xi32>
          %and3A_355 = arith.constant -65536 : i32
          %and3A_356 = vector.broadcast %and3A_355 : i32 to vector<16xi32>
          %and3A_357 = arith.andi %add3A_351, %and3A_356 : vector<16xi32>
          %or3A_358 = arith.ori %shift_right_logical3A_354, %and3A_357 : vector<16xi32>
          %swap3A_359 = arith.index_cast %scan3A_164 : i32 to index
          %swap3A_360 = arith.constant 48 : index
          %swap3A_361 = tpu.vector_load %arg20[%swap3A_359, %swap3A_360] {strides = array<i32>} : memref<40x128xi32, #tpu.memory_space<vmem>>, vector<1x16xi32>,
          %swap3A_362 = vector.shape_cast %swap3A_361 : vector<1x16xi32> to vector<16xi32>
          %swap3A_363 = vector.shape_cast %or3A_358 : vector<16xi32> to vector<1x16xi32>
          tpu.vector_store %arg20[%swap3A_359, %swap3A_360], %swap3A_363 {strides = array<i32>} : memref<40x128xi32, #tpu.memory_space<vmem>>, vector<1x16xi32>,
          %get3A_364 = arith.index_cast %scan3A_164 : i32 to index
          %get3A_365 = arith.constant 64 : index
          %get3A_366 = tpu.vector_load %arg8[%get3A_364, %get3A_365] {strides = array<i32>} : memref<40x128xi32, #tpu.memory_space<vmem>>, vector<1x16xi32>,
          %get3A_367 = vector.shape_cast %get3A_366 : vector<1x16xi32> to vector<16xi32>
          %get3A_368 = arith.index_cast %scan3A_164 : i32 to index
          %get3A_369 = arith.constant 64 : index
          %get3A_370 = tpu.vector_load %arg14[%get3A_368, %get3A_369] {strides = array<i32>} : memref<40x128xi32, #tpu.memory_space<vmem>>, vector<1x16xi32>,
          %get3A_371 = vector.shape_cast %get3A_370 : vector<1x16xi32> to vector<16xi32>
          %shift_left3A_372 = arith.constant 16 : i32
          %shift_left3A_373 = vector.broadcast %shift_left3A_372 : i32 to vector<16xi32>
          %shift_left3A_374 = arith.shli %get3A_367, %shift_left3A_373 : vector<16xi32>
          %bitcast_convert_type3A_375 = tpu.bitcast %shift_left3A_374 : vector<16xi32> -> vector<16xf32>
          %shift_left3A_376 = arith.constant 16 : i32
          %shift_left3A_377 = vector.broadcast %shift_left3A_376 : i32 to vector<16xi32>
          %shift_left3A_378 = arith.shli %get3A_371, %shift_left3A_377 : vector<16xi32>
          %bitcast_convert_type3A_379 = tpu.bitcast %shift_left3A_378 : vector<16xi32> -> vector<16xf32>
          %sub3A_380 = arith.subf %bitcast_convert_type3A_375, %bitcast_convert_type3A_379 : vector<16xf32>
          %shift_right_arithmetic3A_381 = arith.constant 16 : i32
          %shift_right_arithmetic3A_382 = vector.broadcast %shift_right_arithmetic3A_381 : i32 to vector<16xi32>
          %shift_right_arithmetic3A_383 = arith.shrsi %get3A_367, %shift_right_arithmetic3A_382 : vector<16xi32>
          %shift_left3A_384 = arith.constant 16 : i32
          %shift_left3A_385 = vector.broadcast %shift_left3A_384 : i32 to vector<16xi32>
          %shift_left3A_386 = arith.shli %shift_right_arithmetic3A_383, %shift_left3A_385 : vector<16xi32>
          %bitcast_convert_type3A_387 = tpu.bitcast %shift_left3A_386 : vector<16xi32> -> vector<16xf32>
          %shift_right_arithmetic3A_388 = arith.constant 16 : i32
          %shift_right_arithmetic3A_389 = vector.broadcast %shift_right_arithmetic3A_388 : i32 to vector<16xi32>
          %shift_right_arithmetic3A_390 = arith.shrsi %get3A_371, %shift_right_arithmetic3A_389 : vector<16xi32>
          %shift_left3A_391 = arith.constant 16 : i32
          %shift_left3A_392 = vector.broadcast %shift_left3A_391 : i32 to vector<16xi32>
          %shift_left3A_393 = arith.shli %shift_right_arithmetic3A_390, %shift_left3A_392 : vector<16xi32>
          %bitcast_convert_type3A_394 = tpu.bitcast %shift_left3A_393 : vector<16xi32> -> vector<16xf32>
          %sub3A_395 = arith.subf %bitcast_convert_type3A_387, %bitcast_convert_type3A_394 : vector<16xf32>
          %bitcast_convert_type3A_396 = tpu.bitcast %sub3A_380 : vector<16xf32> -> vector<16xi32>
          %add3A_397 = arith.constant 32768 : i32
          %add3A_398 = vector.broadcast %add3A_397 : i32 to vector<16xi32>
          %add3A_399 = arith.addi %bitcast_convert_type3A_396, %add3A_398 : vector<16xi32>
          %bitcast_convert_type3A_400 = tpu.bitcast %sub3A_395 : vector<16xf32> -> vector<16xi32>
          %add3A_401 = arith.constant 32768 : i32
          %add3A_402 = vector.broadcast %add3A_401 : i32 to vector<16xi32>
          %add3A_403 = arith.addi %bitcast_convert_type3A_400, %add3A_402 : vector<16xi32>
          %shift_right_logical3A_404 = arith.constant 16 : i32
          %shift_right_logical3A_405 = vector.broadcast %shift_right_logical3A_404 : i32 to vector<16xi32>
          %shift_right_logical3A_406 = arith.shrui %add3A_399, %shift_right_logical3A_405 : vector<16xi32>
          %and3A_407 = arith.constant -65536 : i32
          %and3A_408 = vector.broadcast %and3A_407 : i32 to vector<16xi32>
          %and3A_409 = arith.andi %add3A_403, %and3A_408 : vector<16xi32>
          %or3A_410 = arith.ori %shift_right_logical3A_406, %and3A_409 : vector<16xi32>
          %swap3A_411 = arith.index_cast %scan3A_164 : i32 to index
          %swap3A_412 = arith.constant 64 : index
          %swap3A_413 = tpu.vector_load %arg20[%swap3A_411, %swap3A_412] {strides = array<i32>} : memref<40x128xi32, #tpu.memory_space<vmem>>, vector<1x16xi32>,
          %swap3A_414 = vector.shape_cast %swap3A_413 : vector<1x16xi32> to vector<16xi32>
          %swap3A_415 = vector.shape_cast %or3A_410 : vector<16xi32> to vector<1x16xi32>
          tpu.vector_store %arg20[%swap3A_411, %swap3A_412], %swap3A_415 {strides = array<i32>} : memref<40x128xi32, #tpu.memory_space<vmem>>, vector<1x16xi32>,
          %get3A_416 = arith.index_cast %scan3A_164 : i32 to index
          %get3A_417 = arith.constant 80 : index
          %get3A_418 = tpu.vector_load %arg8[%get3A_416, %get3A_417] {strides = array<i32>} : memref<40x128xi32, #tpu.memory_space<vmem>>, vector<1x16xi32>,
          %get3A_419 = vector.shape_cast %get3A_418 : vector<1x16xi32> to vector<16xi32>
          %get3A_420 = arith.index_cast %scan3A_164 : i32 to index
          %get3A_421 = arith.constant 80 : index
          %get3A_422 = tpu.vector_load %arg14[%get3A_420, %get3A_421] {strides = array<i32>} : memref<40x128xi32, #tpu.memory_space<vmem>>, vector<1x16xi32>,
          %get3A_423 = vector.shape_cast %get3A_422 : vector<1x16xi32> to vector<16xi32>
          %shift_left3A_424 = arith.constant 16 : i32
          %shift_left3A_425 = vector.broadcast %shift_left3A_424 : i32 to vector<16xi32>
          %shift_left3A_426 = arith.shli %get3A_419, %shift_left3A_425 : vector<16xi32>
          %bitcast_convert_type3A_427 = tpu.bitcast %shift_left3A_426 : vector<16xi32> -> vector<16xf32>
          %shift_left3A_428 = arith.constant 16 : i32
          %shift_left3A_429 = vector.broadcast %shift_left3A_428 : i32 to vector<16xi32>
          %shift_left3A_430 = arith.shli %get3A_423, %shift_left3A_429 : vector<16xi32>
          %bitcast_convert_type3A_431 = tpu.bitcast %shift_left3A_430 : vector<16xi32> -> vector<16xf32>
          %sub3A_432 = arith.subf %bitcast_convert_type3A_427, %bitcast_convert_type3A_431 : vector<16xf32>
          %shift_right_arithmetic3A_433 = arith.constant 16 : i32
          %shift_right_arithmetic3A_434 = vector.broadcast %shift_right_arithmetic3A_433 : i32 to vector<16xi32>
          %shift_right_arithmetic3A_435 = arith.shrsi %get3A_419, %shift_right_arithmetic3A_434 : vector<16xi32>
          %shift_left3A_436 = arith.constant 16 : i32
          %shift_left3A_437 = vector.broadcast %shift_left3A_436 : i32 to vector<16xi32>
          %shift_left3A_438 = arith.shli %shift_right_arithmetic3A_435, %shift_left3A_437 : vector<16xi32>
          %bitcast_convert_type3A_439 = tpu.bitcast %shift_left3A_438 : vector<16xi32> -> vector<16xf32>
          %shift_right_arithmetic3A_440 = arith.constant 16 : i32
          %shift_right_arithmetic3A_441 = vector.broadcast %shift_right_arithmetic3A_440 : i32 to vector<16xi32>
          %shift_right_arithmetic3A_442 = arith.shrsi %get3A_423, %shift_right_arithmetic3A_441 : vector<16xi32>
          %shift_left3A_443 = arith.constant 16 : i32
          %shift_left3A_444 = vector.broadcast %shift_left3A_443 : i32 to vector<16xi32>
          %shift_left3A_445 = arith.shli %shift_right_arithmetic3A_442, %shift_left3A_444 : vector<16xi32>
          %bitcast_convert_type3A_446 = tpu.bitcast %shift_left3A_445 : vector<16xi32> -> vector<16xf32>
          %sub3A_447 = arith.subf %bitcast_convert_type3A_439, %bitcast_convert_type3A_446 : vector<16xf32>
          %bitcast_convert_type3A_448 = tpu.bitcast %sub3A_432 : vector<16xf32> -> vector<16xi32>
          %add3A_449 = arith.constant 32768 : i32
          %add3A_450 = vector.broadcast %add3A_449 : i32 to vector<16xi32>
          %add3A_451 = arith.addi %bitcast_convert_type3A_448, %add3A_450 : vector<16xi32>
          %bitcast_convert_type3A_452 = tpu.bitcast %sub3A_447 : vector<16xf32> -> vector<16xi32>
          %add3A_453 = arith.constant 32768 : i32
          %add3A_454 = vector.broadcast %add3A_453 : i32 to vector<16xi32>
          %add3A_455 = arith.addi %bitcast_convert_type3A_452, %add3A_454 : vector<16xi32>
          %shift_right_logical3A_456 = arith.constant 16 : i32
          %shift_right_logical3A_457 = vector.broadcast %shift_right_logical3A_456 : i32 to vector<16xi32>
          %shift_right_logical3A_458 = arith.shrui %add3A_451, %shift_right_logical3A_457 : vector<16xi32>
          %and3A_459 = arith.constant -65536 : i32
          %and3A_460 = vector.broadcast %and3A_459 : i32 to vector<16xi32>
          %and3A_461 = arith.andi %add3A_455, %and3A_460 : vector<16xi32>
          %or3A_462 = arith.ori %shift_right_logical3A_458, %and3A_461 : vector<16xi32>
          %swap3A_463 = arith.index_cast %scan3A_164 : i32 to index
          %swap3A_464 = arith.constant 80 : index
          %swap3A_465 = tpu.vector_load %arg20[%swap3A_463, %swap3A_464] {strides = array<i32>} : memref<40x128xi32, #tpu.memory_space<vmem>>, vector<1x16xi32>,
          %swap3A_466 = vector.shape_cast %swap3A_465 : vector<1x16xi32> to vector<16xi32>
          %swap3A_467 = vector.shape_cast %or3A_462 : vector<16xi32> to vector<1x16xi32>
          tpu.vector_store %arg20[%swap3A_463, %swap3A_464], %swap3A_467 {strides = array<i32>} : memref<40x128xi32, #tpu.memory_space<vmem>>, vector<1x16xi32>,
          %get3A_468 = arith.index_cast %scan3A_164 : i32 to index
          %get3A_469 = arith.constant 96 : index
          %get3A_470 = tpu.vector_load %arg8[%get3A_468, %get3A_469] {strides = array<i32>} : memref<40x128xi32, #tpu.memory_space<vmem>>, vector<1x16xi32>,
          %get3A_471 = vector.shape_cast %get3A_470 : vector<1x16xi32> to vector<16xi32>
          %get3A_472 = arith.index_cast %scan3A_164 : i32 to index
          %get3A_473 = arith.constant 96 : index
          %get3A_474 = tpu.vector_load %arg14[%get3A_472, %get3A_473] {strides = array<i32>} : memref<40x128xi32, #tpu.memory_space<vmem>>, vector<1x16xi32>,
          %get3A_475 = vector.shape_cast %get3A_474 : vector<1x16xi32> to vector<16xi32>
          %shift_left3A_476 = arith.constant 16 : i32
          %shift_left3A_477 = vector.broadcast %shift_left3A_476 : i32 to vector<16xi32>
          %shift_left3A_478 = arith.shli %get3A_471, %shift_left3A_477 : vector<16xi32>
          %bitcast_convert_type3A_479 = tpu.bitcast %shift_left3A_478 : vector<16xi32> -> vector<16xf32>
          %shift_left3A_480 = arith.constant 16 : i32
          %shift_left3A_481 = vector.broadcast %shift_left3A_480 : i32 to vector<16xi32>
          %shift_left3A_482 = arith.shli %get3A_475, %shift_left3A_481 : vector<16xi32>
          %bitcast_convert_type3A_483 = tpu.bitcast %shift_left3A_482 : vector<16xi32> -> vector<16xf32>
          %sub3A_484 = arith.subf %bitcast_convert_type3A_479, %bitcast_convert_type3A_483 : vector<16xf32>
          %shift_right_arithmetic3A_485 = arith.constant 16 : i32
          %shift_right_arithmetic3A_486 = vector.broadcast %shift_right_arithmetic3A_485 : i32 to vector<16xi32>
          %shift_right_arithmetic3A_487 = arith.shrsi %get3A_471, %shift_right_arithmetic3A_486 : vector<16xi32>
          %shift_left3A_488 = arith.constant 16 : i32
          %shift_left3A_489 = vector.broadcast %shift_left3A_488 : i32 to vector<16xi32>
          %shift_left3A_490 = arith.shli %shift_right_arithmetic3A_487, %shift_left3A_489 : vector<16xi32>
          %bitcast_convert_type3A_491 = tpu.bitcast %shift_left3A_490 : vector<16xi32> -> vector<16xf32>
          %shift_right_arithmetic3A_492 = arith.constant 16 : i32
          %shift_right_arithmetic3A_493 = vector.broadcast %shift_right_arithmetic3A_492 : i32 to vector<16xi32>
          %shift_right_arithmetic3A_494 = arith.shrsi %get3A_475, %shift_right_arithmetic3A_493 : vector<16xi32>
          %shift_left3A_495 = arith.constant 16 : i32
          %shift_left3A_496 = vector.broadcast %shift_left3A_495 : i32 to vector<16xi32>
          %shift_left3A_497 = arith.shli %shift_right_arithmetic3A_494, %shift_left3A_496 : vector<16xi32>
          %bitcast_convert_type3A_498 = tpu.bitcast %shift_left3A_497 : vector<16xi32> -> vector<16xf32>
          %sub3A_499 = arith.subf %bitcast_convert_type3A_491, %bitcast_convert_type3A_498 : vector<16xf32>
          %bitcast_convert_type3A_500 = tpu.bitcast %sub3A_484 : vector<16xf32> -> vector<16xi32>
          %add3A_501 = arith.constant 32768 : i32
          %add3A_502 = vector.broadcast %add3A_501 : i32 to vector<16xi32>
          %add3A_503 = arith.addi %bitcast_convert_type3A_500, %add3A_502 : vector<16xi32>
          %bitcast_convert_type3A_504 = tpu.bitcast %sub3A_499 : vector<16xf32> -> vector<16xi32>
          %add3A_505 = arith.constant 32768 : i32
          %add3A_506 = vector.broadcast %add3A_505 : i32 to vector<16xi32>
          %add3A_507 = arith.addi %bitcast_convert_type3A_504, %add3A_506 : vector<16xi32>
          %shift_right_logical3A_508 = arith.constant 16 : i32
          %shift_right_logical3A_509 = vector.broadcast %shift_right_logical3A_508 : i32 to vector<16xi32>
          %shift_right_logical3A_510 = arith.shrui %add3A_503, %shift_right_logical3A_509 : vector<16xi32>
          %and3A_511 = arith.constant -65536 : i32
          %and3A_512 = vector.broadcast %and3A_511 : i32 to vector<16xi32>
          %and3A_513 = arith.andi %add3A_507, %and3A_512 : vector<16xi32>
          %or3A_514 = arith.ori %shift_right_logical3A_510, %and3A_513 : vector<16xi32>
          %swap3A_515 = arith.index_cast %scan3A_164 : i32 to index
          %swap3A_516 = arith.constant 96 : index
          %swap3A_517 = tpu.vector_load %arg20[%swap3A_515, %swap3A_516] {strides = array<i32>} : memref<40x128xi32, #tpu.memory_space<vmem>>, vector<1x16xi32>,
          %swap3A_518 = vector.shape_cast %swap3A_517 : vector<1x16xi32> to vector<16xi32>
          %swap3A_519 = vector.shape_cast %or3A_514 : vector<16xi32> to vector<1x16xi32>
          tpu.vector_store %arg20[%swap3A_515, %swap3A_516], %swap3A_519 {strides = array<i32>} : memref<40x128xi32, #tpu.memory_space<vmem>>, vector<1x16xi32>,
          %get3A_520 = arith.index_cast %scan3A_164 : i32 to index
          %get3A_521 = arith.constant 112 : index
          %get3A_522 = tpu.vector_load %arg8[%get3A_520, %get3A_521] {strides = array<i32>} : memref<40x128xi32, #tpu.memory_space<vmem>>, vector<1x16xi32>,
          %get3A_523 = vector.shape_cast %get3A_522 : vector<1x16xi32> to vector<16xi32>
          %get3A_524 = arith.index_cast %scan3A_164 : i32 to index
          %get3A_525 = arith.constant 112 : index
          %get3A_526 = tpu.vector_load %arg14[%get3A_524, %get3A_525] {strides = array<i32>} : memref<40x128xi32, #tpu.memory_space<vmem>>, vector<1x16xi32>,
          %get3A_527 = vector.shape_cast %get3A_526 : vector<1x16xi32> to vector<16xi32>
          %shift_left3A_528 = arith.constant 16 : i32
          %shift_left3A_529 = vector.broadcast %shift_left3A_528 : i32 to vector<16xi32>
          %shift_left3A_530 = arith.shli %get3A_523, %shift_left3A_529 : vector<16xi32>
          %bitcast_convert_type3A_531 = tpu.bitcast %shift_left3A_530 : vector<16xi32> -> vector<16xf32>
          %shift_left3A_532 = arith.constant 16 : i32
          %shift_left3A_533 = vector.broadcast %shift_left3A_532 : i32 to vector<16xi32>
          %shift_left3A_534 = arith.shli %get3A_527, %shift_left3A_533 : vector<16xi32>
          %bitcast_convert_type3A_535 = tpu.bitcast %shift_left3A_534 : vector<16xi32> -> vector<16xf32>
          %sub3A_536 = arith.subf %bitcast_convert_type3A_531, %bitcast_convert_type3A_535 : vector<16xf32>
          %shift_right_arithmetic3A_537 = arith.constant 16 : i32
          %shift_right_arithmetic3A_538 = vector.broadcast %shift_right_arithmetic3A_537 : i32 to vector<16xi32>
          %shift_right_arithmetic3A_539 = arith.shrsi %get3A_523, %shift_right_arithmetic3A_538 : vector<16xi32>
          %shift_left3A_540 = arith.constant 16 : i32
          %shift_left3A_541 = vector.broadcast %shift_left3A_540 : i32 to vector<16xi32>
          %shift_left3A_542 = arith.shli %shift_right_arithmetic3A_539, %shift_left3A_541 : vector<16xi32>
          %bitcast_convert_type3A_543 = tpu.bitcast %shift_left3A_542 : vector<16xi32> -> vector<16xf32>
          %shift_right_arithmetic3A_544 = arith.constant 16 : i32
          %shift_right_arithmetic3A_545 = vector.broadcast %shift_right_arithmetic3A_544 : i32 to vector<16xi32>
          %shift_right_arithmetic3A_546 = arith.shrsi %get3A_527, %shift_right_arithmetic3A_545 : vector<16xi32>
          %shift_left3A_547 = arith.constant 16 : i32
          %shift_left3A_548 = vector.broadcast %shift_left3A_547 : i32 to vector<16xi32>
          %shift_left3A_549 = arith.shli %shift_right_arithmetic3A_546, %shift_left3A_548 : vector<16xi32>
          %bitcast_convert_type3A_550 = tpu.bitcast %shift_left3A_549 : vector<16xi32> -> vector<16xf32>
          %sub3A_551 = arith.subf %bitcast_convert_type3A_543, %bitcast_convert_type3A_550 : vector<16xf32>
          %bitcast_convert_type3A_552 = tpu.bitcast %sub3A_536 : vector<16xf32> -> vector<16xi32>
          %add3A_553 = arith.constant 32768 : i32
          %add3A_554 = vector.broadcast %add3A_553 : i32 to vector<16xi32>
          %add3A_555 = arith.addi %bitcast_convert_type3A_552, %add3A_554 : vector<16xi32>
          %bitcast_convert_type3A_556 = tpu.bitcast %sub3A_551 : vector<16xf32> -> vector<16xi32>
          %add3A_557 = arith.constant 32768 : i32
          %add3A_558 = vector.broadcast %add3A_557 : i32 to vector<16xi32>
          %add3A_559 = arith.addi %bitcast_convert_type3A_556, %add3A_558 : vector<16xi32>
          %shift_right_logical3A_560 = arith.constant 16 : i32
          %shift_right_logical3A_561 = vector.broadcast %shift_right_logical3A_560 : i32 to vector<16xi32>
          %shift_right_logical3A_562 = arith.shrui %add3A_555, %shift_right_logical3A_561 : vector<16xi32>
          %and3A_563 = arith.constant -65536 : i32
          %and3A_564 = vector.broadcast %and3A_563 : i32 to vector<16xi32>
          %and3A_565 = arith.andi %add3A_559, %and3A_564 : vector<16xi32>
          %or3A_566 = arith.ori %shift_right_logical3A_562, %and3A_565 : vector<16xi32>
          %swap3A_567 = arith.index_cast %scan3A_164 : i32 to index
          %swap3A_568 = arith.constant 112 : index
          %swap3A_569 = tpu.vector_load %arg20[%swap3A_567, %swap3A_568] {strides = array<i32>} : memref<40x128xi32, #tpu.memory_space<vmem>>, vector<1x16xi32>,
          %swap3A_570 = vector.shape_cast %swap3A_569 : vector<1x16xi32> to vector<16xi32>
          %swap3A_571 = vector.shape_cast %or3A_566 : vector<16xi32> to vector<1x16xi32>
          tpu.vector_store %arg20[%swap3A_567, %swap3A_568], %swap3A_571 {strides = array<i32>} : memref<40x128xi32, #tpu.memory_space<vmem>>, vector<1x16xi32>,
        }
        %scan3A_149 = arith.constant 40 : i32
        %mul3A_150 = arith.constant 40 : i32
        %mul3A_151 = arith.muli %add3A_82, %mul3A_150 : i32
        %add3A_152 = arith.addi %mul3A_6, %mul3A_151 : i32
        %dma_start3A_153 = arith.constant 0 : i32
        %dma_start3A_154 = tpu.memref_slice %arg5[%add3A_152, %dma_start3A_153] : memref<160000x128xi32, #tpu.memory_space<hbm>> -> memref<40x128xi32, #tpu.memory_space<hbm>>
        %dma_start3A_155 = arith.constant 0 : i32
        %dma_start3A_156 = tpu.memref_slice %arg5[%add3A_152, %dma_start3A_155] : memref<160000x128xi32, #tpu.memory_space<hbm>> -> memref<40x128xi32, #tpu.memory_space<hbm>>
        tpu.enqueue_dma source(%arg20 : memref<40x128xi32, #tpu.memory_space<vmem>>) target(%dma_start3A_156 : memref<40x128xi32, #tpu.memory_space<hbm>>) target_semaphore(%arg28 : memref<!tpu.dma_semaphore, #tpu.memory_space<semaphore_mem>>)
        %add3A_157 = arith.constant 6 : i32
        %add3A_158 = arith.addi %add3A_82, %add3A_157 : i32
        %lt3A_159 = arith.constant 125 : i32
        %lt3A_160 = arith.cmpi slt, %add3A_158, %lt3A_159 : i32
        %convert_element_type3A_161 = arith.extui %lt3A_160 : i1 to i32
        %cond3A_162 = arith.constant 0 : i32
        %cond3A_163 = arith.cmpi ne, %convert_element_type3A_161, %cond3A_162 : i32
        scf.if %cond3A_163 {
          %add3A_164 = arith.constant 6 : i32
          %add3A_165 = arith.addi %add3A_82, %add3A_164 : i32
          %mul3A_166 = arith.constant 40 : i32
          %mul3A_167 = arith.muli %add3A_165, %mul3A_166 : i32
          %dma_start3A_168 = tpu.memref_slice %arg6[%mul3A_167] : memref<5000xi32, #tpu.memory_space<vmem>> -> memref<40xi32, #tpu.memory_space<vmem>>
          %dma_start3A_169 = arith.constant 0 : i32
          %dma_start3A_170 = arith.constant 0 : i32
          %dma_start3A_171 = tpu.memref_slice %arg2[%dma_start3A_169, %dma_start3A_170] : memref<10000x128xi32, #tpu.memory_space<hbm>> -> memref<10000x128xi32, #tpu.memory_space<hbm>>
          tpu.enqueue_indirect_dma source(%dma_start3A_171 : memref<10000x128xi32, #tpu.memory_space<hbm>>) target(%arg8 : memref<40x128xi32, #tpu.memory_space<vmem>>) offsets(%dma_start3A_168 : memref<40xi32, #tpu.memory_space<vmem>>) semaphore(%arg22 : memref<!tpu.dma_semaphore, #tpu.memory_space<semaphore_mem>>)
          %dma_start3A_172 = tpu.memref_slice %arg7[%mul3A_167] : memref<5000xi32, #tpu.memory_space<vmem>> -> memref<40xi32, #tpu.memory_space<vmem>>
          %dma_start3A_173 = arith.constant 0 : i32
          %dma_start3A_174 = arith.constant 0 : i32
          %dma_start3A_175 = tpu.memref_slice %arg2[%dma_start3A_173, %dma_start3A_174] : memref<10000x128xi32, #tpu.memory_space<hbm>> -> memref<10000x128xi32, #tpu.memory_space<hbm>>
          tpu.enqueue_indirect_dma source(%dma_start3A_175 : memref<10000x128xi32, #tpu.memory_space<hbm>>) target(%arg14 : memref<40x128xi32, #tpu.memory_space<vmem>>) offsets(%dma_start3A_172 : memref<40xi32, #tpu.memory_space<vmem>>) semaphore(%arg22 : memref<!tpu.dma_semaphore, #tpu.memory_space<semaphore_mem>>)
        } else {
        }
      } else {
      }
      %mul3A_85 = arith.constant 6 : i32
      %mul3A_86 = arith.muli %mul3A_85, %scan3A_78 : i32
      %add3A_87 = arith.constant 1 : i32
      %add3A_88 = arith.addi %mul3A_86, %add3A_87 : i32
      %lt3A_89 = arith.constant 125 : i32
      %lt3A_90 = arith.cmpi slt, %add3A_88, %lt3A_89 : i32
      %convert_element_type3A_91 = arith.extui %lt3A_90 : i1 to i32
      %cond3A_92 = arith.constant 0 : i32
      %cond3A_93 = arith.cmpi ne, %convert_element_type3A_91, %cond3A_92 : i32
      scf.if %cond3A_93 {
        %dma_wait3A_130 = arith.constant 0 : i32
        %dma_wait3A_131 = tpu.memref_slice %arg6[%dma_wait3A_130] : memref<5000xi32, #tpu.memory_space<vmem>> -> memref<40xi32, #tpu.memory_space<vmem>>
        %dma_wait3A_132 = arith.constant 0 : i32
        %dma_wait3A_133 = arith.constant 0 : i32
        %dma_wait3A_134 = tpu.memref_slice %arg2[%dma_wait3A_132, %dma_wait3A_133] : memref<10000x128xi32, #tpu.memory_space<hbm>> -> memref<10000x128xi32, #tpu.memory_space<hbm>>
        tpu.wait_indirect_dma semaphore(%arg23 : memref<!tpu.dma_semaphore, #tpu.memory_space<semaphore_mem>>) src(%dma_wait3A_134 : memref<10000x128xi32, #tpu.memory_space<hbm>>) dst(%arg9 : memref<40x128xi32, #tpu.memory_space<vmem>>)
        %dma_wait3A_135 = arith.constant 0 : i32
        %dma_wait3A_136 = tpu.memref_slice %arg7[%dma_wait3A_135] : memref<5000xi32, #tpu.memory_space<vmem>> -> memref<40xi32, #tpu.memory_space<vmem>>
        %dma_wait3A_137 = arith.constant 0 : i32
        %dma_wait3A_138 = arith.constant 0 : i32
        %dma_wait3A_139 = tpu.memref_slice %arg2[%dma_wait3A_137, %dma_wait3A_138] : memref<10000x128xi32, #tpu.memory_space<hbm>> -> memref<10000x128xi32, #tpu.memory_space<hbm>>
        tpu.wait_indirect_dma semaphore(%arg23 : memref<!tpu.dma_semaphore, #tpu.memory_space<semaphore_mem>>) src(%dma_wait3A_139 : memref<10000x128xi32, #tpu.memory_space<hbm>>) dst(%arg15 : memref<40x128xi32, #tpu.memory_space<vmem>>)
        %ge3A = arith.constant 2 : i32
        %ge3A_140 = arith.cmpi sge, %add3A_88, %ge3A : i32
        %convert_element_type3A_141 = arith.extui %ge3A_140 : i1 to i32
        %cond3A_142 = arith.constant 0 : i32
        %cond3A_143 = arith.cmpi ne, %convert_element_type3A_141, %cond3A_142 : i32
        scf.if %cond3A_143 {
          %dma_wait3A_164 = arith.constant 0 : i32
          %dma_wait3A_165 = tpu.memref_slice %arg5[%mul3A_6, %dma_wait3A_164] : memref<160000x128xi32, #tpu.memory_space<hbm>> -> memref<40x128xi32, #tpu.memory_space<hbm>>
          %dma_wait3A_166 = arith.constant 0 : i32
          %dma_wait3A_167 = tpu.memref_slice %arg5[%mul3A_6, %dma_wait3A_166] : memref<160000x128xi32, #tpu.memory_space<hbm>> -> memref<40x128xi32, #tpu.memory_space<hbm>>
          tpu.wait_dma2 semaphore(%arg29 : memref<!tpu.dma_semaphore, #tpu.memory_space<semaphore_mem>>) src(%arg21 : memref<40x128xi32, #tpu.memory_space<vmem>>) dst(%dma_wait3A_167 : memref<40x128xi32, #tpu.memory_space<hbm>>)
        } else {
        }
        %scan3A_144 = arith.constant 0 : i32
        %scan3A_145 = arith.constant 0 : i32
        %scan3A_146 = arith.constant 40 : i32
        %scan3A_147 = arith.addi %scan3A_145, %scan3A_146 : i32
        %scan3A_148 = arith.constant 1 : i32
        scf.for %scan3A_164 = %scan3A_145 to %scan3A_147 step %scan3A_148  : i32 {
          %get3A = arith.index_cast %scan3A_164 : i32 to index
          %get3A_165 = arith.constant 0 : index
          %get3A_166 = tpu.vector_load %arg9[%get3A, %get3A_165] {strides = array<i32>} : memref<40x128xi32, #tpu.memory_space<vmem>>, vector<1x16xi32>,
          %get3A_167 = vector.shape_cast %get3A_166 : vector<1x16xi32> to vector<16xi32>
          %get3A_168 = arith.index_cast %scan3A_164 : i32 to index
          %get3A_169 = arith.constant 0 : index
          %get3A_170 = tpu.vector_load %arg15[%get3A_168, %get3A_169] {strides = array<i32>} : memref<40x128xi32, #tpu.memory_space<vmem>>, vector<1x16xi32>,
          %get3A_171 = vector.shape_cast %get3A_170 : vector<1x16xi32> to vector<16xi32>
          %shift_left3A = arith.constant 16 : i32
          %shift_left3A_172 = vector.broadcast %shift_left3A : i32 to vector<16xi32>
          %shift_left3A_173 = arith.shli %get3A_167, %shift_left3A_172 : vector<16xi32>
          %bitcast_convert_type3A = tpu.bitcast %shift_left3A_173 : vector<16xi32> -> vector<16xf32>
          %shift_left3A_174 = arith.constant 16 : i32
          %shift_left3A_175 = vector.broadcast %shift_left3A_174 : i32 to vector<16xi32>
          %shift_left3A_176 = arith.shli %get3A_171, %shift_left3A_175 : vector<16xi32>
          %bitcast_convert_type3A_177 = tpu.bitcast %shift_left3A_176 : vector<16xi32> -> vector<16xf32>
          %sub3A = arith.subf %bitcast_convert_type3A, %bitcast_convert_type3A_177 : vector<16xf32>
          %shift_right_arithmetic3A = arith.constant 16 : i32
          %shift_right_arithmetic3A_178 = vector.broadcast %shift_right_arithmetic3A : i32 to vector<16xi32>
          %shift_right_arithmetic3A_179 = arith.shrsi %get3A_167, %shift_right_arithmetic3A_178 : vector<16xi32>
          %shift_left3A_180 = arith.constant 16 : i32
          %shift_left3A_181 = vector.broadcast %shift_left3A_180 : i32 to vector<16xi32>
          %shift_left3A_182 = arith.shli %shift_right_arithmetic3A_179, %shift_left3A_181 : vector<16xi32>
          %bitcast_convert_type3A_183 = tpu.bitcast %shift_left3A_182 : vector<16xi32> -> vector<16xf32>
          %shift_right_arithmetic3A_184 = arith.constant 16 : i32
          %shift_right_arithmetic3A_185 = vector.broadcast %shift_right_arithmetic3A_184 : i32 to vector<16xi32>
          %shift_right_arithmetic3A_186 = arith.shrsi %get3A_171, %shift_right_arithmetic3A_185 : vector<16xi32>
          %shift_left3A_187 = arith.constant 16 : i32
          %shift_left3A_188 = vector.broadcast %shift_left3A_187 : i32 to vector<16xi32>
          %shift_left3A_189 = arith.shli %shift_right_arithmetic3A_186, %shift_left3A_188 : vector<16xi32>
          %bitcast_convert_type3A_190 = tpu.bitcast %shift_left3A_189 : vector<16xi32> -> vector<16xf32>
          %sub3A_191 = arith.subf %bitcast_convert_type3A_183, %bitcast_convert_type3A_190 : vector<16xf32>
          %bitcast_convert_type3A_192 = tpu.bitcast %sub3A : vector<16xf32> -> vector<16xi32>
          %add3A_193 = arith.constant 32768 : i32
          %add3A_194 = vector.broadcast %add3A_193 : i32 to vector<16xi32>
          %add3A_195 = arith.addi %bitcast_convert_type3A_192, %add3A_194 : vector<16xi32>
          %bitcast_convert_type3A_196 = tpu.bitcast %sub3A_191 : vector<16xf32> -> vector<16xi32>
          %add3A_197 = arith.constant 32768 : i32
          %add3A_198 = vector.broadcast %add3A_197 : i32 to vector<16xi32>
          %add3A_199 = arith.addi %bitcast_convert_type3A_196, %add3A_198 : vector<16xi32>
          %shift_right_logical3A = arith.constant 16 : i32
          %shift_right_logical3A_200 = vector.broadcast %shift_right_logical3A : i32 to vector<16xi32>
          %shift_right_logical3A_201 = arith.shrui %add3A_195, %shift_right_logical3A_200 : vector<16xi32>
          %and3A = arith.constant -65536 : i32
          %and3A_202 = vector.broadcast %and3A : i32 to vector<16xi32>
          %and3A_203 = arith.andi %add3A_199, %and3A_202 : vector<16xi32>
          %or3A = arith.ori %shift_right_logical3A_201, %and3A_203 : vector<16xi32>
          %swap3A = arith.index_cast %scan3A_164 : i32 to index
          %swap3A_204 = arith.constant 0 : index
          %swap3A_205 = tpu.vector_load %arg21[%swap3A, %swap3A_204] {strides = array<i32>} : memref<40x128xi32, #tpu.memory_space<vmem>>, vector<1x16xi32>,
          %swap3A_206 = vector.shape_cast %swap3A_205 : vector<1x16xi32> to vector<16xi32>
          %swap3A_207 = vector.shape_cast %or3A : vector<16xi32> to vector<1x16xi32>
          tpu.vector_store %arg21[%swap3A, %swap3A_204], %swap3A_207 {strides = array<i32>} : memref<40x128xi32, #tpu.memory_space<vmem>>, vector<1x16xi32>,
          %get3A_208 = arith.index_cast %scan3A_164 : i32 to index
          %get3A_209 = arith.constant 16 : index
          %get3A_210 = tpu.vector_load %arg9[%get3A_208, %get3A_209] {strides = array<i32>} : memref<40x128xi32, #tpu.memory_space<vmem>>, vector<1x16xi32>,
          %get3A_211 = vector.shape_cast %get3A_210 : vector<1x16xi32> to vector<16xi32>
          %get3A_212 = arith.index_cast %scan3A_164 : i32 to index
          %get3A_213 = arith.constant 16 : index
          %get3A_214 = tpu.vector_load %arg15[%get3A_212, %get3A_213] {strides = array<i32>} : memref<40x128xi32, #tpu.memory_space<vmem>>, vector<1x16xi32>,
          %get3A_215 = vector.shape_cast %get3A_214 : vector<1x16xi32> to vector<16xi32>
          %shift_left3A_216 = arith.constant 16 : i32
          %shift_left3A_217 = vector.broadcast %shift_left3A_216 : i32 to vector<16xi32>
          %shift_left3A_218 = arith.shli %get3A_211, %shift_left3A_217 : vector<16xi32>
          %bitcast_convert_type3A_219 = tpu.bitcast %shift_left3A_218 : vector<16xi32> -> vector<16xf32>
          %shift_left3A_220 = arith.constant 16 : i32
          %shift_left3A_221 = vector.broadcast %shift_left3A_220 : i32 to vector<16xi32>
          %shift_left3A_222 = arith.shli %get3A_215, %shift_left3A_221 : vector<16xi32>
          %bitcast_convert_type3A_223 = tpu.bitcast %shift_left3A_222 : vector<16xi32> -> vector<16xf32>
          %sub3A_224 = arith.subf %bitcast_convert_type3A_219, %bitcast_convert_type3A_223 : vector<16xf32>
          %shift_right_arithmetic3A_225 = arith.constant 16 : i32
          %shift_right_arithmetic3A_226 = vector.broadcast %shift_right_arithmetic3A_225 : i32 to vector<16xi32>
          %shift_right_arithmetic3A_227 = arith.shrsi %get3A_211, %shift_right_arithmetic3A_226 : vector<16xi32>
          %shift_left3A_228 = arith.constant 16 : i32
          %shift_left3A_229 = vector.broadcast %shift_left3A_228 : i32 to vector<16xi32>
          %shift_left3A_230 = arith.shli %shift_right_arithmetic3A_227, %shift_left3A_229 : vector<16xi32>
          %bitcast_convert_type3A_231 = tpu.bitcast %shift_left3A_230 : vector<16xi32> -> vector<16xf32>
          %shift_right_arithmetic3A_232 = arith.constant 16 : i32
          %shift_right_arithmetic3A_233 = vector.broadcast %shift_right_arithmetic3A_232 : i32 to vector<16xi32>
          %shift_right_arithmetic3A_234 = arith.shrsi %get3A_215, %shift_right_arithmetic3A_233 : vector<16xi32>
          %shift_left3A_235 = arith.constant 16 : i32
          %shift_left3A_236 = vector.broadcast %shift_left3A_235 : i32 to vector<16xi32>
          %shift_left3A_237 = arith.shli %shift_right_arithmetic3A_234, %shift_left3A_236 : vector<16xi32>
          %bitcast_convert_type3A_238 = tpu.bitcast %shift_left3A_237 : vector<16xi32> -> vector<16xf32>
          %sub3A_239 = arith.subf %bitcast_convert_type3A_231, %bitcast_convert_type3A_238 : vector<16xf32>
          %bitcast_convert_type3A_240 = tpu.bitcast %sub3A_224 : vector<16xf32> -> vector<16xi32>
          %add3A_241 = arith.constant 32768 : i32
          %add3A_242 = vector.broadcast %add3A_241 : i32 to vector<16xi32>
          %add3A_243 = arith.addi %bitcast_convert_type3A_240, %add3A_242 : vector<16xi32>
          %bitcast_convert_type3A_244 = tpu.bitcast %sub3A_239 : vector<16xf32> -> vector<16xi32>
          %add3A_245 = arith.constant 32768 : i32
          %add3A_246 = vector.broadcast %add3A_245 : i32 to vector<16xi32>
          %add3A_247 = arith.addi %bitcast_convert_type3A_244, %add3A_246 : vector<16xi32>
          %shift_right_logical3A_248 = arith.constant 16 : i32
          %shift_right_logical3A_249 = vector.broadcast %shift_right_logical3A_248 : i32 to vector<16xi32>
          %shift_right_logical3A_250 = arith.shrui %add3A_243, %shift_right_logical3A_249 : vector<16xi32>
          %and3A_251 = arith.constant -65536 : i32
          %and3A_252 = vector.broadcast %and3A_251 : i32 to vector<16xi32>
          %and3A_253 = arith.andi %add3A_247, %and3A_252 : vector<16xi32>
          %or3A_254 = arith.ori %shift_right_logical3A_250, %and3A_253 : vector<16xi32>
          %swap3A_255 = arith.index_cast %scan3A_164 : i32 to index
          %swap3A_256 = arith.constant 16 : index
          %swap3A_257 = tpu.vector_load %arg21[%swap3A_255, %swap3A_256] {strides = array<i32>} : memref<40x128xi32, #tpu.memory_space<vmem>>, vector<1x16xi32>,
          %swap3A_258 = vector.shape_cast %swap3A_257 : vector<1x16xi32> to vector<16xi32>
          %swap3A_259 = vector.shape_cast %or3A_254 : vector<16xi32> to vector<1x16xi32>
          tpu.vector_store %arg21[%swap3A_255, %swap3A_256], %swap3A_259 {strides = array<i32>} : memref<40x128xi32, #tpu.memory_space<vmem>>, vector<1x16xi32>,
          %get3A_260 = arith.index_cast %scan3A_164 : i32 to index
          %get3A_261 = arith.constant 32 : index
          %get3A_262 = tpu.vector_load %arg9[%get3A_260, %get3A_261] {strides = array<i32>} : memref<40x128xi32, #tpu.memory_space<vmem>>, vector<1x16xi32>,
          %get3A_263 = vector.shape_cast %get3A_262 : vector<1x16xi32> to vector<16xi32>
          %get3A_264 = arith.index_cast %scan3A_164 : i32 to index
          %get3A_265 = arith.constant 32 : index
          %get3A_266 = tpu.vector_load %arg15[%get3A_264, %get3A_265] {strides = array<i32>} : memref<40x128xi32, #tpu.memory_space<vmem>>, vector<1x16xi32>,
          %get3A_267 = vector.shape_cast %get3A_266 : vector<1x16xi32> to vector<16xi32>
          %shift_left3A_268 = arith.constant 16 : i32
          %shift_left3A_269 = vector.broadcast %shift_left3A_268 : i32 to vector<16xi32>
          %shift_left3A_270 = arith.shli %get3A_263, %shift_left3A_269 : vector<16xi32>
          %bitcast_convert_type3A_271 = tpu.bitcast %shift_left3A_270 : vector<16xi32> -> vector<16xf32>
          %shift_left3A_272 = arith.constant 16 : i32
          %shift_left3A_273 = vector.broadcast %shift_left3A_272 : i32 to vector<16xi32>
          %shift_left3A_274 = arith.shli %get3A_267, %shift_left3A_273 : vector<16xi32>
          %bitcast_convert_type3A_275 = tpu.bitcast %shift_left3A_274 : vector<16xi32> -> vector<16xf32>
          %sub3A_276 = arith.subf %bitcast_convert_type3A_271, %bitcast_convert_type3A_275 : vector<16xf32>
          %shift_right_arithmetic3A_277 = arith.constant 16 : i32
          %shift_right_arithmetic3A_278 = vector.broadcast %shift_right_arithmetic3A_277 : i32 to vector<16xi32>
          %shift_right_arithmetic3A_279 = arith.shrsi %get3A_263, %shift_right_arithmetic3A_278 : vector<16xi32>
          %shift_left3A_280 = arith.constant 16 : i32
          %shift_left3A_281 = vector.broadcast %shift_left3A_280 : i32 to vector<16xi32>
          %shift_left3A_282 = arith.shli %shift_right_arithmetic3A_279, %shift_left3A_281 : vector<16xi32>
          %bitcast_convert_type3A_283 = tpu.bitcast %shift_left3A_282 : vector<16xi32> -> vector<16xf32>
          %shift_right_arithmetic3A_284 = arith.constant 16 : i32
          %shift_right_arithmetic3A_285 = vector.broadcast %shift_right_arithmetic3A_284 : i32 to vector<16xi32>
          %shift_right_arithmetic3A_286 = arith.shrsi %get3A_267, %shift_right_arithmetic3A_285 : vector<16xi32>
          %shift_left3A_287 = arith.constant 16 : i32
          %shift_left3A_288 = vector.broadcast %shift_left3A_287 : i32 to vector<16xi32>
          %shift_left3A_289 = arith.shli %shift_right_arithmetic3A_286, %shift_left3A_288 : vector<16xi32>
          %bitcast_convert_type3A_290 = tpu.bitcast %shift_left3A_289 : vector<16xi32> -> vector<16xf32>
          %sub3A_291 = arith.subf %bitcast_convert_type3A_283, %bitcast_convert_type3A_290 : vector<16xf32>
          %bitcast_convert_type3A_292 = tpu.bitcast %sub3A_276 : vector<16xf32> -> vector<16xi32>
          %add3A_293 = arith.constant 32768 : i32
          %add3A_294 = vector.broadcast %add3A_293 : i32 to vector<16xi32>
          %add3A_295 = arith.addi %bitcast_convert_type3A_292, %add3A_294 : vector<16xi32>
          %bitcast_convert_type3A_296 = tpu.bitcast %sub3A_291 : vector<16xf32> -> vector<16xi32>
          %add3A_297 = arith.constant 32768 : i32
          %add3A_298 = vector.broadcast %add3A_297 : i32 to vector<16xi32>
          %add3A_299 = arith.addi %bitcast_convert_type3A_296, %add3A_298 : vector<16xi32>
          %shift_right_logical3A_300 = arith.constant 16 : i32
          %shift_right_logical3A_301 = vector.broadcast %shift_right_logical3A_300 : i32 to vector<16xi32>
          %shift_right_logical3A_302 = arith.shrui %add3A_295, %shift_right_logical3A_301 : vector<16xi32>
          %and3A_303 = arith.constant -65536 : i32
          %and3A_304 = vector.broadcast %and3A_303 : i32 to vector<16xi32>
          %and3A_305 = arith.andi %add3A_299, %and3A_304 : vector<16xi32>
          %or3A_306 = arith.ori %shift_right_logical3A_302, %and3A_305 : vector<16xi32>
          %swap3A_307 = arith.index_cast %scan3A_164 : i32 to index
          %swap3A_308 = arith.constant 32 : index
          %swap3A_309 = tpu.vector_load %arg21[%swap3A_307, %swap3A_308] {strides = array<i32>} : memref<40x128xi32, #tpu.memory_space<vmem>>, vector<1x16xi32>,
          %swap3A_310 = vector.shape_cast %swap3A_309 : vector<1x16xi32> to vector<16xi32>
          %swap3A_311 = vector.shape_cast %or3A_306 : vector<16xi32> to vector<1x16xi32>
          tpu.vector_store %arg21[%swap3A_307, %swap3A_308], %swap3A_311 {strides = array<i32>} : memref<40x128xi32, #tpu.memory_space<vmem>>, vector<1x16xi32>,
          %get3A_312 = arith.index_cast %scan3A_164 : i32 to index
          %get3A_313 = arith.constant 48 : index
          %get3A_314 = tpu.vector_load %arg9[%get3A_312, %get3A_313] {strides = array<i32>} : memref<40x128xi32, #tpu.memory_space<vmem>>, vector<1x16xi32>,
          %get3A_315 = vector.shape_cast %get3A_314 : vector<1x16xi32> to vector<16xi32>
          %get3A_316 = arith.index_cast %scan3A_164 : i32 to index
          %get3A_317 = arith.constant 48 : index
          %get3A_318 = tpu.vector_load %arg15[%get3A_316, %get3A_317] {strides = array<i32>} : memref<40x128xi32, #tpu.memory_space<vmem>>, vector<1x16xi32>,
          %get3A_319 = vector.shape_cast %get3A_318 : vector<1x16xi32> to vector<16xi32>
          %shift_left3A_320 = arith.constant 16 : i32
          %shift_left3A_321 = vector.broadcast %shift_left3A_320 : i32 to vector<16xi32>
          %shift_left3A_322 = arith.shli %get3A_315, %shift_left3A_321 : vector<16xi32>
          %bitcast_convert_type3A_323 = tpu.bitcast %shift_left3A_322 : vector<16xi32> -> vector<16xf32>
          %shift_left3A_324 = arith.constant 16 : i32
          %shift_left3A_325 = vector.broadcast %shift_left3A_324 : i32 to vector<16xi32>
          %shift_left3A_326 = arith.shli %get3A_319, %shift_left3A_325 : vector<16xi32>
          %bitcast_convert_type3A_327 = tpu.bitcast %shift_left3A_326 : vector<16xi32> -> vector<16xf32>
          %sub3A_328 = arith.subf %bitcast_convert_type3A_323, %bitcast_convert_type3A_327 : vector<16xf32>
          %shift_right_arithmetic3A_329 = arith.constant 16 : i32
          %shift_right_arithmetic3A_330 = vector.broadcast %shift_right_arithmetic3A_329 : i32 to vector<16xi32>
          %shift_right_arithmetic3A_331 = arith.shrsi %get3A_315, %shift_right_arithmetic3A_330 : vector<16xi32>
          %shift_left3A_332 = arith.constant 16 : i32
          %shift_left3A_333 = vector.broadcast %shift_left3A_332 : i32 to vector<16xi32>
          %shift_left3A_334 = arith.shli %shift_right_arithmetic3A_331, %shift_left3A_333 : vector<16xi32>
          %bitcast_convert_type3A_335 = tpu.bitcast %shift_left3A_334 : vector<16xi32> -> vector<16xf32>
          %shift_right_arithmetic3A_336 = arith.constant 16 : i32
          %shift_right_arithmetic3A_337 = vector.broadcast %shift_right_arithmetic3A_336 : i32 to vector<16xi32>
          %shift_right_arithmetic3A_338 = arith.shrsi %get3A_319, %shift_right_arithmetic3A_337 : vector<16xi32>
          %shift_left3A_339 = arith.constant 16 : i32
          %shift_left3A_340 = vector.broadcast %shift_left3A_339 : i32 to vector<16xi32>
          %shift_left3A_341 = arith.shli %shift_right_arithmetic3A_338, %shift_left3A_340 : vector<16xi32>
          %bitcast_convert_type3A_342 = tpu.bitcast %shift_left3A_341 : vector<16xi32> -> vector<16xf32>
          %sub3A_343 = arith.subf %bitcast_convert_type3A_335, %bitcast_convert_type3A_342 : vector<16xf32>
          %bitcast_convert_type3A_344 = tpu.bitcast %sub3A_328 : vector<16xf32> -> vector<16xi32>
          %add3A_345 = arith.constant 32768 : i32
          %add3A_346 = vector.broadcast %add3A_345 : i32 to vector<16xi32>
          %add3A_347 = arith.addi %bitcast_convert_type3A_344, %add3A_346 : vector<16xi32>
          %bitcast_convert_type3A_348 = tpu.bitcast %sub3A_343 : vector<16xf32> -> vector<16xi32>
          %add3A_349 = arith.constant 32768 : i32
          %add3A_350 = vector.broadcast %add3A_349 : i32 to vector<16xi32>
          %add3A_351 = arith.addi %bitcast_convert_type3A_348, %add3A_350 : vector<16xi32>
          %shift_right_logical3A_352 = arith.constant 16 : i32
          %shift_right_logical3A_353 = vector.broadcast %shift_right_logical3A_352 : i32 to vector<16xi32>
          %shift_right_logical3A_354 = arith.shrui %add3A_347, %shift_right_logical3A_353 : vector<16xi32>
          %and3A_355 = arith.constant -65536 : i32
          %and3A_356 = vector.broadcast %and3A_355 : i32 to vector<16xi32>
          %and3A_357 = arith.andi %add3A_351, %and3A_356 : vector<16xi32>
          %or3A_358 = arith.ori %shift_right_logical3A_354, %and3A_357 : vector<16xi32>
          %swap3A_359 = arith.index_cast %scan3A_164 : i32 to index
          %swap3A_360 = arith.constant 48 : index
          %swap3A_361 = tpu.vector_load %arg21[%swap3A_359, %swap3A_360] {strides = array<i32>} : memref<40x128xi32, #tpu.memory_space<vmem>>, vector<1x16xi32>,
          %swap3A_362 = vector.shape_cast %swap3A_361 : vector<1x16xi32> to vector<16xi32>
          %swap3A_363 = vector.shape_cast %or3A_358 : vector<16xi32> to vector<1x16xi32>
          tpu.vector_store %arg21[%swap3A_359, %swap3A_360], %swap3A_363 {strides = array<i32>} : memref<40x128xi32, #tpu.memory_space<vmem>>, vector<1x16xi32>,
          %get3A_364 = arith.index_cast %scan3A_164 : i32 to index
          %get3A_365 = arith.constant 64 : index
          %get3A_366 = tpu.vector_load %arg9[%get3A_364, %get3A_365] {strides = array<i32>} : memref<40x128xi32, #tpu.memory_space<vmem>>, vector<1x16xi32>,
          %get3A_367 = vector.shape_cast %get3A_366 : vector<1x16xi32> to vector<16xi32>
          %get3A_368 = arith.index_cast %scan3A_164 : i32 to index
          %get3A_369 = arith.constant 64 : index
          %get3A_370 = tpu.vector_load %arg15[%get3A_368, %get3A_369] {strides = array<i32>} : memref<40x128xi32, #tpu.memory_space<vmem>>, vector<1x16xi32>,
          %get3A_371 = vector.shape_cast %get3A_370 : vector<1x16xi32> to vector<16xi32>
          %shift_left3A_372 = arith.constant 16 : i32
          %shift_left3A_373 = vector.broadcast %shift_left3A_372 : i32 to vector<16xi32>
          %shift_left3A_374 = arith.shli %get3A_367, %shift_left3A_373 : vector<16xi32>
          %bitcast_convert_type3A_375 = tpu.bitcast %shift_left3A_374 : vector<16xi32> -> vector<16xf32>
          %shift_left3A_376 = arith.constant 16 : i32
          %shift_left3A_377 = vector.broadcast %shift_left3A_376 : i32 to vector<16xi32>
          %shift_left3A_378 = arith.shli %get3A_371, %shift_left3A_377 : vector<16xi32>
          %bitcast_convert_type3A_379 = tpu.bitcast %shift_left3A_378 : vector<16xi32> -> vector<16xf32>
          %sub3A_380 = arith.subf %bitcast_convert_type3A_375, %bitcast_convert_type3A_379 : vector<16xf32>
          %shift_right_arithmetic3A_381 = arith.constant 16 : i32
          %shift_right_arithmetic3A_382 = vector.broadcast %shift_right_arithmetic3A_381 : i32 to vector<16xi32>
          %shift_right_arithmetic3A_383 = arith.shrsi %get3A_367, %shift_right_arithmetic3A_382 : vector<16xi32>
          %shift_left3A_384 = arith.constant 16 : i32
          %shift_left3A_385 = vector.broadcast %shift_left3A_384 : i32 to vector<16xi32>
          %shift_left3A_386 = arith.shli %shift_right_arithmetic3A_383, %shift_left3A_385 : vector<16xi32>
          %bitcast_convert_type3A_387 = tpu.bitcast %shift_left3A_386 : vector<16xi32> -> vector<16xf32>
          %shift_right_arithmetic3A_388 = arith.constant 16 : i32
          %shift_right_arithmetic3A_389 = vector.broadcast %shift_right_arithmetic3A_388 : i32 to vector<16xi32>
          %shift_right_arithmetic3A_390 = arith.shrsi %get3A_371, %shift_right_arithmetic3A_389 : vector<16xi32>
          %shift_left3A_391 = arith.constant 16 : i32
          %shift_left3A_392 = vector.broadcast %shift_left3A_391 : i32 to vector<16xi32>
          %shift_left3A_393 = arith.shli %shift_right_arithmetic3A_390, %shift_left3A_392 : vector<16xi32>
          %bitcast_convert_type3A_394 = tpu.bitcast %shift_left3A_393 : vector<16xi32> -> vector<16xf32>
          %sub3A_395 = arith.subf %bitcast_convert_type3A_387, %bitcast_convert_type3A_394 : vector<16xf32>
          %bitcast_convert_type3A_396 = tpu.bitcast %sub3A_380 : vector<16xf32> -> vector<16xi32>
          %add3A_397 = arith.constant 32768 : i32
          %add3A_398 = vector.broadcast %add3A_397 : i32 to vector<16xi32>
          %add3A_399 = arith.addi %bitcast_convert_type3A_396, %add3A_398 : vector<16xi32>
          %bitcast_convert_type3A_400 = tpu.bitcast %sub3A_395 : vector<16xf32> -> vector<16xi32>
          %add3A_401 = arith.constant 32768 : i32
          %add3A_402 = vector.broadcast %add3A_401 : i32 to vector<16xi32>
          %add3A_403 = arith.addi %bitcast_convert_type3A_400, %add3A_402 : vector<16xi32>
          %shift_right_logical3A_404 = arith.constant 16 : i32
          %shift_right_logical3A_405 = vector.broadcast %shift_right_logical3A_404 : i32 to vector<16xi32>
          %shift_right_logical3A_406 = arith.shrui %add3A_399, %shift_right_logical3A_405 : vector<16xi32>
          %and3A_407 = arith.constant -65536 : i32
          %and3A_408 = vector.broadcast %and3A_407 : i32 to vector<16xi32>
          %and3A_409 = arith.andi %add3A_403, %and3A_408 : vector<16xi32>
          %or3A_410 = arith.ori %shift_right_logical3A_406, %and3A_409 : vector<16xi32>
          %swap3A_411 = arith.index_cast %scan3A_164 : i32 to index
          %swap3A_412 = arith.constant 64 : index
          %swap3A_413 = tpu.vector_load %arg21[%swap3A_411, %swap3A_412] {strides = array<i32>} : memref<40x128xi32, #tpu.memory_space<vmem>>, vector<1x16xi32>,
          %swap3A_414 = vector.shape_cast %swap3A_413 : vector<1x16xi32> to vector<16xi32>
          %swap3A_415 = vector.shape_cast %or3A_410 : vector<16xi32> to vector<1x16xi32>
          tpu.vector_store %arg21[%swap3A_411, %swap3A_412], %swap3A_415 {strides = array<i32>} : memref<40x128xi32, #tpu.memory_space<vmem>>, vector<1x16xi32>,
          %get3A_416 = arith.index_cast %scan3A_164 : i32 to index
          %get3A_417 = arith.constant 80 : index
          %get3A_418 = tpu.vector_load %arg9[%get3A_416, %get3A_417] {strides = array<i32>} : memref<40x128xi32, #tpu.memory_space<vmem>>, vector<1x16xi32>,
          %get3A_419 = vector.shape_cast %get3A_418 : vector<1x16xi32> to vector<16xi32>
          %get3A_420 = arith.index_cast %scan3A_164 : i32 to index
          %get3A_421 = arith.constant 80 : index
          %get3A_422 = tpu.vector_load %arg15[%get3A_420, %get3A_421] {strides = array<i32>} : memref<40x128xi32, #tpu.memory_space<vmem>>, vector<1x16xi32>,
          %get3A_423 = vector.shape_cast %get3A_422 : vector<1x16xi32> to vector<16xi32>
          %shift_left3A_424 = arith.constant 16 : i32
          %shift_left3A_425 = vector.broadcast %shift_left3A_424 : i32 to vector<16xi32>
          %shift_left3A_426 = arith.shli %get3A_419, %shift_left3A_425 : vector<16xi32>
          %bitcast_convert_type3A_427 = tpu.bitcast %shift_left3A_426 : vector<16xi32> -> vector<16xf32>
          %shift_left3A_428 = arith.constant 16 : i32
          %shift_left3A_429 = vector.broadcast %shift_left3A_428 : i32 to vector<16xi32>
          %shift_left3A_430 = arith.shli %get3A_423, %shift_left3A_429 : vector<16xi32>
          %bitcast_convert_type3A_431 = tpu.bitcast %shift_left3A_430 : vector<16xi32> -> vector<16xf32>
          %sub3A_432 = arith.subf %bitcast_convert_type3A_427, %bitcast_convert_type3A_431 : vector<16xf32>
          %shift_right_arithmetic3A_433 = arith.constant 16 : i32
          %shift_right_arithmetic3A_434 = vector.broadcast %shift_right_arithmetic3A_433 : i32 to vector<16xi32>
          %shift_right_arithmetic3A_435 = arith.shrsi %get3A_419, %shift_right_arithmetic3A_434 : vector<16xi32>
          %shift_left3A_436 = arith.constant 16 : i32
          %shift_left3A_437 = vector.broadcast %shift_left3A_436 : i32 to vector<16xi32>
          %shift_left3A_438 = arith.shli %shift_right_arithmetic3A_435, %shift_left3A_437 : vector<16xi32>
          %bitcast_convert_type3A_439 = tpu.bitcast %shift_left3A_438 : vector<16xi32> -> vector<16xf32>
          %shift_right_arithmetic3A_440 = arith.constant 16 : i32
          %shift_right_arithmetic3A_441 = vector.broadcast %shift_right_arithmetic3A_440 : i32 to vector<16xi32>
          %shift_right_arithmetic3A_442 = arith.shrsi %get3A_423, %shift_right_arithmetic3A_441 : vector<16xi32>
          %shift_left3A_443 = arith.constant 16 : i32
          %shift_left3A_444 = vector.broadcast %shift_left3A_443 : i32 to vector<16xi32>
          %shift_left3A_445 = arith.shli %shift_right_arithmetic3A_442, %shift_left3A_444 : vector<16xi32>
          %bitcast_convert_type3A_446 = tpu.bitcast %shift_left3A_445 : vector<16xi32> -> vector<16xf32>
          %sub3A_447 = arith.subf %bitcast_convert_type3A_439, %bitcast_convert_type3A_446 : vector<16xf32>
          %bitcast_convert_type3A_448 = tpu.bitcast %sub3A_432 : vector<16xf32> -> vector<16xi32>
          %add3A_449 = arith.constant 32768 : i32
          %add3A_450 = vector.broadcast %add3A_449 : i32 to vector<16xi32>
          %add3A_451 = arith.addi %bitcast_convert_type3A_448, %add3A_450 : vector<16xi32>
          %bitcast_convert_type3A_452 = tpu.bitcast %sub3A_447 : vector<16xf32> -> vector<16xi32>
          %add3A_453 = arith.constant 32768 : i32
          %add3A_454 = vector.broadcast %add3A_453 : i32 to vector<16xi32>
          %add3A_455 = arith.addi %bitcast_convert_type3A_452, %add3A_454 : vector<16xi32>
          %shift_right_logical3A_456 = arith.constant 16 : i32
          %shift_right_logical3A_457 = vector.broadcast %shift_right_logical3A_456 : i32 to vector<16xi32>
          %shift_right_logical3A_458 = arith.shrui %add3A_451, %shift_right_logical3A_457 : vector<16xi32>
          %and3A_459 = arith.constant -65536 : i32
          %and3A_460 = vector.broadcast %and3A_459 : i32 to vector<16xi32>
          %and3A_461 = arith.andi %add3A_455, %and3A_460 : vector<16xi32>
          %or3A_462 = arith.ori %shift_right_logical3A_458, %and3A_461 : vector<16xi32>
          %swap3A_463 = arith.index_cast %scan3A_164 : i32 to index
          %swap3A_464 = arith.constant 80 : index
          %swap3A_465 = tpu.vector_load %arg21[%swap3A_463, %swap3A_464] {strides = array<i32>} : memref<40x128xi32, #tpu.memory_space<vmem>>, vector<1x16xi32>,
          %swap3A_466 = vector.shape_cast %swap3A_465 : vector<1x16xi32> to vector<16xi32>
          %swap3A_467 = vector.shape_cast %or3A_462 : vector<16xi32> to vector<1x16xi32>
          tpu.vector_store %arg21[%swap3A_463, %swap3A_464], %swap3A_467 {strides = array<i32>} : memref<40x128xi32, #tpu.memory_space<vmem>>, vector<1x16xi32>,
          %get3A_468 = arith.index_cast %scan3A_164 : i32 to index
          %get3A_469 = arith.constant 96 : index
          %get3A_470 = tpu.vector_load %arg9[%get3A_468, %get3A_469] {strides = array<i32>} : memref<40x128xi32, #tpu.memory_space<vmem>>, vector<1x16xi32>,
          %get3A_471 = vector.shape_cast %get3A_470 : vector<1x16xi32> to vector<16xi32>
          %get3A_472 = arith.index_cast %scan3A_164 : i32 to index
          %get3A_473 = arith.constant 96 : index
          %get3A_474 = tpu.vector_load %arg15[%get3A_472, %get3A_473] {strides = array<i32>} : memref<40x128xi32, #tpu.memory_space<vmem>>, vector<1x16xi32>,
          %get3A_475 = vector.shape_cast %get3A_474 : vector<1x16xi32> to vector<16xi32>
          %shift_left3A_476 = arith.constant 16 : i32
          %shift_left3A_477 = vector.broadcast %shift_left3A_476 : i32 to vector<16xi32>
          %shift_left3A_478 = arith.shli %get3A_471, %shift_left3A_477 : vector<16xi32>
          %bitcast_convert_type3A_479 = tpu.bitcast %shift_left3A_478 : vector<16xi32> -> vector<16xf32>
          %shift_left3A_480 = arith.constant 16 : i32
          %shift_left3A_481 = vector.broadcast %shift_left3A_480 : i32 to vector<16xi32>
          %shift_left3A_482 = arith.shli %get3A_475, %shift_left3A_481 : vector<16xi32>
          %bitcast_convert_type3A_483 = tpu.bitcast %shift_left3A_482 : vector<16xi32> -> vector<16xf32>
          %sub3A_484 = arith.subf %bitcast_convert_type3A_479, %bitcast_convert_type3A_483 : vector<16xf32>
          %shift_right_arithmetic3A_485 = arith.constant 16 : i32
          %shift_right_arithmetic3A_486 = vector.broadcast %shift_right_arithmetic3A_485 : i32 to vector<16xi32>
          %shift_right_arithmetic3A_487 = arith.shrsi %get3A_471, %shift_right_arithmetic3A_486 : vector<16xi32>
          %shift_left3A_488 = arith.constant 16 : i32
          %shift_left3A_489 = vector.broadcast %shift_left3A_488 : i32 to vector<16xi32>
          %shift_left3A_490 = arith.shli %shift_right_arithmetic3A_487, %shift_left3A_489 : vector<16xi32>
          %bitcast_convert_type3A_491 = tpu.bitcast %shift_left3A_490 : vector<16xi32> -> vector<16xf32>
          %shift_right_arithmetic3A_492 = arith.constant 16 : i32
          %shift_right_arithmetic3A_493 = vector.broadcast %shift_right_arithmetic3A_492 : i32 to vector<16xi32>
          %shift_right_arithmetic3A_494 = arith.shrsi %get3A_475, %shift_right_arithmetic3A_493 : vector<16xi32>
          %shift_left3A_495 = arith.constant 16 : i32
          %shift_left3A_496 = vector.broadcast %shift_left3A_495 : i32 to vector<16xi32>
          %shift_left3A_497 = arith.shli %shift_right_arithmetic3A_494, %shift_left3A_496 : vector<16xi32>
          %bitcast_convert_type3A_498 = tpu.bitcast %shift_left3A_497 : vector<16xi32> -> vector<16xf32>
          %sub3A_499 = arith.subf %bitcast_convert_type3A_491, %bitcast_convert_type3A_498 : vector<16xf32>
          %bitcast_convert_type3A_500 = tpu.bitcast %sub3A_484 : vector<16xf32> -> vector<16xi32>
          %add3A_501 = arith.constant 32768 : i32
          %add3A_502 = vector.broadcast %add3A_501 : i32 to vector<16xi32>
          %add3A_503 = arith.addi %bitcast_convert_type3A_500, %add3A_502 : vector<16xi32>
          %bitcast_convert_type3A_504 = tpu.bitcast %sub3A_499 : vector<16xf32> -> vector<16xi32>
          %add3A_505 = arith.constant 32768 : i32
          %add3A_506 = vector.broadcast %add3A_505 : i32 to vector<16xi32>
          %add3A_507 = arith.addi %bitcast_convert_type3A_504, %add3A_506 : vector<16xi32>
          %shift_right_logical3A_508 = arith.constant 16 : i32
          %shift_right_logical3A_509 = vector.broadcast %shift_right_logical3A_508 : i32 to vector<16xi32>
          %shift_right_logical3A_510 = arith.shrui %add3A_503, %shift_right_logical3A_509 : vector<16xi32>
          %and3A_511 = arith.constant -65536 : i32
          %and3A_512 = vector.broadcast %and3A_511 : i32 to vector<16xi32>
          %and3A_513 = arith.andi %add3A_507, %and3A_512 : vector<16xi32>
          %or3A_514 = arith.ori %shift_right_logical3A_510, %and3A_513 : vector<16xi32>
          %swap3A_515 = arith.index_cast %scan3A_164 : i32 to index
          %swap3A_516 = arith.constant 96 : index
          %swap3A_517 = tpu.vector_load %arg21[%swap3A_515, %swap3A_516] {strides = array<i32>} : memref<40x128xi32, #tpu.memory_space<vmem>>, vector<1x16xi32>,
          %swap3A_518 = vector.shape_cast %swap3A_517 : vector<1x16xi32> to vector<16xi32>
          %swap3A_519 = vector.shape_cast %or3A_514 : vector<16xi32> to vector<1x16xi32>
          tpu.vector_store %arg21[%swap3A_515, %swap3A_516], %swap3A_519 {strides = array<i32>} : memref<40x128xi32, #tpu.memory_space<vmem>>, vector<1x16xi32>,
          %get3A_520 = arith.index_cast %scan3A_164 : i32 to index
          %get3A_521 = arith.constant 112 : index
          %get3A_522 = tpu.vector_load %arg9[%get3A_520, %get3A_521] {strides = array<i32>} : memref<40x128xi32, #tpu.memory_space<vmem>>, vector<1x16xi32>,
          %get3A_523 = vector.shape_cast %get3A_522 : vector<1x16xi32> to vector<16xi32>
          %get3A_524 = arith.index_cast %scan3A_164 : i32 to index
          %get3A_525 = arith.constant 112 : index
          %get3A_526 = tpu.vector_load %arg15[%get3A_524, %get3A_525] {strides = array<i32>} : memref<40x128xi32, #tpu.memory_space<vmem>>, vector<1x16xi32>,
          %get3A_527 = vector.shape_cast %get3A_526 : vector<1x16xi32> to vector<16xi32>
          %shift_left3A_528 = arith.constant 16 : i32
          %shift_left3A_529 = vector.broadcast %shift_left3A_528 : i32 to vector<16xi32>
          %shift_left3A_530 = arith.shli %get3A_523, %shift_left3A_529 : vector<16xi32>
          %bitcast_convert_type3A_531 = tpu.bitcast %shift_left3A_530 : vector<16xi32> -> vector<16xf32>
          %shift_left3A_532 = arith.constant 16 : i32
          %shift_left3A_533 = vector.broadcast %shift_left3A_532 : i32 to vector<16xi32>
          %shift_left3A_534 = arith.shli %get3A_527, %shift_left3A_533 : vector<16xi32>
          %bitcast_convert_type3A_535 = tpu.bitcast %shift_left3A_534 : vector<16xi32> -> vector<16xf32>
          %sub3A_536 = arith.subf %bitcast_convert_type3A_531, %bitcast_convert_type3A_535 : vector<16xf32>
          %shift_right_arithmetic3A_537 = arith.constant 16 : i32
          %shift_right_arithmetic3A_538 = vector.broadcast %shift_right_arithmetic3A_537 : i32 to vector<16xi32>
          %shift_right_arithmetic3A_539 = arith.shrsi %get3A_523, %shift_right_arithmetic3A_538 : vector<16xi32>
          %shift_left3A_540 = arith.constant 16 : i32
          %shift_left3A_541 = vector.broadcast %shift_left3A_540 : i32 to vector<16xi32>
          %shift_left3A_542 = arith.shli %shift_right_arithmetic3A_539, %shift_left3A_541 : vector<16xi32>
          %bitcast_convert_type3A_543 = tpu.bitcast %shift_left3A_542 : vector<16xi32> -> vector<16xf32>
          %shift_right_arithmetic3A_544 = arith.constant 16 : i32
          %shift_right_arithmetic3A_545 = vector.broadcast %shift_right_arithmetic3A_544 : i32 to vector<16xi32>
          %shift_right_arithmetic3A_546 = arith.shrsi %get3A_527, %shift_right_arithmetic3A_545 : vector<16xi32>
          %shift_left3A_547 = arith.constant 16 : i32
          %shift_left3A_548 = vector.broadcast %shift_left3A_547 : i32 to vector<16xi32>
          %shift_left3A_549 = arith.shli %shift_right_arithmetic3A_546, %shift_left3A_548 : vector<16xi32>
          %bitcast_convert_type3A_550 = tpu.bitcast %shift_left3A_549 : vector<16xi32> -> vector<16xf32>
          %sub3A_551 = arith.subf %bitcast_convert_type3A_543, %bitcast_convert_type3A_550 : vector<16xf32>
          %bitcast_convert_type3A_552 = tpu.bitcast %sub3A_536 : vector<16xf32> -> vector<16xi32>
          %add3A_553 = arith.constant 32768 : i32
          %add3A_554 = vector.broadcast %add3A_553 : i32 to vector<16xi32>
          %add3A_555 = arith.addi %bitcast_convert_type3A_552, %add3A_554 : vector<16xi32>
          %bitcast_convert_type3A_556 = tpu.bitcast %sub3A_551 : vector<16xf32> -> vector<16xi32>
          %add3A_557 = arith.constant 32768 : i32
          %add3A_558 = vector.broadcast %add3A_557 : i32 to vector<16xi32>
          %add3A_559 = arith.addi %bitcast_convert_type3A_556, %add3A_558 : vector<16xi32>
          %shift_right_logical3A_560 = arith.constant 16 : i32
          %shift_right_logical3A_561 = vector.broadcast %shift_right_logical3A_560 : i32 to vector<16xi32>
          %shift_right_logical3A_562 = arith.shrui %add3A_555, %shift_right_logical3A_561 : vector<16xi32>
          %and3A_563 = arith.constant -65536 : i32
          %and3A_564 = vector.broadcast %and3A_563 : i32 to vector<16xi32>
          %and3A_565 = arith.andi %add3A_559, %and3A_564 : vector<16xi32>
          %or3A_566 = arith.ori %shift_right_logical3A_562, %and3A_565 : vector<16xi32>
          %swap3A_567 = arith.index_cast %scan3A_164 : i32 to index
          %swap3A_568 = arith.constant 112 : index
          %swap3A_569 = tpu.vector_load %arg21[%swap3A_567, %swap3A_568] {strides = array<i32>} : memref<40x128xi32, #tpu.memory_space<vmem>>, vector<1x16xi32>,
          %swap3A_570 = vector.shape_cast %swap3A_569 : vector<1x16xi32> to vector<16xi32>
          %swap3A_571 = vector.shape_cast %or3A_566 : vector<16xi32> to vector<1x16xi32>
          tpu.vector_store %arg21[%swap3A_567, %swap3A_568], %swap3A_571 {strides = array<i32>} : memref<40x128xi32, #tpu.memory_space<vmem>>, vector<1x16xi32>,
        }
        %scan3A_149 = arith.constant 40 : i32
        %mul3A_150 = arith.constant 40 : i32
        %mul3A_151 = arith.muli %add3A_88, %mul3A_150 : i32
        %add3A_152 = arith.addi %mul3A_6, %mul3A_151 : i32
        %dma_start3A_153 = arith.constant 0 : i32
        %dma_start3A_154 = tpu.memref_slice %arg5[%add3A_152, %dma_start3A_153] : memref<160000x128xi32, #tpu.memory_space<hbm>> -> memref<40x128xi32, #tpu.memory_space<hbm>>
        %dma_start3A_155 = arith.constant 0 : i32
        %dma_start3A_156 = tpu.memref_slice %arg5[%add3A_152, %dma_start3A_155] : memref<160000x128xi32, #tpu.memory_space<hbm>> -> memref<40x128xi32, #tpu.memory_space<hbm>>
        tpu.enqueue_dma source(%arg21 : memref<40x128xi32, #tpu.memory_space<vmem>>) target(%dma_start3A_156 : memref<40x128xi32, #tpu.memory_space<hbm>>) target_semaphore(%arg29 : memref<!tpu.dma_semaphore, #tpu.memory_space<semaphore_mem>>)
        %add3A_157 = arith.constant 6 : i32
        %add3A_158 = arith.addi %add3A_88, %add3A_157 : i32
        %lt3A_159 = arith.constant 125 : i32
        %lt3A_160 = arith.cmpi slt, %add3A_158, %lt3A_159 : i32
        %convert_element_type3A_161 = arith.extui %lt3A_160 : i1 to i32
        %cond3A_162 = arith.constant 0 : i32
        %cond3A_163 = arith.cmpi ne, %convert_element_type3A_161, %cond3A_162 : i32
        scf.if %cond3A_163 {
          %add3A_164 = arith.constant 6 : i32
          %add3A_165 = arith.addi %add3A_88, %add3A_164 : i32
          %mul3A_166 = arith.constant 40 : i32
          %mul3A_167 = arith.muli %add3A_165, %mul3A_166 : i32
          %dma_start3A_168 = tpu.memref_slice %arg6[%mul3A_167] : memref<5000xi32, #tpu.memory_space<vmem>> -> memref<40xi32, #tpu.memory_space<vmem>>
          %dma_start3A_169 = arith.constant 0 : i32
          %dma_start3A_170 = arith.constant 0 : i32
          %dma_start3A_171 = tpu.memref_slice %arg2[%dma_start3A_169, %dma_start3A_170] : memref<10000x128xi32, #tpu.memory_space<hbm>> -> memref<10000x128xi32, #tpu.memory_space<hbm>>
          tpu.enqueue_indirect_dma source(%dma_start3A_171 : memref<10000x128xi32, #tpu.memory_space<hbm>>) target(%arg9 : memref<40x128xi32, #tpu.memory_space<vmem>>) offsets(%dma_start3A_168 : memref<40xi32, #tpu.memory_space<vmem>>) semaphore(%arg23 : memref<!tpu.dma_semaphore, #tpu.memory_space<semaphore_mem>>)
          %dma_start3A_172 = tpu.memref_slice %arg7[%mul3A_167] : memref<5000xi32, #tpu.memory_space<vmem>> -> memref<40xi32, #tpu.memory_space<vmem>>
          %dma_start3A_173 = arith.constant 0 : i32
          %dma_start3A_174 = arith.constant 0 : i32
          %dma_start3A_175 = tpu.memref_slice %arg2[%dma_start3A_173, %dma_start3A_174] : memref<10000x128xi32, #tpu.memory_space<hbm>> -> memref<10000x128xi32, #tpu.memory_space<hbm>>
          tpu.enqueue_indirect_dma source(%dma_start3A_175 : memref<10000x128xi32, #tpu.memory_space<hbm>>) target(%arg15 : memref<40x128xi32, #tpu.memory_space<vmem>>) offsets(%dma_start3A_172 : memref<40xi32, #tpu.memory_space<vmem>>) semaphore(%arg23 : memref<!tpu.dma_semaphore, #tpu.memory_space<semaphore_mem>>)
        } else {
        }
      } else {
      }
      %mul3A_94 = arith.constant 6 : i32
      %mul3A_95 = arith.muli %mul3A_94, %scan3A_78 : i32
      %add3A_96 = arith.constant 2 : i32
      %add3A_97 = arith.addi %mul3A_95, %add3A_96 : i32
      %lt3A_98 = arith.constant 125 : i32
      %lt3A_99 = arith.cmpi slt, %add3A_97, %lt3A_98 : i32
      %convert_element_type3A_100 = arith.extui %lt3A_99 : i1 to i32
      %cond3A_101 = arith.constant 0 : i32
      %cond3A_102 = arith.cmpi ne, %convert_element_type3A_100, %cond3A_101 : i32
      scf.if %cond3A_102 {
        %dma_wait3A_130 = arith.constant 0 : i32
        %dma_wait3A_131 = tpu.memref_slice %arg6[%dma_wait3A_130] : memref<5000xi32, #tpu.memory_space<vmem>> -> memref<40xi32, #tpu.memory_space<vmem>>
        %dma_wait3A_132 = arith.constant 0 : i32
        %dma_wait3A_133 = arith.constant 0 : i32
        %dma_wait3A_134 = tpu.memref_slice %arg2[%dma_wait3A_132, %dma_wait3A_133] : memref<10000x128xi32, #tpu.memory_space<hbm>> -> memref<10000x128xi32, #tpu.memory_space<hbm>>
        tpu.wait_indirect_dma semaphore(%arg24 : memref<!tpu.dma_semaphore, #tpu.memory_space<semaphore_mem>>) src(%dma_wait3A_134 : memref<10000x128xi32, #tpu.memory_space<hbm>>) dst(%arg10 : memref<40x128xi32, #tpu.memory_space<vmem>>)
        %dma_wait3A_135 = arith.constant 0 : i32
        %dma_wait3A_136 = tpu.memref_slice %arg7[%dma_wait3A_135] : memref<5000xi32, #tpu.memory_space<vmem>> -> memref<40xi32, #tpu.memory_space<vmem>>
        %dma_wait3A_137 = arith.constant 0 : i32
        %dma_wait3A_138 = arith.constant 0 : i32
        %dma_wait3A_139 = tpu.memref_slice %arg2[%dma_wait3A_137, %dma_wait3A_138] : memref<10000x128xi32, #tpu.memory_space<hbm>> -> memref<10000x128xi32, #tpu.memory_space<hbm>>
        tpu.wait_indirect_dma semaphore(%arg24 : memref<!tpu.dma_semaphore, #tpu.memory_space<semaphore_mem>>) src(%dma_wait3A_139 : memref<10000x128xi32, #tpu.memory_space<hbm>>) dst(%arg16 : memref<40x128xi32, #tpu.memory_space<vmem>>)
        %ge3A = arith.constant 2 : i32
        %ge3A_140 = arith.cmpi sge, %add3A_97, %ge3A : i32
        %convert_element_type3A_141 = arith.extui %ge3A_140 : i1 to i32
        %cond3A_142 = arith.constant 0 : i32
        %cond3A_143 = arith.cmpi ne, %convert_element_type3A_141, %cond3A_142 : i32
        scf.if %cond3A_143 {
          %dma_wait3A_164 = arith.constant 0 : i32
          %dma_wait3A_165 = tpu.memref_slice %arg5[%mul3A_6, %dma_wait3A_164] : memref<160000x128xi32, #tpu.memory_space<hbm>> -> memref<40x128xi32, #tpu.memory_space<hbm>>
          %dma_wait3A_166 = arith.constant 0 : i32
          %dma_wait3A_167 = tpu.memref_slice %arg5[%mul3A_6, %dma_wait3A_166] : memref<160000x128xi32, #tpu.memory_space<hbm>> -> memref<40x128xi32, #tpu.memory_space<hbm>>
          tpu.wait_dma2 semaphore(%arg28 : memref<!tpu.dma_semaphore, #tpu.memory_space<semaphore_mem>>) src(%arg20 : memref<40x128xi32, #tpu.memory_space<vmem>>) dst(%dma_wait3A_167 : memref<40x128xi32, #tpu.memory_space<hbm>>)
        } else {
        }
        %scan3A_144 = arith.constant 0 : i32
        %scan3A_145 = arith.constant 0 : i32
        %scan3A_146 = arith.constant 40 : i32
        %scan3A_147 = arith.addi %scan3A_145, %scan3A_146 : i32
        %scan3A_148 = arith.constant 1 : i32
        scf.for %scan3A_164 = %scan3A_145 to %scan3A_147 step %scan3A_148  : i32 {
          %get3A = arith.index_cast %scan3A_164 : i32 to index
          %get3A_165 = arith.constant 0 : index
          %get3A_166 = tpu.vector_load %arg10[%get3A, %get3A_165] {strides = array<i32>} : memref<40x128xi32, #tpu.memory_space<vmem>>, vector<1x16xi32>,
          %get3A_167 = vector.shape_cast %get3A_166 : vector<1x16xi32> to vector<16xi32>
          %get3A_168 = arith.index_cast %scan3A_164 : i32 to index
          %get3A_169 = arith.constant 0 : index
          %get3A_170 = tpu.vector_load %arg16[%get3A_168, %get3A_169] {strides = array<i32>} : memref<40x128xi32, #tpu.memory_space<vmem>>, vector<1x16xi32>,
          %get3A_171 = vector.shape_cast %get3A_170 : vector<1x16xi32> to vector<16xi32>
          %shift_left3A = arith.constant 16 : i32
          %shift_left3A_172 = vector.broadcast %shift_left3A : i32 to vector<16xi32>
          %shift_left3A_173 = arith.shli %get3A_167, %shift_left3A_172 : vector<16xi32>
          %bitcast_convert_type3A = tpu.bitcast %shift_left3A_173 : vector<16xi32> -> vector<16xf32>
          %shift_left3A_174 = arith.constant 16 : i32
          %shift_left3A_175 = vector.broadcast %shift_left3A_174 : i32 to vector<16xi32>
          %shift_left3A_176 = arith.shli %get3A_171, %shift_left3A_175 : vector<16xi32>
          %bitcast_convert_type3A_177 = tpu.bitcast %shift_left3A_176 : vector<16xi32> -> vector<16xf32>
          %sub3A = arith.subf %bitcast_convert_type3A, %bitcast_convert_type3A_177 : vector<16xf32>
          %shift_right_arithmetic3A = arith.constant 16 : i32
          %shift_right_arithmetic3A_178 = vector.broadcast %shift_right_arithmetic3A : i32 to vector<16xi32>
          %shift_right_arithmetic3A_179 = arith.shrsi %get3A_167, %shift_right_arithmetic3A_178 : vector<16xi32>
          %shift_left3A_180 = arith.constant 16 : i32
          %shift_left3A_181 = vector.broadcast %shift_left3A_180 : i32 to vector<16xi32>
          %shift_left3A_182 = arith.shli %shift_right_arithmetic3A_179, %shift_left3A_181 : vector<16xi32>
          %bitcast_convert_type3A_183 = tpu.bitcast %shift_left3A_182 : vector<16xi32> -> vector<16xf32>
          %shift_right_arithmetic3A_184 = arith.constant 16 : i32
          %shift_right_arithmetic3A_185 = vector.broadcast %shift_right_arithmetic3A_184 : i32 to vector<16xi32>
          %shift_right_arithmetic3A_186 = arith.shrsi %get3A_171, %shift_right_arithmetic3A_185 : vector<16xi32>
          %shift_left3A_187 = arith.constant 16 : i32
          %shift_left3A_188 = vector.broadcast %shift_left3A_187 : i32 to vector<16xi32>
          %shift_left3A_189 = arith.shli %shift_right_arithmetic3A_186, %shift_left3A_188 : vector<16xi32>
          %bitcast_convert_type3A_190 = tpu.bitcast %shift_left3A_189 : vector<16xi32> -> vector<16xf32>
          %sub3A_191 = arith.subf %bitcast_convert_type3A_183, %bitcast_convert_type3A_190 : vector<16xf32>
          %bitcast_convert_type3A_192 = tpu.bitcast %sub3A : vector<16xf32> -> vector<16xi32>
          %add3A_193 = arith.constant 32768 : i32
          %add3A_194 = vector.broadcast %add3A_193 : i32 to vector<16xi32>
          %add3A_195 = arith.addi %bitcast_convert_type3A_192, %add3A_194 : vector<16xi32>
          %bitcast_convert_type3A_196 = tpu.bitcast %sub3A_191 : vector<16xf32> -> vector<16xi32>
          %add3A_197 = arith.constant 32768 : i32
          %add3A_198 = vector.broadcast %add3A_197 : i32 to vector<16xi32>
          %add3A_199 = arith.addi %bitcast_convert_type3A_196, %add3A_198 : vector<16xi32>
          %shift_right_logical3A = arith.constant 16 : i32
          %shift_right_logical3A_200 = vector.broadcast %shift_right_logical3A : i32 to vector<16xi32>
          %shift_right_logical3A_201 = arith.shrui %add3A_195, %shift_right_logical3A_200 : vector<16xi32>
          %and3A = arith.constant -65536 : i32
          %and3A_202 = vector.broadcast %and3A : i32 to vector<16xi32>
          %and3A_203 = arith.andi %add3A_199, %and3A_202 : vector<16xi32>
          %or3A = arith.ori %shift_right_logical3A_201, %and3A_203 : vector<16xi32>
          %swap3A = arith.index_cast %scan3A_164 : i32 to index
          %swap3A_204 = arith.constant 0 : index
          %swap3A_205 = tpu.vector_load %arg20[%swap3A, %swap3A_204] {strides = array<i32>} : memref<40x128xi32, #tpu.memory_space<vmem>>, vector<1x16xi32>,
          %swap3A_206 = vector.shape_cast %swap3A_205 : vector<1x16xi32> to vector<16xi32>
          %swap3A_207 = vector.shape_cast %or3A : vector<16xi32> to vector<1x16xi32>
          tpu.vector_store %arg20[%swap3A, %swap3A_204], %swap3A_207 {strides = array<i32>} : memref<40x128xi32, #tpu.memory_space<vmem>>, vector<1x16xi32>,
          %get3A_208 = arith.index_cast %scan3A_164 : i32 to index
          %get3A_209 = arith.constant 16 : index
          %get3A_210 = tpu.vector_load %arg10[%get3A_208, %get3A_209] {strides = array<i32>} : memref<40x128xi32, #tpu.memory_space<vmem>>, vector<1x16xi32>,
          %get3A_211 = vector.shape_cast %get3A_210 : vector<1x16xi32> to vector<16xi32>
          %get3A_212 = arith.index_cast %scan3A_164 : i32 to index
          %get3A_213 = arith.constant 16 : index
          %get3A_214 = tpu.vector_load %arg16[%get3A_212, %get3A_213] {strides = array<i32>} : memref<40x128xi32, #tpu.memory_space<vmem>>, vector<1x16xi32>,
          %get3A_215 = vector.shape_cast %get3A_214 : vector<1x16xi32> to vector<16xi32>
          %shift_left3A_216 = arith.constant 16 : i32
          %shift_left3A_217 = vector.broadcast %shift_left3A_216 : i32 to vector<16xi32>
          %shift_left3A_218 = arith.shli %get3A_211, %shift_left3A_217 : vector<16xi32>
          %bitcast_convert_type3A_219 = tpu.bitcast %shift_left3A_218 : vector<16xi32> -> vector<16xf32>
          %shift_left3A_220 = arith.constant 16 : i32
          %shift_left3A_221 = vector.broadcast %shift_left3A_220 : i32 to vector<16xi32>
          %shift_left3A_222 = arith.shli %get3A_215, %shift_left3A_221 : vector<16xi32>
          %bitcast_convert_type3A_223 = tpu.bitcast %shift_left3A_222 : vector<16xi32> -> vector<16xf32>
          %sub3A_224 = arith.subf %bitcast_convert_type3A_219, %bitcast_convert_type3A_223 : vector<16xf32>
          %shift_right_arithmetic3A_225 = arith.constant 16 : i32
          %shift_right_arithmetic3A_226 = vector.broadcast %shift_right_arithmetic3A_225 : i32 to vector<16xi32>
          %shift_right_arithmetic3A_227 = arith.shrsi %get3A_211, %shift_right_arithmetic3A_226 : vector<16xi32>
          %shift_left3A_228 = arith.constant 16 : i32
          %shift_left3A_229 = vector.broadcast %shift_left3A_228 : i32 to vector<16xi32>
          %shift_left3A_230 = arith.shli %shift_right_arithmetic3A_227, %shift_left3A_229 : vector<16xi32>
          %bitcast_convert_type3A_231 = tpu.bitcast %shift_left3A_230 : vector<16xi32> -> vector<16xf32>
          %shift_right_arithmetic3A_232 = arith.constant 16 : i32
          %shift_right_arithmetic3A_233 = vector.broadcast %shift_right_arithmetic3A_232 : i32 to vector<16xi32>
          %shift_right_arithmetic3A_234 = arith.shrsi %get3A_215, %shift_right_arithmetic3A_233 : vector<16xi32>
          %shift_left3A_235 = arith.constant 16 : i32
          %shift_left3A_236 = vector.broadcast %shift_left3A_235 : i32 to vector<16xi32>
          %shift_left3A_237 = arith.shli %shift_right_arithmetic3A_234, %shift_left3A_236 : vector<16xi32>
          %bitcast_convert_type3A_238 = tpu.bitcast %shift_left3A_237 : vector<16xi32> -> vector<16xf32>
          %sub3A_239 = arith.subf %bitcast_convert_type3A_231, %bitcast_convert_type3A_238 : vector<16xf32>
          %bitcast_convert_type3A_240 = tpu.bitcast %sub3A_224 : vector<16xf32> -> vector<16xi32>
          %add3A_241 = arith.constant 32768 : i32
          %add3A_242 = vector.broadcast %add3A_241 : i32 to vector<16xi32>
          %add3A_243 = arith.addi %bitcast_convert_type3A_240, %add3A_242 : vector<16xi32>
          %bitcast_convert_type3A_244 = tpu.bitcast %sub3A_239 : vector<16xf32> -> vector<16xi32>
          %add3A_245 = arith.constant 32768 : i32
          %add3A_246 = vector.broadcast %add3A_245 : i32 to vector<16xi32>
          %add3A_247 = arith.addi %bitcast_convert_type3A_244, %add3A_246 : vector<16xi32>
          %shift_right_logical3A_248 = arith.constant 16 : i32
          %shift_right_logical3A_249 = vector.broadcast %shift_right_logical3A_248 : i32 to vector<16xi32>
          %shift_right_logical3A_250 = arith.shrui %add3A_243, %shift_right_logical3A_249 : vector<16xi32>
          %and3A_251 = arith.constant -65536 : i32
          %and3A_252 = vector.broadcast %and3A_251 : i32 to vector<16xi32>
          %and3A_253 = arith.andi %add3A_247, %and3A_252 : vector<16xi32>
          %or3A_254 = arith.ori %shift_right_logical3A_250, %and3A_253 : vector<16xi32>
          %swap3A_255 = arith.index_cast %scan3A_164 : i32 to index
          %swap3A_256 = arith.constant 16 : index
          %swap3A_257 = tpu.vector_load %arg20[%swap3A_255, %swap3A_256] {strides = array<i32>} : memref<40x128xi32, #tpu.memory_space<vmem>>, vector<1x16xi32>,
          %swap3A_258 = vector.shape_cast %swap3A_257 : vector<1x16xi32> to vector<16xi32>
          %swap3A_259 = vector.shape_cast %or3A_254 : vector<16xi32> to vector<1x16xi32>
          tpu.vector_store %arg20[%swap3A_255, %swap3A_256], %swap3A_259 {strides = array<i32>} : memref<40x128xi32, #tpu.memory_space<vmem>>, vector<1x16xi32>,
          %get3A_260 = arith.index_cast %scan3A_164 : i32 to index
          %get3A_261 = arith.constant 32 : index
          %get3A_262 = tpu.vector_load %arg10[%get3A_260, %get3A_261] {strides = array<i32>} : memref<40x128xi32, #tpu.memory_space<vmem>>, vector<1x16xi32>,
          %get3A_263 = vector.shape_cast %get3A_262 : vector<1x16xi32> to vector<16xi32>
          %get3A_264 = arith.index_cast %scan3A_164 : i32 to index
          %get3A_265 = arith.constant 32 : index
          %get3A_266 = tpu.vector_load %arg16[%get3A_264, %get3A_265] {strides = array<i32>} : memref<40x128xi32, #tpu.memory_space<vmem>>, vector<1x16xi32>,
          %get3A_267 = vector.shape_cast %get3A_266 : vector<1x16xi32> to vector<16xi32>
          %shift_left3A_268 = arith.constant 16 : i32
          %shift_left3A_269 = vector.broadcast %shift_left3A_268 : i32 to vector<16xi32>
          %shift_left3A_270 = arith.shli %get3A_263, %shift_left3A_269 : vector<16xi32>
          %bitcast_convert_type3A_271 = tpu.bitcast %shift_left3A_270 : vector<16xi32> -> vector<16xf32>
          %shift_left3A_272 = arith.constant 16 : i32
          %shift_left3A_273 = vector.broadcast %shift_left3A_272 : i32 to vector<16xi32>
          %shift_left3A_274 = arith.shli %get3A_267, %shift_left3A_273 : vector<16xi32>
          %bitcast_convert_type3A_275 = tpu.bitcast %shift_left3A_274 : vector<16xi32> -> vector<16xf32>
          %sub3A_276 = arith.subf %bitcast_convert_type3A_271, %bitcast_convert_type3A_275 : vector<16xf32>
          %shift_right_arithmetic3A_277 = arith.constant 16 : i32
          %shift_right_arithmetic3A_278 = vector.broadcast %shift_right_arithmetic3A_277 : i32 to vector<16xi32>
          %shift_right_arithmetic3A_279 = arith.shrsi %get3A_263, %shift_right_arithmetic3A_278 : vector<16xi32>
          %shift_left3A_280 = arith.constant 16 : i32
          %shift_left3A_281 = vector.broadcast %shift_left3A_280 : i32 to vector<16xi32>
          %shift_left3A_282 = arith.shli %shift_right_arithmetic3A_279, %shift_left3A_281 : vector<16xi32>
          %bitcast_convert_type3A_283 = tpu.bitcast %shift_left3A_282 : vector<16xi32> -> vector<16xf32>
          %shift_right_arithmetic3A_284 = arith.constant 16 : i32
          %shift_right_arithmetic3A_285 = vector.broadcast %shift_right_arithmetic3A_284 : i32 to vector<16xi32>
          %shift_right_arithmetic3A_286 = arith.shrsi %get3A_267, %shift_right_arithmetic3A_285 : vector<16xi32>
          %shift_left3A_287 = arith.constant 16 : i32
          %shift_left3A_288 = vector.broadcast %shift_left3A_287 : i32 to vector<16xi32>
          %shift_left3A_289 = arith.shli %shift_right_arithmetic3A_286, %shift_left3A_288 : vector<16xi32>
          %bitcast_convert_type3A_290 = tpu.bitcast %shift_left3A_289 : vector<16xi32> -> vector<16xf32>
          %sub3A_291 = arith.subf %bitcast_convert_type3A_283, %bitcast_convert_type3A_290 : vector<16xf32>
          %bitcast_convert_type3A_292 = tpu.bitcast %sub3A_276 : vector<16xf32> -> vector<16xi32>
          %add3A_293 = arith.constant 32768 : i32
          %add3A_294 = vector.broadcast %add3A_293 : i32 to vector<16xi32>
          %add3A_295 = arith.addi %bitcast_convert_type3A_292, %add3A_294 : vector<16xi32>
          %bitcast_convert_type3A_296 = tpu.bitcast %sub3A_291 : vector<16xf32> -> vector<16xi32>
          %add3A_297 = arith.constant 32768 : i32
          %add3A_298 = vector.broadcast %add3A_297 : i32 to vector<16xi32>
          %add3A_299 = arith.addi %bitcast_convert_type3A_296, %add3A_298 : vector<16xi32>
          %shift_right_logical3A_300 = arith.constant 16 : i32
          %shift_right_logical3A_301 = vector.broadcast %shift_right_logical3A_300 : i32 to vector<16xi32>
          %shift_right_logical3A_302 = arith.shrui %add3A_295, %shift_right_logical3A_301 : vector<16xi32>
          %and3A_303 = arith.constant -65536 : i32
          %and3A_304 = vector.broadcast %and3A_303 : i32 to vector<16xi32>
          %and3A_305 = arith.andi %add3A_299, %and3A_304 : vector<16xi32>
          %or3A_306 = arith.ori %shift_right_logical3A_302, %and3A_305 : vector<16xi32>
          %swap3A_307 = arith.index_cast %scan3A_164 : i32 to index
          %swap3A_308 = arith.constant 32 : index
          %swap3A_309 = tpu.vector_load %arg20[%swap3A_307, %swap3A_308] {strides = array<i32>} : memref<40x128xi32, #tpu.memory_space<vmem>>, vector<1x16xi32>,
          %swap3A_310 = vector.shape_cast %swap3A_309 : vector<1x16xi32> to vector<16xi32>
          %swap3A_311 = vector.shape_cast %or3A_306 : vector<16xi32> to vector<1x16xi32>
          tpu.vector_store %arg20[%swap3A_307, %swap3A_308], %swap3A_311 {strides = array<i32>} : memref<40x128xi32, #tpu.memory_space<vmem>>, vector<1x16xi32>,
          %get3A_312 = arith.index_cast %scan3A_164 : i32 to index
          %get3A_313 = arith.constant 48 : index
          %get3A_314 = tpu.vector_load %arg10[%get3A_312, %get3A_313] {strides = array<i32>} : memref<40x128xi32, #tpu.memory_space<vmem>>, vector<1x16xi32>,
          %get3A_315 = vector.shape_cast %get3A_314 : vector<1x16xi32> to vector<16xi32>
          %get3A_316 = arith.index_cast %scan3A_164 : i32 to index
          %get3A_317 = arith.constant 48 : index
          %get3A_318 = tpu.vector_load %arg16[%get3A_316, %get3A_317] {strides = array<i32>} : memref<40x128xi32, #tpu.memory_space<vmem>>, vector<1x16xi32>,
          %get3A_319 = vector.shape_cast %get3A_318 : vector<1x16xi32> to vector<16xi32>
          %shift_left3A_320 = arith.constant 16 : i32
          %shift_left3A_321 = vector.broadcast %shift_left3A_320 : i32 to vector<16xi32>
          %shift_left3A_322 = arith.shli %get3A_315, %shift_left3A_321 : vector<16xi32>
          %bitcast_convert_type3A_323 = tpu.bitcast %shift_left3A_322 : vector<16xi32> -> vector<16xf32>
          %shift_left3A_324 = arith.constant 16 : i32
          %shift_left3A_325 = vector.broadcast %shift_left3A_324 : i32 to vector<16xi32>
          %shift_left3A_326 = arith.shli %get3A_319, %shift_left3A_325 : vector<16xi32>
          %bitcast_convert_type3A_327 = tpu.bitcast %shift_left3A_326 : vector<16xi32> -> vector<16xf32>
          %sub3A_328 = arith.subf %bitcast_convert_type3A_323, %bitcast_convert_type3A_327 : vector<16xf32>
          %shift_right_arithmetic3A_329 = arith.constant 16 : i32
          %shift_right_arithmetic3A_330 = vector.broadcast %shift_right_arithmetic3A_329 : i32 to vector<16xi32>
          %shift_right_arithmetic3A_331 = arith.shrsi %get3A_315, %shift_right_arithmetic3A_330 : vector<16xi32>
          %shift_left3A_332 = arith.constant 16 : i32
          %shift_left3A_333 = vector.broadcast %shift_left3A_332 : i32 to vector<16xi32>
          %shift_left3A_334 = arith.shli %shift_right_arithmetic3A_331, %shift_left3A_333 : vector<16xi32>
          %bitcast_convert_type3A_335 = tpu.bitcast %shift_left3A_334 : vector<16xi32> -> vector<16xf32>
          %shift_right_arithmetic3A_336 = arith.constant 16 : i32
          %shift_right_arithmetic3A_337 = vector.broadcast %shift_right_arithmetic3A_336 : i32 to vector<16xi32>
          %shift_right_arithmetic3A_338 = arith.shrsi %get3A_319, %shift_right_arithmetic3A_337 : vector<16xi32>
          %shift_left3A_339 = arith.constant 16 : i32
          %shift_left3A_340 = vector.broadcast %shift_left3A_339 : i32 to vector<16xi32>
          %shift_left3A_341 = arith.shli %shift_right_arithmetic3A_338, %shift_left3A_340 : vector<16xi32>
          %bitcast_convert_type3A_342 = tpu.bitcast %shift_left3A_341 : vector<16xi32> -> vector<16xf32>
          %sub3A_343 = arith.subf %bitcast_convert_type3A_335, %bitcast_convert_type3A_342 : vector<16xf32>
          %bitcast_convert_type3A_344 = tpu.bitcast %sub3A_328 : vector<16xf32> -> vector<16xi32>
          %add3A_345 = arith.constant 32768 : i32
          %add3A_346 = vector.broadcast %add3A_345 : i32 to vector<16xi32>
          %add3A_347 = arith.addi %bitcast_convert_type3A_344, %add3A_346 : vector<16xi32>
          %bitcast_convert_type3A_348 = tpu.bitcast %sub3A_343 : vector<16xf32> -> vector<16xi32>
          %add3A_349 = arith.constant 32768 : i32
          %add3A_350 = vector.broadcast %add3A_349 : i32 to vector<16xi32>
          %add3A_351 = arith.addi %bitcast_convert_type3A_348, %add3A_350 : vector<16xi32>
          %shift_right_logical3A_352 = arith.constant 16 : i32
          %shift_right_logical3A_353 = vector.broadcast %shift_right_logical3A_352 : i32 to vector<16xi32>
          %shift_right_logical3A_354 = arith.shrui %add3A_347, %shift_right_logical3A_353 : vector<16xi32>
          %and3A_355 = arith.constant -65536 : i32
          %and3A_356 = vector.broadcast %and3A_355 : i32 to vector<16xi32>
          %and3A_357 = arith.andi %add3A_351, %and3A_356 : vector<16xi32>
          %or3A_358 = arith.ori %shift_right_logical3A_354, %and3A_357 : vector<16xi32>
          %swap3A_359 = arith.index_cast %scan3A_164 : i32 to index
          %swap3A_360 = arith.constant 48 : index
          %swap3A_361 = tpu.vector_load %arg20[%swap3A_359, %swap3A_360] {strides = array<i32>} : memref<40x128xi32, #tpu.memory_space<vmem>>, vector<1x16xi32>,
          %swap3A_362 = vector.shape_cast %swap3A_361 : vector<1x16xi32> to vector<16xi32>
          %swap3A_363 = vector.shape_cast %or3A_358 : vector<16xi32> to vector<1x16xi32>
          tpu.vector_store %arg20[%swap3A_359, %swap3A_360], %swap3A_363 {strides = array<i32>} : memref<40x128xi32, #tpu.memory_space<vmem>>, vector<1x16xi32>,
          %get3A_364 = arith.index_cast %scan3A_164 : i32 to index
          %get3A_365 = arith.constant 64 : index
          %get3A_366 = tpu.vector_load %arg10[%get3A_364, %get3A_365] {strides = array<i32>} : memref<40x128xi32, #tpu.memory_space<vmem>>, vector<1x16xi32>,
          %get3A_367 = vector.shape_cast %get3A_366 : vector<1x16xi32> to vector<16xi32>
          %get3A_368 = arith.index_cast %scan3A_164 : i32 to index
          %get3A_369 = arith.constant 64 : index
          %get3A_370 = tpu.vector_load %arg16[%get3A_368, %get3A_369] {strides = array<i32>} : memref<40x128xi32, #tpu.memory_space<vmem>>, vector<1x16xi32>,
          %get3A_371 = vector.shape_cast %get3A_370 : vector<1x16xi32> to vector<16xi32>
          %shift_left3A_372 = arith.constant 16 : i32
          %shift_left3A_373 = vector.broadcast %shift_left3A_372 : i32 to vector<16xi32>
          %shift_left3A_374 = arith.shli %get3A_367, %shift_left3A_373 : vector<16xi32>
          %bitcast_convert_type3A_375 = tpu.bitcast %shift_left3A_374 : vector<16xi32> -> vector<16xf32>
          %shift_left3A_376 = arith.constant 16 : i32
          %shift_left3A_377 = vector.broadcast %shift_left3A_376 : i32 to vector<16xi32>
          %shift_left3A_378 = arith.shli %get3A_371, %shift_left3A_377 : vector<16xi32>
          %bitcast_convert_type3A_379 = tpu.bitcast %shift_left3A_378 : vector<16xi32> -> vector<16xf32>
          %sub3A_380 = arith.subf %bitcast_convert_type3A_375, %bitcast_convert_type3A_379 : vector<16xf32>
          %shift_right_arithmetic3A_381 = arith.constant 16 : i32
          %shift_right_arithmetic3A_382 = vector.broadcast %shift_right_arithmetic3A_381 : i32 to vector<16xi32>
          %shift_right_arithmetic3A_383 = arith.shrsi %get3A_367, %shift_right_arithmetic3A_382 : vector<16xi32>
          %shift_left3A_384 = arith.constant 16 : i32
          %shift_left3A_385 = vector.broadcast %shift_left3A_384 : i32 to vector<16xi32>
          %shift_left3A_386 = arith.shli %shift_right_arithmetic3A_383, %shift_left3A_385 : vector<16xi32>
          %bitcast_convert_type3A_387 = tpu.bitcast %shift_left3A_386 : vector<16xi32> -> vector<16xf32>
          %shift_right_arithmetic3A_388 = arith.constant 16 : i32
          %shift_right_arithmetic3A_389 = vector.broadcast %shift_right_arithmetic3A_388 : i32 to vector<16xi32>
          %shift_right_arithmetic3A_390 = arith.shrsi %get3A_371, %shift_right_arithmetic3A_389 : vector<16xi32>
          %shift_left3A_391 = arith.constant 16 : i32
          %shift_left3A_392 = vector.broadcast %shift_left3A_391 : i32 to vector<16xi32>
          %shift_left3A_393 = arith.shli %shift_right_arithmetic3A_390, %shift_left3A_392 : vector<16xi32>
          %bitcast_convert_type3A_394 = tpu.bitcast %shift_left3A_393 : vector<16xi32> -> vector<16xf32>
          %sub3A_395 = arith.subf %bitcast_convert_type3A_387, %bitcast_convert_type3A_394 : vector<16xf32>
          %bitcast_convert_type3A_396 = tpu.bitcast %sub3A_380 : vector<16xf32> -> vector<16xi32>
          %add3A_397 = arith.constant 32768 : i32
          %add3A_398 = vector.broadcast %add3A_397 : i32 to vector<16xi32>
          %add3A_399 = arith.addi %bitcast_convert_type3A_396, %add3A_398 : vector<16xi32>
          %bitcast_convert_type3A_400 = tpu.bitcast %sub3A_395 : vector<16xf32> -> vector<16xi32>
          %add3A_401 = arith.constant 32768 : i32
          %add3A_402 = vector.broadcast %add3A_401 : i32 to vector<16xi32>
          %add3A_403 = arith.addi %bitcast_convert_type3A_400, %add3A_402 : vector<16xi32>
          %shift_right_logical3A_404 = arith.constant 16 : i32
          %shift_right_logical3A_405 = vector.broadcast %shift_right_logical3A_404 : i32 to vector<16xi32>
          %shift_right_logical3A_406 = arith.shrui %add3A_399, %shift_right_logical3A_405 : vector<16xi32>
          %and3A_407 = arith.constant -65536 : i32
          %and3A_408 = vector.broadcast %and3A_407 : i32 to vector<16xi32>
          %and3A_409 = arith.andi %add3A_403, %and3A_408 : vector<16xi32>
          %or3A_410 = arith.ori %shift_right_logical3A_406, %and3A_409 : vector<16xi32>
          %swap3A_411 = arith.index_cast %scan3A_164 : i32 to index
          %swap3A_412 = arith.constant 64 : index
          %swap3A_413 = tpu.vector_load %arg20[%swap3A_411, %swap3A_412] {strides = array<i32>} : memref<40x128xi32, #tpu.memory_space<vmem>>, vector<1x16xi32>,
          %swap3A_414 = vector.shape_cast %swap3A_413 : vector<1x16xi32> to vector<16xi32>
          %swap3A_415 = vector.shape_cast %or3A_410 : vector<16xi32> to vector<1x16xi32>
          tpu.vector_store %arg20[%swap3A_411, %swap3A_412], %swap3A_415 {strides = array<i32>} : memref<40x128xi32, #tpu.memory_space<vmem>>, vector<1x16xi32>,
          %get3A_416 = arith.index_cast %scan3A_164 : i32 to index
          %get3A_417 = arith.constant 80 : index
          %get3A_418 = tpu.vector_load %arg10[%get3A_416, %get3A_417] {strides = array<i32>} : memref<40x128xi32, #tpu.memory_space<vmem>>, vector<1x16xi32>,
          %get3A_419 = vector.shape_cast %get3A_418 : vector<1x16xi32> to vector<16xi32>
          %get3A_420 = arith.index_cast %scan3A_164 : i32 to index
          %get3A_421 = arith.constant 80 : index
          %get3A_422 = tpu.vector_load %arg16[%get3A_420, %get3A_421] {strides = array<i32>} : memref<40x128xi32, #tpu.memory_space<vmem>>, vector<1x16xi32>,
          %get3A_423 = vector.shape_cast %get3A_422 : vector<1x16xi32> to vector<16xi32>
          %shift_left3A_424 = arith.constant 16 : i32
          %shift_left3A_425 = vector.broadcast %shift_left3A_424 : i32 to vector<16xi32>
          %shift_left3A_426 = arith.shli %get3A_419, %shift_left3A_425 : vector<16xi32>
          %bitcast_convert_type3A_427 = tpu.bitcast %shift_left3A_426 : vector<16xi32> -> vector<16xf32>
          %shift_left3A_428 = arith.constant 16 : i32
          %shift_left3A_429 = vector.broadcast %shift_left3A_428 : i32 to vector<16xi32>
          %shift_left3A_430 = arith.shli %get3A_423, %shift_left3A_429 : vector<16xi32>
          %bitcast_convert_type3A_431 = tpu.bitcast %shift_left3A_430 : vector<16xi32> -> vector<16xf32>
          %sub3A_432 = arith.subf %bitcast_convert_type3A_427, %bitcast_convert_type3A_431 : vector<16xf32>
          %shift_right_arithmetic3A_433 = arith.constant 16 : i32
          %shift_right_arithmetic3A_434 = vector.broadcast %shift_right_arithmetic3A_433 : i32 to vector<16xi32>
          %shift_right_arithmetic3A_435 = arith.shrsi %get3A_419, %shift_right_arithmetic3A_434 : vector<16xi32>
          %shift_left3A_436 = arith.constant 16 : i32
          %shift_left3A_437 = vector.broadcast %shift_left3A_436 : i32 to vector<16xi32>
          %shift_left3A_438 = arith.shli %shift_right_arithmetic3A_435, %shift_left3A_437 : vector<16xi32>
          %bitcast_convert_type3A_439 = tpu.bitcast %shift_left3A_438 : vector<16xi32> -> vector<16xf32>
          %shift_right_arithmetic3A_440 = arith.constant 16 : i32
          %shift_right_arithmetic3A_441 = vector.broadcast %shift_right_arithmetic3A_440 : i32 to vector<16xi32>
          %shift_right_arithmetic3A_442 = arith.shrsi %get3A_423, %shift_right_arithmetic3A_441 : vector<16xi32>
          %shift_left3A_443 = arith.constant 16 : i32
          %shift_left3A_444 = vector.broadcast %shift_left3A_443 : i32 to vector<16xi32>
          %shift_left3A_445 = arith.shli %shift_right_arithmetic3A_442, %shift_left3A_444 : vector<16xi32>
          %bitcast_convert_type3A_446 = tpu.bitcast %shift_left3A_445 : vector<16xi32> -> vector<16xf32>
          %sub3A_447 = arith.subf %bitcast_convert_type3A_439, %bitcast_convert_type3A_446 : vector<16xf32>
          %bitcast_convert_type3A_448 = tpu.bitcast %sub3A_432 : vector<16xf32> -> vector<16xi32>
          %add3A_449 = arith.constant 32768 : i32
          %add3A_450 = vector.broadcast %add3A_449 : i32 to vector<16xi32>
          %add3A_451 = arith.addi %bitcast_convert_type3A_448, %add3A_450 : vector<16xi32>
          %bitcast_convert_type3A_452 = tpu.bitcast %sub3A_447 : vector<16xf32> -> vector<16xi32>
          %add3A_453 = arith.constant 32768 : i32
          %add3A_454 = vector.broadcast %add3A_453 : i32 to vector<16xi32>
          %add3A_455 = arith.addi %bitcast_convert_type3A_452, %add3A_454 : vector<16xi32>
          %shift_right_logical3A_456 = arith.constant 16 : i32
          %shift_right_logical3A_457 = vector.broadcast %shift_right_logical3A_456 : i32 to vector<16xi32>
          %shift_right_logical3A_458 = arith.shrui %add3A_451, %shift_right_logical3A_457 : vector<16xi32>
          %and3A_459 = arith.constant -65536 : i32
          %and3A_460 = vector.broadcast %and3A_459 : i32 to vector<16xi32>
          %and3A_461 = arith.andi %add3A_455, %and3A_460 : vector<16xi32>
          %or3A_462 = arith.ori %shift_right_logical3A_458, %and3A_461 : vector<16xi32>
          %swap3A_463 = arith.index_cast %scan3A_164 : i32 to index
          %swap3A_464 = arith.constant 80 : index
          %swap3A_465 = tpu.vector_load %arg20[%swap3A_463, %swap3A_464] {strides = array<i32>} : memref<40x128xi32, #tpu.memory_space<vmem>>, vector<1x16xi32>,
          %swap3A_466 = vector.shape_cast %swap3A_465 : vector<1x16xi32> to vector<16xi32>
          %swap3A_467 = vector.shape_cast %or3A_462 : vector<16xi32> to vector<1x16xi32>
          tpu.vector_store %arg20[%swap3A_463, %swap3A_464], %swap3A_467 {strides = array<i32>} : memref<40x128xi32, #tpu.memory_space<vmem>>, vector<1x16xi32>,
          %get3A_468 = arith.index_cast %scan3A_164 : i32 to index
          %get3A_469 = arith.constant 96 : index
          %get3A_470 = tpu.vector_load %arg10[%get3A_468, %get3A_469] {strides = array<i32>} : memref<40x128xi32, #tpu.memory_space<vmem>>, vector<1x16xi32>,
          %get3A_471 = vector.shape_cast %get3A_470 : vector<1x16xi32> to vector<16xi32>
          %get3A_472 = arith.index_cast %scan3A_164 : i32 to index
          %get3A_473 = arith.constant 96 : index
          %get3A_474 = tpu.vector_load %arg16[%get3A_472, %get3A_473] {strides = array<i32>} : memref<40x128xi32, #tpu.memory_space<vmem>>, vector<1x16xi32>,
          %get3A_475 = vector.shape_cast %get3A_474 : vector<1x16xi32> to vector<16xi32>
          %shift_left3A_476 = arith.constant 16 : i32
          %shift_left3A_477 = vector.broadcast %shift_left3A_476 : i32 to vector<16xi32>
          %shift_left3A_478 = arith.shli %get3A_471, %shift_left3A_477 : vector<16xi32>
          %bitcast_convert_type3A_479 = tpu.bitcast %shift_left3A_478 : vector<16xi32> -> vector<16xf32>
          %shift_left3A_480 = arith.constant 16 : i32
          %shift_left3A_481 = vector.broadcast %shift_left3A_480 : i32 to vector<16xi32>
          %shift_left3A_482 = arith.shli %get3A_475, %shift_left3A_481 : vector<16xi32>
          %bitcast_convert_type3A_483 = tpu.bitcast %shift_left3A_482 : vector<16xi32> -> vector<16xf32>
          %sub3A_484 = arith.subf %bitcast_convert_type3A_479, %bitcast_convert_type3A_483 : vector<16xf32>
          %shift_right_arithmetic3A_485 = arith.constant 16 : i32
          %shift_right_arithmetic3A_486 = vector.broadcast %shift_right_arithmetic3A_485 : i32 to vector<16xi32>
          %shift_right_arithmetic3A_487 = arith.shrsi %get3A_471, %shift_right_arithmetic3A_486 : vector<16xi32>
          %shift_left3A_488 = arith.constant 16 : i32
          %shift_left3A_489 = vector.broadcast %shift_left3A_488 : i32 to vector<16xi32>
          %shift_left3A_490 = arith.shli %shift_right_arithmetic3A_487, %shift_left3A_489 : vector<16xi32>
          %bitcast_convert_type3A_491 = tpu.bitcast %shift_left3A_490 : vector<16xi32> -> vector<16xf32>
          %shift_right_arithmetic3A_492 = arith.constant 16 : i32
          %shift_right_arithmetic3A_493 = vector.broadcast %shift_right_arithmetic3A_492 : i32 to vector<16xi32>
          %shift_right_arithmetic3A_494 = arith.shrsi %get3A_475, %shift_right_arithmetic3A_493 : vector<16xi32>
          %shift_left3A_495 = arith.constant 16 : i32
          %shift_left3A_496 = vector.broadcast %shift_left3A_495 : i32 to vector<16xi32>
          %shift_left3A_497 = arith.shli %shift_right_arithmetic3A_494, %shift_left3A_496 : vector<16xi32>
          %bitcast_convert_type3A_498 = tpu.bitcast %shift_left3A_497 : vector<16xi32> -> vector<16xf32>
          %sub3A_499 = arith.subf %bitcast_convert_type3A_491, %bitcast_convert_type3A_498 : vector<16xf32>
          %bitcast_convert_type3A_500 = tpu.bitcast %sub3A_484 : vector<16xf32> -> vector<16xi32>
          %add3A_501 = arith.constant 32768 : i32
          %add3A_502 = vector.broadcast %add3A_501 : i32 to vector<16xi32>
          %add3A_503 = arith.addi %bitcast_convert_type3A_500, %add3A_502 : vector<16xi32>
          %bitcast_convert_type3A_504 = tpu.bitcast %sub3A_499 : vector<16xf32> -> vector<16xi32>
          %add3A_505 = arith.constant 32768 : i32
          %add3A_506 = vector.broadcast %add3A_505 : i32 to vector<16xi32>
          %add3A_507 = arith.addi %bitcast_convert_type3A_504, %add3A_506 : vector<16xi32>
          %shift_right_logical3A_508 = arith.constant 16 : i32
          %shift_right_logical3A_509 = vector.broadcast %shift_right_logical3A_508 : i32 to vector<16xi32>
          %shift_right_logical3A_510 = arith.shrui %add3A_503, %shift_right_logical3A_509 : vector<16xi32>
          %and3A_511 = arith.constant -65536 : i32
          %and3A_512 = vector.broadcast %and3A_511 : i32 to vector<16xi32>
          %and3A_513 = arith.andi %add3A_507, %and3A_512 : vector<16xi32>
          %or3A_514 = arith.ori %shift_right_logical3A_510, %and3A_513 : vector<16xi32>
          %swap3A_515 = arith.index_cast %scan3A_164 : i32 to index
          %swap3A_516 = arith.constant 96 : index
          %swap3A_517 = tpu.vector_load %arg20[%swap3A_515, %swap3A_516] {strides = array<i32>} : memref<40x128xi32, #tpu.memory_space<vmem>>, vector<1x16xi32>,
          %swap3A_518 = vector.shape_cast %swap3A_517 : vector<1x16xi32> to vector<16xi32>
          %swap3A_519 = vector.shape_cast %or3A_514 : vector<16xi32> to vector<1x16xi32>
          tpu.vector_store %arg20[%swap3A_515, %swap3A_516], %swap3A_519 {strides = array<i32>} : memref<40x128xi32, #tpu.memory_space<vmem>>, vector<1x16xi32>,
          %get3A_520 = arith.index_cast %scan3A_164 : i32 to index
          %get3A_521 = arith.constant 112 : index
          %get3A_522 = tpu.vector_load %arg10[%get3A_520, %get3A_521] {strides = array<i32>} : memref<40x128xi32, #tpu.memory_space<vmem>>, vector<1x16xi32>,
          %get3A_523 = vector.shape_cast %get3A_522 : vector<1x16xi32> to vector<16xi32>
          %get3A_524 = arith.index_cast %scan3A_164 : i32 to index
          %get3A_525 = arith.constant 112 : index
          %get3A_526 = tpu.vector_load %arg16[%get3A_524, %get3A_525] {strides = array<i32>} : memref<40x128xi32, #tpu.memory_space<vmem>>, vector<1x16xi32>,
          %get3A_527 = vector.shape_cast %get3A_526 : vector<1x16xi32> to vector<16xi32>
          %shift_left3A_528 = arith.constant 16 : i32
          %shift_left3A_529 = vector.broadcast %shift_left3A_528 : i32 to vector<16xi32>
          %shift_left3A_530 = arith.shli %get3A_523, %shift_left3A_529 : vector<16xi32>
          %bitcast_convert_type3A_531 = tpu.bitcast %shift_left3A_530 : vector<16xi32> -> vector<16xf32>
          %shift_left3A_532 = arith.constant 16 : i32
          %shift_left3A_533 = vector.broadcast %shift_left3A_532 : i32 to vector<16xi32>
          %shift_left3A_534 = arith.shli %get3A_527, %shift_left3A_533 : vector<16xi32>
          %bitcast_convert_type3A_535 = tpu.bitcast %shift_left3A_534 : vector<16xi32> -> vector<16xf32>
          %sub3A_536 = arith.subf %bitcast_convert_type3A_531, %bitcast_convert_type3A_535 : vector<16xf32>
          %shift_right_arithmetic3A_537 = arith.constant 16 : i32
          %shift_right_arithmetic3A_538 = vector.broadcast %shift_right_arithmetic3A_537 : i32 to vector<16xi32>
          %shift_right_arithmetic3A_539 = arith.shrsi %get3A_523, %shift_right_arithmetic3A_538 : vector<16xi32>
          %shift_left3A_540 = arith.constant 16 : i32
          %shift_left3A_541 = vector.broadcast %shift_left3A_540 : i32 to vector<16xi32>
          %shift_left3A_542 = arith.shli %shift_right_arithmetic3A_539, %shift_left3A_541 : vector<16xi32>
          %bitcast_convert_type3A_543 = tpu.bitcast %shift_left3A_542 : vector<16xi32> -> vector<16xf32>
          %shift_right_arithmetic3A_544 = arith.constant 16 : i32
          %shift_right_arithmetic3A_545 = vector.broadcast %shift_right_arithmetic3A_544 : i32 to vector<16xi32>
          %shift_right_arithmetic3A_546 = arith.shrsi %get3A_527, %shift_right_arithmetic3A_545 : vector<16xi32>
          %shift_left3A_547 = arith.constant 16 : i32
          %shift_left3A_548 = vector.broadcast %shift_left3A_547 : i32 to vector<16xi32>
          %shift_left3A_549 = arith.shli %shift_right_arithmetic3A_546, %shift_left3A_548 : vector<16xi32>
          %bitcast_convert_type3A_550 = tpu.bitcast %shift_left3A_549 : vector<16xi32> -> vector<16xf32>
          %sub3A_551 = arith.subf %bitcast_convert_type3A_543, %bitcast_convert_type3A_550 : vector<16xf32>
          %bitcast_convert_type3A_552 = tpu.bitcast %sub3A_536 : vector<16xf32> -> vector<16xi32>
          %add3A_553 = arith.constant 32768 : i32
          %add3A_554 = vector.broadcast %add3A_553 : i32 to vector<16xi32>
          %add3A_555 = arith.addi %bitcast_convert_type3A_552, %add3A_554 : vector<16xi32>
          %bitcast_convert_type3A_556 = tpu.bitcast %sub3A_551 : vector<16xf32> -> vector<16xi32>
          %add3A_557 = arith.constant 32768 : i32
          %add3A_558 = vector.broadcast %add3A_557 : i32 to vector<16xi32>
          %add3A_559 = arith.addi %bitcast_convert_type3A_556, %add3A_558 : vector<16xi32>
          %shift_right_logical3A_560 = arith.constant 16 : i32
          %shift_right_logical3A_561 = vector.broadcast %shift_right_logical3A_560 : i32 to vector<16xi32>
          %shift_right_logical3A_562 = arith.shrui %add3A_555, %shift_right_logical3A_561 : vector<16xi32>
          %and3A_563 = arith.constant -65536 : i32
          %and3A_564 = vector.broadcast %and3A_563 : i32 to vector<16xi32>
          %and3A_565 = arith.andi %add3A_559, %and3A_564 : vector<16xi32>
          %or3A_566 = arith.ori %shift_right_logical3A_562, %and3A_565 : vector<16xi32>
          %swap3A_567 = arith.index_cast %scan3A_164 : i32 to index
          %swap3A_568 = arith.constant 112 : index
          %swap3A_569 = tpu.vector_load %arg20[%swap3A_567, %swap3A_568] {strides = array<i32>} : memref<40x128xi32, #tpu.memory_space<vmem>>, vector<1x16xi32>,
          %swap3A_570 = vector.shape_cast %swap3A_569 : vector<1x16xi32> to vector<16xi32>
          %swap3A_571 = vector.shape_cast %or3A_566 : vector<16xi32> to vector<1x16xi32>
          tpu.vector_store %arg20[%swap3A_567, %swap3A_568], %swap3A_571 {strides = array<i32>} : memref<40x128xi32, #tpu.memory_space<vmem>>, vector<1x16xi32>,
        }
        %scan3A_149 = arith.constant 40 : i32
        %mul3A_150 = arith.constant 40 : i32
        %mul3A_151 = arith.muli %add3A_97, %mul3A_150 : i32
        %add3A_152 = arith.addi %mul3A_6, %mul3A_151 : i32
        %dma_start3A_153 = arith.constant 0 : i32
        %dma_start3A_154 = tpu.memref_slice %arg5[%add3A_152, %dma_start3A_153] : memref<160000x128xi32, #tpu.memory_space<hbm>> -> memref<40x128xi32, #tpu.memory_space<hbm>>
        %dma_start3A_155 = arith.constant 0 : i32
        %dma_start3A_156 = tpu.memref_slice %arg5[%add3A_152, %dma_start3A_155] : memref<160000x128xi32, #tpu.memory_space<hbm>> -> memref<40x128xi32, #tpu.memory_space<hbm>>
        tpu.enqueue_dma source(%arg20 : memref<40x128xi32, #tpu.memory_space<vmem>>) target(%dma_start3A_156 : memref<40x128xi32, #tpu.memory_space<hbm>>) target_semaphore(%arg28 : memref<!tpu.dma_semaphore, #tpu.memory_space<semaphore_mem>>)
        %add3A_157 = arith.constant 6 : i32
        %add3A_158 = arith.addi %add3A_97, %add3A_157 : i32
        %lt3A_159 = arith.constant 125 : i32
        %lt3A_160 = arith.cmpi slt, %add3A_158, %lt3A_159 : i32
        %convert_element_type3A_161 = arith.extui %lt3A_160 : i1 to i32
        %cond3A_162 = arith.constant 0 : i32
        %cond3A_163 = arith.cmpi ne, %convert_element_type3A_161, %cond3A_162 : i32
        scf.if %cond3A_163 {
          %add3A_164 = arith.constant 6 : i32
          %add3A_165 = arith.addi %add3A_97, %add3A_164 : i32
          %mul3A_166 = arith.constant 40 : i32
          %mul3A_167 = arith.muli %add3A_165, %mul3A_166 : i32
          %dma_start3A_168 = tpu.memref_slice %arg6[%mul3A_167] : memref<5000xi32, #tpu.memory_space<vmem>> -> memref<40xi32, #tpu.memory_space<vmem>>
          %dma_start3A_169 = arith.constant 0 : i32
          %dma_start3A_170 = arith.constant 0 : i32
          %dma_start3A_171 = tpu.memref_slice %arg2[%dma_start3A_169, %dma_start3A_170] : memref<10000x128xi32, #tpu.memory_space<hbm>> -> memref<10000x128xi32, #tpu.memory_space<hbm>>
          tpu.enqueue_indirect_dma source(%dma_start3A_171 : memref<10000x128xi32, #tpu.memory_space<hbm>>) target(%arg10 : memref<40x128xi32, #tpu.memory_space<vmem>>) offsets(%dma_start3A_168 : memref<40xi32, #tpu.memory_space<vmem>>) semaphore(%arg24 : memref<!tpu.dma_semaphore, #tpu.memory_space<semaphore_mem>>)
          %dma_start3A_172 = tpu.memref_slice %arg7[%mul3A_167] : memref<5000xi32, #tpu.memory_space<vmem>> -> memref<40xi32, #tpu.memory_space<vmem>>
          %dma_start3A_173 = arith.constant 0 : i32
          %dma_start3A_174 = arith.constant 0 : i32
          %dma_start3A_175 = tpu.memref_slice %arg2[%dma_start3A_173, %dma_start3A_174] : memref<10000x128xi32, #tpu.memory_space<hbm>> -> memref<10000x128xi32, #tpu.memory_space<hbm>>
          tpu.enqueue_indirect_dma source(%dma_start3A_175 : memref<10000x128xi32, #tpu.memory_space<hbm>>) target(%arg16 : memref<40x128xi32, #tpu.memory_space<vmem>>) offsets(%dma_start3A_172 : memref<40xi32, #tpu.memory_space<vmem>>) semaphore(%arg24 : memref<!tpu.dma_semaphore, #tpu.memory_space<semaphore_mem>>)
        } else {
        }
      } else {
      }
      %mul3A_103 = arith.constant 6 : i32
      %mul3A_104 = arith.muli %mul3A_103, %scan3A_78 : i32
      %add3A_105 = arith.constant 3 : i32
      %add3A_106 = arith.addi %mul3A_104, %add3A_105 : i32
      %lt3A_107 = arith.constant 125 : i32
      %lt3A_108 = arith.cmpi slt, %add3A_106, %lt3A_107 : i32
      %convert_element_type3A_109 = arith.extui %lt3A_108 : i1 to i32
      %cond3A_110 = arith.constant 0 : i32
      %cond3A_111 = arith.cmpi ne, %convert_element_type3A_109, %cond3A_110 : i32
      scf.if %cond3A_111 {
        %dma_wait3A_130 = arith.constant 0 : i32
        %dma_wait3A_131 = tpu.memref_slice %arg6[%dma_wait3A_130] : memref<5000xi32, #tpu.memory_space<vmem>> -> memref<40xi32, #tpu.memory_space<vmem>>
        %dma_wait3A_132 = arith.constant 0 : i32
        %dma_wait3A_133 = arith.constant 0 : i32
        %dma_wait3A_134 = tpu.memref_slice %arg2[%dma_wait3A_132, %dma_wait3A_133] : memref<10000x128xi32, #tpu.memory_space<hbm>> -> memref<10000x128xi32, #tpu.memory_space<hbm>>
        tpu.wait_indirect_dma semaphore(%arg25 : memref<!tpu.dma_semaphore, #tpu.memory_space<semaphore_mem>>) src(%dma_wait3A_134 : memref<10000x128xi32, #tpu.memory_space<hbm>>) dst(%arg11 : memref<40x128xi32, #tpu.memory_space<vmem>>)
        %dma_wait3A_135 = arith.constant 0 : i32
        %dma_wait3A_136 = tpu.memref_slice %arg7[%dma_wait3A_135] : memref<5000xi32, #tpu.memory_space<vmem>> -> memref<40xi32, #tpu.memory_space<vmem>>
        %dma_wait3A_137 = arith.constant 0 : i32
        %dma_wait3A_138 = arith.constant 0 : i32
        %dma_wait3A_139 = tpu.memref_slice %arg2[%dma_wait3A_137, %dma_wait3A_138] : memref<10000x128xi32, #tpu.memory_space<hbm>> -> memref<10000x128xi32, #tpu.memory_space<hbm>>
        tpu.wait_indirect_dma semaphore(%arg25 : memref<!tpu.dma_semaphore, #tpu.memory_space<semaphore_mem>>) src(%dma_wait3A_139 : memref<10000x128xi32, #tpu.memory_space<hbm>>) dst(%arg17 : memref<40x128xi32, #tpu.memory_space<vmem>>)
        %ge3A = arith.constant 2 : i32
        %ge3A_140 = arith.cmpi sge, %add3A_106, %ge3A : i32
        %convert_element_type3A_141 = arith.extui %ge3A_140 : i1 to i32
        %cond3A_142 = arith.constant 0 : i32
        %cond3A_143 = arith.cmpi ne, %convert_element_type3A_141, %cond3A_142 : i32
        scf.if %cond3A_143 {
          %dma_wait3A_164 = arith.constant 0 : i32
          %dma_wait3A_165 = tpu.memref_slice %arg5[%mul3A_6, %dma_wait3A_164] : memref<160000x128xi32, #tpu.memory_space<hbm>> -> memref<40x128xi32, #tpu.memory_space<hbm>>
          %dma_wait3A_166 = arith.constant 0 : i32
          %dma_wait3A_167 = tpu.memref_slice %arg5[%mul3A_6, %dma_wait3A_166] : memref<160000x128xi32, #tpu.memory_space<hbm>> -> memref<40x128xi32, #tpu.memory_space<hbm>>
          tpu.wait_dma2 semaphore(%arg29 : memref<!tpu.dma_semaphore, #tpu.memory_space<semaphore_mem>>) src(%arg21 : memref<40x128xi32, #tpu.memory_space<vmem>>) dst(%dma_wait3A_167 : memref<40x128xi32, #tpu.memory_space<hbm>>)
        } else {
        }
        %scan3A_144 = arith.constant 0 : i32
        %scan3A_145 = arith.constant 0 : i32
        %scan3A_146 = arith.constant 40 : i32
        %scan3A_147 = arith.addi %scan3A_145, %scan3A_146 : i32
        %scan3A_148 = arith.constant 1 : i32
        scf.for %scan3A_164 = %scan3A_145 to %scan3A_147 step %scan3A_148  : i32 {
          %get3A = arith.index_cast %scan3A_164 : i32 to index
          %get3A_165 = arith.constant 0 : index
          %get3A_166 = tpu.vector_load %arg11[%get3A, %get3A_165] {strides = array<i32>} : memref<40x128xi32, #tpu.memory_space<vmem>>, vector<1x16xi32>,
          %get3A_167 = vector.shape_cast %get3A_166 : vector<1x16xi32> to vector<16xi32>
          %get3A_168 = arith.index_cast %scan3A_164 : i32 to index
          %get3A_169 = arith.constant 0 : index
          %get3A_170 = tpu.vector_load %arg17[%get3A_168, %get3A_169] {strides = array<i32>} : memref<40x128xi32, #tpu.memory_space<vmem>>, vector<1x16xi32>,
          %get3A_171 = vector.shape_cast %get3A_170 : vector<1x16xi32> to vector<16xi32>
          %shift_left3A = arith.constant 16 : i32
          %shift_left3A_172 = vector.broadcast %shift_left3A : i32 to vector<16xi32>
          %shift_left3A_173 = arith.shli %get3A_167, %shift_left3A_172 : vector<16xi32>
          %bitcast_convert_type3A = tpu.bitcast %shift_left3A_173 : vector<16xi32> -> vector<16xf32>
          %shift_left3A_174 = arith.constant 16 : i32
          %shift_left3A_175 = vector.broadcast %shift_left3A_174 : i32 to vector<16xi32>
          %shift_left3A_176 = arith.shli %get3A_171, %shift_left3A_175 : vector<16xi32>
          %bitcast_convert_type3A_177 = tpu.bitcast %shift_left3A_176 : vector<16xi32> -> vector<16xf32>
          %sub3A = arith.subf %bitcast_convert_type3A, %bitcast_convert_type3A_177 : vector<16xf32>
          %shift_right_arithmetic3A = arith.constant 16 : i32
          %shift_right_arithmetic3A_178 = vector.broadcast %shift_right_arithmetic3A : i32 to vector<16xi32>
          %shift_right_arithmetic3A_179 = arith.shrsi %get3A_167, %shift_right_arithmetic3A_178 : vector<16xi32>
          %shift_left3A_180 = arith.constant 16 : i32
          %shift_left3A_181 = vector.broadcast %shift_left3A_180 : i32 to vector<16xi32>
          %shift_left3A_182 = arith.shli %shift_right_arithmetic3A_179, %shift_left3A_181 : vector<16xi32>
          %bitcast_convert_type3A_183 = tpu.bitcast %shift_left3A_182 : vector<16xi32> -> vector<16xf32>
          %shift_right_arithmetic3A_184 = arith.constant 16 : i32
          %shift_right_arithmetic3A_185 = vector.broadcast %shift_right_arithmetic3A_184 : i32 to vector<16xi32>
          %shift_right_arithmetic3A_186 = arith.shrsi %get3A_171, %shift_right_arithmetic3A_185 : vector<16xi32>
          %shift_left3A_187 = arith.constant 16 : i32
          %shift_left3A_188 = vector.broadcast %shift_left3A_187 : i32 to vector<16xi32>
          %shift_left3A_189 = arith.shli %shift_right_arithmetic3A_186, %shift_left3A_188 : vector<16xi32>
          %bitcast_convert_type3A_190 = tpu.bitcast %shift_left3A_189 : vector<16xi32> -> vector<16xf32>
          %sub3A_191 = arith.subf %bitcast_convert_type3A_183, %bitcast_convert_type3A_190 : vector<16xf32>
          %bitcast_convert_type3A_192 = tpu.bitcast %sub3A : vector<16xf32> -> vector<16xi32>
          %add3A_193 = arith.constant 32768 : i32
          %add3A_194 = vector.broadcast %add3A_193 : i32 to vector<16xi32>
          %add3A_195 = arith.addi %bitcast_convert_type3A_192, %add3A_194 : vector<16xi32>
          %bitcast_convert_type3A_196 = tpu.bitcast %sub3A_191 : vector<16xf32> -> vector<16xi32>
          %add3A_197 = arith.constant 32768 : i32
          %add3A_198 = vector.broadcast %add3A_197 : i32 to vector<16xi32>
          %add3A_199 = arith.addi %bitcast_convert_type3A_196, %add3A_198 : vector<16xi32>
          %shift_right_logical3A = arith.constant 16 : i32
          %shift_right_logical3A_200 = vector.broadcast %shift_right_logical3A : i32 to vector<16xi32>
          %shift_right_logical3A_201 = arith.shrui %add3A_195, %shift_right_logical3A_200 : vector<16xi32>
          %and3A = arith.constant -65536 : i32
          %and3A_202 = vector.broadcast %and3A : i32 to vector<16xi32>
          %and3A_203 = arith.andi %add3A_199, %and3A_202 : vector<16xi32>
          %or3A = arith.ori %shift_right_logical3A_201, %and3A_203 : vector<16xi32>
          %swap3A = arith.index_cast %scan3A_164 : i32 to index
          %swap3A_204 = arith.constant 0 : index
          %swap3A_205 = tpu.vector_load %arg21[%swap3A, %swap3A_204] {strides = array<i32>} : memref<40x128xi32, #tpu.memory_space<vmem>>, vector<1x16xi32>,
          %swap3A_206 = vector.shape_cast %swap3A_205 : vector<1x16xi32> to vector<16xi32>
          %swap3A_207 = vector.shape_cast %or3A : vector<16xi32> to vector<1x16xi32>
          tpu.vector_store %arg21[%swap3A, %swap3A_204], %swap3A_207 {strides = array<i32>} : memref<40x128xi32, #tpu.memory_space<vmem>>, vector<1x16xi32>,
          %get3A_208 = arith.index_cast %scan3A_164 : i32 to index
          %get3A_209 = arith.constant 16 : index
          %get3A_210 = tpu.vector_load %arg11[%get3A_208, %get3A_209] {strides = array<i32>} : memref<40x128xi32, #tpu.memory_space<vmem>>, vector<1x16xi32>,
          %get3A_211 = vector.shape_cast %get3A_210 : vector<1x16xi32> to vector<16xi32>
          %get3A_212 = arith.index_cast %scan3A_164 : i32 to index
          %get3A_213 = arith.constant 16 : index
          %get3A_214 = tpu.vector_load %arg17[%get3A_212, %get3A_213] {strides = array<i32>} : memref<40x128xi32, #tpu.memory_space<vmem>>, vector<1x16xi32>,
          %get3A_215 = vector.shape_cast %get3A_214 : vector<1x16xi32> to vector<16xi32>
          %shift_left3A_216 = arith.constant 16 : i32
          %shift_left3A_217 = vector.broadcast %shift_left3A_216 : i32 to vector<16xi32>
          %shift_left3A_218 = arith.shli %get3A_211, %shift_left3A_217 : vector<16xi32>
          %bitcast_convert_type3A_219 = tpu.bitcast %shift_left3A_218 : vector<16xi32> -> vector<16xf32>
          %shift_left3A_220 = arith.constant 16 : i32
          %shift_left3A_221 = vector.broadcast %shift_left3A_220 : i32 to vector<16xi32>
          %shift_left3A_222 = arith.shli %get3A_215, %shift_left3A_221 : vector<16xi32>
          %bitcast_convert_type3A_223 = tpu.bitcast %shift_left3A_222 : vector<16xi32> -> vector<16xf32>
          %sub3A_224 = arith.subf %bitcast_convert_type3A_219, %bitcast_convert_type3A_223 : vector<16xf32>
          %shift_right_arithmetic3A_225 = arith.constant 16 : i32
          %shift_right_arithmetic3A_226 = vector.broadcast %shift_right_arithmetic3A_225 : i32 to vector<16xi32>
          %shift_right_arithmetic3A_227 = arith.shrsi %get3A_211, %shift_right_arithmetic3A_226 : vector<16xi32>
          %shift_left3A_228 = arith.constant 16 : i32
          %shift_left3A_229 = vector.broadcast %shift_left3A_228 : i32 to vector<16xi32>
          %shift_left3A_230 = arith.shli %shift_right_arithmetic3A_227, %shift_left3A_229 : vector<16xi32>
          %bitcast_convert_type3A_231 = tpu.bitcast %shift_left3A_230 : vector<16xi32> -> vector<16xf32>
          %shift_right_arithmetic3A_232 = arith.constant 16 : i32
          %shift_right_arithmetic3A_233 = vector.broadcast %shift_right_arithmetic3A_232 : i32 to vector<16xi32>
          %shift_right_arithmetic3A_234 = arith.shrsi %get3A_215, %shift_right_arithmetic3A_233 : vector<16xi32>
          %shift_left3A_235 = arith.constant 16 : i32
          %shift_left3A_236 = vector.broadcast %shift_left3A_235 : i32 to vector<16xi32>
          %shift_left3A_237 = arith.shli %shift_right_arithmetic3A_234, %shift_left3A_236 : vector<16xi32>
          %bitcast_convert_type3A_238 = tpu.bitcast %shift_left3A_237 : vector<16xi32> -> vector<16xf32>
          %sub3A_239 = arith.subf %bitcast_convert_type3A_231, %bitcast_convert_type3A_238 : vector<16xf32>
          %bitcast_convert_type3A_240 = tpu.bitcast %sub3A_224 : vector<16xf32> -> vector<16xi32>
          %add3A_241 = arith.constant 32768 : i32
          %add3A_242 = vector.broadcast %add3A_241 : i32 to vector<16xi32>
          %add3A_243 = arith.addi %bitcast_convert_type3A_240, %add3A_242 : vector<16xi32>
          %bitcast_convert_type3A_244 = tpu.bitcast %sub3A_239 : vector<16xf32> -> vector<16xi32>
          %add3A_245 = arith.constant 32768 : i32
          %add3A_246 = vector.broadcast %add3A_245 : i32 to vector<16xi32>
          %add3A_247 = arith.addi %bitcast_convert_type3A_244, %add3A_246 : vector<16xi32>
          %shift_right_logical3A_248 = arith.constant 16 : i32
          %shift_right_logical3A_249 = vector.broadcast %shift_right_logical3A_248 : i32 to vector<16xi32>
          %shift_right_logical3A_250 = arith.shrui %add3A_243, %shift_right_logical3A_249 : vector<16xi32>
          %and3A_251 = arith.constant -65536 : i32
          %and3A_252 = vector.broadcast %and3A_251 : i32 to vector<16xi32>
          %and3A_253 = arith.andi %add3A_247, %and3A_252 : vector<16xi32>
          %or3A_254 = arith.ori %shift_right_logical3A_250, %and3A_253 : vector<16xi32>
          %swap3A_255 = arith.index_cast %scan3A_164 : i32 to index
          %swap3A_256 = arith.constant 16 : index
          %swap3A_257 = tpu.vector_load %arg21[%swap3A_255, %swap3A_256] {strides = array<i32>} : memref<40x128xi32, #tpu.memory_space<vmem>>, vector<1x16xi32>,
          %swap3A_258 = vector.shape_cast %swap3A_257 : vector<1x16xi32> to vector<16xi32>
          %swap3A_259 = vector.shape_cast %or3A_254 : vector<16xi32> to vector<1x16xi32>
          tpu.vector_store %arg21[%swap3A_255, %swap3A_256], %swap3A_259 {strides = array<i32>} : memref<40x128xi32, #tpu.memory_space<vmem>>, vector<1x16xi32>,
          %get3A_260 = arith.index_cast %scan3A_164 : i32 to index
          %get3A_261 = arith.constant 32 : index
          %get3A_262 = tpu.vector_load %arg11[%get3A_260, %get3A_261] {strides = array<i32>} : memref<40x128xi32, #tpu.memory_space<vmem>>, vector<1x16xi32>,
          %get3A_263 = vector.shape_cast %get3A_262 : vector<1x16xi32> to vector<16xi32>
          %get3A_264 = arith.index_cast %scan3A_164 : i32 to index
          %get3A_265 = arith.constant 32 : index
          %get3A_266 = tpu.vector_load %arg17[%get3A_264, %get3A_265] {strides = array<i32>} : memref<40x128xi32, #tpu.memory_space<vmem>>, vector<1x16xi32>,
          %get3A_267 = vector.shape_cast %get3A_266 : vector<1x16xi32> to vector<16xi32>
          %shift_left3A_268 = arith.constant 16 : i32
          %shift_left3A_269 = vector.broadcast %shift_left3A_268 : i32 to vector<16xi32>
          %shift_left3A_270 = arith.shli %get3A_263, %shift_left3A_269 : vector<16xi32>
          %bitcast_convert_type3A_271 = tpu.bitcast %shift_left3A_270 : vector<16xi32> -> vector<16xf32>
          %shift_left3A_272 = arith.constant 16 : i32
          %shift_left3A_273 = vector.broadcast %shift_left3A_272 : i32 to vector<16xi32>
          %shift_left3A_274 = arith.shli %get3A_267, %shift_left3A_273 : vector<16xi32>
          %bitcast_convert_type3A_275 = tpu.bitcast %shift_left3A_274 : vector<16xi32> -> vector<16xf32>
          %sub3A_276 = arith.subf %bitcast_convert_type3A_271, %bitcast_convert_type3A_275 : vector<16xf32>
          %shift_right_arithmetic3A_277 = arith.constant 16 : i32
          %shift_right_arithmetic3A_278 = vector.broadcast %shift_right_arithmetic3A_277 : i32 to vector<16xi32>
          %shift_right_arithmetic3A_279 = arith.shrsi %get3A_263, %shift_right_arithmetic3A_278 : vector<16xi32>
          %shift_left3A_280 = arith.constant 16 : i32
          %shift_left3A_281 = vector.broadcast %shift_left3A_280 : i32 to vector<16xi32>
          %shift_left3A_282 = arith.shli %shift_right_arithmetic3A_279, %shift_left3A_281 : vector<16xi32>
          %bitcast_convert_type3A_283 = tpu.bitcast %shift_left3A_282 : vector<16xi32> -> vector<16xf32>
          %shift_right_arithmetic3A_284 = arith.constant 16 : i32
          %shift_right_arithmetic3A_285 = vector.broadcast %shift_right_arithmetic3A_284 : i32 to vector<16xi32>
          %shift_right_arithmetic3A_286 = arith.shrsi %get3A_267, %shift_right_arithmetic3A_285 : vector<16xi32>
          %shift_left3A_287 = arith.constant 16 : i32
          %shift_left3A_288 = vector.broadcast %shift_left3A_287 : i32 to vector<16xi32>
          %shift_left3A_289 = arith.shli %shift_right_arithmetic3A_286, %shift_left3A_288 : vector<16xi32>
          %bitcast_convert_type3A_290 = tpu.bitcast %shift_left3A_289 : vector<16xi32> -> vector<16xf32>
          %sub3A_291 = arith.subf %bitcast_convert_type3A_283, %bitcast_convert_type3A_290 : vector<16xf32>
          %bitcast_convert_type3A_292 = tpu.bitcast %sub3A_276 : vector<16xf32> -> vector<16xi32>
          %add3A_293 = arith.constant 32768 : i32
          %add3A_294 = vector.broadcast %add3A_293 : i32 to vector<16xi32>
          %add3A_295 = arith.addi %bitcast_convert_type3A_292, %add3A_294 : vector<16xi32>
          %bitcast_convert_type3A_296 = tpu.bitcast %sub3A_291 : vector<16xf32> -> vector<16xi32>
          %add3A_297 = arith.constant 32768 : i32
          %add3A_298 = vector.broadcast %add3A_297 : i32 to vector<16xi32>
          %add3A_299 = arith.addi %bitcast_convert_type3A_296, %add3A_298 : vector<16xi32>
          %shift_right_logical3A_300 = arith.constant 16 : i32
          %shift_right_logical3A_301 = vector.broadcast %shift_right_logical3A_300 : i32 to vector<16xi32>
          %shift_right_logical3A_302 = arith.shrui %add3A_295, %shift_right_logical3A_301 : vector<16xi32>
          %and3A_303 = arith.constant -65536 : i32
          %and3A_304 = vector.broadcast %and3A_303 : i32 to vector<16xi32>
          %and3A_305 = arith.andi %add3A_299, %and3A_304 : vector<16xi32>
          %or3A_306 = arith.ori %shift_right_logical3A_302, %and3A_305 : vector<16xi32>
          %swap3A_307 = arith.index_cast %scan3A_164 : i32 to index
          %swap3A_308 = arith.constant 32 : index
          %swap3A_309 = tpu.vector_load %arg21[%swap3A_307, %swap3A_308] {strides = array<i32>} : memref<40x128xi32, #tpu.memory_space<vmem>>, vector<1x16xi32>,
          %swap3A_310 = vector.shape_cast %swap3A_309 : vector<1x16xi32> to vector<16xi32>
          %swap3A_311 = vector.shape_cast %or3A_306 : vector<16xi32> to vector<1x16xi32>
          tpu.vector_store %arg21[%swap3A_307, %swap3A_308], %swap3A_311 {strides = array<i32>} : memref<40x128xi32, #tpu.memory_space<vmem>>, vector<1x16xi32>,
          %get3A_312 = arith.index_cast %scan3A_164 : i32 to index
          %get3A_313 = arith.constant 48 : index
          %get3A_314 = tpu.vector_load %arg11[%get3A_312, %get3A_313] {strides = array<i32>} : memref<40x128xi32, #tpu.memory_space<vmem>>, vector<1x16xi32>,
          %get3A_315 = vector.shape_cast %get3A_314 : vector<1x16xi32> to vector<16xi32>
          %get3A_316 = arith.index_cast %scan3A_164 : i32 to index
          %get3A_317 = arith.constant 48 : index
          %get3A_318 = tpu.vector_load %arg17[%get3A_316, %get3A_317] {strides = array<i32>} : memref<40x128xi32, #tpu.memory_space<vmem>>, vector<1x16xi32>,
          %get3A_319 = vector.shape_cast %get3A_318 : vector<1x16xi32> to vector<16xi32>
          %shift_left3A_320 = arith.constant 16 : i32
          %shift_left3A_321 = vector.broadcast %shift_left3A_320 : i32 to vector<16xi32>
          %shift_left3A_322 = arith.shli %get3A_315, %shift_left3A_321 : vector<16xi32>
          %bitcast_convert_type3A_323 = tpu.bitcast %shift_left3A_322 : vector<16xi32> -> vector<16xf32>
          %shift_left3A_324 = arith.constant 16 : i32
          %shift_left3A_325 = vector.broadcast %shift_left3A_324 : i32 to vector<16xi32>
          %shift_left3A_326 = arith.shli %get3A_319, %shift_left3A_325 : vector<16xi32>
          %bitcast_convert_type3A_327 = tpu.bitcast %shift_left3A_326 : vector<16xi32> -> vector<16xf32>
          %sub3A_328 = arith.subf %bitcast_convert_type3A_323, %bitcast_convert_type3A_327 : vector<16xf32>
          %shift_right_arithmetic3A_329 = arith.constant 16 : i32
          %shift_right_arithmetic3A_330 = vector.broadcast %shift_right_arithmetic3A_329 : i32 to vector<16xi32>
          %shift_right_arithmetic3A_331 = arith.shrsi %get3A_315, %shift_right_arithmetic3A_330 : vector<16xi32>
          %shift_left3A_332 = arith.constant 16 : i32
          %shift_left3A_333 = vector.broadcast %shift_left3A_332 : i32 to vector<16xi32>
          %shift_left3A_334 = arith.shli %shift_right_arithmetic3A_331, %shift_left3A_333 : vector<16xi32>
          %bitcast_convert_type3A_335 = tpu.bitcast %shift_left3A_334 : vector<16xi32> -> vector<16xf32>
          %shift_right_arithmetic3A_336 = arith.constant 16 : i32
          %shift_right_arithmetic3A_337 = vector.broadcast %shift_right_arithmetic3A_336 : i32 to vector<16xi32>
          %shift_right_arithmetic3A_338 = arith.shrsi %get3A_319, %shift_right_arithmetic3A_337 : vector<16xi32>
          %shift_left3A_339 = arith.constant 16 : i32
          %shift_left3A_340 = vector.broadcast %shift_left3A_339 : i32 to vector<16xi32>
          %shift_left3A_341 = arith.shli %shift_right_arithmetic3A_338, %shift_left3A_340 : vector<16xi32>
          %bitcast_convert_type3A_342 = tpu.bitcast %shift_left3A_341 : vector<16xi32> -> vector<16xf32>
          %sub3A_343 = arith.subf %bitcast_convert_type3A_335, %bitcast_convert_type3A_342 : vector<16xf32>
          %bitcast_convert_type3A_344 = tpu.bitcast %sub3A_328 : vector<16xf32> -> vector<16xi32>
          %add3A_345 = arith.constant 32768 : i32
          %add3A_346 = vector.broadcast %add3A_345 : i32 to vector<16xi32>
          %add3A_347 = arith.addi %bitcast_convert_type3A_344, %add3A_346 : vector<16xi32>
          %bitcast_convert_type3A_348 = tpu.bitcast %sub3A_343 : vector<16xf32> -> vector<16xi32>
          %add3A_349 = arith.constant 32768 : i32
          %add3A_350 = vector.broadcast %add3A_349 : i32 to vector<16xi32>
          %add3A_351 = arith.addi %bitcast_convert_type3A_348, %add3A_350 : vector<16xi32>
          %shift_right_logical3A_352 = arith.constant 16 : i32
          %shift_right_logical3A_353 = vector.broadcast %shift_right_logical3A_352 : i32 to vector<16xi32>
          %shift_right_logical3A_354 = arith.shrui %add3A_347, %shift_right_logical3A_353 : vector<16xi32>
          %and3A_355 = arith.constant -65536 : i32
          %and3A_356 = vector.broadcast %and3A_355 : i32 to vector<16xi32>
          %and3A_357 = arith.andi %add3A_351, %and3A_356 : vector<16xi32>
          %or3A_358 = arith.ori %shift_right_logical3A_354, %and3A_357 : vector<16xi32>
          %swap3A_359 = arith.index_cast %scan3A_164 : i32 to index
          %swap3A_360 = arith.constant 48 : index
          %swap3A_361 = tpu.vector_load %arg21[%swap3A_359, %swap3A_360] {strides = array<i32>} : memref<40x128xi32, #tpu.memory_space<vmem>>, vector<1x16xi32>,
          %swap3A_362 = vector.shape_cast %swap3A_361 : vector<1x16xi32> to vector<16xi32>
          %swap3A_363 = vector.shape_cast %or3A_358 : vector<16xi32> to vector<1x16xi32>
          tpu.vector_store %arg21[%swap3A_359, %swap3A_360], %swap3A_363 {strides = array<i32>} : memref<40x128xi32, #tpu.memory_space<vmem>>, vector<1x16xi32>,
          %get3A_364 = arith.index_cast %scan3A_164 : i32 to index
          %get3A_365 = arith.constant 64 : index
          %get3A_366 = tpu.vector_load %arg11[%get3A_364, %get3A_365] {strides = array<i32>} : memref<40x128xi32, #tpu.memory_space<vmem>>, vector<1x16xi32>,
          %get3A_367 = vector.shape_cast %get3A_366 : vector<1x16xi32> to vector<16xi32>
          %get3A_368 = arith.index_cast %scan3A_164 : i32 to index
          %get3A_369 = arith.constant 64 : index
          %get3A_370 = tpu.vector_load %arg17[%get3A_368, %get3A_369] {strides = array<i32>} : memref<40x128xi32, #tpu.memory_space<vmem>>, vector<1x16xi32>,
          %get3A_371 = vector.shape_cast %get3A_370 : vector<1x16xi32> to vector<16xi32>
          %shift_left3A_372 = arith.constant 16 : i32
          %shift_left3A_373 = vector.broadcast %shift_left3A_372 : i32 to vector<16xi32>
          %shift_left3A_374 = arith.shli %get3A_367, %shift_left3A_373 : vector<16xi32>
          %bitcast_convert_type3A_375 = tpu.bitcast %shift_left3A_374 : vector<16xi32> -> vector<16xf32>
          %shift_left3A_376 = arith.constant 16 : i32
          %shift_left3A_377 = vector.broadcast %shift_left3A_376 : i32 to vector<16xi32>
          %shift_left3A_378 = arith.shli %get3A_371, %shift_left3A_377 : vector<16xi32>
          %bitcast_convert_type3A_379 = tpu.bitcast %shift_left3A_378 : vector<16xi32> -> vector<16xf32>
          %sub3A_380 = arith.subf %bitcast_convert_type3A_375, %bitcast_convert_type3A_379 : vector<16xf32>
          %shift_right_arithmetic3A_381 = arith.constant 16 : i32
          %shift_right_arithmetic3A_382 = vector.broadcast %shift_right_arithmetic3A_381 : i32 to vector<16xi32>
          %shift_right_arithmetic3A_383 = arith.shrsi %get3A_367, %shift_right_arithmetic3A_382 : vector<16xi32>
          %shift_left3A_384 = arith.constant 16 : i32
          %shift_left3A_385 = vector.broadcast %shift_left3A_384 : i32 to vector<16xi32>
          %shift_left3A_386 = arith.shli %shift_right_arithmetic3A_383, %shift_left3A_385 : vector<16xi32>
          %bitcast_convert_type3A_387 = tpu.bitcast %shift_left3A_386 : vector<16xi32> -> vector<16xf32>
          %shift_right_arithmetic3A_388 = arith.constant 16 : i32
          %shift_right_arithmetic3A_389 = vector.broadcast %shift_right_arithmetic3A_388 : i32 to vector<16xi32>
          %shift_right_arithmetic3A_390 = arith.shrsi %get3A_371, %shift_right_arithmetic3A_389 : vector<16xi32>
          %shift_left3A_391 = arith.constant 16 : i32
          %shift_left3A_392 = vector.broadcast %shift_left3A_391 : i32 to vector<16xi32>
          %shift_left3A_393 = arith.shli %shift_right_arithmetic3A_390, %shift_left3A_392 : vector<16xi32>
          %bitcast_convert_type3A_394 = tpu.bitcast %shift_left3A_393 : vector<16xi32> -> vector<16xf32>
          %sub3A_395 = arith.subf %bitcast_convert_type3A_387, %bitcast_convert_type3A_394 : vector<16xf32>
          %bitcast_convert_type3A_396 = tpu.bitcast %sub3A_380 : vector<16xf32> -> vector<16xi32>
          %add3A_397 = arith.constant 32768 : i32
          %add3A_398 = vector.broadcast %add3A_397 : i32 to vector<16xi32>
          %add3A_399 = arith.addi %bitcast_convert_type3A_396, %add3A_398 : vector<16xi32>
          %bitcast_convert_type3A_400 = tpu.bitcast %sub3A_395 : vector<16xf32> -> vector<16xi32>
          %add3A_401 = arith.constant 32768 : i32
          %add3A_402 = vector.broadcast %add3A_401 : i32 to vector<16xi32>
          %add3A_403 = arith.addi %bitcast_convert_type3A_400, %add3A_402 : vector<16xi32>
          %shift_right_logical3A_404 = arith.constant 16 : i32
          %shift_right_logical3A_405 = vector.broadcast %shift_right_logical3A_404 : i32 to vector<16xi32>
          %shift_right_logical3A_406 = arith.shrui %add3A_399, %shift_right_logical3A_405 : vector<16xi32>
          %and3A_407 = arith.constant -65536 : i32
          %and3A_408 = vector.broadcast %and3A_407 : i32 to vector<16xi32>
          %and3A_409 = arith.andi %add3A_403, %and3A_408 : vector<16xi32>
          %or3A_410 = arith.ori %shift_right_logical3A_406, %and3A_409 : vector<16xi32>
          %swap3A_411 = arith.index_cast %scan3A_164 : i32 to index
          %swap3A_412 = arith.constant 64 : index
          %swap3A_413 = tpu.vector_load %arg21[%swap3A_411, %swap3A_412] {strides = array<i32>} : memref<40x128xi32, #tpu.memory_space<vmem>>, vector<1x16xi32>,
          %swap3A_414 = vector.shape_cast %swap3A_413 : vector<1x16xi32> to vector<16xi32>
          %swap3A_415 = vector.shape_cast %or3A_410 : vector<16xi32> to vector<1x16xi32>
          tpu.vector_store %arg21[%swap3A_411, %swap3A_412], %swap3A_415 {strides = array<i32>} : memref<40x128xi32, #tpu.memory_space<vmem>>, vector<1x16xi32>,
          %get3A_416 = arith.index_cast %scan3A_164 : i32 to index
          %get3A_417 = arith.constant 80 : index
          %get3A_418 = tpu.vector_load %arg11[%get3A_416, %get3A_417] {strides = array<i32>} : memref<40x128xi32, #tpu.memory_space<vmem>>, vector<1x16xi32>,
          %get3A_419 = vector.shape_cast %get3A_418 : vector<1x16xi32> to vector<16xi32>
          %get3A_420 = arith.index_cast %scan3A_164 : i32 to index
          %get3A_421 = arith.constant 80 : index
          %get3A_422 = tpu.vector_load %arg17[%get3A_420, %get3A_421] {strides = array<i32>} : memref<40x128xi32, #tpu.memory_space<vmem>>, vector<1x16xi32>,
          %get3A_423 = vector.shape_cast %get3A_422 : vector<1x16xi32> to vector<16xi32>
          %shift_left3A_424 = arith.constant 16 : i32
          %shift_left3A_425 = vector.broadcast %shift_left3A_424 : i32 to vector<16xi32>
          %shift_left3A_426 = arith.shli %get3A_419, %shift_left3A_425 : vector<16xi32>
          %bitcast_convert_type3A_427 = tpu.bitcast %shift_left3A_426 : vector<16xi32> -> vector<16xf32>
          %shift_left3A_428 = arith.constant 16 : i32
          %shift_left3A_429 = vector.broadcast %shift_left3A_428 : i32 to vector<16xi32>
          %shift_left3A_430 = arith.shli %get3A_423, %shift_left3A_429 : vector<16xi32>
          %bitcast_convert_type3A_431 = tpu.bitcast %shift_left3A_430 : vector<16xi32> -> vector<16xf32>
          %sub3A_432 = arith.subf %bitcast_convert_type3A_427, %bitcast_convert_type3A_431 : vector<16xf32>
          %shift_right_arithmetic3A_433 = arith.constant 16 : i32
          %shift_right_arithmetic3A_434 = vector.broadcast %shift_right_arithmetic3A_433 : i32 to vector<16xi32>
          %shift_right_arithmetic3A_435 = arith.shrsi %get3A_419, %shift_right_arithmetic3A_434 : vector<16xi32>
          %shift_left3A_436 = arith.constant 16 : i32
          %shift_left3A_437 = vector.broadcast %shift_left3A_436 : i32 to vector<16xi32>
          %shift_left3A_438 = arith.shli %shift_right_arithmetic3A_435, %shift_left3A_437 : vector<16xi32>
          %bitcast_convert_type3A_439 = tpu.bitcast %shift_left3A_438 : vector<16xi32> -> vector<16xf32>
          %shift_right_arithmetic3A_440 = arith.constant 16 : i32
          %shift_right_arithmetic3A_441 = vector.broadcast %shift_right_arithmetic3A_440 : i32 to vector<16xi32>
          %shift_right_arithmetic3A_442 = arith.shrsi %get3A_423, %shift_right_arithmetic3A_441 : vector<16xi32>
          %shift_left3A_443 = arith.constant 16 : i32
          %shift_left3A_444 = vector.broadcast %shift_left3A_443 : i32 to vector<16xi32>
          %shift_left3A_445 = arith.shli %shift_right_arithmetic3A_442, %shift_left3A_444 : vector<16xi32>
          %bitcast_convert_type3A_446 = tpu.bitcast %shift_left3A_445 : vector<16xi32> -> vector<16xf32>
          %sub3A_447 = arith.subf %bitcast_convert_type3A_439, %bitcast_convert_type3A_446 : vector<16xf32>
          %bitcast_convert_type3A_448 = tpu.bitcast %sub3A_432 : vector<16xf32> -> vector<16xi32>
          %add3A_449 = arith.constant 32768 : i32
          %add3A_450 = vector.broadcast %add3A_449 : i32 to vector<16xi32>
          %add3A_451 = arith.addi %bitcast_convert_type3A_448, %add3A_450 : vector<16xi32>
          %bitcast_convert_type3A_452 = tpu.bitcast %sub3A_447 : vector<16xf32> -> vector<16xi32>
          %add3A_453 = arith.constant 32768 : i32
          %add3A_454 = vector.broadcast %add3A_453 : i32 to vector<16xi32>
          %add3A_455 = arith.addi %bitcast_convert_type3A_452, %add3A_454 : vector<16xi32>
          %shift_right_logical3A_456 = arith.constant 16 : i32
          %shift_right_logical3A_457 = vector.broadcast %shift_right_logical3A_456 : i32 to vector<16xi32>
          %shift_right_logical3A_458 = arith.shrui %add3A_451, %shift_right_logical3A_457 : vector<16xi32>
          %and3A_459 = arith.constant -65536 : i32
          %and3A_460 = vector.broadcast %and3A_459 : i32 to vector<16xi32>
          %and3A_461 = arith.andi %add3A_455, %and3A_460 : vector<16xi32>
          %or3A_462 = arith.ori %shift_right_logical3A_458, %and3A_461 : vector<16xi32>
          %swap3A_463 = arith.index_cast %scan3A_164 : i32 to index
          %swap3A_464 = arith.constant 80 : index
          %swap3A_465 = tpu.vector_load %arg21[%swap3A_463, %swap3A_464] {strides = array<i32>} : memref<40x128xi32, #tpu.memory_space<vmem>>, vector<1x16xi32>,
          %swap3A_466 = vector.shape_cast %swap3A_465 : vector<1x16xi32> to vector<16xi32>
          %swap3A_467 = vector.shape_cast %or3A_462 : vector<16xi32> to vector<1x16xi32>
          tpu.vector_store %arg21[%swap3A_463, %swap3A_464], %swap3A_467 {strides = array<i32>} : memref<40x128xi32, #tpu.memory_space<vmem>>, vector<1x16xi32>,
          %get3A_468 = arith.index_cast %scan3A_164 : i32 to index
          %get3A_469 = arith.constant 96 : index
          %get3A_470 = tpu.vector_load %arg11[%get3A_468, %get3A_469] {strides = array<i32>} : memref<40x128xi32, #tpu.memory_space<vmem>>, vector<1x16xi32>,
          %get3A_471 = vector.shape_cast %get3A_470 : vector<1x16xi32> to vector<16xi32>
          %get3A_472 = arith.index_cast %scan3A_164 : i32 to index
          %get3A_473 = arith.constant 96 : index
          %get3A_474 = tpu.vector_load %arg17[%get3A_472, %get3A_473] {strides = array<i32>} : memref<40x128xi32, #tpu.memory_space<vmem>>, vector<1x16xi32>,
          %get3A_475 = vector.shape_cast %get3A_474 : vector<1x16xi32> to vector<16xi32>
          %shift_left3A_476 = arith.constant 16 : i32
          %shift_left3A_477 = vector.broadcast %shift_left3A_476 : i32 to vector<16xi32>
          %shift_left3A_478 = arith.shli %get3A_471, %shift_left3A_477 : vector<16xi32>
          %bitcast_convert_type3A_479 = tpu.bitcast %shift_left3A_478 : vector<16xi32> -> vector<16xf32>
          %shift_left3A_480 = arith.constant 16 : i32
          %shift_left3A_481 = vector.broadcast %shift_left3A_480 : i32 to vector<16xi32>
          %shift_left3A_482 = arith.shli %get3A_475, %shift_left3A_481 : vector<16xi32>
          %bitcast_convert_type3A_483 = tpu.bitcast %shift_left3A_482 : vector<16xi32> -> vector<16xf32>
          %sub3A_484 = arith.subf %bitcast_convert_type3A_479, %bitcast_convert_type3A_483 : vector<16xf32>
          %shift_right_arithmetic3A_485 = arith.constant 16 : i32
          %shift_right_arithmetic3A_486 = vector.broadcast %shift_right_arithmetic3A_485 : i32 to vector<16xi32>
          %shift_right_arithmetic3A_487 = arith.shrsi %get3A_471, %shift_right_arithmetic3A_486 : vector<16xi32>
          %shift_left3A_488 = arith.constant 16 : i32
          %shift_left3A_489 = vector.broadcast %shift_left3A_488 : i32 to vector<16xi32>
          %shift_left3A_490 = arith.shli %shift_right_arithmetic3A_487, %shift_left3A_489 : vector<16xi32>
          %bitcast_convert_type3A_491 = tpu.bitcast %shift_left3A_490 : vector<16xi32> -> vector<16xf32>
          %shift_right_arithmetic3A_492 = arith.constant 16 : i32
          %shift_right_arithmetic3A_493 = vector.broadcast %shift_right_arithmetic3A_492 : i32 to vector<16xi32>
          %shift_right_arithmetic3A_494 = arith.shrsi %get3A_475, %shift_right_arithmetic3A_493 : vector<16xi32>
          %shift_left3A_495 = arith.constant 16 : i32
          %shift_left3A_496 = vector.broadcast %shift_left3A_495 : i32 to vector<16xi32>
          %shift_left3A_497 = arith.shli %shift_right_arithmetic3A_494, %shift_left3A_496 : vector<16xi32>
          %bitcast_convert_type3A_498 = tpu.bitcast %shift_left3A_497 : vector<16xi32> -> vector<16xf32>
          %sub3A_499 = arith.subf %bitcast_convert_type3A_491, %bitcast_convert_type3A_498 : vector<16xf32>
          %bitcast_convert_type3A_500 = tpu.bitcast %sub3A_484 : vector<16xf32> -> vector<16xi32>
          %add3A_501 = arith.constant 32768 : i32
          %add3A_502 = vector.broadcast %add3A_501 : i32 to vector<16xi32>
          %add3A_503 = arith.addi %bitcast_convert_type3A_500, %add3A_502 : vector<16xi32>
          %bitcast_convert_type3A_504 = tpu.bitcast %sub3A_499 : vector<16xf32> -> vector<16xi32>
          %add3A_505 = arith.constant 32768 : i32
          %add3A_506 = vector.broadcast %add3A_505 : i32 to vector<16xi32>
          %add3A_507 = arith.addi %bitcast_convert_type3A_504, %add3A_506 : vector<16xi32>
          %shift_right_logical3A_508 = arith.constant 16 : i32
          %shift_right_logical3A_509 = vector.broadcast %shift_right_logical3A_508 : i32 to vector<16xi32>
          %shift_right_logical3A_510 = arith.shrui %add3A_503, %shift_right_logical3A_509 : vector<16xi32>
          %and3A_511 = arith.constant -65536 : i32
          %and3A_512 = vector.broadcast %and3A_511 : i32 to vector<16xi32>
          %and3A_513 = arith.andi %add3A_507, %and3A_512 : vector<16xi32>
          %or3A_514 = arith.ori %shift_right_logical3A_510, %and3A_513 : vector<16xi32>
          %swap3A_515 = arith.index_cast %scan3A_164 : i32 to index
          %swap3A_516 = arith.constant 96 : index
          %swap3A_517 = tpu.vector_load %arg21[%swap3A_515, %swap3A_516] {strides = array<i32>} : memref<40x128xi32, #tpu.memory_space<vmem>>, vector<1x16xi32>,
          %swap3A_518 = vector.shape_cast %swap3A_517 : vector<1x16xi32> to vector<16xi32>
          %swap3A_519 = vector.shape_cast %or3A_514 : vector<16xi32> to vector<1x16xi32>
          tpu.vector_store %arg21[%swap3A_515, %swap3A_516], %swap3A_519 {strides = array<i32>} : memref<40x128xi32, #tpu.memory_space<vmem>>, vector<1x16xi32>,
          %get3A_520 = arith.index_cast %scan3A_164 : i32 to index
          %get3A_521 = arith.constant 112 : index
          %get3A_522 = tpu.vector_load %arg11[%get3A_520, %get3A_521] {strides = array<i32>} : memref<40x128xi32, #tpu.memory_space<vmem>>, vector<1x16xi32>,
          %get3A_523 = vector.shape_cast %get3A_522 : vector<1x16xi32> to vector<16xi32>
          %get3A_524 = arith.index_cast %scan3A_164 : i32 to index
          %get3A_525 = arith.constant 112 : index
          %get3A_526 = tpu.vector_load %arg17[%get3A_524, %get3A_525] {strides = array<i32>} : memref<40x128xi32, #tpu.memory_space<vmem>>, vector<1x16xi32>,
          %get3A_527 = vector.shape_cast %get3A_526 : vector<1x16xi32> to vector<16xi32>
          %shift_left3A_528 = arith.constant 16 : i32
          %shift_left3A_529 = vector.broadcast %shift_left3A_528 : i32 to vector<16xi32>
          %shift_left3A_530 = arith.shli %get3A_523, %shift_left3A_529 : vector<16xi32>
          %bitcast_convert_type3A_531 = tpu.bitcast %shift_left3A_530 : vector<16xi32> -> vector<16xf32>
          %shift_left3A_532 = arith.constant 16 : i32
          %shift_left3A_533 = vector.broadcast %shift_left3A_532 : i32 to vector<16xi32>
          %shift_left3A_534 = arith.shli %get3A_527, %shift_left3A_533 : vector<16xi32>
          %bitcast_convert_type3A_535 = tpu.bitcast %shift_left3A_534 : vector<16xi32> -> vector<16xf32>
          %sub3A_536 = arith.subf %bitcast_convert_type3A_531, %bitcast_convert_type3A_535 : vector<16xf32>
          %shift_right_arithmetic3A_537 = arith.constant 16 : i32
          %shift_right_arithmetic3A_538 = vector.broadcast %shift_right_arithmetic3A_537 : i32 to vector<16xi32>
          %shift_right_arithmetic3A_539 = arith.shrsi %get3A_523, %shift_right_arithmetic3A_538 : vector<16xi32>
          %shift_left3A_540 = arith.constant 16 : i32
          %shift_left3A_541 = vector.broadcast %shift_left3A_540 : i32 to vector<16xi32>
          %shift_left3A_542 = arith.shli %shift_right_arithmetic3A_539, %shift_left3A_541 : vector<16xi32>
          %bitcast_convert_type3A_543 = tpu.bitcast %shift_left3A_542 : vector<16xi32> -> vector<16xf32>
          %shift_right_arithmetic3A_544 = arith.constant 16 : i32
          %shift_right_arithmetic3A_545 = vector.broadcast %shift_right_arithmetic3A_544 : i32 to vector<16xi32>
          %shift_right_arithmetic3A_546 = arith.shrsi %get3A_527, %shift_right_arithmetic3A_545 : vector<16xi32>
          %shift_left3A_547 = arith.constant 16 : i32
          %shift_left3A_548 = vector.broadcast %shift_left3A_547 : i32 to vector<16xi32>
          %shift_left3A_549 = arith.shli %shift_right_arithmetic3A_546, %shift_left3A_548 : vector<16xi32>
          %bitcast_convert_type3A_550 = tpu.bitcast %shift_left3A_549 : vector<16xi32> -> vector<16xf32>
          %sub3A_551 = arith.subf %bitcast_convert_type3A_543, %bitcast_convert_type3A_550 : vector<16xf32>
          %bitcast_convert_type3A_552 = tpu.bitcast %sub3A_536 : vector<16xf32> -> vector<16xi32>
          %add3A_553 = arith.constant 32768 : i32
          %add3A_554 = vector.broadcast %add3A_553 : i32 to vector<16xi32>
          %add3A_555 = arith.addi %bitcast_convert_type3A_552, %add3A_554 : vector<16xi32>
          %bitcast_convert_type3A_556 = tpu.bitcast %sub3A_551 : vector<16xf32> -> vector<16xi32>
          %add3A_557 = arith.constant 32768 : i32
          %add3A_558 = vector.broadcast %add3A_557 : i32 to vector<16xi32>
          %add3A_559 = arith.addi %bitcast_convert_type3A_556, %add3A_558 : vector<16xi32>
          %shift_right_logical3A_560 = arith.constant 16 : i32
          %shift_right_logical3A_561 = vector.broadcast %shift_right_logical3A_560 : i32 to vector<16xi32>
          %shift_right_logical3A_562 = arith.shrui %add3A_555, %shift_right_logical3A_561 : vector<16xi32>
          %and3A_563 = arith.constant -65536 : i32
          %and3A_564 = vector.broadcast %and3A_563 : i32 to vector<16xi32>
          %and3A_565 = arith.andi %add3A_559, %and3A_564 : vector<16xi32>
          %or3A_566 = arith.ori %shift_right_logical3A_562, %and3A_565 : vector<16xi32>
          %swap3A_567 = arith.index_cast %scan3A_164 : i32 to index
          %swap3A_568 = arith.constant 112 : index
          %swap3A_569 = tpu.vector_load %arg21[%swap3A_567, %swap3A_568] {strides = array<i32>} : memref<40x128xi32, #tpu.memory_space<vmem>>, vector<1x16xi32>,
          %swap3A_570 = vector.shape_cast %swap3A_569 : vector<1x16xi32> to vector<16xi32>
          %swap3A_571 = vector.shape_cast %or3A_566 : vector<16xi32> to vector<1x16xi32>
          tpu.vector_store %arg21[%swap3A_567, %swap3A_568], %swap3A_571 {strides = array<i32>} : memref<40x128xi32, #tpu.memory_space<vmem>>, vector<1x16xi32>,
        }
        %scan3A_149 = arith.constant 40 : i32
        %mul3A_150 = arith.constant 40 : i32
        %mul3A_151 = arith.muli %add3A_106, %mul3A_150 : i32
        %add3A_152 = arith.addi %mul3A_6, %mul3A_151 : i32
        %dma_start3A_153 = arith.constant 0 : i32
        %dma_start3A_154 = tpu.memref_slice %arg5[%add3A_152, %dma_start3A_153] : memref<160000x128xi32, #tpu.memory_space<hbm>> -> memref<40x128xi32, #tpu.memory_space<hbm>>
        %dma_start3A_155 = arith.constant 0 : i32
        %dma_start3A_156 = tpu.memref_slice %arg5[%add3A_152, %dma_start3A_155] : memref<160000x128xi32, #tpu.memory_space<hbm>> -> memref<40x128xi32, #tpu.memory_space<hbm>>
        tpu.enqueue_dma source(%arg21 : memref<40x128xi32, #tpu.memory_space<vmem>>) target(%dma_start3A_156 : memref<40x128xi32, #tpu.memory_space<hbm>>) target_semaphore(%arg29 : memref<!tpu.dma_semaphore, #tpu.memory_space<semaphore_mem>>)
        %add3A_157 = arith.constant 6 : i32
        %add3A_158 = arith.addi %add3A_106, %add3A_157 : i32
        %lt3A_159 = arith.constant 125 : i32
        %lt3A_160 = arith.cmpi slt, %add3A_158, %lt3A_159 : i32
        %convert_element_type3A_161 = arith.extui %lt3A_160 : i1 to i32
        %cond3A_162 = arith.constant 0 : i32
        %cond3A_163 = arith.cmpi ne, %convert_element_type3A_161, %cond3A_162 : i32
        scf.if %cond3A_163 {
          %add3A_164 = arith.constant 6 : i32
          %add3A_165 = arith.addi %add3A_106, %add3A_164 : i32
          %mul3A_166 = arith.constant 40 : i32
          %mul3A_167 = arith.muli %add3A_165, %mul3A_166 : i32
          %dma_start3A_168 = tpu.memref_slice %arg6[%mul3A_167] : memref<5000xi32, #tpu.memory_space<vmem>> -> memref<40xi32, #tpu.memory_space<vmem>>
          %dma_start3A_169 = arith.constant 0 : i32
          %dma_start3A_170 = arith.constant 0 : i32
          %dma_start3A_171 = tpu.memref_slice %arg2[%dma_start3A_169, %dma_start3A_170] : memref<10000x128xi32, #tpu.memory_space<hbm>> -> memref<10000x128xi32, #tpu.memory_space<hbm>>
          tpu.enqueue_indirect_dma source(%dma_start3A_171 : memref<10000x128xi32, #tpu.memory_space<hbm>>) target(%arg11 : memref<40x128xi32, #tpu.memory_space<vmem>>) offsets(%dma_start3A_168 : memref<40xi32, #tpu.memory_space<vmem>>) semaphore(%arg25 : memref<!tpu.dma_semaphore, #tpu.memory_space<semaphore_mem>>)
          %dma_start3A_172 = tpu.memref_slice %arg7[%mul3A_167] : memref<5000xi32, #tpu.memory_space<vmem>> -> memref<40xi32, #tpu.memory_space<vmem>>
          %dma_start3A_173 = arith.constant 0 : i32
          %dma_start3A_174 = arith.constant 0 : i32
          %dma_start3A_175 = tpu.memref_slice %arg2[%dma_start3A_173, %dma_start3A_174] : memref<10000x128xi32, #tpu.memory_space<hbm>> -> memref<10000x128xi32, #tpu.memory_space<hbm>>
          tpu.enqueue_indirect_dma source(%dma_start3A_175 : memref<10000x128xi32, #tpu.memory_space<hbm>>) target(%arg17 : memref<40x128xi32, #tpu.memory_space<vmem>>) offsets(%dma_start3A_172 : memref<40xi32, #tpu.memory_space<vmem>>) semaphore(%arg25 : memref<!tpu.dma_semaphore, #tpu.memory_space<semaphore_mem>>)
        } else {
        }
      } else {
      }
      %mul3A_112 = arith.constant 6 : i32
      %mul3A_113 = arith.muli %mul3A_112, %scan3A_78 : i32
      %add3A_114 = arith.constant 4 : i32
      %add3A_115 = arith.addi %mul3A_113, %add3A_114 : i32
      %lt3A_116 = arith.constant 125 : i32
      %lt3A_117 = arith.cmpi slt, %add3A_115, %lt3A_116 : i32
      %convert_element_type3A_118 = arith.extui %lt3A_117 : i1 to i32
      %cond3A_119 = arith.constant 0 : i32
      %cond3A_120 = arith.cmpi ne, %convert_element_type3A_118, %cond3A_119 : i32
      scf.if %cond3A_120 {
        %dma_wait3A_130 = arith.constant 0 : i32
        %dma_wait3A_131 = tpu.memref_slice %arg6[%dma_wait3A_130] : memref<5000xi32, #tpu.memory_space<vmem>> -> memref<40xi32, #tpu.memory_space<vmem>>
        %dma_wait3A_132 = arith.constant 0 : i32
        %dma_wait3A_133 = arith.constant 0 : i32
        %dma_wait3A_134 = tpu.memref_slice %arg2[%dma_wait3A_132, %dma_wait3A_133] : memref<10000x128xi32, #tpu.memory_space<hbm>> -> memref<10000x128xi32, #tpu.memory_space<hbm>>
        tpu.wait_indirect_dma semaphore(%arg26 : memref<!tpu.dma_semaphore, #tpu.memory_space<semaphore_mem>>) src(%dma_wait3A_134 : memref<10000x128xi32, #tpu.memory_space<hbm>>) dst(%arg12 : memref<40x128xi32, #tpu.memory_space<vmem>>)
        %dma_wait3A_135 = arith.constant 0 : i32
        %dma_wait3A_136 = tpu.memref_slice %arg7[%dma_wait3A_135] : memref<5000xi32, #tpu.memory_space<vmem>> -> memref<40xi32, #tpu.memory_space<vmem>>
        %dma_wait3A_137 = arith.constant 0 : i32
        %dma_wait3A_138 = arith.constant 0 : i32
        %dma_wait3A_139 = tpu.memref_slice %arg2[%dma_wait3A_137, %dma_wait3A_138] : memref<10000x128xi32, #tpu.memory_space<hbm>> -> memref<10000x128xi32, #tpu.memory_space<hbm>>
        tpu.wait_indirect_dma semaphore(%arg26 : memref<!tpu.dma_semaphore, #tpu.memory_space<semaphore_mem>>) src(%dma_wait3A_139 : memref<10000x128xi32, #tpu.memory_space<hbm>>) dst(%arg18 : memref<40x128xi32, #tpu.memory_space<vmem>>)
        %ge3A = arith.constant 2 : i32
        %ge3A_140 = arith.cmpi sge, %add3A_115, %ge3A : i32
        %convert_element_type3A_141 = arith.extui %ge3A_140 : i1 to i32
        %cond3A_142 = arith.constant 0 : i32
        %cond3A_143 = arith.cmpi ne, %convert_element_type3A_141, %cond3A_142 : i32
        scf.if %cond3A_143 {
          %dma_wait3A_164 = arith.constant 0 : i32
          %dma_wait3A_165 = tpu.memref_slice %arg5[%mul3A_6, %dma_wait3A_164] : memref<160000x128xi32, #tpu.memory_space<hbm>> -> memref<40x128xi32, #tpu.memory_space<hbm>>
          %dma_wait3A_166 = arith.constant 0 : i32
          %dma_wait3A_167 = tpu.memref_slice %arg5[%mul3A_6, %dma_wait3A_166] : memref<160000x128xi32, #tpu.memory_space<hbm>> -> memref<40x128xi32, #tpu.memory_space<hbm>>
          tpu.wait_dma2 semaphore(%arg28 : memref<!tpu.dma_semaphore, #tpu.memory_space<semaphore_mem>>) src(%arg20 : memref<40x128xi32, #tpu.memory_space<vmem>>) dst(%dma_wait3A_167 : memref<40x128xi32, #tpu.memory_space<hbm>>)
        } else {
        }
        %scan3A_144 = arith.constant 0 : i32
        %scan3A_145 = arith.constant 0 : i32
        %scan3A_146 = arith.constant 40 : i32
        %scan3A_147 = arith.addi %scan3A_145, %scan3A_146 : i32
        %scan3A_148 = arith.constant 1 : i32
        scf.for %scan3A_164 = %scan3A_145 to %scan3A_147 step %scan3A_148  : i32 {
          %get3A = arith.index_cast %scan3A_164 : i32 to index
          %get3A_165 = arith.constant 0 : index
          %get3A_166 = tpu.vector_load %arg12[%get3A, %get3A_165] {strides = array<i32>} : memref<40x128xi32, #tpu.memory_space<vmem>>, vector<1x16xi32>,
          %get3A_167 = vector.shape_cast %get3A_166 : vector<1x16xi32> to vector<16xi32>
          %get3A_168 = arith.index_cast %scan3A_164 : i32 to index
          %get3A_169 = arith.constant 0 : index
          %get3A_170 = tpu.vector_load %arg18[%get3A_168, %get3A_169] {strides = array<i32>} : memref<40x128xi32, #tpu.memory_space<vmem>>, vector<1x16xi32>,
          %get3A_171 = vector.shape_cast %get3A_170 : vector<1x16xi32> to vector<16xi32>
          %shift_left3A = arith.constant 16 : i32
          %shift_left3A_172 = vector.broadcast %shift_left3A : i32 to vector<16xi32>
          %shift_left3A_173 = arith.shli %get3A_167, %shift_left3A_172 : vector<16xi32>
          %bitcast_convert_type3A = tpu.bitcast %shift_left3A_173 : vector<16xi32> -> vector<16xf32>
          %shift_left3A_174 = arith.constant 16 : i32
          %shift_left3A_175 = vector.broadcast %shift_left3A_174 : i32 to vector<16xi32>
          %shift_left3A_176 = arith.shli %get3A_171, %shift_left3A_175 : vector<16xi32>
          %bitcast_convert_type3A_177 = tpu.bitcast %shift_left3A_176 : vector<16xi32> -> vector<16xf32>
          %sub3A = arith.subf %bitcast_convert_type3A, %bitcast_convert_type3A_177 : vector<16xf32>
          %shift_right_arithmetic3A = arith.constant 16 : i32
          %shift_right_arithmetic3A_178 = vector.broadcast %shift_right_arithmetic3A : i32 to vector<16xi32>
          %shift_right_arithmetic3A_179 = arith.shrsi %get3A_167, %shift_right_arithmetic3A_178 : vector<16xi32>
          %shift_left3A_180 = arith.constant 16 : i32
          %shift_left3A_181 = vector.broadcast %shift_left3A_180 : i32 to vector<16xi32>
          %shift_left3A_182 = arith.shli %shift_right_arithmetic3A_179, %shift_left3A_181 : vector<16xi32>
          %bitcast_convert_type3A_183 = tpu.bitcast %shift_left3A_182 : vector<16xi32> -> vector<16xf32>
          %shift_right_arithmetic3A_184 = arith.constant 16 : i32
          %shift_right_arithmetic3A_185 = vector.broadcast %shift_right_arithmetic3A_184 : i32 to vector<16xi32>
          %shift_right_arithmetic3A_186 = arith.shrsi %get3A_171, %shift_right_arithmetic3A_185 : vector<16xi32>
          %shift_left3A_187 = arith.constant 16 : i32
          %shift_left3A_188 = vector.broadcast %shift_left3A_187 : i32 to vector<16xi32>
          %shift_left3A_189 = arith.shli %shift_right_arithmetic3A_186, %shift_left3A_188 : vector<16xi32>
          %bitcast_convert_type3A_190 = tpu.bitcast %shift_left3A_189 : vector<16xi32> -> vector<16xf32>
          %sub3A_191 = arith.subf %bitcast_convert_type3A_183, %bitcast_convert_type3A_190 : vector<16xf32>
          %bitcast_convert_type3A_192 = tpu.bitcast %sub3A : vector<16xf32> -> vector<16xi32>
          %add3A_193 = arith.constant 32768 : i32
          %add3A_194 = vector.broadcast %add3A_193 : i32 to vector<16xi32>
          %add3A_195 = arith.addi %bitcast_convert_type3A_192, %add3A_194 : vector<16xi32>
          %bitcast_convert_type3A_196 = tpu.bitcast %sub3A_191 : vector<16xf32> -> vector<16xi32>
          %add3A_197 = arith.constant 32768 : i32
          %add3A_198 = vector.broadcast %add3A_197 : i32 to vector<16xi32>
          %add3A_199 = arith.addi %bitcast_convert_type3A_196, %add3A_198 : vector<16xi32>
          %shift_right_logical3A = arith.constant 16 : i32
          %shift_right_logical3A_200 = vector.broadcast %shift_right_logical3A : i32 to vector<16xi32>
          %shift_right_logical3A_201 = arith.shrui %add3A_195, %shift_right_logical3A_200 : vector<16xi32>
          %and3A = arith.constant -65536 : i32
          %and3A_202 = vector.broadcast %and3A : i32 to vector<16xi32>
          %and3A_203 = arith.andi %add3A_199, %and3A_202 : vector<16xi32>
          %or3A = arith.ori %shift_right_logical3A_201, %and3A_203 : vector<16xi32>
          %swap3A = arith.index_cast %scan3A_164 : i32 to index
          %swap3A_204 = arith.constant 0 : index
          %swap3A_205 = tpu.vector_load %arg20[%swap3A, %swap3A_204] {strides = array<i32>} : memref<40x128xi32, #tpu.memory_space<vmem>>, vector<1x16xi32>,
          %swap3A_206 = vector.shape_cast %swap3A_205 : vector<1x16xi32> to vector<16xi32>
          %swap3A_207 = vector.shape_cast %or3A : vector<16xi32> to vector<1x16xi32>
          tpu.vector_store %arg20[%swap3A, %swap3A_204], %swap3A_207 {strides = array<i32>} : memref<40x128xi32, #tpu.memory_space<vmem>>, vector<1x16xi32>,
          %get3A_208 = arith.index_cast %scan3A_164 : i32 to index
          %get3A_209 = arith.constant 16 : index
          %get3A_210 = tpu.vector_load %arg12[%get3A_208, %get3A_209] {strides = array<i32>} : memref<40x128xi32, #tpu.memory_space<vmem>>, vector<1x16xi32>,
          %get3A_211 = vector.shape_cast %get3A_210 : vector<1x16xi32> to vector<16xi32>
          %get3A_212 = arith.index_cast %scan3A_164 : i32 to index
          %get3A_213 = arith.constant 16 : index
          %get3A_214 = tpu.vector_load %arg18[%get3A_212, %get3A_213] {strides = array<i32>} : memref<40x128xi32, #tpu.memory_space<vmem>>, vector<1x16xi32>,
          %get3A_215 = vector.shape_cast %get3A_214 : vector<1x16xi32> to vector<16xi32>
          %shift_left3A_216 = arith.constant 16 : i32
          %shift_left3A_217 = vector.broadcast %shift_left3A_216 : i32 to vector<16xi32>
          %shift_left3A_218 = arith.shli %get3A_211, %shift_left3A_217 : vector<16xi32>
          %bitcast_convert_type3A_219 = tpu.bitcast %shift_left3A_218 : vector<16xi32> -> vector<16xf32>
          %shift_left3A_220 = arith.constant 16 : i32
          %shift_left3A_221 = vector.broadcast %shift_left3A_220 : i32 to vector<16xi32>
          %shift_left3A_222 = arith.shli %get3A_215, %shift_left3A_221 : vector<16xi32>
          %bitcast_convert_type3A_223 = tpu.bitcast %shift_left3A_222 : vector<16xi32> -> vector<16xf32>
          %sub3A_224 = arith.subf %bitcast_convert_type3A_219, %bitcast_convert_type3A_223 : vector<16xf32>
          %shift_right_arithmetic3A_225 = arith.constant 16 : i32
          %shift_right_arithmetic3A_226 = vector.broadcast %shift_right_arithmetic3A_225 : i32 to vector<16xi32>
          %shift_right_arithmetic3A_227 = arith.shrsi %get3A_211, %shift_right_arithmetic3A_226 : vector<16xi32>
          %shift_left3A_228 = arith.constant 16 : i32
          %shift_left3A_229 = vector.broadcast %shift_left3A_228 : i32 to vector<16xi32>
          %shift_left3A_230 = arith.shli %shift_right_arithmetic3A_227, %shift_left3A_229 : vector<16xi32>
          %bitcast_convert_type3A_231 = tpu.bitcast %shift_left3A_230 : vector<16xi32> -> vector<16xf32>
          %shift_right_arithmetic3A_232 = arith.constant 16 : i32
          %shift_right_arithmetic3A_233 = vector.broadcast %shift_right_arithmetic3A_232 : i32 to vector<16xi32>
          %shift_right_arithmetic3A_234 = arith.shrsi %get3A_215, %shift_right_arithmetic3A_233 : vector<16xi32>
          %shift_left3A_235 = arith.constant 16 : i32
          %shift_left3A_236 = vector.broadcast %shift_left3A_235 : i32 to vector<16xi32>
          %shift_left3A_237 = arith.shli %shift_right_arithmetic3A_234, %shift_left3A_236 : vector<16xi32>
          %bitcast_convert_type3A_238 = tpu.bitcast %shift_left3A_237 : vector<16xi32> -> vector<16xf32>
          %sub3A_239 = arith.subf %bitcast_convert_type3A_231, %bitcast_convert_type3A_238 : vector<16xf32>
          %bitcast_convert_type3A_240 = tpu.bitcast %sub3A_224 : vector<16xf32> -> vector<16xi32>
          %add3A_241 = arith.constant 32768 : i32
          %add3A_242 = vector.broadcast %add3A_241 : i32 to vector<16xi32>
          %add3A_243 = arith.addi %bitcast_convert_type3A_240, %add3A_242 : vector<16xi32>
          %bitcast_convert_type3A_244 = tpu.bitcast %sub3A_239 : vector<16xf32> -> vector<16xi32>
          %add3A_245 = arith.constant 32768 : i32
          %add3A_246 = vector.broadcast %add3A_245 : i32 to vector<16xi32>
          %add3A_247 = arith.addi %bitcast_convert_type3A_244, %add3A_246 : vector<16xi32>
          %shift_right_logical3A_248 = arith.constant 16 : i32
          %shift_right_logical3A_249 = vector.broadcast %shift_right_logical3A_248 : i32 to vector<16xi32>
          %shift_right_logical3A_250 = arith.shrui %add3A_243, %shift_right_logical3A_249 : vector<16xi32>
          %and3A_251 = arith.constant -65536 : i32
          %and3A_252 = vector.broadcast %and3A_251 : i32 to vector<16xi32>
          %and3A_253 = arith.andi %add3A_247, %and3A_252 : vector<16xi32>
          %or3A_254 = arith.ori %shift_right_logical3A_250, %and3A_253 : vector<16xi32>
          %swap3A_255 = arith.index_cast %scan3A_164 : i32 to index
          %swap3A_256 = arith.constant 16 : index
          %swap3A_257 = tpu.vector_load %arg20[%swap3A_255, %swap3A_256] {strides = array<i32>} : memref<40x128xi32, #tpu.memory_space<vmem>>, vector<1x16xi32>,
          %swap3A_258 = vector.shape_cast %swap3A_257 : vector<1x16xi32> to vector<16xi32>
          %swap3A_259 = vector.shape_cast %or3A_254 : vector<16xi32> to vector<1x16xi32>
          tpu.vector_store %arg20[%swap3A_255, %swap3A_256], %swap3A_259 {strides = array<i32>} : memref<40x128xi32, #tpu.memory_space<vmem>>, vector<1x16xi32>,
          %get3A_260 = arith.index_cast %scan3A_164 : i32 to index
          %get3A_261 = arith.constant 32 : index
          %get3A_262 = tpu.vector_load %arg12[%get3A_260, %get3A_261] {strides = array<i32>} : memref<40x128xi32, #tpu.memory_space<vmem>>, vector<1x16xi32>,
          %get3A_263 = vector.shape_cast %get3A_262 : vector<1x16xi32> to vector<16xi32>
          %get3A_264 = arith.index_cast %scan3A_164 : i32 to index
          %get3A_265 = arith.constant 32 : index
          %get3A_266 = tpu.vector_load %arg18[%get3A_264, %get3A_265] {strides = array<i32>} : memref<40x128xi32, #tpu.memory_space<vmem>>, vector<1x16xi32>,
          %get3A_267 = vector.shape_cast %get3A_266 : vector<1x16xi32> to vector<16xi32>
          %shift_left3A_268 = arith.constant 16 : i32
          %shift_left3A_269 = vector.broadcast %shift_left3A_268 : i32 to vector<16xi32>
          %shift_left3A_270 = arith.shli %get3A_263, %shift_left3A_269 : vector<16xi32>
          %bitcast_convert_type3A_271 = tpu.bitcast %shift_left3A_270 : vector<16xi32> -> vector<16xf32>
          %shift_left3A_272 = arith.constant 16 : i32
          %shift_left3A_273 = vector.broadcast %shift_left3A_272 : i32 to vector<16xi32>
          %shift_left3A_274 = arith.shli %get3A_267, %shift_left3A_273 : vector<16xi32>
          %bitcast_convert_type3A_275 = tpu.bitcast %shift_left3A_274 : vector<16xi32> -> vector<16xf32>
          %sub3A_276 = arith.subf %bitcast_convert_type3A_271, %bitcast_convert_type3A_275 : vector<16xf32>
          %shift_right_arithmetic3A_277 = arith.constant 16 : i32
          %shift_right_arithmetic3A_278 = vector.broadcast %shift_right_arithmetic3A_277 : i32 to vector<16xi32>
          %shift_right_arithmetic3A_279 = arith.shrsi %get3A_263, %shift_right_arithmetic3A_278 : vector<16xi32>
          %shift_left3A_280 = arith.constant 16 : i32
          %shift_left3A_281 = vector.broadcast %shift_left3A_280 : i32 to vector<16xi32>
          %shift_left3A_282 = arith.shli %shift_right_arithmetic3A_279, %shift_left3A_281 : vector<16xi32>
          %bitcast_convert_type3A_283 = tpu.bitcast %shift_left3A_282 : vector<16xi32> -> vector<16xf32>
          %shift_right_arithmetic3A_284 = arith.constant 16 : i32
          %shift_right_arithmetic3A_285 = vector.broadcast %shift_right_arithmetic3A_284 : i32 to vector<16xi32>
          %shift_right_arithmetic3A_286 = arith.shrsi %get3A_267, %shift_right_arithmetic3A_285 : vector<16xi32>
          %shift_left3A_287 = arith.constant 16 : i32
          %shift_left3A_288 = vector.broadcast %shift_left3A_287 : i32 to vector<16xi32>
          %shift_left3A_289 = arith.shli %shift_right_arithmetic3A_286, %shift_left3A_288 : vector<16xi32>
          %bitcast_convert_type3A_290 = tpu.bitcast %shift_left3A_289 : vector<16xi32> -> vector<16xf32>
          %sub3A_291 = arith.subf %bitcast_convert_type3A_283, %bitcast_convert_type3A_290 : vector<16xf32>
          %bitcast_convert_type3A_292 = tpu.bitcast %sub3A_276 : vector<16xf32> -> vector<16xi32>
          %add3A_293 = arith.constant 32768 : i32
          %add3A_294 = vector.broadcast %add3A_293 : i32 to vector<16xi32>
          %add3A_295 = arith.addi %bitcast_convert_type3A_292, %add3A_294 : vector<16xi32>
          %bitcast_convert_type3A_296 = tpu.bitcast %sub3A_291 : vector<16xf32> -> vector<16xi32>
          %add3A_297 = arith.constant 32768 : i32
          %add3A_298 = vector.broadcast %add3A_297 : i32 to vector<16xi32>
          %add3A_299 = arith.addi %bitcast_convert_type3A_296, %add3A_298 : vector<16xi32>
          %shift_right_logical3A_300 = arith.constant 16 : i32
          %shift_right_logical3A_301 = vector.broadcast %shift_right_logical3A_300 : i32 to vector<16xi32>
          %shift_right_logical3A_302 = arith.shrui %add3A_295, %shift_right_logical3A_301 : vector<16xi32>
          %and3A_303 = arith.constant -65536 : i32
          %and3A_304 = vector.broadcast %and3A_303 : i32 to vector<16xi32>
          %and3A_305 = arith.andi %add3A_299, %and3A_304 : vector<16xi32>
          %or3A_306 = arith.ori %shift_right_logical3A_302, %and3A_305 : vector<16xi32>
          %swap3A_307 = arith.index_cast %scan3A_164 : i32 to index
          %swap3A_308 = arith.constant 32 : index
          %swap3A_309 = tpu.vector_load %arg20[%swap3A_307, %swap3A_308] {strides = array<i32>} : memref<40x128xi32, #tpu.memory_space<vmem>>, vector<1x16xi32>,
          %swap3A_310 = vector.shape_cast %swap3A_309 : vector<1x16xi32> to vector<16xi32>
          %swap3A_311 = vector.shape_cast %or3A_306 : vector<16xi32> to vector<1x16xi32>
          tpu.vector_store %arg20[%swap3A_307, %swap3A_308], %swap3A_311 {strides = array<i32>} : memref<40x128xi32, #tpu.memory_space<vmem>>, vector<1x16xi32>,
          %get3A_312 = arith.index_cast %scan3A_164 : i32 to index
          %get3A_313 = arith.constant 48 : index
          %get3A_314 = tpu.vector_load %arg12[%get3A_312, %get3A_313] {strides = array<i32>} : memref<40x128xi32, #tpu.memory_space<vmem>>, vector<1x16xi32>,
          %get3A_315 = vector.shape_cast %get3A_314 : vector<1x16xi32> to vector<16xi32>
          %get3A_316 = arith.index_cast %scan3A_164 : i32 to index
          %get3A_317 = arith.constant 48 : index
          %get3A_318 = tpu.vector_load %arg18[%get3A_316, %get3A_317] {strides = array<i32>} : memref<40x128xi32, #tpu.memory_space<vmem>>, vector<1x16xi32>,
          %get3A_319 = vector.shape_cast %get3A_318 : vector<1x16xi32> to vector<16xi32>
          %shift_left3A_320 = arith.constant 16 : i32
          %shift_left3A_321 = vector.broadcast %shift_left3A_320 : i32 to vector<16xi32>
          %shift_left3A_322 = arith.shli %get3A_315, %shift_left3A_321 : vector<16xi32>
          %bitcast_convert_type3A_323 = tpu.bitcast %shift_left3A_322 : vector<16xi32> -> vector<16xf32>
          %shift_left3A_324 = arith.constant 16 : i32
          %shift_left3A_325 = vector.broadcast %shift_left3A_324 : i32 to vector<16xi32>
          %shift_left3A_326 = arith.shli %get3A_319, %shift_left3A_325 : vector<16xi32>
          %bitcast_convert_type3A_327 = tpu.bitcast %shift_left3A_326 : vector<16xi32> -> vector<16xf32>
          %sub3A_328 = arith.subf %bitcast_convert_type3A_323, %bitcast_convert_type3A_327 : vector<16xf32>
          %shift_right_arithmetic3A_329 = arith.constant 16 : i32
          %shift_right_arithmetic3A_330 = vector.broadcast %shift_right_arithmetic3A_329 : i32 to vector<16xi32>
          %shift_right_arithmetic3A_331 = arith.shrsi %get3A_315, %shift_right_arithmetic3A_330 : vector<16xi32>
          %shift_left3A_332 = arith.constant 16 : i32
          %shift_left3A_333 = vector.broadcast %shift_left3A_332 : i32 to vector<16xi32>
          %shift_left3A_334 = arith.shli %shift_right_arithmetic3A_331, %shift_left3A_333 : vector<16xi32>
          %bitcast_convert_type3A_335 = tpu.bitcast %shift_left3A_334 : vector<16xi32> -> vector<16xf32>
          %shift_right_arithmetic3A_336 = arith.constant 16 : i32
          %shift_right_arithmetic3A_337 = vector.broadcast %shift_right_arithmetic3A_336 : i32 to vector<16xi32>
          %shift_right_arithmetic3A_338 = arith.shrsi %get3A_319, %shift_right_arithmetic3A_337 : vector<16xi32>
          %shift_left3A_339 = arith.constant 16 : i32
          %shift_left3A_340 = vector.broadcast %shift_left3A_339 : i32 to vector<16xi32>
          %shift_left3A_341 = arith.shli %shift_right_arithmetic3A_338, %shift_left3A_340 : vector<16xi32>
          %bitcast_convert_type3A_342 = tpu.bitcast %shift_left3A_341 : vector<16xi32> -> vector<16xf32>
          %sub3A_343 = arith.subf %bitcast_convert_type3A_335, %bitcast_convert_type3A_342 : vector<16xf32>
          %bitcast_convert_type3A_344 = tpu.bitcast %sub3A_328 : vector<16xf32> -> vector<16xi32>
          %add3A_345 = arith.constant 32768 : i32
          %add3A_346 = vector.broadcast %add3A_345 : i32 to vector<16xi32>
          %add3A_347 = arith.addi %bitcast_convert_type3A_344, %add3A_346 : vector<16xi32>
          %bitcast_convert_type3A_348 = tpu.bitcast %sub3A_343 : vector<16xf32> -> vector<16xi32>
          %add3A_349 = arith.constant 32768 : i32
          %add3A_350 = vector.broadcast %add3A_349 : i32 to vector<16xi32>
          %add3A_351 = arith.addi %bitcast_convert_type3A_348, %add3A_350 : vector<16xi32>
          %shift_right_logical3A_352 = arith.constant 16 : i32
          %shift_right_logical3A_353 = vector.broadcast %shift_right_logical3A_352 : i32 to vector<16xi32>
          %shift_right_logical3A_354 = arith.shrui %add3A_347, %shift_right_logical3A_353 : vector<16xi32>
          %and3A_355 = arith.constant -65536 : i32
          %and3A_356 = vector.broadcast %and3A_355 : i32 to vector<16xi32>
          %and3A_357 = arith.andi %add3A_351, %and3A_356 : vector<16xi32>
          %or3A_358 = arith.ori %shift_right_logical3A_354, %and3A_357 : vector<16xi32>
          %swap3A_359 = arith.index_cast %scan3A_164 : i32 to index
          %swap3A_360 = arith.constant 48 : index
          %swap3A_361 = tpu.vector_load %arg20[%swap3A_359, %swap3A_360] {strides = array<i32>} : memref<40x128xi32, #tpu.memory_space<vmem>>, vector<1x16xi32>,
          %swap3A_362 = vector.shape_cast %swap3A_361 : vector<1x16xi32> to vector<16xi32>
          %swap3A_363 = vector.shape_cast %or3A_358 : vector<16xi32> to vector<1x16xi32>
          tpu.vector_store %arg20[%swap3A_359, %swap3A_360], %swap3A_363 {strides = array<i32>} : memref<40x128xi32, #tpu.memory_space<vmem>>, vector<1x16xi32>,
          %get3A_364 = arith.index_cast %scan3A_164 : i32 to index
          %get3A_365 = arith.constant 64 : index
          %get3A_366 = tpu.vector_load %arg12[%get3A_364, %get3A_365] {strides = array<i32>} : memref<40x128xi32, #tpu.memory_space<vmem>>, vector<1x16xi32>,
          %get3A_367 = vector.shape_cast %get3A_366 : vector<1x16xi32> to vector<16xi32>
          %get3A_368 = arith.index_cast %scan3A_164 : i32 to index
          %get3A_369 = arith.constant 64 : index
          %get3A_370 = tpu.vector_load %arg18[%get3A_368, %get3A_369] {strides = array<i32>} : memref<40x128xi32, #tpu.memory_space<vmem>>, vector<1x16xi32>,
          %get3A_371 = vector.shape_cast %get3A_370 : vector<1x16xi32> to vector<16xi32>
          %shift_left3A_372 = arith.constant 16 : i32
          %shift_left3A_373 = vector.broadcast %shift_left3A_372 : i32 to vector<16xi32>
          %shift_left3A_374 = arith.shli %get3A_367, %shift_left3A_373 : vector<16xi32>
          %bitcast_convert_type3A_375 = tpu.bitcast %shift_left3A_374 : vector<16xi32> -> vector<16xf32>
          %shift_left3A_376 = arith.constant 16 : i32
          %shift_left3A_377 = vector.broadcast %shift_left3A_376 : i32 to vector<16xi32>
          %shift_left3A_378 = arith.shli %get3A_371, %shift_left3A_377 : vector<16xi32>
          %bitcast_convert_type3A_379 = tpu.bitcast %shift_left3A_378 : vector<16xi32> -> vector<16xf32>
          %sub3A_380 = arith.subf %bitcast_convert_type3A_375, %bitcast_convert_type3A_379 : vector<16xf32>
          %shift_right_arithmetic3A_381 = arith.constant 16 : i32
          %shift_right_arithmetic3A_382 = vector.broadcast %shift_right_arithmetic3A_381 : i32 to vector<16xi32>
          %shift_right_arithmetic3A_383 = arith.shrsi %get3A_367, %shift_right_arithmetic3A_382 : vector<16xi32>
          %shift_left3A_384 = arith.constant 16 : i32
          %shift_left3A_385 = vector.broadcast %shift_left3A_384 : i32 to vector<16xi32>
          %shift_left3A_386 = arith.shli %shift_right_arithmetic3A_383, %shift_left3A_385 : vector<16xi32>
          %bitcast_convert_type3A_387 = tpu.bitcast %shift_left3A_386 : vector<16xi32> -> vector<16xf32>
          %shift_right_arithmetic3A_388 = arith.constant 16 : i32
          %shift_right_arithmetic3A_389 = vector.broadcast %shift_right_arithmetic3A_388 : i32 to vector<16xi32>
          %shift_right_arithmetic3A_390 = arith.shrsi %get3A_371, %shift_right_arithmetic3A_389 : vector<16xi32>
          %shift_left3A_391 = arith.constant 16 : i32
          %shift_left3A_392 = vector.broadcast %shift_left3A_391 : i32 to vector<16xi32>
          %shift_left3A_393 = arith.shli %shift_right_arithmetic3A_390, %shift_left3A_392 : vector<16xi32>
          %bitcast_convert_type3A_394 = tpu.bitcast %shift_left3A_393 : vector<16xi32> -> vector<16xf32>
          %sub3A_395 = arith.subf %bitcast_convert_type3A_387, %bitcast_convert_type3A_394 : vector<16xf32>
          %bitcast_convert_type3A_396 = tpu.bitcast %sub3A_380 : vector<16xf32> -> vector<16xi32>
          %add3A_397 = arith.constant 32768 : i32
          %add3A_398 = vector.broadcast %add3A_397 : i32 to vector<16xi32>
          %add3A_399 = arith.addi %bitcast_convert_type3A_396, %add3A_398 : vector<16xi32>
          %bitcast_convert_type3A_400 = tpu.bitcast %sub3A_395 : vector<16xf32> -> vector<16xi32>
          %add3A_401 = arith.constant 32768 : i32
          %add3A_402 = vector.broadcast %add3A_401 : i32 to vector<16xi32>
          %add3A_403 = arith.addi %bitcast_convert_type3A_400, %add3A_402 : vector<16xi32>
          %shift_right_logical3A_404 = arith.constant 16 : i32
          %shift_right_logical3A_405 = vector.broadcast %shift_right_logical3A_404 : i32 to vector<16xi32>
          %shift_right_logical3A_406 = arith.shrui %add3A_399, %shift_right_logical3A_405 : vector<16xi32>
          %and3A_407 = arith.constant -65536 : i32
          %and3A_408 = vector.broadcast %and3A_407 : i32 to vector<16xi32>
          %and3A_409 = arith.andi %add3A_403, %and3A_408 : vector<16xi32>
          %or3A_410 = arith.ori %shift_right_logical3A_406, %and3A_409 : vector<16xi32>
          %swap3A_411 = arith.index_cast %scan3A_164 : i32 to index
          %swap3A_412 = arith.constant 64 : index
          %swap3A_413 = tpu.vector_load %arg20[%swap3A_411, %swap3A_412] {strides = array<i32>} : memref<40x128xi32, #tpu.memory_space<vmem>>, vector<1x16xi32>,
          %swap3A_414 = vector.shape_cast %swap3A_413 : vector<1x16xi32> to vector<16xi32>
          %swap3A_415 = vector.shape_cast %or3A_410 : vector<16xi32> to vector<1x16xi32>
          tpu.vector_store %arg20[%swap3A_411, %swap3A_412], %swap3A_415 {strides = array<i32>} : memref<40x128xi32, #tpu.memory_space<vmem>>, vector<1x16xi32>,
          %get3A_416 = arith.index_cast %scan3A_164 : i32 to index
          %get3A_417 = arith.constant 80 : index
          %get3A_418 = tpu.vector_load %arg12[%get3A_416, %get3A_417] {strides = array<i32>} : memref<40x128xi32, #tpu.memory_space<vmem>>, vector<1x16xi32>,
          %get3A_419 = vector.shape_cast %get3A_418 : vector<1x16xi32> to vector<16xi32>
          %get3A_420 = arith.index_cast %scan3A_164 : i32 to index
          %get3A_421 = arith.constant 80 : index
          %get3A_422 = tpu.vector_load %arg18[%get3A_420, %get3A_421] {strides = array<i32>} : memref<40x128xi32, #tpu.memory_space<vmem>>, vector<1x16xi32>,
          %get3A_423 = vector.shape_cast %get3A_422 : vector<1x16xi32> to vector<16xi32>
          %shift_left3A_424 = arith.constant 16 : i32
          %shift_left3A_425 = vector.broadcast %shift_left3A_424 : i32 to vector<16xi32>
          %shift_left3A_426 = arith.shli %get3A_419, %shift_left3A_425 : vector<16xi32>
          %bitcast_convert_type3A_427 = tpu.bitcast %shift_left3A_426 : vector<16xi32> -> vector<16xf32>
          %shift_left3A_428 = arith.constant 16 : i32
          %shift_left3A_429 = vector.broadcast %shift_left3A_428 : i32 to vector<16xi32>
          %shift_left3A_430 = arith.shli %get3A_423, %shift_left3A_429 : vector<16xi32>
          %bitcast_convert_type3A_431 = tpu.bitcast %shift_left3A_430 : vector<16xi32> -> vector<16xf32>
          %sub3A_432 = arith.subf %bitcast_convert_type3A_427, %bitcast_convert_type3A_431 : vector<16xf32>
          %shift_right_arithmetic3A_433 = arith.constant 16 : i32
          %shift_right_arithmetic3A_434 = vector.broadcast %shift_right_arithmetic3A_433 : i32 to vector<16xi32>
          %shift_right_arithmetic3A_435 = arith.shrsi %get3A_419, %shift_right_arithmetic3A_434 : vector<16xi32>
          %shift_left3A_436 = arith.constant 16 : i32
          %shift_left3A_437 = vector.broadcast %shift_left3A_436 : i32 to vector<16xi32>
          %shift_left3A_438 = arith.shli %shift_right_arithmetic3A_435, %shift_left3A_437 : vector<16xi32>
          %bitcast_convert_type3A_439 = tpu.bitcast %shift_left3A_438 : vector<16xi32> -> vector<16xf32>
          %shift_right_arithmetic3A_440 = arith.constant 16 : i32
          %shift_right_arithmetic3A_441 = vector.broadcast %shift_right_arithmetic3A_440 : i32 to vector<16xi32>
          %shift_right_arithmetic3A_442 = arith.shrsi %get3A_423, %shift_right_arithmetic3A_441 : vector<16xi32>
          %shift_left3A_443 = arith.constant 16 : i32
          %shift_left3A_444 = vector.broadcast %shift_left3A_443 : i32 to vector<16xi32>
          %shift_left3A_445 = arith.shli %shift_right_arithmetic3A_442, %shift_left3A_444 : vector<16xi32>
          %bitcast_convert_type3A_446 = tpu.bitcast %shift_left3A_445 : vector<16xi32> -> vector<16xf32>
          %sub3A_447 = arith.subf %bitcast_convert_type3A_439, %bitcast_convert_type3A_446 : vector<16xf32>
          %bitcast_convert_type3A_448 = tpu.bitcast %sub3A_432 : vector<16xf32> -> vector<16xi32>
          %add3A_449 = arith.constant 32768 : i32
          %add3A_450 = vector.broadcast %add3A_449 : i32 to vector<16xi32>
          %add3A_451 = arith.addi %bitcast_convert_type3A_448, %add3A_450 : vector<16xi32>
          %bitcast_convert_type3A_452 = tpu.bitcast %sub3A_447 : vector<16xf32> -> vector<16xi32>
          %add3A_453 = arith.constant 32768 : i32
          %add3A_454 = vector.broadcast %add3A_453 : i32 to vector<16xi32>
          %add3A_455 = arith.addi %bitcast_convert_type3A_452, %add3A_454 : vector<16xi32>
          %shift_right_logical3A_456 = arith.constant 16 : i32
          %shift_right_logical3A_457 = vector.broadcast %shift_right_logical3A_456 : i32 to vector<16xi32>
          %shift_right_logical3A_458 = arith.shrui %add3A_451, %shift_right_logical3A_457 : vector<16xi32>
          %and3A_459 = arith.constant -65536 : i32
          %and3A_460 = vector.broadcast %and3A_459 : i32 to vector<16xi32>
          %and3A_461 = arith.andi %add3A_455, %and3A_460 : vector<16xi32>
          %or3A_462 = arith.ori %shift_right_logical3A_458, %and3A_461 : vector<16xi32>
          %swap3A_463 = arith.index_cast %scan3A_164 : i32 to index
          %swap3A_464 = arith.constant 80 : index
          %swap3A_465 = tpu.vector_load %arg20[%swap3A_463, %swap3A_464] {strides = array<i32>} : memref<40x128xi32, #tpu.memory_space<vmem>>, vector<1x16xi32>,
          %swap3A_466 = vector.shape_cast %swap3A_465 : vector<1x16xi32> to vector<16xi32>
          %swap3A_467 = vector.shape_cast %or3A_462 : vector<16xi32> to vector<1x16xi32>
          tpu.vector_store %arg20[%swap3A_463, %swap3A_464], %swap3A_467 {strides = array<i32>} : memref<40x128xi32, #tpu.memory_space<vmem>>, vector<1x16xi32>,
          %get3A_468 = arith.index_cast %scan3A_164 : i32 to index
          %get3A_469 = arith.constant 96 : index
          %get3A_470 = tpu.vector_load %arg12[%get3A_468, %get3A_469] {strides = array<i32>} : memref<40x128xi32, #tpu.memory_space<vmem>>, vector<1x16xi32>,
          %get3A_471 = vector.shape_cast %get3A_470 : vector<1x16xi32> to vector<16xi32>
          %get3A_472 = arith.index_cast %scan3A_164 : i32 to index
          %get3A_473 = arith.constant 96 : index
          %get3A_474 = tpu.vector_load %arg18[%get3A_472, %get3A_473] {strides = array<i32>} : memref<40x128xi32, #tpu.memory_space<vmem>>, vector<1x16xi32>,
          %get3A_475 = vector.shape_cast %get3A_474 : vector<1x16xi32> to vector<16xi32>
          %shift_left3A_476 = arith.constant 16 : i32
          %shift_left3A_477 = vector.broadcast %shift_left3A_476 : i32 to vector<16xi32>
          %shift_left3A_478 = arith.shli %get3A_471, %shift_left3A_477 : vector<16xi32>
          %bitcast_convert_type3A_479 = tpu.bitcast %shift_left3A_478 : vector<16xi32> -> vector<16xf32>
          %shift_left3A_480 = arith.constant 16 : i32
          %shift_left3A_481 = vector.broadcast %shift_left3A_480 : i32 to vector<16xi32>
          %shift_left3A_482 = arith.shli %get3A_475, %shift_left3A_481 : vector<16xi32>
          %bitcast_convert_type3A_483 = tpu.bitcast %shift_left3A_482 : vector<16xi32> -> vector<16xf32>
          %sub3A_484 = arith.subf %bitcast_convert_type3A_479, %bitcast_convert_type3A_483 : vector<16xf32>
          %shift_right_arithmetic3A_485 = arith.constant 16 : i32
          %shift_right_arithmetic3A_486 = vector.broadcast %shift_right_arithmetic3A_485 : i32 to vector<16xi32>
          %shift_right_arithmetic3A_487 = arith.shrsi %get3A_471, %shift_right_arithmetic3A_486 : vector<16xi32>
          %shift_left3A_488 = arith.constant 16 : i32
          %shift_left3A_489 = vector.broadcast %shift_left3A_488 : i32 to vector<16xi32>
          %shift_left3A_490 = arith.shli %shift_right_arithmetic3A_487, %shift_left3A_489 : vector<16xi32>
          %bitcast_convert_type3A_491 = tpu.bitcast %shift_left3A_490 : vector<16xi32> -> vector<16xf32>
          %shift_right_arithmetic3A_492 = arith.constant 16 : i32
          %shift_right_arithmetic3A_493 = vector.broadcast %shift_right_arithmetic3A_492 : i32 to vector<16xi32>
          %shift_right_arithmetic3A_494 = arith.shrsi %get3A_475, %shift_right_arithmetic3A_493 : vector<16xi32>
          %shift_left3A_495 = arith.constant 16 : i32
          %shift_left3A_496 = vector.broadcast %shift_left3A_495 : i32 to vector<16xi32>
          %shift_left3A_497 = arith.shli %shift_right_arithmetic3A_494, %shift_left3A_496 : vector<16xi32>
          %bitcast_convert_type3A_498 = tpu.bitcast %shift_left3A_497 : vector<16xi32> -> vector<16xf32>
          %sub3A_499 = arith.subf %bitcast_convert_type3A_491, %bitcast_convert_type3A_498 : vector<16xf32>
          %bitcast_convert_type3A_500 = tpu.bitcast %sub3A_484 : vector<16xf32> -> vector<16xi32>
          %add3A_501 = arith.constant 32768 : i32
          %add3A_502 = vector.broadcast %add3A_501 : i32 to vector<16xi32>
          %add3A_503 = arith.addi %bitcast_convert_type3A_500, %add3A_502 : vector<16xi32>
          %bitcast_convert_type3A_504 = tpu.bitcast %sub3A_499 : vector<16xf32> -> vector<16xi32>
          %add3A_505 = arith.constant 32768 : i32
          %add3A_506 = vector.broadcast %add3A_505 : i32 to vector<16xi32>
          %add3A_507 = arith.addi %bitcast_convert_type3A_504, %add3A_506 : vector<16xi32>
          %shift_right_logical3A_508 = arith.constant 16 : i32
          %shift_right_logical3A_509 = vector.broadcast %shift_right_logical3A_508 : i32 to vector<16xi32>
          %shift_right_logical3A_510 = arith.shrui %add3A_503, %shift_right_logical3A_509 : vector<16xi32>
          %and3A_511 = arith.constant -65536 : i32
          %and3A_512 = vector.broadcast %and3A_511 : i32 to vector<16xi32>
          %and3A_513 = arith.andi %add3A_507, %and3A_512 : vector<16xi32>
          %or3A_514 = arith.ori %shift_right_logical3A_510, %and3A_513 : vector<16xi32>
          %swap3A_515 = arith.index_cast %scan3A_164 : i32 to index
          %swap3A_516 = arith.constant 96 : index
          %swap3A_517 = tpu.vector_load %arg20[%swap3A_515, %swap3A_516] {strides = array<i32>} : memref<40x128xi32, #tpu.memory_space<vmem>>, vector<1x16xi32>,
          %swap3A_518 = vector.shape_cast %swap3A_517 : vector<1x16xi32> to vector<16xi32>
          %swap3A_519 = vector.shape_cast %or3A_514 : vector<16xi32> to vector<1x16xi32>
          tpu.vector_store %arg20[%swap3A_515, %swap3A_516], %swap3A_519 {strides = array<i32>} : memref<40x128xi32, #tpu.memory_space<vmem>>, vector<1x16xi32>,
          %get3A_520 = arith.index_cast %scan3A_164 : i32 to index
          %get3A_521 = arith.constant 112 : index
          %get3A_522 = tpu.vector_load %arg12[%get3A_520, %get3A_521] {strides = array<i32>} : memref<40x128xi32, #tpu.memory_space<vmem>>, vector<1x16xi32>,
          %get3A_523 = vector.shape_cast %get3A_522 : vector<1x16xi32> to vector<16xi32>
          %get3A_524 = arith.index_cast %scan3A_164 : i32 to index
          %get3A_525 = arith.constant 112 : index
          %get3A_526 = tpu.vector_load %arg18[%get3A_524, %get3A_525] {strides = array<i32>} : memref<40x128xi32, #tpu.memory_space<vmem>>, vector<1x16xi32>,
          %get3A_527 = vector.shape_cast %get3A_526 : vector<1x16xi32> to vector<16xi32>
          %shift_left3A_528 = arith.constant 16 : i32
          %shift_left3A_529 = vector.broadcast %shift_left3A_528 : i32 to vector<16xi32>
          %shift_left3A_530 = arith.shli %get3A_523, %shift_left3A_529 : vector<16xi32>
          %bitcast_convert_type3A_531 = tpu.bitcast %shift_left3A_530 : vector<16xi32> -> vector<16xf32>
          %shift_left3A_532 = arith.constant 16 : i32
          %shift_left3A_533 = vector.broadcast %shift_left3A_532 : i32 to vector<16xi32>
          %shift_left3A_534 = arith.shli %get3A_527, %shift_left3A_533 : vector<16xi32>
          %bitcast_convert_type3A_535 = tpu.bitcast %shift_left3A_534 : vector<16xi32> -> vector<16xf32>
          %sub3A_536 = arith.subf %bitcast_convert_type3A_531, %bitcast_convert_type3A_535 : vector<16xf32>
          %shift_right_arithmetic3A_537 = arith.constant 16 : i32
          %shift_right_arithmetic3A_538 = vector.broadcast %shift_right_arithmetic3A_537 : i32 to vector<16xi32>
          %shift_right_arithmetic3A_539 = arith.shrsi %get3A_523, %shift_right_arithmetic3A_538 : vector<16xi32>
          %shift_left3A_540 = arith.constant 16 : i32
          %shift_left3A_541 = vector.broadcast %shift_left3A_540 : i32 to vector<16xi32>
          %shift_left3A_542 = arith.shli %shift_right_arithmetic3A_539, %shift_left3A_541 : vector<16xi32>
          %bitcast_convert_type3A_543 = tpu.bitcast %shift_left3A_542 : vector<16xi32> -> vector<16xf32>
          %shift_right_arithmetic3A_544 = arith.constant 16 : i32
          %shift_right_arithmetic3A_545 = vector.broadcast %shift_right_arithmetic3A_544 : i32 to vector<16xi32>
          %shift_right_arithmetic3A_546 = arith.shrsi %get3A_527, %shift_right_arithmetic3A_545 : vector<16xi32>
          %shift_left3A_547 = arith.constant 16 : i32
          %shift_left3A_548 = vector.broadcast %shift_left3A_547 : i32 to vector<16xi32>
          %shift_left3A_549 = arith.shli %shift_right_arithmetic3A_546, %shift_left3A_548 : vector<16xi32>
          %bitcast_convert_type3A_550 = tpu.bitcast %shift_left3A_549 : vector<16xi32> -> vector<16xf32>
          %sub3A_551 = arith.subf %bitcast_convert_type3A_543, %bitcast_convert_type3A_550 : vector<16xf32>
          %bitcast_convert_type3A_552 = tpu.bitcast %sub3A_536 : vector<16xf32> -> vector<16xi32>
          %add3A_553 = arith.constant 32768 : i32
          %add3A_554 = vector.broadcast %add3A_553 : i32 to vector<16xi32>
          %add3A_555 = arith.addi %bitcast_convert_type3A_552, %add3A_554 : vector<16xi32>
          %bitcast_convert_type3A_556 = tpu.bitcast %sub3A_551 : vector<16xf32> -> vector<16xi32>
          %add3A_557 = arith.constant 32768 : i32
          %add3A_558 = vector.broadcast %add3A_557 : i32 to vector<16xi32>
          %add3A_559 = arith.addi %bitcast_convert_type3A_556, %add3A_558 : vector<16xi32>
          %shift_right_logical3A_560 = arith.constant 16 : i32
          %shift_right_logical3A_561 = vector.broadcast %shift_right_logical3A_560 : i32 to vector<16xi32>
          %shift_right_logical3A_562 = arith.shrui %add3A_555, %shift_right_logical3A_561 : vector<16xi32>
          %and3A_563 = arith.constant -65536 : i32
          %and3A_564 = vector.broadcast %and3A_563 : i32 to vector<16xi32>
          %and3A_565 = arith.andi %add3A_559, %and3A_564 : vector<16xi32>
          %or3A_566 = arith.ori %shift_right_logical3A_562, %and3A_565 : vector<16xi32>
          %swap3A_567 = arith.index_cast %scan3A_164 : i32 to index
          %swap3A_568 = arith.constant 112 : index
          %swap3A_569 = tpu.vector_load %arg20[%swap3A_567, %swap3A_568] {strides = array<i32>} : memref<40x128xi32, #tpu.memory_space<vmem>>, vector<1x16xi32>,
          %swap3A_570 = vector.shape_cast %swap3A_569 : vector<1x16xi32> to vector<16xi32>
          %swap3A_571 = vector.shape_cast %or3A_566 : vector<16xi32> to vector<1x16xi32>
          tpu.vector_store %arg20[%swap3A_567, %swap3A_568], %swap3A_571 {strides = array<i32>} : memref<40x128xi32, #tpu.memory_space<vmem>>, vector<1x16xi32>,
        }
        %scan3A_149 = arith.constant 40 : i32
        %mul3A_150 = arith.constant 40 : i32
        %mul3A_151 = arith.muli %add3A_115, %mul3A_150 : i32
        %add3A_152 = arith.addi %mul3A_6, %mul3A_151 : i32
        %dma_start3A_153 = arith.constant 0 : i32
        %dma_start3A_154 = tpu.memref_slice %arg5[%add3A_152, %dma_start3A_153] : memref<160000x128xi32, #tpu.memory_space<hbm>> -> memref<40x128xi32, #tpu.memory_space<hbm>>
        %dma_start3A_155 = arith.constant 0 : i32
        %dma_start3A_156 = tpu.memref_slice %arg5[%add3A_152, %dma_start3A_155] : memref<160000x128xi32, #tpu.memory_space<hbm>> -> memref<40x128xi32, #tpu.memory_space<hbm>>
        tpu.enqueue_dma source(%arg20 : memref<40x128xi32, #tpu.memory_space<vmem>>) target(%dma_start3A_156 : memref<40x128xi32, #tpu.memory_space<hbm>>) target_semaphore(%arg28 : memref<!tpu.dma_semaphore, #tpu.memory_space<semaphore_mem>>)
        %add3A_157 = arith.constant 6 : i32
        %add3A_158 = arith.addi %add3A_115, %add3A_157 : i32
        %lt3A_159 = arith.constant 125 : i32
        %lt3A_160 = arith.cmpi slt, %add3A_158, %lt3A_159 : i32
        %convert_element_type3A_161 = arith.extui %lt3A_160 : i1 to i32
        %cond3A_162 = arith.constant 0 : i32
        %cond3A_163 = arith.cmpi ne, %convert_element_type3A_161, %cond3A_162 : i32
        scf.if %cond3A_163 {
          %add3A_164 = arith.constant 6 : i32
          %add3A_165 = arith.addi %add3A_115, %add3A_164 : i32
          %mul3A_166 = arith.constant 40 : i32
          %mul3A_167 = arith.muli %add3A_165, %mul3A_166 : i32
          %dma_start3A_168 = tpu.memref_slice %arg6[%mul3A_167] : memref<5000xi32, #tpu.memory_space<vmem>> -> memref<40xi32, #tpu.memory_space<vmem>>
          %dma_start3A_169 = arith.constant 0 : i32
          %dma_start3A_170 = arith.constant 0 : i32
          %dma_start3A_171 = tpu.memref_slice %arg2[%dma_start3A_169, %dma_start3A_170] : memref<10000x128xi32, #tpu.memory_space<hbm>> -> memref<10000x128xi32, #tpu.memory_space<hbm>>
          tpu.enqueue_indirect_dma source(%dma_start3A_171 : memref<10000x128xi32, #tpu.memory_space<hbm>>) target(%arg12 : memref<40x128xi32, #tpu.memory_space<vmem>>) offsets(%dma_start3A_168 : memref<40xi32, #tpu.memory_space<vmem>>) semaphore(%arg26 : memref<!tpu.dma_semaphore, #tpu.memory_space<semaphore_mem>>)
          %dma_start3A_172 = tpu.memref_slice %arg7[%mul3A_167] : memref<5000xi32, #tpu.memory_space<vmem>> -> memref<40xi32, #tpu.memory_space<vmem>>
          %dma_start3A_173 = arith.constant 0 : i32
          %dma_start3A_174 = arith.constant 0 : i32
          %dma_start3A_175 = tpu.memref_slice %arg2[%dma_start3A_173, %dma_start3A_174] : memref<10000x128xi32, #tpu.memory_space<hbm>> -> memref<10000x128xi32, #tpu.memory_space<hbm>>
          tpu.enqueue_indirect_dma source(%dma_start3A_175 : memref<10000x128xi32, #tpu.memory_space<hbm>>) target(%arg18 : memref<40x128xi32, #tpu.memory_space<vmem>>) offsets(%dma_start3A_172 : memref<40xi32, #tpu.memory_space<vmem>>) semaphore(%arg26 : memref<!tpu.dma_semaphore, #tpu.memory_space<semaphore_mem>>)
        } else {
        }
      } else {
      }
      %mul3A_121 = arith.constant 6 : i32
      %mul3A_122 = arith.muli %mul3A_121, %scan3A_78 : i32
      %add3A_123 = arith.constant 5 : i32
      %add3A_124 = arith.addi %mul3A_122, %add3A_123 : i32
      %lt3A_125 = arith.constant 125 : i32
      %lt3A_126 = arith.cmpi slt, %add3A_124, %lt3A_125 : i32
      %convert_element_type3A_127 = arith.extui %lt3A_126 : i1 to i32
      %cond3A_128 = arith.constant 0 : i32
      %cond3A_129 = arith.cmpi ne, %convert_element_type3A_127, %cond3A_128 : i32
      scf.if %cond3A_129 {
        %dma_wait3A_130 = arith.constant 0 : i32
        %dma_wait3A_131 = tpu.memref_slice %arg6[%dma_wait3A_130] : memref<5000xi32, #tpu.memory_space<vmem>> -> memref<40xi32, #tpu.memory_space<vmem>>
        %dma_wait3A_132 = arith.constant 0 : i32
        %dma_wait3A_133 = arith.constant 0 : i32
        %dma_wait3A_134 = tpu.memref_slice %arg2[%dma_wait3A_132, %dma_wait3A_133] : memref<10000x128xi32, #tpu.memory_space<hbm>> -> memref<10000x128xi32, #tpu.memory_space<hbm>>
        tpu.wait_indirect_dma semaphore(%arg27 : memref<!tpu.dma_semaphore, #tpu.memory_space<semaphore_mem>>) src(%dma_wait3A_134 : memref<10000x128xi32, #tpu.memory_space<hbm>>) dst(%arg13 : memref<40x128xi32, #tpu.memory_space<vmem>>)
        %dma_wait3A_135 = arith.constant 0 : i32
        %dma_wait3A_136 = tpu.memref_slice %arg7[%dma_wait3A_135] : memref<5000xi32, #tpu.memory_space<vmem>> -> memref<40xi32, #tpu.memory_space<vmem>>
        %dma_wait3A_137 = arith.constant 0 : i32
        %dma_wait3A_138 = arith.constant 0 : i32
        %dma_wait3A_139 = tpu.memref_slice %arg2[%dma_wait3A_137, %dma_wait3A_138] : memref<10000x128xi32, #tpu.memory_space<hbm>> -> memref<10000x128xi32, #tpu.memory_space<hbm>>
        tpu.wait_indirect_dma semaphore(%arg27 : memref<!tpu.dma_semaphore, #tpu.memory_space<semaphore_mem>>) src(%dma_wait3A_139 : memref<10000x128xi32, #tpu.memory_space<hbm>>) dst(%arg19 : memref<40x128xi32, #tpu.memory_space<vmem>>)
        %ge3A = arith.constant 2 : i32
        %ge3A_140 = arith.cmpi sge, %add3A_124, %ge3A : i32
        %convert_element_type3A_141 = arith.extui %ge3A_140 : i1 to i32
        %cond3A_142 = arith.constant 0 : i32
        %cond3A_143 = arith.cmpi ne, %convert_element_type3A_141, %cond3A_142 : i32
        scf.if %cond3A_143 {
          %dma_wait3A_164 = arith.constant 0 : i32
          %dma_wait3A_165 = tpu.memref_slice %arg5[%mul3A_6, %dma_wait3A_164] : memref<160000x128xi32, #tpu.memory_space<hbm>> -> memref<40x128xi32, #tpu.memory_space<hbm>>
          %dma_wait3A_166 = arith.constant 0 : i32
          %dma_wait3A_167 = tpu.memref_slice %arg5[%mul3A_6, %dma_wait3A_166] : memref<160000x128xi32, #tpu.memory_space<hbm>> -> memref<40x128xi32, #tpu.memory_space<hbm>>
          tpu.wait_dma2 semaphore(%arg29 : memref<!tpu.dma_semaphore, #tpu.memory_space<semaphore_mem>>) src(%arg21 : memref<40x128xi32, #tpu.memory_space<vmem>>) dst(%dma_wait3A_167 : memref<40x128xi32, #tpu.memory_space<hbm>>)
        } else {
        }
        %scan3A_144 = arith.constant 0 : i32
        %scan3A_145 = arith.constant 0 : i32
        %scan3A_146 = arith.constant 40 : i32
        %scan3A_147 = arith.addi %scan3A_145, %scan3A_146 : i32
        %scan3A_148 = arith.constant 1 : i32
        scf.for %scan3A_164 = %scan3A_145 to %scan3A_147 step %scan3A_148  : i32 {
          %get3A = arith.index_cast %scan3A_164 : i32 to index
          %get3A_165 = arith.constant 0 : index
          %get3A_166 = tpu.vector_load %arg13[%get3A, %get3A_165] {strides = array<i32>} : memref<40x128xi32, #tpu.memory_space<vmem>>, vector<1x16xi32>,
          %get3A_167 = vector.shape_cast %get3A_166 : vector<1x16xi32> to vector<16xi32>
          %get3A_168 = arith.index_cast %scan3A_164 : i32 to index
          %get3A_169 = arith.constant 0 : index
          %get3A_170 = tpu.vector_load %arg19[%get3A_168, %get3A_169] {strides = array<i32>} : memref<40x128xi32, #tpu.memory_space<vmem>>, vector<1x16xi32>,
          %get3A_171 = vector.shape_cast %get3A_170 : vector<1x16xi32> to vector<16xi32>
          %shift_left3A = arith.constant 16 : i32
          %shift_left3A_172 = vector.broadcast %shift_left3A : i32 to vector<16xi32>
          %shift_left3A_173 = arith.shli %get3A_167, %shift_left3A_172 : vector<16xi32>
          %bitcast_convert_type3A = tpu.bitcast %shift_left3A_173 : vector<16xi32> -> vector<16xf32>
          %shift_left3A_174 = arith.constant 16 : i32
          %shift_left3A_175 = vector.broadcast %shift_left3A_174 : i32 to vector<16xi32>
          %shift_left3A_176 = arith.shli %get3A_171, %shift_left3A_175 : vector<16xi32>
          %bitcast_convert_type3A_177 = tpu.bitcast %shift_left3A_176 : vector<16xi32> -> vector<16xf32>
          %sub3A = arith.subf %bitcast_convert_type3A, %bitcast_convert_type3A_177 : vector<16xf32>
          %shift_right_arithmetic3A = arith.constant 16 : i32
          %shift_right_arithmetic3A_178 = vector.broadcast %shift_right_arithmetic3A : i32 to vector<16xi32>
          %shift_right_arithmetic3A_179 = arith.shrsi %get3A_167, %shift_right_arithmetic3A_178 : vector<16xi32>
          %shift_left3A_180 = arith.constant 16 : i32
          %shift_left3A_181 = vector.broadcast %shift_left3A_180 : i32 to vector<16xi32>
          %shift_left3A_182 = arith.shli %shift_right_arithmetic3A_179, %shift_left3A_181 : vector<16xi32>
          %bitcast_convert_type3A_183 = tpu.bitcast %shift_left3A_182 : vector<16xi32> -> vector<16xf32>
          %shift_right_arithmetic3A_184 = arith.constant 16 : i32
          %shift_right_arithmetic3A_185 = vector.broadcast %shift_right_arithmetic3A_184 : i32 to vector<16xi32>
          %shift_right_arithmetic3A_186 = arith.shrsi %get3A_171, %shift_right_arithmetic3A_185 : vector<16xi32>
          %shift_left3A_187 = arith.constant 16 : i32
          %shift_left3A_188 = vector.broadcast %shift_left3A_187 : i32 to vector<16xi32>
          %shift_left3A_189 = arith.shli %shift_right_arithmetic3A_186, %shift_left3A_188 : vector<16xi32>
          %bitcast_convert_type3A_190 = tpu.bitcast %shift_left3A_189 : vector<16xi32> -> vector<16xf32>
          %sub3A_191 = arith.subf %bitcast_convert_type3A_183, %bitcast_convert_type3A_190 : vector<16xf32>
          %bitcast_convert_type3A_192 = tpu.bitcast %sub3A : vector<16xf32> -> vector<16xi32>
          %add3A_193 = arith.constant 32768 : i32
          %add3A_194 = vector.broadcast %add3A_193 : i32 to vector<16xi32>
          %add3A_195 = arith.addi %bitcast_convert_type3A_192, %add3A_194 : vector<16xi32>
          %bitcast_convert_type3A_196 = tpu.bitcast %sub3A_191 : vector<16xf32> -> vector<16xi32>
          %add3A_197 = arith.constant 32768 : i32
          %add3A_198 = vector.broadcast %add3A_197 : i32 to vector<16xi32>
          %add3A_199 = arith.addi %bitcast_convert_type3A_196, %add3A_198 : vector<16xi32>
          %shift_right_logical3A = arith.constant 16 : i32
          %shift_right_logical3A_200 = vector.broadcast %shift_right_logical3A : i32 to vector<16xi32>
          %shift_right_logical3A_201 = arith.shrui %add3A_195, %shift_right_logical3A_200 : vector<16xi32>
          %and3A = arith.constant -65536 : i32
          %and3A_202 = vector.broadcast %and3A : i32 to vector<16xi32>
          %and3A_203 = arith.andi %add3A_199, %and3A_202 : vector<16xi32>
          %or3A = arith.ori %shift_right_logical3A_201, %and3A_203 : vector<16xi32>
          %swap3A = arith.index_cast %scan3A_164 : i32 to index
          %swap3A_204 = arith.constant 0 : index
          %swap3A_205 = tpu.vector_load %arg21[%swap3A, %swap3A_204] {strides = array<i32>} : memref<40x128xi32, #tpu.memory_space<vmem>>, vector<1x16xi32>,
          %swap3A_206 = vector.shape_cast %swap3A_205 : vector<1x16xi32> to vector<16xi32>
          %swap3A_207 = vector.shape_cast %or3A : vector<16xi32> to vector<1x16xi32>
          tpu.vector_store %arg21[%swap3A, %swap3A_204], %swap3A_207 {strides = array<i32>} : memref<40x128xi32, #tpu.memory_space<vmem>>, vector<1x16xi32>,
          %get3A_208 = arith.index_cast %scan3A_164 : i32 to index
          %get3A_209 = arith.constant 16 : index
          %get3A_210 = tpu.vector_load %arg13[%get3A_208, %get3A_209] {strides = array<i32>} : memref<40x128xi32, #tpu.memory_space<vmem>>, vector<1x16xi32>,
          %get3A_211 = vector.shape_cast %get3A_210 : vector<1x16xi32> to vector<16xi32>
          %get3A_212 = arith.index_cast %scan3A_164 : i32 to index
          %get3A_213 = arith.constant 16 : index
          %get3A_214 = tpu.vector_load %arg19[%get3A_212, %get3A_213] {strides = array<i32>} : memref<40x128xi32, #tpu.memory_space<vmem>>, vector<1x16xi32>,
          %get3A_215 = vector.shape_cast %get3A_214 : vector<1x16xi32> to vector<16xi32>
          %shift_left3A_216 = arith.constant 16 : i32
          %shift_left3A_217 = vector.broadcast %shift_left3A_216 : i32 to vector<16xi32>
          %shift_left3A_218 = arith.shli %get3A_211, %shift_left3A_217 : vector<16xi32>
          %bitcast_convert_type3A_219 = tpu.bitcast %shift_left3A_218 : vector<16xi32> -> vector<16xf32>
          %shift_left3A_220 = arith.constant 16 : i32
          %shift_left3A_221 = vector.broadcast %shift_left3A_220 : i32 to vector<16xi32>
          %shift_left3A_222 = arith.shli %get3A_215, %shift_left3A_221 : vector<16xi32>
          %bitcast_convert_type3A_223 = tpu.bitcast %shift_left3A_222 : vector<16xi32> -> vector<16xf32>
          %sub3A_224 = arith.subf %bitcast_convert_type3A_219, %bitcast_convert_type3A_223 : vector<16xf32>
          %shift_right_arithmetic3A_225 = arith.constant 16 : i32
          %shift_right_arithmetic3A_226 = vector.broadcast %shift_right_arithmetic3A_225 : i32 to vector<16xi32>
          %shift_right_arithmetic3A_227 = arith.shrsi %get3A_211, %shift_right_arithmetic3A_226 : vector<16xi32>
          %shift_left3A_228 = arith.constant 16 : i32
          %shift_left3A_229 = vector.broadcast %shift_left3A_228 : i32 to vector<16xi32>
          %shift_left3A_230 = arith.shli %shift_right_arithmetic3A_227, %shift_left3A_229 : vector<16xi32>
          %bitcast_convert_type3A_231 = tpu.bitcast %shift_left3A_230 : vector<16xi32> -> vector<16xf32>
          %shift_right_arithmetic3A_232 = arith.constant 16 : i32
          %shift_right_arithmetic3A_233 = vector.broadcast %shift_right_arithmetic3A_232 : i32 to vector<16xi32>
          %shift_right_arithmetic3A_234 = arith.shrsi %get3A_215, %shift_right_arithmetic3A_233 : vector<16xi32>
          %shift_left3A_235 = arith.constant 16 : i32
          %shift_left3A_236 = vector.broadcast %shift_left3A_235 : i32 to vector<16xi32>
          %shift_left3A_237 = arith.shli %shift_right_arithmetic3A_234, %shift_left3A_236 : vector<16xi32>
          %bitcast_convert_type3A_238 = tpu.bitcast %shift_left3A_237 : vector<16xi32> -> vector<16xf32>
          %sub3A_239 = arith.subf %bitcast_convert_type3A_231, %bitcast_convert_type3A_238 : vector<16xf32>
          %bitcast_convert_type3A_240 = tpu.bitcast %sub3A_224 : vector<16xf32> -> vector<16xi32>
          %add3A_241 = arith.constant 32768 : i32
          %add3A_242 = vector.broadcast %add3A_241 : i32 to vector<16xi32>
          %add3A_243 = arith.addi %bitcast_convert_type3A_240, %add3A_242 : vector<16xi32>
          %bitcast_convert_type3A_244 = tpu.bitcast %sub3A_239 : vector<16xf32> -> vector<16xi32>
          %add3A_245 = arith.constant 32768 : i32
          %add3A_246 = vector.broadcast %add3A_245 : i32 to vector<16xi32>
          %add3A_247 = arith.addi %bitcast_convert_type3A_244, %add3A_246 : vector<16xi32>
          %shift_right_logical3A_248 = arith.constant 16 : i32
          %shift_right_logical3A_249 = vector.broadcast %shift_right_logical3A_248 : i32 to vector<16xi32>
          %shift_right_logical3A_250 = arith.shrui %add3A_243, %shift_right_logical3A_249 : vector<16xi32>
          %and3A_251 = arith.constant -65536 : i32
          %and3A_252 = vector.broadcast %and3A_251 : i32 to vector<16xi32>
          %and3A_253 = arith.andi %add3A_247, %and3A_252 : vector<16xi32>
          %or3A_254 = arith.ori %shift_right_logical3A_250, %and3A_253 : vector<16xi32>
          %swap3A_255 = arith.index_cast %scan3A_164 : i32 to index
          %swap3A_256 = arith.constant 16 : index
          %swap3A_257 = tpu.vector_load %arg21[%swap3A_255, %swap3A_256] {strides = array<i32>} : memref<40x128xi32, #tpu.memory_space<vmem>>, vector<1x16xi32>,
          %swap3A_258 = vector.shape_cast %swap3A_257 : vector<1x16xi32> to vector<16xi32>
          %swap3A_259 = vector.shape_cast %or3A_254 : vector<16xi32> to vector<1x16xi32>
          tpu.vector_store %arg21[%swap3A_255, %swap3A_256], %swap3A_259 {strides = array<i32>} : memref<40x128xi32, #tpu.memory_space<vmem>>, vector<1x16xi32>,
          %get3A_260 = arith.index_cast %scan3A_164 : i32 to index
          %get3A_261 = arith.constant 32 : index
          %get3A_262 = tpu.vector_load %arg13[%get3A_260, %get3A_261] {strides = array<i32>} : memref<40x128xi32, #tpu.memory_space<vmem>>, vector<1x16xi32>,
          %get3A_263 = vector.shape_cast %get3A_262 : vector<1x16xi32> to vector<16xi32>
          %get3A_264 = arith.index_cast %scan3A_164 : i32 to index
          %get3A_265 = arith.constant 32 : index
          %get3A_266 = tpu.vector_load %arg19[%get3A_264, %get3A_265] {strides = array<i32>} : memref<40x128xi32, #tpu.memory_space<vmem>>, vector<1x16xi32>,
          %get3A_267 = vector.shape_cast %get3A_266 : vector<1x16xi32> to vector<16xi32>
          %shift_left3A_268 = arith.constant 16 : i32
          %shift_left3A_269 = vector.broadcast %shift_left3A_268 : i32 to vector<16xi32>
          %shift_left3A_270 = arith.shli %get3A_263, %shift_left3A_269 : vector<16xi32>
          %bitcast_convert_type3A_271 = tpu.bitcast %shift_left3A_270 : vector<16xi32> -> vector<16xf32>
          %shift_left3A_272 = arith.constant 16 : i32
          %shift_left3A_273 = vector.broadcast %shift_left3A_272 : i32 to vector<16xi32>
          %shift_left3A_274 = arith.shli %get3A_267, %shift_left3A_273 : vector<16xi32>
          %bitcast_convert_type3A_275 = tpu.bitcast %shift_left3A_274 : vector<16xi32> -> vector<16xf32>
          %sub3A_276 = arith.subf %bitcast_convert_type3A_271, %bitcast_convert_type3A_275 : vector<16xf32>
          %shift_right_arithmetic3A_277 = arith.constant 16 : i32
          %shift_right_arithmetic3A_278 = vector.broadcast %shift_right_arithmetic3A_277 : i32 to vector<16xi32>
          %shift_right_arithmetic3A_279 = arith.shrsi %get3A_263, %shift_right_arithmetic3A_278 : vector<16xi32>
          %shift_left3A_280 = arith.constant 16 : i32
          %shift_left3A_281 = vector.broadcast %shift_left3A_280 : i32 to vector<16xi32>
          %shift_left3A_282 = arith.shli %shift_right_arithmetic3A_279, %shift_left3A_281 : vector<16xi32>
          %bitcast_convert_type3A_283 = tpu.bitcast %shift_left3A_282 : vector<16xi32> -> vector<16xf32>
          %shift_right_arithmetic3A_284 = arith.constant 16 : i32
          %shift_right_arithmetic3A_285 = vector.broadcast %shift_right_arithmetic3A_284 : i32 to vector<16xi32>
          %shift_right_arithmetic3A_286 = arith.shrsi %get3A_267, %shift_right_arithmetic3A_285 : vector<16xi32>
          %shift_left3A_287 = arith.constant 16 : i32
          %shift_left3A_288 = vector.broadcast %shift_left3A_287 : i32 to vector<16xi32>
          %shift_left3A_289 = arith.shli %shift_right_arithmetic3A_286, %shift_left3A_288 : vector<16xi32>
          %bitcast_convert_type3A_290 = tpu.bitcast %shift_left3A_289 : vector<16xi32> -> vector<16xf32>
          %sub3A_291 = arith.subf %bitcast_convert_type3A_283, %bitcast_convert_type3A_290 : vector<16xf32>
          %bitcast_convert_type3A_292 = tpu.bitcast %sub3A_276 : vector<16xf32> -> vector<16xi32>
          %add3A_293 = arith.constant 32768 : i32
          %add3A_294 = vector.broadcast %add3A_293 : i32 to vector<16xi32>
          %add3A_295 = arith.addi %bitcast_convert_type3A_292, %add3A_294 : vector<16xi32>
          %bitcast_convert_type3A_296 = tpu.bitcast %sub3A_291 : vector<16xf32> -> vector<16xi32>
          %add3A_297 = arith.constant 32768 : i32
          %add3A_298 = vector.broadcast %add3A_297 : i32 to vector<16xi32>
          %add3A_299 = arith.addi %bitcast_convert_type3A_296, %add3A_298 : vector<16xi32>
          %shift_right_logical3A_300 = arith.constant 16 : i32
          %shift_right_logical3A_301 = vector.broadcast %shift_right_logical3A_300 : i32 to vector<16xi32>
          %shift_right_logical3A_302 = arith.shrui %add3A_295, %shift_right_logical3A_301 : vector<16xi32>
          %and3A_303 = arith.constant -65536 : i32
          %and3A_304 = vector.broadcast %and3A_303 : i32 to vector<16xi32>
          %and3A_305 = arith.andi %add3A_299, %and3A_304 : vector<16xi32>
          %or3A_306 = arith.ori %shift_right_logical3A_302, %and3A_305 : vector<16xi32>
          %swap3A_307 = arith.index_cast %scan3A_164 : i32 to index
          %swap3A_308 = arith.constant 32 : index
          %swap3A_309 = tpu.vector_load %arg21[%swap3A_307, %swap3A_308] {strides = array<i32>} : memref<40x128xi32, #tpu.memory_space<vmem>>, vector<1x16xi32>,
          %swap3A_310 = vector.shape_cast %swap3A_309 : vector<1x16xi32> to vector<16xi32>
          %swap3A_311 = vector.shape_cast %or3A_306 : vector<16xi32> to vector<1x16xi32>
          tpu.vector_store %arg21[%swap3A_307, %swap3A_308], %swap3A_311 {strides = array<i32>} : memref<40x128xi32, #tpu.memory_space<vmem>>, vector<1x16xi32>,
          %get3A_312 = arith.index_cast %scan3A_164 : i32 to index
          %get3A_313 = arith.constant 48 : index
          %get3A_314 = tpu.vector_load %arg13[%get3A_312, %get3A_313] {strides = array<i32>} : memref<40x128xi32, #tpu.memory_space<vmem>>, vector<1x16xi32>,
          %get3A_315 = vector.shape_cast %get3A_314 : vector<1x16xi32> to vector<16xi32>
          %get3A_316 = arith.index_cast %scan3A_164 : i32 to index
          %get3A_317 = arith.constant 48 : index
          %get3A_318 = tpu.vector_load %arg19[%get3A_316, %get3A_317] {strides = array<i32>} : memref<40x128xi32, #tpu.memory_space<vmem>>, vector<1x16xi32>,
          %get3A_319 = vector.shape_cast %get3A_318 : vector<1x16xi32> to vector<16xi32>
          %shift_left3A_320 = arith.constant 16 : i32
          %shift_left3A_321 = vector.broadcast %shift_left3A_320 : i32 to vector<16xi32>
          %shift_left3A_322 = arith.shli %get3A_315, %shift_left3A_321 : vector<16xi32>
          %bitcast_convert_type3A_323 = tpu.bitcast %shift_left3A_322 : vector<16xi32> -> vector<16xf32>
          %shift_left3A_324 = arith.constant 16 : i32
          %shift_left3A_325 = vector.broadcast %shift_left3A_324 : i32 to vector<16xi32>
          %shift_left3A_326 = arith.shli %get3A_319, %shift_left3A_325 : vector<16xi32>
          %bitcast_convert_type3A_327 = tpu.bitcast %shift_left3A_326 : vector<16xi32> -> vector<16xf32>
          %sub3A_328 = arith.subf %bitcast_convert_type3A_323, %bitcast_convert_type3A_327 : vector<16xf32>
          %shift_right_arithmetic3A_329 = arith.constant 16 : i32
          %shift_right_arithmetic3A_330 = vector.broadcast %shift_right_arithmetic3A_329 : i32 to vector<16xi32>
          %shift_right_arithmetic3A_331 = arith.shrsi %get3A_315, %shift_right_arithmetic3A_330 : vector<16xi32>
          %shift_left3A_332 = arith.constant 16 : i32
          %shift_left3A_333 = vector.broadcast %shift_left3A_332 : i32 to vector<16xi32>
          %shift_left3A_334 = arith.shli %shift_right_arithmetic3A_331, %shift_left3A_333 : vector<16xi32>
          %bitcast_convert_type3A_335 = tpu.bitcast %shift_left3A_334 : vector<16xi32> -> vector<16xf32>
          %shift_right_arithmetic3A_336 = arith.constant 16 : i32
          %shift_right_arithmetic3A_337 = vector.broadcast %shift_right_arithmetic3A_336 : i32 to vector<16xi32>
          %shift_right_arithmetic3A_338 = arith.shrsi %get3A_319, %shift_right_arithmetic3A_337 : vector<16xi32>
          %shift_left3A_339 = arith.constant 16 : i32
          %shift_left3A_340 = vector.broadcast %shift_left3A_339 : i32 to vector<16xi32>
          %shift_left3A_341 = arith.shli %shift_right_arithmetic3A_338, %shift_left3A_340 : vector<16xi32>
          %bitcast_convert_type3A_342 = tpu.bitcast %shift_left3A_341 : vector<16xi32> -> vector<16xf32>
          %sub3A_343 = arith.subf %bitcast_convert_type3A_335, %bitcast_convert_type3A_342 : vector<16xf32>
          %bitcast_convert_type3A_344 = tpu.bitcast %sub3A_328 : vector<16xf32> -> vector<16xi32>
          %add3A_345 = arith.constant 32768 : i32
          %add3A_346 = vector.broadcast %add3A_345 : i32 to vector<16xi32>
          %add3A_347 = arith.addi %bitcast_convert_type3A_344, %add3A_346 : vector<16xi32>
          %bitcast_convert_type3A_348 = tpu.bitcast %sub3A_343 : vector<16xf32> -> vector<16xi32>
          %add3A_349 = arith.constant 32768 : i32
          %add3A_350 = vector.broadcast %add3A_349 : i32 to vector<16xi32>
          %add3A_351 = arith.addi %bitcast_convert_type3A_348, %add3A_350 : vector<16xi32>
          %shift_right_logical3A_352 = arith.constant 16 : i32
          %shift_right_logical3A_353 = vector.broadcast %shift_right_logical3A_352 : i32 to vector<16xi32>
          %shift_right_logical3A_354 = arith.shrui %add3A_347, %shift_right_logical3A_353 : vector<16xi32>
          %and3A_355 = arith.constant -65536 : i32
          %and3A_356 = vector.broadcast %and3A_355 : i32 to vector<16xi32>
          %and3A_357 = arith.andi %add3A_351, %and3A_356 : vector<16xi32>
          %or3A_358 = arith.ori %shift_right_logical3A_354, %and3A_357 : vector<16xi32>
          %swap3A_359 = arith.index_cast %scan3A_164 : i32 to index
          %swap3A_360 = arith.constant 48 : index
          %swap3A_361 = tpu.vector_load %arg21[%swap3A_359, %swap3A_360] {strides = array<i32>} : memref<40x128xi32, #tpu.memory_space<vmem>>, vector<1x16xi32>,
          %swap3A_362 = vector.shape_cast %swap3A_361 : vector<1x16xi32> to vector<16xi32>
          %swap3A_363 = vector.shape_cast %or3A_358 : vector<16xi32> to vector<1x16xi32>
          tpu.vector_store %arg21[%swap3A_359, %swap3A_360], %swap3A_363 {strides = array<i32>} : memref<40x128xi32, #tpu.memory_space<vmem>>, vector<1x16xi32>,
          %get3A_364 = arith.index_cast %scan3A_164 : i32 to index
          %get3A_365 = arith.constant 64 : index
          %get3A_366 = tpu.vector_load %arg13[%get3A_364, %get3A_365] {strides = array<i32>} : memref<40x128xi32, #tpu.memory_space<vmem>>, vector<1x16xi32>,
          %get3A_367 = vector.shape_cast %get3A_366 : vector<1x16xi32> to vector<16xi32>
          %get3A_368 = arith.index_cast %scan3A_164 : i32 to index
          %get3A_369 = arith.constant 64 : index
          %get3A_370 = tpu.vector_load %arg19[%get3A_368, %get3A_369] {strides = array<i32>} : memref<40x128xi32, #tpu.memory_space<vmem>>, vector<1x16xi32>,
          %get3A_371 = vector.shape_cast %get3A_370 : vector<1x16xi32> to vector<16xi32>
          %shift_left3A_372 = arith.constant 16 : i32
          %shift_left3A_373 = vector.broadcast %shift_left3A_372 : i32 to vector<16xi32>
          %shift_left3A_374 = arith.shli %get3A_367, %shift_left3A_373 : vector<16xi32>
          %bitcast_convert_type3A_375 = tpu.bitcast %shift_left3A_374 : vector<16xi32> -> vector<16xf32>
          %shift_left3A_376 = arith.constant 16 : i32
          %shift_left3A_377 = vector.broadcast %shift_left3A_376 : i32 to vector<16xi32>
          %shift_left3A_378 = arith.shli %get3A_371, %shift_left3A_377 : vector<16xi32>
          %bitcast_convert_type3A_379 = tpu.bitcast %shift_left3A_378 : vector<16xi32> -> vector<16xf32>
          %sub3A_380 = arith.subf %bitcast_convert_type3A_375, %bitcast_convert_type3A_379 : vector<16xf32>
          %shift_right_arithmetic3A_381 = arith.constant 16 : i32
          %shift_right_arithmetic3A_382 = vector.broadcast %shift_right_arithmetic3A_381 : i32 to vector<16xi32>
          %shift_right_arithmetic3A_383 = arith.shrsi %get3A_367, %shift_right_arithmetic3A_382 : vector<16xi32>
          %shift_left3A_384 = arith.constant 16 : i32
          %shift_left3A_385 = vector.broadcast %shift_left3A_384 : i32 to vector<16xi32>
          %shift_left3A_386 = arith.shli %shift_right_arithmetic3A_383, %shift_left3A_385 : vector<16xi32>
          %bitcast_convert_type3A_387 = tpu.bitcast %shift_left3A_386 : vector<16xi32> -> vector<16xf32>
          %shift_right_arithmetic3A_388 = arith.constant 16 : i32
          %shift_right_arithmetic3A_389 = vector.broadcast %shift_right_arithmetic3A_388 : i32 to vector<16xi32>
          %shift_right_arithmetic3A_390 = arith.shrsi %get3A_371, %shift_right_arithmetic3A_389 : vector<16xi32>
          %shift_left3A_391 = arith.constant 16 : i32
          %shift_left3A_392 = vector.broadcast %shift_left3A_391 : i32 to vector<16xi32>
          %shift_left3A_393 = arith.shli %shift_right_arithmetic3A_390, %shift_left3A_392 : vector<16xi32>
          %bitcast_convert_type3A_394 = tpu.bitcast %shift_left3A_393 : vector<16xi32> -> vector<16xf32>
          %sub3A_395 = arith.subf %bitcast_convert_type3A_387, %bitcast_convert_type3A_394 : vector<16xf32>
          %bitcast_convert_type3A_396 = tpu.bitcast %sub3A_380 : vector<16xf32> -> vector<16xi32>
          %add3A_397 = arith.constant 32768 : i32
          %add3A_398 = vector.broadcast %add3A_397 : i32 to vector<16xi32>
          %add3A_399 = arith.addi %bitcast_convert_type3A_396, %add3A_398 : vector<16xi32>
          %bitcast_convert_type3A_400 = tpu.bitcast %sub3A_395 : vector<16xf32> -> vector<16xi32>
          %add3A_401 = arith.constant 32768 : i32
          %add3A_402 = vector.broadcast %add3A_401 : i32 to vector<16xi32>
          %add3A_403 = arith.addi %bitcast_convert_type3A_400, %add3A_402 : vector<16xi32>
          %shift_right_logical3A_404 = arith.constant 16 : i32
          %shift_right_logical3A_405 = vector.broadcast %shift_right_logical3A_404 : i32 to vector<16xi32>
          %shift_right_logical3A_406 = arith.shrui %add3A_399, %shift_right_logical3A_405 : vector<16xi32>
          %and3A_407 = arith.constant -65536 : i32
          %and3A_408 = vector.broadcast %and3A_407 : i32 to vector<16xi32>
          %and3A_409 = arith.andi %add3A_403, %and3A_408 : vector<16xi32>
          %or3A_410 = arith.ori %shift_right_logical3A_406, %and3A_409 : vector<16xi32>
          %swap3A_411 = arith.index_cast %scan3A_164 : i32 to index
          %swap3A_412 = arith.constant 64 : index
          %swap3A_413 = tpu.vector_load %arg21[%swap3A_411, %swap3A_412] {strides = array<i32>} : memref<40x128xi32, #tpu.memory_space<vmem>>, vector<1x16xi32>,
          %swap3A_414 = vector.shape_cast %swap3A_413 : vector<1x16xi32> to vector<16xi32>
          %swap3A_415 = vector.shape_cast %or3A_410 : vector<16xi32> to vector<1x16xi32>
          tpu.vector_store %arg21[%swap3A_411, %swap3A_412], %swap3A_415 {strides = array<i32>} : memref<40x128xi32, #tpu.memory_space<vmem>>, vector<1x16xi32>,
          %get3A_416 = arith.index_cast %scan3A_164 : i32 to index
          %get3A_417 = arith.constant 80 : index
          %get3A_418 = tpu.vector_load %arg13[%get3A_416, %get3A_417] {strides = array<i32>} : memref<40x128xi32, #tpu.memory_space<vmem>>, vector<1x16xi32>,
          %get3A_419 = vector.shape_cast %get3A_418 : vector<1x16xi32> to vector<16xi32>
          %get3A_420 = arith.index_cast %scan3A_164 : i32 to index
          %get3A_421 = arith.constant 80 : index
          %get3A_422 = tpu.vector_load %arg19[%get3A_420, %get3A_421] {strides = array<i32>} : memref<40x128xi32, #tpu.memory_space<vmem>>, vector<1x16xi32>,
          %get3A_423 = vector.shape_cast %get3A_422 : vector<1x16xi32> to vector<16xi32>
          %shift_left3A_424 = arith.constant 16 : i32
          %shift_left3A_425 = vector.broadcast %shift_left3A_424 : i32 to vector<16xi32>
          %shift_left3A_426 = arith.shli %get3A_419, %shift_left3A_425 : vector<16xi32>
          %bitcast_convert_type3A_427 = tpu.bitcast %shift_left3A_426 : vector<16xi32> -> vector<16xf32>
          %shift_left3A_428 = arith.constant 16 : i32
          %shift_left3A_429 = vector.broadcast %shift_left3A_428 : i32 to vector<16xi32>
          %shift_left3A_430 = arith.shli %get3A_423, %shift_left3A_429 : vector<16xi32>
          %bitcast_convert_type3A_431 = tpu.bitcast %shift_left3A_430 : vector<16xi32> -> vector<16xf32>
          %sub3A_432 = arith.subf %bitcast_convert_type3A_427, %bitcast_convert_type3A_431 : vector<16xf32>
          %shift_right_arithmetic3A_433 = arith.constant 16 : i32
          %shift_right_arithmetic3A_434 = vector.broadcast %shift_right_arithmetic3A_433 : i32 to vector<16xi32>
          %shift_right_arithmetic3A_435 = arith.shrsi %get3A_419, %shift_right_arithmetic3A_434 : vector<16xi32>
          %shift_left3A_436 = arith.constant 16 : i32
          %shift_left3A_437 = vector.broadcast %shift_left3A_436 : i32 to vector<16xi32>
          %shift_left3A_438 = arith.shli %shift_right_arithmetic3A_435, %shift_left3A_437 : vector<16xi32>
          %bitcast_convert_type3A_439 = tpu.bitcast %shift_left3A_438 : vector<16xi32> -> vector<16xf32>
          %shift_right_arithmetic3A_440 = arith.constant 16 : i32
          %shift_right_arithmetic3A_441 = vector.broadcast %shift_right_arithmetic3A_440 : i32 to vector<16xi32>
          %shift_right_arithmetic3A_442 = arith.shrsi %get3A_423, %shift_right_arithmetic3A_441 : vector<16xi32>
          %shift_left3A_443 = arith.constant 16 : i32
          %shift_left3A_444 = vector.broadcast %shift_left3A_443 : i32 to vector<16xi32>
          %shift_left3A_445 = arith.shli %shift_right_arithmetic3A_442, %shift_left3A_444 : vector<16xi32>
          %bitcast_convert_type3A_446 = tpu.bitcast %shift_left3A_445 : vector<16xi32> -> vector<16xf32>
          %sub3A_447 = arith.subf %bitcast_convert_type3A_439, %bitcast_convert_type3A_446 : vector<16xf32>
          %bitcast_convert_type3A_448 = tpu.bitcast %sub3A_432 : vector<16xf32> -> vector<16xi32>
          %add3A_449 = arith.constant 32768 : i32
          %add3A_450 = vector.broadcast %add3A_449 : i32 to vector<16xi32>
          %add3A_451 = arith.addi %bitcast_convert_type3A_448, %add3A_450 : vector<16xi32>
          %bitcast_convert_type3A_452 = tpu.bitcast %sub3A_447 : vector<16xf32> -> vector<16xi32>
          %add3A_453 = arith.constant 32768 : i32
          %add3A_454 = vector.broadcast %add3A_453 : i32 to vector<16xi32>
          %add3A_455 = arith.addi %bitcast_convert_type3A_452, %add3A_454 : vector<16xi32>
          %shift_right_logical3A_456 = arith.constant 16 : i32
          %shift_right_logical3A_457 = vector.broadcast %shift_right_logical3A_456 : i32 to vector<16xi32>
          %shift_right_logical3A_458 = arith.shrui %add3A_451, %shift_right_logical3A_457 : vector<16xi32>
          %and3A_459 = arith.constant -65536 : i32
          %and3A_460 = vector.broadcast %and3A_459 : i32 to vector<16xi32>
          %and3A_461 = arith.andi %add3A_455, %and3A_460 : vector<16xi32>
          %or3A_462 = arith.ori %shift_right_logical3A_458, %and3A_461 : vector<16xi32>
          %swap3A_463 = arith.index_cast %scan3A_164 : i32 to index
          %swap3A_464 = arith.constant 80 : index
          %swap3A_465 = tpu.vector_load %arg21[%swap3A_463, %swap3A_464] {strides = array<i32>} : memref<40x128xi32, #tpu.memory_space<vmem>>, vector<1x16xi32>,
          %swap3A_466 = vector.shape_cast %swap3A_465 : vector<1x16xi32> to vector<16xi32>
          %swap3A_467 = vector.shape_cast %or3A_462 : vector<16xi32> to vector<1x16xi32>
          tpu.vector_store %arg21[%swap3A_463, %swap3A_464], %swap3A_467 {strides = array<i32>} : memref<40x128xi32, #tpu.memory_space<vmem>>, vector<1x16xi32>,
          %get3A_468 = arith.index_cast %scan3A_164 : i32 to index
          %get3A_469 = arith.constant 96 : index
          %get3A_470 = tpu.vector_load %arg13[%get3A_468, %get3A_469] {strides = array<i32>} : memref<40x128xi32, #tpu.memory_space<vmem>>, vector<1x16xi32>,
          %get3A_471 = vector.shape_cast %get3A_470 : vector<1x16xi32> to vector<16xi32>
          %get3A_472 = arith.index_cast %scan3A_164 : i32 to index
          %get3A_473 = arith.constant 96 : index
          %get3A_474 = tpu.vector_load %arg19[%get3A_472, %get3A_473] {strides = array<i32>} : memref<40x128xi32, #tpu.memory_space<vmem>>, vector<1x16xi32>,
          %get3A_475 = vector.shape_cast %get3A_474 : vector<1x16xi32> to vector<16xi32>
          %shift_left3A_476 = arith.constant 16 : i32
          %shift_left3A_477 = vector.broadcast %shift_left3A_476 : i32 to vector<16xi32>
          %shift_left3A_478 = arith.shli %get3A_471, %shift_left3A_477 : vector<16xi32>
          %bitcast_convert_type3A_479 = tpu.bitcast %shift_left3A_478 : vector<16xi32> -> vector<16xf32>
          %shift_left3A_480 = arith.constant 16 : i32
          %shift_left3A_481 = vector.broadcast %shift_left3A_480 : i32 to vector<16xi32>
          %shift_left3A_482 = arith.shli %get3A_475, %shift_left3A_481 : vector<16xi32>
          %bitcast_convert_type3A_483 = tpu.bitcast %shift_left3A_482 : vector<16xi32> -> vector<16xf32>
          %sub3A_484 = arith.subf %bitcast_convert_type3A_479, %bitcast_convert_type3A_483 : vector<16xf32>
          %shift_right_arithmetic3A_485 = arith.constant 16 : i32
          %shift_right_arithmetic3A_486 = vector.broadcast %shift_right_arithmetic3A_485 : i32 to vector<16xi32>
          %shift_right_arithmetic3A_487 = arith.shrsi %get3A_471, %shift_right_arithmetic3A_486 : vector<16xi32>
          %shift_left3A_488 = arith.constant 16 : i32
          %shift_left3A_489 = vector.broadcast %shift_left3A_488 : i32 to vector<16xi32>
          %shift_left3A_490 = arith.shli %shift_right_arithmetic3A_487, %shift_left3A_489 : vector<16xi32>
          %bitcast_convert_type3A_491 = tpu.bitcast %shift_left3A_490 : vector<16xi32> -> vector<16xf32>
          %shift_right_arithmetic3A_492 = arith.constant 16 : i32
          %shift_right_arithmetic3A_493 = vector.broadcast %shift_right_arithmetic3A_492 : i32 to vector<16xi32>
          %shift_right_arithmetic3A_494 = arith.shrsi %get3A_475, %shift_right_arithmetic3A_493 : vector<16xi32>
          %shift_left3A_495 = arith.constant 16 : i32
          %shift_left3A_496 = vector.broadcast %shift_left3A_495 : i32 to vector<16xi32>
          %shift_left3A_497 = arith.shli %shift_right_arithmetic3A_494, %shift_left3A_496 : vector<16xi32>
          %bitcast_convert_type3A_498 = tpu.bitcast %shift_left3A_497 : vector<16xi32> -> vector<16xf32>
          %sub3A_499 = arith.subf %bitcast_convert_type3A_491, %bitcast_convert_type3A_498 : vector<16xf32>
          %bitcast_convert_type3A_500 = tpu.bitcast %sub3A_484 : vector<16xf32> -> vector<16xi32>
          %add3A_501 = arith.constant 32768 : i32
          %add3A_502 = vector.broadcast %add3A_501 : i32 to vector<16xi32>
          %add3A_503 = arith.addi %bitcast_convert_type3A_500, %add3A_502 : vector<16xi32>
          %bitcast_convert_type3A_504 = tpu.bitcast %sub3A_499 : vector<16xf32> -> vector<16xi32>
          %add3A_505 = arith.constant 32768 : i32
          %add3A_506 = vector.broadcast %add3A_505 : i32 to vector<16xi32>
          %add3A_507 = arith.addi %bitcast_convert_type3A_504, %add3A_506 : vector<16xi32>
          %shift_right_logical3A_508 = arith.constant 16 : i32
          %shift_right_logical3A_509 = vector.broadcast %shift_right_logical3A_508 : i32 to vector<16xi32>
          %shift_right_logical3A_510 = arith.shrui %add3A_503, %shift_right_logical3A_509 : vector<16xi32>
          %and3A_511 = arith.constant -65536 : i32
          %and3A_512 = vector.broadcast %and3A_511 : i32 to vector<16xi32>
          %and3A_513 = arith.andi %add3A_507, %and3A_512 : vector<16xi32>
          %or3A_514 = arith.ori %shift_right_logical3A_510, %and3A_513 : vector<16xi32>
          %swap3A_515 = arith.index_cast %scan3A_164 : i32 to index
          %swap3A_516 = arith.constant 96 : index
          %swap3A_517 = tpu.vector_load %arg21[%swap3A_515, %swap3A_516] {strides = array<i32>} : memref<40x128xi32, #tpu.memory_space<vmem>>, vector<1x16xi32>,
          %swap3A_518 = vector.shape_cast %swap3A_517 : vector<1x16xi32> to vector<16xi32>
          %swap3A_519 = vector.shape_cast %or3A_514 : vector<16xi32> to vector<1x16xi32>
          tpu.vector_store %arg21[%swap3A_515, %swap3A_516], %swap3A_519 {strides = array<i32>} : memref<40x128xi32, #tpu.memory_space<vmem>>, vector<1x16xi32>,
          %get3A_520 = arith.index_cast %scan3A_164 : i32 to index
          %get3A_521 = arith.constant 112 : index
          %get3A_522 = tpu.vector_load %arg13[%get3A_520, %get3A_521] {strides = array<i32>} : memref<40x128xi32, #tpu.memory_space<vmem>>, vector<1x16xi32>,
          %get3A_523 = vector.shape_cast %get3A_522 : vector<1x16xi32> to vector<16xi32>
          %get3A_524 = arith.index_cast %scan3A_164 : i32 to index
          %get3A_525 = arith.constant 112 : index
          %get3A_526 = tpu.vector_load %arg19[%get3A_524, %get3A_525] {strides = array<i32>} : memref<40x128xi32, #tpu.memory_space<vmem>>, vector<1x16xi32>,
          %get3A_527 = vector.shape_cast %get3A_526 : vector<1x16xi32> to vector<16xi32>
          %shift_left3A_528 = arith.constant 16 : i32
          %shift_left3A_529 = vector.broadcast %shift_left3A_528 : i32 to vector<16xi32>
          %shift_left3A_530 = arith.shli %get3A_523, %shift_left3A_529 : vector<16xi32>
          %bitcast_convert_type3A_531 = tpu.bitcast %shift_left3A_530 : vector<16xi32> -> vector<16xf32>
          %shift_left3A_532 = arith.constant 16 : i32
          %shift_left3A_533 = vector.broadcast %shift_left3A_532 : i32 to vector<16xi32>
          %shift_left3A_534 = arith.shli %get3A_527, %shift_left3A_533 : vector<16xi32>
          %bitcast_convert_type3A_535 = tpu.bitcast %shift_left3A_534 : vector<16xi32> -> vector<16xf32>
          %sub3A_536 = arith.subf %bitcast_convert_type3A_531, %bitcast_convert_type3A_535 : vector<16xf32>
          %shift_right_arithmetic3A_537 = arith.constant 16 : i32
          %shift_right_arithmetic3A_538 = vector.broadcast %shift_right_arithmetic3A_537 : i32 to vector<16xi32>
          %shift_right_arithmetic3A_539 = arith.shrsi %get3A_523, %shift_right_arithmetic3A_538 : vector<16xi32>
          %shift_left3A_540 = arith.constant 16 : i32
          %shift_left3A_541 = vector.broadcast %shift_left3A_540 : i32 to vector<16xi32>
          %shift_left3A_542 = arith.shli %shift_right_arithmetic3A_539, %shift_left3A_541 : vector<16xi32>
          %bitcast_convert_type3A_543 = tpu.bitcast %shift_left3A_542 : vector<16xi32> -> vector<16xf32>
          %shift_right_arithmetic3A_544 = arith.constant 16 : i32
          %shift_right_arithmetic3A_545 = vector.broadcast %shift_right_arithmetic3A_544 : i32 to vector<16xi32>
          %shift_right_arithmetic3A_546 = arith.shrsi %get3A_527, %shift_right_arithmetic3A_545 : vector<16xi32>
          %shift_left3A_547 = arith.constant 16 : i32
          %shift_left3A_548 = vector.broadcast %shift_left3A_547 : i32 to vector<16xi32>
          %shift_left3A_549 = arith.shli %shift_right_arithmetic3A_546, %shift_left3A_548 : vector<16xi32>
          %bitcast_convert_type3A_550 = tpu.bitcast %shift_left3A_549 : vector<16xi32> -> vector<16xf32>
          %sub3A_551 = arith.subf %bitcast_convert_type3A_543, %bitcast_convert_type3A_550 : vector<16xf32>
          %bitcast_convert_type3A_552 = tpu.bitcast %sub3A_536 : vector<16xf32> -> vector<16xi32>
          %add3A_553 = arith.constant 32768 : i32
          %add3A_554 = vector.broadcast %add3A_553 : i32 to vector<16xi32>
          %add3A_555 = arith.addi %bitcast_convert_type3A_552, %add3A_554 : vector<16xi32>
          %bitcast_convert_type3A_556 = tpu.bitcast %sub3A_551 : vector<16xf32> -> vector<16xi32>
          %add3A_557 = arith.constant 32768 : i32
          %add3A_558 = vector.broadcast %add3A_557 : i32 to vector<16xi32>
          %add3A_559 = arith.addi %bitcast_convert_type3A_556, %add3A_558 : vector<16xi32>
          %shift_right_logical3A_560 = arith.constant 16 : i32
          %shift_right_logical3A_561 = vector.broadcast %shift_right_logical3A_560 : i32 to vector<16xi32>
          %shift_right_logical3A_562 = arith.shrui %add3A_555, %shift_right_logical3A_561 : vector<16xi32>
          %and3A_563 = arith.constant -65536 : i32
          %and3A_564 = vector.broadcast %and3A_563 : i32 to vector<16xi32>
          %and3A_565 = arith.andi %add3A_559, %and3A_564 : vector<16xi32>
          %or3A_566 = arith.ori %shift_right_logical3A_562, %and3A_565 : vector<16xi32>
          %swap3A_567 = arith.index_cast %scan3A_164 : i32 to index
          %swap3A_568 = arith.constant 112 : index
          %swap3A_569 = tpu.vector_load %arg21[%swap3A_567, %swap3A_568] {strides = array<i32>} : memref<40x128xi32, #tpu.memory_space<vmem>>, vector<1x16xi32>,
          %swap3A_570 = vector.shape_cast %swap3A_569 : vector<1x16xi32> to vector<16xi32>
          %swap3A_571 = vector.shape_cast %or3A_566 : vector<16xi32> to vector<1x16xi32>
          tpu.vector_store %arg21[%swap3A_567, %swap3A_568], %swap3A_571 {strides = array<i32>} : memref<40x128xi32, #tpu.memory_space<vmem>>, vector<1x16xi32>,
        }
        %scan3A_149 = arith.constant 40 : i32
        %mul3A_150 = arith.constant 40 : i32
        %mul3A_151 = arith.muli %add3A_124, %mul3A_150 : i32
        %add3A_152 = arith.addi %mul3A_6, %mul3A_151 : i32
        %dma_start3A_153 = arith.constant 0 : i32
        %dma_start3A_154 = tpu.memref_slice %arg5[%add3A_152, %dma_start3A_153] : memref<160000x128xi32, #tpu.memory_space<hbm>> -> memref<40x128xi32, #tpu.memory_space<hbm>>
        %dma_start3A_155 = arith.constant 0 : i32
        %dma_start3A_156 = tpu.memref_slice %arg5[%add3A_152, %dma_start3A_155] : memref<160000x128xi32, #tpu.memory_space<hbm>> -> memref<40x128xi32, #tpu.memory_space<hbm>>
        tpu.enqueue_dma source(%arg21 : memref<40x128xi32, #tpu.memory_space<vmem>>) target(%dma_start3A_156 : memref<40x128xi32, #tpu.memory_space<hbm>>) target_semaphore(%arg29 : memref<!tpu.dma_semaphore, #tpu.memory_space<semaphore_mem>>)
        %add3A_157 = arith.constant 6 : i32
        %add3A_158 = arith.addi %add3A_124, %add3A_157 : i32
        %lt3A_159 = arith.constant 125 : i32
        %lt3A_160 = arith.cmpi slt, %add3A_158, %lt3A_159 : i32
        %convert_element_type3A_161 = arith.extui %lt3A_160 : i1 to i32
        %cond3A_162 = arith.constant 0 : i32
        %cond3A_163 = arith.cmpi ne, %convert_element_type3A_161, %cond3A_162 : i32
        scf.if %cond3A_163 {
          %add3A_164 = arith.constant 6 : i32
          %add3A_165 = arith.addi %add3A_124, %add3A_164 : i32
          %mul3A_166 = arith.constant 40 : i32
          %mul3A_167 = arith.muli %add3A_165, %mul3A_166 : i32
          %dma_start3A_168 = tpu.memref_slice %arg6[%mul3A_167] : memref<5000xi32, #tpu.memory_space<vmem>> -> memref<40xi32, #tpu.memory_space<vmem>>
          %dma_start3A_169 = arith.constant 0 : i32
          %dma_start3A_170 = arith.constant 0 : i32
          %dma_start3A_171 = tpu.memref_slice %arg2[%dma_start3A_169, %dma_start3A_170] : memref<10000x128xi32, #tpu.memory_space<hbm>> -> memref<10000x128xi32, #tpu.memory_space<hbm>>
          tpu.enqueue_indirect_dma source(%dma_start3A_171 : memref<10000x128xi32, #tpu.memory_space<hbm>>) target(%arg13 : memref<40x128xi32, #tpu.memory_space<vmem>>) offsets(%dma_start3A_168 : memref<40xi32, #tpu.memory_space<vmem>>) semaphore(%arg27 : memref<!tpu.dma_semaphore, #tpu.memory_space<semaphore_mem>>)
          %dma_start3A_172 = tpu.memref_slice %arg7[%mul3A_167] : memref<5000xi32, #tpu.memory_space<vmem>> -> memref<40xi32, #tpu.memory_space<vmem>>
          %dma_start3A_173 = arith.constant 0 : i32
          %dma_start3A_174 = arith.constant 0 : i32
          %dma_start3A_175 = tpu.memref_slice %arg2[%dma_start3A_173, %dma_start3A_174] : memref<10000x128xi32, #tpu.memory_space<hbm>> -> memref<10000x128xi32, #tpu.memory_space<hbm>>
          tpu.enqueue_indirect_dma source(%dma_start3A_175 : memref<10000x128xi32, #tpu.memory_space<hbm>>) target(%arg19 : memref<40x128xi32, #tpu.memory_space<vmem>>) offsets(%dma_start3A_172 : memref<40xi32, #tpu.memory_space<vmem>>) semaphore(%arg27 : memref<!tpu.dma_semaphore, #tpu.memory_space<semaphore_mem>>)
        } else {
        }
      } else {
      }
    }
    %scan3A_70 = arith.constant 21 : i32
    %dma_wait3A = arith.constant 0 : i32
    %dma_wait3A_71 = tpu.memref_slice %arg5[%mul3A_6, %dma_wait3A] : memref<160000x128xi32, #tpu.memory_space<hbm>> -> memref<40x128xi32, #tpu.memory_space<hbm>>
    %dma_wait3A_72 = arith.constant 0 : i32
    %dma_wait3A_73 = tpu.memref_slice %arg5[%mul3A_6, %dma_wait3A_72] : memref<160000x128xi32, #tpu.memory_space<hbm>> -> memref<40x128xi32, #tpu.memory_space<hbm>>
    tpu.wait_dma2 semaphore(%arg29 : memref<!tpu.dma_semaphore, #tpu.memory_space<semaphore_mem>>) src(%arg21 : memref<40x128xi32, #tpu.memory_space<vmem>>) dst(%dma_wait3A_73 : memref<40x128xi32, #tpu.memory_space<hbm>>)
    %dma_wait3A_74 = arith.constant 0 : i32
    %dma_wait3A_75 = tpu.memref_slice %arg5[%mul3A_6, %dma_wait3A_74] : memref<160000x128xi32, #tpu.memory_space<hbm>> -> memref<40x128xi32, #tpu.memory_space<hbm>>
    %dma_wait3A_76 = arith.constant 0 : i32
    %dma_wait3A_77 = tpu.memref_slice %arg5[%mul3A_6, %dma_wait3A_76] : memref<160000x128xi32, #tpu.memory_space<hbm>> -> memref<40x128xi32, #tpu.memory_space<hbm>>
    tpu.wait_dma2 semaphore(%arg28 : memref<!tpu.dma_semaphore, #tpu.memory_space<semaphore_mem>>) src(%arg20 : memref<40x128xi32, #tpu.memory_space<vmem>>) dst(%dma_wait3A_77 : memref<40x128xi32, #tpu.memory_space<hbm>>)
    return
  }
}

module attributes {stable_mosaic.version = 14 : i64} {
  func.func @_tc_body(%arg0: i32, %arg1: memref<6400x128xi32, #tpu.memory_space<vmem>>, %arg2: memref<400x256xf32, #tpu.memory_space<vmem>>, %arg3: memref<1x128xf32, #tpu.memory_space<vmem>>, %arg4: memref<1x128xf32, #tpu.memory_space<vmem>>, %arg5: memref<256x256xf32, #tpu.memory_space<vmem>>, %arg6: memref<128x256xf32, #tpu.memory_space<vmem>>, %arg7: memref<128x256xf32, #tpu.memory_space<vmem>>, %arg8: memref<1x256xf32, #tpu.memory_space<vmem>>, %arg9: memref<400x256xf32, #tpu.memory_space<vmem>>) attributes {dimension_semantics = [#tpu.dimension_semantics<arbitrary>], iteration_bounds = array<i64: 25>, scalar_prefetch = 0 : i64, scratch_operands = 0 : i64, tpu.core_type = #tpu.core_type<tc>, window_params = [{transform_indices = @transform_0, window_bounds = array<i64: 6400, 128>}, {transform_indices = @transform_1, window_bounds = array<i64: 400, 256>}, {pipeline_mode = #tpu.pipeline_mode<synchronous>, transform_indices = @transform_2, window_bounds = array<i64: 1, 128>}, {pipeline_mode = #tpu.pipeline_mode<synchronous>, transform_indices = @transform_3, window_bounds = array<i64: 1, 128>}, {pipeline_mode = #tpu.pipeline_mode<synchronous>, transform_indices = @transform_4, window_bounds = array<i64: 256, 256>}, {pipeline_mode = #tpu.pipeline_mode<synchronous>, transform_indices = @transform_5, window_bounds = array<i64: 128, 256>}, {pipeline_mode = #tpu.pipeline_mode<synchronous>, transform_indices = @transform_6, window_bounds = array<i64: 128, 256>}, {pipeline_mode = #tpu.pipeline_mode<synchronous>, transform_indices = @transform_7, window_bounds = array<i64: 1, 256>}, {transform_indices = @transform_8, window_bounds = array<i64: 400, 256>}]} {
    %get3A = arith.constant 0 : index
    %get3A_0 = arith.constant 0 : index
    %get3A_1 = vector.load %arg1[%get3A, %get3A_0] : memref<6400x128xi32, #tpu.memory_space<vmem>>, vector<6400x128xi32>
    %shift_left3A = arith.constant 16 : i32
    %shift_left3A_2 = vector.broadcast %shift_left3A : i32 to vector<6400x128xi32>
    %shift_left3A_3 = arith.shli %get3A_1, %shift_left3A_2 : vector<6400x128xi32>
    %bitcast_convert_type3A = tpu.bitcast %shift_left3A_3 : vector<6400x128xi32> -> vector<6400x128xf32>
    %reshape3A = vector.shape_cast %bitcast_convert_type3A : vector<6400x128xf32> to vector<400x16x128xf32>
    %shift_right_arithmetic3A = arith.constant 16 : i32
    %shift_right_arithmetic3A_4 = vector.broadcast %shift_right_arithmetic3A : i32 to vector<6400x128xi32>
    %shift_right_arithmetic3A_5 = arith.shrsi %get3A_1, %shift_right_arithmetic3A_4 : vector<6400x128xi32>
    %shift_left3A_6 = arith.constant 16 : i32
    %shift_left3A_7 = vector.broadcast %shift_left3A_6 : i32 to vector<6400x128xi32>
    %shift_left3A_8 = arith.shli %shift_right_arithmetic3A_5, %shift_left3A_7 : vector<6400x128xi32>
    %bitcast_convert_type3A_9 = tpu.bitcast %shift_left3A_8 : vector<6400x128xi32> -> vector<6400x128xf32>
    %reshape3A_10 = vector.shape_cast %bitcast_convert_type3A_9 : vector<6400x128xf32> to vector<400x16x128xf32>
    %ge3A = arith.constant 0.000000e+00 : f32
    %ge3A_11 = vector.broadcast %ge3A : f32 to vector<400x16x128xf32>
    %ge3A_12 = arith.cmpf oge, %reshape3A, %ge3A_11 : vector<400x16x128xf32>
    %mul3A = arith.constant 2.000000e-01 : f32
    %mul3A_13 = vector.broadcast %mul3A : f32 to vector<400x16x128xf32>
    %mul3A_14 = arith.mulf %mul3A_13, %reshape3A : vector<400x16x128xf32>
    %select_n3A = arith.select %ge3A_12, %reshape3A, %mul3A_14 : vector<400x16x128xi1>, vector<400x16x128xf32>
    %ge3A_15 = arith.constant 0.000000e+00 : f32
    %ge3A_16 = vector.broadcast %ge3A_15 : f32 to vector<400x16x128xf32>
    %ge3A_17 = arith.cmpf oge, %reshape3A_10, %ge3A_16 : vector<400x16x128xf32>
    %mul3A_18 = arith.constant 2.000000e-01 : f32
    %mul3A_19 = vector.broadcast %mul3A_18 : f32 to vector<400x16x128xf32>
    %mul3A_20 = arith.mulf %mul3A_19, %reshape3A_10 : vector<400x16x128xf32>
    %select_n3A_21 = arith.select %ge3A_17, %reshape3A_10, %mul3A_20 : vector<400x16x128xi1>, vector<400x16x128xf32>
    %get3A_22 = arith.constant 0 : index
    %get3A_23 = arith.constant 0 : index
    %get3A_24 = vector.load %arg3[%get3A_22, %get3A_23] : memref<1x128xf32, #tpu.memory_space<vmem>>, vector<1x128xf32>
    %broadcast_in_dim3A = vector.shape_cast %get3A_24 : vector<1x128xf32> to vector<1x1x128xf32>
    %mul3A_25 = vector.broadcast %broadcast_in_dim3A : vector<1x1x128xf32> to vector<400x16x128xf32>
    %mul3A_26 = arith.mulf %select_n3A, %mul3A_25 : vector<400x16x128xf32>
    %reduce_sum3A = arith.constant dense<0.000000e+00> : vector<400x16xf32>
    %reduce_sum3A_27 = vector.multi_reduction <add>, %mul3A_26, %reduce_sum3A [2] : vector<400x16x128xf32> to vector<400x16xf32>
    %get3A_28 = arith.constant 0 : index
    %get3A_29 = arith.constant 0 : index
    %get3A_30 = vector.load %arg4[%get3A_28, %get3A_29] : memref<1x128xf32, #tpu.memory_space<vmem>>, vector<1x128xf32>
    %broadcast_in_dim3A_31 = vector.shape_cast %get3A_30 : vector<1x128xf32> to vector<1x1x128xf32>
    %mul3A_32 = vector.broadcast %broadcast_in_dim3A_31 : vector<1x1x128xf32> to vector<400x16x128xf32>
    %mul3A_33 = arith.mulf %select_n3A_21, %mul3A_32 : vector<400x16x128xf32>
    %reduce_sum3A_34 = arith.constant dense<0.000000e+00> : vector<400x16xf32>
    %reduce_sum3A_35 = vector.multi_reduction <add>, %mul3A_33, %reduce_sum3A_34 [2] : vector<400x16x128xf32> to vector<400x16xf32>
    %add3A = arith.addf %reduce_sum3A_27, %reduce_sum3A_35 : vector<400x16xf32>
    %reduce_max3A = arith.constant dense<0xFF800000> : vector<400xf32>
    %reduce_max3A_36 = vector.multi_reduction <maximumf>, %add3A, %reduce_max3A [1] : vector<400x16xf32> to vector<400xf32>
    %broadcast_in_dim3A_37 = vector.shape_cast %reduce_max3A_36 : vector<400xf32> to vector<400x1xf32>
    %sub3A = vector.broadcast %broadcast_in_dim3A_37 : vector<400x1xf32> to vector<400x16xf32>
    %sub3A_38 = arith.subf %add3A, %sub3A : vector<400x16xf32>
    %exp3A = math.exp %sub3A_38 : vector<400x16xf32>
    %reduce_sum3A_39 = arith.constant dense<0.000000e+00> : vector<400xf32>
    %reduce_sum3A_40 = vector.multi_reduction <add>, %exp3A, %reduce_sum3A_39 [1] : vector<400x16xf32> to vector<400xf32>
    %broadcast_in_dim3A_41 = vector.shape_cast %reduce_sum3A_40 : vector<400xf32> to vector<400x1xf32>
    %div3A = vector.broadcast %broadcast_in_dim3A_41 : vector<400x1xf32> to vector<400x16xf32>
    %div3A_42 = arith.divf %exp3A, %div3A : vector<400x16xf32>
    %broadcast_in_dim3A_43 = vector.shape_cast %div3A_42 : vector<400x16xf32> to vector<400x16x1xf32>
    %mul3A_44 = vector.broadcast %broadcast_in_dim3A_43 : vector<400x16x1xf32> to vector<400x16x128xf32>
    %mul3A_45 = arith.mulf %reshape3A, %mul3A_44 : vector<400x16x128xf32>
    %reduce_max3A_46 = arith.constant dense<0xFF800000> : vector<400x128xf32>
    %reduce_max3A_47 = vector.multi_reduction <maximumf>, %mul3A_45, %reduce_max3A_46 [1] : vector<400x16x128xf32> to vector<400x128xf32>
    %mul3A_48 = vector.broadcast %broadcast_in_dim3A_43 : vector<400x16x1xf32> to vector<400x16x128xf32>
    %mul3A_49 = arith.mulf %reshape3A_10, %mul3A_48 : vector<400x16x128xf32>
    %reduce_max3A_50 = arith.constant dense<0xFF800000> : vector<400x128xf32>
    %reduce_max3A_51 = vector.multi_reduction <maximumf>, %mul3A_49, %reduce_max3A_50 [1] : vector<400x16x128xf32> to vector<400x128xf32>
    %get3A_52 = arith.constant 0 : index
    %get3A_53 = arith.constant 0 : index
    %get3A_54 = vector.load %arg2[%get3A_52, %get3A_53] : memref<400x256xf32, #tpu.memory_space<vmem>>, vector<400x256xf32>
    %get3A_55 = arith.constant 0 : index
    %get3A_56 = arith.constant 0 : index
    %get3A_57 = vector.load %arg5[%get3A_55, %get3A_56] : memref<256x256xf32, #tpu.memory_space<vmem>>, vector<256x256xf32>
    %dot_general3A = arith.constant dense<0.000000e+00> : vector<400x256xf32>
    %dot_general3A_58 = tpu.matmul %get3A_54, %get3A_57, %dot_general3A {dimension_numbers = #tpu.dot_dimension_numbers<[1], [0], [0], [1], [0, 0, 1, 1], [], []>, transpose_lhs_hint = false} : vector<400x256xf32>, vector<256x256xf32>, vector<400x256xf32> -> vector<400x256xf32>
    %get3A_59 = arith.constant 0 : index
    %get3A_60 = arith.constant 0 : index
    %get3A_61 = vector.load %arg6[%get3A_59, %get3A_60] : memref<128x256xf32, #tpu.memory_space<vmem>>, vector<128x256xf32>
    %dot_general3A_62 = arith.constant dense<0.000000e+00> : vector<400x256xf32>
    %dot_general3A_63 = tpu.matmul %reduce_max3A_47, %get3A_61, %dot_general3A_62 {dimension_numbers = #tpu.dot_dimension_numbers<[1], [0], [0], [1], [0, 0, 1, 1], [], []>, transpose_lhs_hint = false} : vector<400x128xf32>, vector<128x256xf32>, vector<400x256xf32> -> vector<400x256xf32>
    %add3A_64 = arith.addf %dot_general3A_58, %dot_general3A_63 : vector<400x256xf32>
    %get3A_65 = arith.constant 0 : index
    %get3A_66 = arith.constant 0 : index
    %get3A_67 = vector.load %arg7[%get3A_65, %get3A_66] : memref<128x256xf32, #tpu.memory_space<vmem>>, vector<128x256xf32>
    %dot_general3A_68 = arith.constant dense<0.000000e+00> : vector<400x256xf32>
    %dot_general3A_69 = tpu.matmul %reduce_max3A_51, %get3A_67, %dot_general3A_68 {dimension_numbers = #tpu.dot_dimension_numbers<[1], [0], [0], [1], [0, 0, 1, 1], [], []>, transpose_lhs_hint = false} : vector<400x128xf32>, vector<128x256xf32>, vector<400x256xf32> -> vector<400x256xf32>
    %add3A_70 = arith.addf %add3A_64, %dot_general3A_69 : vector<400x256xf32>
    %get3A_71 = arith.constant 0 : index
    %get3A_72 = arith.constant 0 : index
    %get3A_73 = vector.load %arg8[%get3A_71, %get3A_72] : memref<1x256xf32, #tpu.memory_space<vmem>>, vector<1x256xf32>
    %add3A_74 = vector.broadcast %get3A_73 : vector<1x256xf32> to vector<400x256xf32>
    %add3A_75 = arith.addf %add3A_70, %add3A_74 : vector<400x256xf32>
    %swap3A = arith.constant 0 : index
    %swap3A_76 = arith.constant 0 : index
    %swap3A_77 = vector.load %arg9[%swap3A, %swap3A_76] : memref<400x256xf32, #tpu.memory_space<vmem>>, vector<400x256xf32>
    tpu.vector_store %arg9[%swap3A, %swap3A_76], %add3A_75 {strides = array<i32>} : memref<400x256xf32, #tpu.memory_space<vmem>>, vector<400x256xf32>,
    return
  }
  func.func @transform_0(%arg0: i32) -> (i32, i32) {
    %c0_i32 = arith.constant 0 : i32
    %c0_i32_0 = arith.constant 0 : i32
    return %arg0, %c0_i32 : i32, i32
  }
  func.func @transform_1(%arg0: i32) -> (i32, i32) {
    %add3A = arith.constant 0 : i32
    %add3A_0 = arith.addi %arg0, %add3A : i32
    %c0_i32 = arith.constant 0 : i32
    %c0_i32_1 = arith.constant 0 : i32
    return %add3A_0, %c0_i32 : i32, i32
  }
  func.func @transform_2(%arg0: i32) -> (i32, i32) {
    %c0_i32 = arith.constant 0 : i32
    %c0_i32_0 = arith.constant 0 : i32
    %c0_i32_1 = arith.constant 0 : i32
    return %c0_i32, %c0_i32_0 : i32, i32
  }
  func.func @transform_3(%arg0: i32) -> (i32, i32) {
    %c0_i32 = arith.constant 0 : i32
    %c0_i32_0 = arith.constant 0 : i32
    %c0_i32_1 = arith.constant 0 : i32
    return %c0_i32, %c0_i32_0 : i32, i32
  }
  func.func @transform_4(%arg0: i32) -> (i32, i32) {
    %c0_i32 = arith.constant 0 : i32
    %c0_i32_0 = arith.constant 0 : i32
    %c0_i32_1 = arith.constant 0 : i32
    return %c0_i32, %c0_i32_0 : i32, i32
  }
  func.func @transform_5(%arg0: i32) -> (i32, i32) {
    %c0_i32 = arith.constant 0 : i32
    %c0_i32_0 = arith.constant 0 : i32
    %c0_i32_1 = arith.constant 0 : i32
    return %c0_i32, %c0_i32_0 : i32, i32
  }
  func.func @transform_6(%arg0: i32) -> (i32, i32) {
    %c0_i32 = arith.constant 0 : i32
    %c0_i32_0 = arith.constant 0 : i32
    %c0_i32_1 = arith.constant 0 : i32
    return %c0_i32, %c0_i32_0 : i32, i32
  }
  func.func @transform_7(%arg0: i32) -> (i32, i32) {
    %c0_i32 = arith.constant 0 : i32
    %c0_i32_0 = arith.constant 0 : i32
    %c0_i32_1 = arith.constant 0 : i32
    return %c0_i32, %c0_i32_0 : i32, i32
  }
  func.func @transform_8(%arg0: i32) -> (i32, i32) {
    %c0_i32 = arith.constant 0 : i32
    %c0_i32_0 = arith.constant 0 : i32
    return %arg0, %c0_i32 : i32, i32
  }
}

</mosaic_0001>

<sc_bundles>
// kernel: kernel.4.cloned.1.call-start
scs
__scs_entry_jumppad:
0x0: {  	(pc) =	sbr.rel $0x88, $3  }
0x1: {  	(tag) =	ssettag $0x0;
	lr =	simm.s32 $0x1  }
0x2: {  	[smem:$0x3F9C] =	sst lr;
	_ =	strace $0xD0000000  }
0x3: {  	_ = 	snop  }
0x4: {  	_ = 	snop  }
0x5: {  	_ = 	snop  }
0x6: {  	_ = 	snop  }
0x7: {  	_ = 	snop  }
__scs_overlays_trampoline_lowered:
0x8: {  	[smem:$0x3FAB] =	sst s0  }
0x9: {  	[smem:$0x3FAC] =	sst s1  }
0xa: {  	[smem:$0x3FAD] =	sst s2  }
0xb: {  	[smem:$0x3FAE] =	sst s3  }
0xc: {  	[smem:$0x3FAF] =	sst s4  }
0xd: {  	[smem:$0x3FB0] =	sst s5  }
0xe: {  	[smem:$0x3FB1] =	sst s6  }
0xf: {  	[smem:$0x3FB2] =	sst s7  }
0x10: {  	[smem:$0x3FB3] =	sst s8  }
0x11: {  	[smem:$0x3FB4] =	sst s9;
	s0 =	simm.s32 @!p0 $0x0  }
0x12: {  	s1 =	sld [smem:$0x3F9A];
	s0 =	simm.s32 @p0 $0x1  }
0x13: {  	[smem:$0x3FB5] =	sst s0;
	s0 =	simm.s32 @!p1 $0x0  }
0x14: {  	s2 =	sld [smem:$0x3F99];
	s0 =	simm.s32 @p1 $0x1  }
0x15: {  	[smem:$0x3FB6] =	sst s0;
	s0 =	simm.s32 @!p2 $0x0  }
0x16: {  	s3 =	sld [smem:$0x3FDB];
	s0 =	simm.s32 @p2 $0x1  }
0x17: {  	s4 =	simm.s32 $0x1BF5;
	[smem:$0x3FB8] =	sst s0  }
0x18: {  	s0 =	sld [smem:$0x3F9B];
	_ =	swait.ge [sflag:s4], $0x0  }
0x19: {  	s7 =	sld [smem:$0x3F9C]  }
0x1a: {  	s8 =	sadd.s32 $0xFFFFE003, lr  }
0x1b: {  	s9 =	sadd.s32 $0xFFFFFEF7, lr;
	s5 =	simm.s32 $0xFFFFFFFF;
	p2 =	slt.u32 s8, $0xFFFFF086  }
0x1c: {  	p1 =	slt.u32 s9, $0xF7A;
	s5 =	simm.s32 @!p2 $0x0  }
0x1d: {  	s5 =	simm.s32 @p1 $0x1;
	p0 =	seq.s32 s7, s2  }
0x1e: {  	s7 =	smul.u32 @!p0 $0xF7A, s2;
	p2 =	seq.s32 @!p0 s5, $0x0  }
0x1f: {  	s9 =	smul.u32 $0xF7A, s1;
	s8 =	simm.s32 @!p0 $0x1BF5;
	p2 =	por !p2, p0  }
0x20: {  	[sflag:s8] =	ssyncset.s32 @!p0 $0xFFFFF086;
	s6 =	sadd.s32 @!p0 s3, s7;
	s7 =	simm.s32 @!p0 $0x108  }
0x21: {  	s3 =	sadd.s32 s3, s9;
	s6 =	sadd.s32 @!p0 $0x88, s6;
	s7 =	simm.s32 @p2 $0x1082  }
0x22: {  	[simem:s7], [sflag:s8] =	dma.local @!p0 [hbm:s6], $0xF7A  }
0x23: {  	s9 =	sor.u32 $0xD0000000, s2;
	s6 =	simm.s32 $0x108;
	_ =	swait.ge @!p0 [sflag:s8], $0x0  }
0x24: {  	s3 =	sadd.s32 $0x88, s3;
	s6 =	simm.s32 @!p1 $0x1082;
	[sflag:s4] =	ssyncset.s32 $0xFFFFF086  }
0x25: {  	[simem:s6], [sflag:s4] =	dma.local [hbm:s3], $0xF7A  }
0x26: {  	[smem:$0x3F9C] =	sst s1;
	(tag) =	ssettag s2;
	_ =	strace s9  }
0x27: {  	s1 =	sld [smem:$0x3FAC]  }
0x28: {  	s2 =	sld [smem:$0x3FAD]  }
0x29: {  	s4 =	sld [smem:$0x3FAF]  }
0x2a: {  	p0 =	seq.s32 s5, $0x0;
	s5 =	sld [smem:$0x3FB0]  }
0x2b: {  	s6 =	sld [smem:$0x3FB1]  }
0x2c: {  	s7 =	sld [smem:$0x3FB2]  }
0x2d: {  	s3 =	simm.s32 $0x108;
	s8 =	sld [smem:$0x3FB3]  }
0x2e: {  	s3 =	simm.s32 @!p0 $0x1082;
	s9 =	sld [smem:$0x3FB4]  }
0x2f: {  	lr =	sadd.s32 s0, s3;
	s0 =	sld [smem:$0x3FAB]  }
0x30: {  	s3 =	sld [smem:$0x3FAE]  }
0x31: {  	[smem:$0x3FB7] =	sst s10  }
0x32: {  	s10 =	sld [smem:$0x3FB5];
	_ =	sdelay $0x3  }
0x33: {  	p0 =	seq.s32 s10, $0x1;
	s10 =	sld [smem:$0x3FB7];
	_ =	sdelay $0x3  }
0x34: {  	[smem:$0x3FB7] =	sst s10  }
0x35: {  	s10 =	sld [smem:$0x3FB6];
	_ =	sdelay $0x3  }
0x36: {  	p1 =	seq.s32 s10, $0x1;
	s10 =	sld [smem:$0x3FB7];
	_ =	sdelay $0x3  }
0x37: {  	[smem:$0x3FB7] =	sst s10  }
0x38: {  	s10 =	sld [smem:$0x3FB8]  }
0x39: {  	_ = 	snop;
	(pc) =	sbr.ind lr, $3  }
0x3a: {  	_ = 	snop  }
0x3b: {  	_ = 	snop  }
0x3c: {  	p2 =	seq.s32 s10, $0x1;
	s10 =	sld [smem:$0x3FB7]  }
0x3d: {  	_ =	shalt  }
0x3e: {  	_ =	shalt  }
0x3f: {  	_ =	shalt  }
0x40: {  	_ =	shalt  }
0x41: {  	_ =	shalt  }
0x42: {  	_ =	shalt  }
0x43: {  	_ =	shalt  }
0x44: {  	_ =	shalt  }
0x45: {  	_ =	shalt  }
0x46: {  	_ =	shalt  }
0x47: {  	_ =	shalt  }
0x48: {  	_ =	shalt  }
0x49: {  	_ =	shalt  }
0x4a: {  	_ =	shalt  }
0x4b: {  	_ =	shalt  }
0x4c: {  	_ =	shalt  }
0x4d: {  	_ =	shalt  }
0x4e: {  	_ =	shalt  }
0x4f: {  	_ =	shalt  }
0x50: {  	_ =	shalt  }
0x51: {  	_ =	shalt  }
0x52: {  	_ =	shalt  }
0x53: {  	_ =	shalt  }
0x54: {  	_ =	shalt  }
0x55: {  	_ =	shalt  }
0x56: {  	_ =	shalt  }
0x57: {  	_ =	shalt  }
0x58: {  	_ =	shalt  }
0x59: {  	_ =	shalt  }
0x5a: {  	_ =	shalt  }
0x5b: {  	_ =	shalt  }
0x5c: {  	_ =	shalt  }
0x5d: {  	_ =	shalt  }
0x5e: {  	_ =	shalt  }
0x5f: {  	_ =	shalt  }
0x60: {  	_ =	shalt  }
0x61: {  	_ =	shalt  }
0x62: {  	_ =	shalt  }
0x63: {  	_ =	shalt  }
0x64: {  	_ =	shalt  }
0x65: {  	_ =	shalt  }
0x66: {  	_ =	shalt  }
0x67: {  	_ =	shalt  }
0x68: {  	_ =	shalt  }
0x69: {  	_ =	shalt  }
0x6a: {  	_ =	shalt  }
0x6b: {  	_ =	shalt  }
0x6c: {  	_ =	shalt  }
0x6d: {  	_ =	shalt  }
0x6e: {  	_ =	shalt  }
0x6f: {  	_ =	shalt  }
0x70: {  	_ =	shalt  }
0x71: {  	_ =	shalt  }
0x72: {  	_ =	shalt  }
0x73: {  	_ =	shalt  }
0x74: {  	_ =	shalt  }
0x75: {  	_ =	shalt  }
0x76: {  	_ =	shalt  }
0x77: {  	_ =	shalt  }
0x78: {  	_ =	shalt  }
0x79: {  	_ =	shalt  }
0x7a: {  	_ =	shalt  }
0x7b: {  	_ =	shalt  }
0x7c: {  	_ =	shalt  }
0x7d: {  	_ =	shalt  }
0x7e: {  	_ =	shalt  }
0x7f: {  	_ =	shalt  }
0x80: {  	_ =	shalt  }
0x81: {  	_ =	shalt  }
0x82: {  	_ =	shalt  }
0x83: {  	_ =	shalt  }
0x84: {  	_ =	shalt  }
0x85: {  	_ =	shalt  }
0x86: {  	_ =	shalt  }
0x87: {  	_ =	shalt  }
.Lfunc_end0:
.L_simem_size_0:
called_computation_lowered:
.L_overlay_start_0:
0x88: {  	s2 =	sld [smem:$0x3FD9]  }
0x89: {  	s3 =	sld [smem:$0x3FFE];
	_ =	sdelay $0x1  }
0x8a: {  	s1 =	srdreg.scid  }
0x8b: {  	s0 =	sand.u32 $0x1, s1  }
0x8c: {  	s17 =	sshll.u32 s0, $0xA;
	s2 =	sadd.s32 s3, s2  }
0x8d: {  	s2 =	sadd.s32 s2, s17  }
0x8e: {  	[smem:$0x3FC3] =	sst s2  }
0x8f: {  	_ = 	snop  }
0x90: {  	s2 =	sld [smem:$0x3FD0];
	(tm) =	ssettm $0x1  }
0x91: {  	s18 =	sld [smem:$0x3FFB];
	_ =	sdelay $0x3  }
0x92: {  	_ =	strace s18  }
0x93: {  	s3 =	sld [smem:$0x3FFC];
	_ =	sdelay $0x3  }
0x94: {  	_ =	strace s3  }
0x95: {  	s3 =	sld [smem:$0x3FFD];
	_ =	sdelay $0x3  }
0x96: {  	_ =	strace s3  }
0x97: {  	_ =	strace $0x8FFFFFFF  }
0x98: {  	s19 =	sld [smem:$0x3FDB];
	_ =	sdelay $0x1  }
0x99: {  	s4 =	simm.s32 $_scs_section_size  }
0x9a: {  	s5 =	simm.s32 $_size__tile_overlayer_lowered;
	s6 =	simm.s32 $_tile_overlayer_lowered  }
0x9b: {  	s22 =	simm.s32 $0x1BFF;
	s21 =	sshll.u32 s6, $0x1;
	s3 =	sadd.s32 s4, s19  }
0x9c: {  	s7 =	simm.s32 $0x0;
	s20 =	sshll.u32 s5, $0x1;
	s5 =	sadd.s32 s21, s3  }
0x9d: {  	[timem:s7], [sflag:s22] =	dma.local [hbm:s5], s20  }
0x9e: {  	_ =	swait.ge [sflag:s22], s20  }
0x9f: {  	s4 =	ssub.s32 $0x0, s20;
	[sflag:s22] =	ssyncset.done $0x0  }
0xa0: {  	[sflag:s22] =	ssyncadd.s32 s4;
	_ =	sdelay $0x1  }
0xa1: {  	s23 =	simm.s32 $0x1B8B  }
0xa2: {  	_ =	swait.ge [sflag:s23], $0x1  }
0xa3: {  	[sflag:s23] =	ssyncset.done $0x0  }
0xa4: {  	s25 =	simm.s32 $0x1B8E;
	s24 =	sld [smem:$0x3FFE];
	[sflag:s23] =	ssyncadd.s32 $0xFFFFFFFF  }
0xa5: {  	s26 =	simm.s32 $execute0_lowered;
	[smem:$0x3FD2] =	sst s25  }
0xa6: {  	s5 =	sshll.u32 s26, $0x1;
	_ =	strace $0x80000046;
	[dreg:$0x1] =	wrdreg $0xFFFFFFFF  }
0xa7: {  	s28 =	simm.s32 $_size_execute0_lowered;
	s3 =	sadd.s32 s3, s5;
	[dreg:$0x0] =	wrdreg $0x0  }
0xa8: {  	s5 =	sshll.u32 s28, $0x1;
	[dreg:$0x2] =	wrdreg s3  }
0xa9: {  	[dreg:$0x3] =	wrdreg s5  }
0xaa: {  	[dreg:$0x4] =	wrdreg $0xC0  }
0xab: {  	_ =	task [dreg:s7], $0x5FFFF  }
0xac: {  	[dreg:$0x1] =	wrdreg $0xFFFFFFFF  }
0xad: {  	[dreg:$0x0] =	wrdreg $0x60  }
0xae: {  	[dreg:$0x2] =	wrdreg s2  }
0xaf: {  	[dreg:$0x3] =	wrdreg s24  }
0xb0: {  	[dreg:$0x4] =	wrdreg $0x9  }
0xb1: {  	_ =	task.clear_ibuf [dreg:s7], $0x5FFFF;
	_ =	strace $0x90000046  }
0xb2: {  	s29 =	simm.s32 $0x9;
	_ =	strace $0x80000048  }
0xb3: {  	_ =	swait.ge [sflag:s29], $0x1  }
0xb4: {  	[sflag:s29] =	ssyncadd.s32 $0xFFFFFFFF  }
0xb5: {  	_ =	strace $0x90000048  }
0xb6: {  	_ =	sfence  }
0xb7: {  	s30 =	sld [smem:$0x0];
	_ =	sdelay $0x2  }
0xb8: {  	s31 =	sshll.u32 s1, $0xD;
	s1 =	sshrl.u32 s1, $0x2  }
0xb9: {  	s3 =	sand.u32 $0x4000, s31;
	s1 =	sadd.s32 s1, s30  }
0xba: {  	s0 =	sor.u32 s3, s0;
	s1 =	sshll.u32 s1, $0x11  }
0xbb: {  	s0 =	sor.u32 s1, s0  }
0xbc: {  	s0 =	sadd.s32 $0x8F2B, s0  }
0xbd: {  	[sflag:s0] =	ssyncadd.remote.s32 $0x1  }
0xbe: {  	_ =	sfence.sel $0xFFFF  }
0xbf: {  	[dreg:$0x0] =	wrdreg $0xFFFFFFFF;
	(pc) =	sbr.abs _section_cstart, $3  }
0xc0: {  	[dreg:$0x1] =	wrdreg $0xFFFFFFFF  }
0xc1: {  	_ =	task.clear_ibuf [dreg:s7], $0x2FFFF;
	_ =	strace $0x9FFFFFFF  }
0xc2: {  	(tm) =	ssettm $0x7FFFFFFF  }
0xc3: {  	_ =	shalt  }
tec
execute0_lowered:
.L_overlay_start_1:
0x0: {  	(tag) =	ssettag $0x1  }
0x1: {  	s0 =	srdreg.scid;
	s2 =	rddreg [dreg:$0x0]  }
0x2: {  	s1 =	stileid.u32;
	s5 =	rddreg [dreg:$0x1];
	s3 =	simm.s32 $0x0  }
0x3: {  	s13 =	simm.s32 $0x9;
	s15 =	simm.s32 $0x28;
	s31 =	simm.s32 $0x7800  }
0x4: {  	s20 =	simm.s32 $0x1;
	s21 =	simm.s32 $0x11800;
	s22 =	simm.s32 $0x2  }
0x5: {  	s23 =	simm.s32 $0x12C00;
	s24 =	simm.s32 $0x3;
	s25 =	simm.s32 $0x7  }
0x6: {  	s28 =	simm.s32 $0x8;
	s0 =	sand.u32 $0x1, s0;
	s1 =	sshll.u32 s1, $0x1  }
0x7: {  	s29 =	simm.s32 $0x5;
	s1 =	sor.u32 s0, s1;
	s0 =	ssub.s32 $0x2, s0  }
0x8: {  	[smem:$0x7FF] =	sst s3;
	s4 =	smul.u32 $0x1388, s1;
	s6 =	sshrl.u32 s0, $0x1  }
0x9: {  	s30 =	simm.s32 $0x6;
	_ =	strace $0x80000047;
	s0 =	ssub.s32 s0, s6  }
.Ltmp0:
0xa: {  	s1 =	sshrl.u32 s4, $0x3;
	s8 =	sadd.s32 $0x50, s4;
	(pc) =	sbr.rel .LBB2_1-.Ltmp0, $4  }
0xb: {  	s9 =	sadd.s32 $0x78, s4;
	s10 =	sadd.s32 $0xA0, s4;
	s11 =	sadd.s32 $0xC8, s4  }
0xc: {  	s12 =	smax.u32 s0, $0x1;
	s0 =	simm.s32 $0xF000;
	s1 =	sadd.s32 s1, s5  }
0xd: {  	s5 =	sadd.s32 $0xBC00, s5;
	s26 =	sadd.s32 $0x6C00, s1;
	s7 =	sadd.s32 $0x1C00, s1  }
0xe: {  	s1 =	simm.s32 $0x0;
	[dreg:$0x3] =	wrdreg s26;
	s26 =	simm.s32 $0x4  }
.LBB2_16:
0xf: {  	s1 =	sadd.s32 $0x1, s1  }
0x10: {  	_ =	swait.ge [sflag:s28], $0x1400;
	p0 =	sne.s32 s1, s12  }
.Ltmp1:
0x11: {  	[sflag:s28] =	ssyncset.done $0x0;
	(pc) =	sbr.rel @!p0 .LBB2_17-.Ltmp1, $4  }
0x12: {  	[sflag:s28] =	ssyncadd.s32 $0xFFFFEC00  }
0x13: {  	_ =	swait.ge [sflag:s25], $0x1400  }
0x14: {  	[sflag:s25] =	ssyncset.done $0x0  }
0x15: {  	[sflag:s25] =	ssyncadd.s32 $0xFFFFEC00  }
.LBB2_1:
0x16: {  	s6 =	rddreg [dreg:$0x3]  }
0x17: {  	[tilespmem:s3], [sflag:$0x9] =	stream.linear.gather [hbm4b:s6+s3], $0x1388, $0x38;
	[tilespmem:$0x14000] =	vst v63  }
0x18: {  	_ =	swait.ge [sflag:s13], $0x1388  }
0x19: {  	[sflag:s13] =	ssyncset.done $0x0  }
0x1a: {  	s19 =	simm.s32 $0x1400;
	[sflag:s13] =	ssyncadd.s32 $0xFFFFEC78  }
0x1b: {  	[tilespmem:s19], [sflag:$0x9] =	stream.linear.gather [hbm4b:s7+s3], $0x1388, $0x38;
	[tilespmem:$0x14000] =	vst v63  }
0x1c: {  	_ =	swait.ge [sflag:s13], $0x1388  }
0x1d: {  	[sflag:s13] =	ssyncset.done $0x0  }
0x1e: {  	s14 =	simm.s32 $0x2800;
	[sflag:s13] =	ssyncadd.s32 $0xFFFFEC78  }
0x1f: {  	[tilespmem:s14], [sflag:$0x1] =	stream.indirect.gather [hbm4b:s2+s15], $0x80, s3, s15, $0xb8;
	[tilespmem:$0x14000] =	vst v63  }
0x20: {  	s16 =	simm.s32 $0xA000  }
0x21: {  	[tilespmem:s16], [sflag:$0x1] =	stream.indirect.gather [hbm4b:s2+s15], $0x80, s19, s15, $0xb8;
	[tilespmem:$0x14000] =	vst v63  }
0x22: {  	s17 =	simm.s32 $0x3C00  }
0x23: {  	[tilespmem:s17], [sflag:$0x2] =	stream.indirect.gather [hbm4b:s2+s15], $0x80, s15, s15, $0xb8;
	[tilespmem:$0x14000] =	vst v63  }
0x24: {  	s18 =	simm.s32 $0x1428;
	s19 =	simm.s32 $0xB400  }
0x25: {  	[tilespmem:s19], [sflag:$0x2] =	stream.indirect.gather [hbm4b:s2+s15], $0x80, s18, s15, $0xb8;
	[tilespmem:$0x14000] =	vst v63  }
0x26: {  	s16 =	simm.s32 $0x50;
	s17 =	simm.s32 $0x5000  }
0x27: {  	[tilespmem:s17], [sflag:$0x3] =	stream.indirect.gather [hbm4b:s2+s15], $0x80, s16, s15, $0xb8;
	[tilespmem:$0x14000] =	vst v63  }
0x28: {  	s18 =	simm.s32 $0x1450;
	s19 =	simm.s32 $0xC800  }
0x29: {  	[tilespmem:s19], [sflag:$0x3] =	stream.indirect.gather [hbm4b:s2+s15], $0x80, s18, s15, $0xb8;
	[tilespmem:$0x14000] =	vst v63  }
0x2a: {  	s14 =	simm.s32 $0x78;
	s16 =	simm.s32 $0x6400  }
0x2b: {  	[tilespmem:s16], [sflag:$0x4] =	stream.indirect.gather [hbm4b:s2+s15], $0x80, s14, s15, $0xb8;
	[tilespmem:$0x14000] =	vst v63  }
0x2c: {  	s17 =	simm.s32 $0x1478;
	s18 =	simm.s32 $0xDC00  }
0x2d: {  	[tilespmem:s18], [sflag:$0x4] =	stream.indirect.gather [hbm4b:s2+s15], $0x80, s17, s15, $0xb8;
	[tilespmem:$0x14000] =	vst v63  }
0x2e: {  	s19 =	simm.s32 $0xA0  }
0x2f: {  	[tilespmem:s31], [sflag:$0x5] =	stream.indirect.gather [hbm4b:s2+s15], $0x80, s19, s15, $0xb8;
	[tilespmem:$0x14000] =	vst v63  }
0x30: {  	s14 =	simm.s32 $0x14A0  }
0x31: {  	[tilespmem:s0], [sflag:$0x5] =	stream.indirect.gather [hbm4b:s2+s15], $0x80, s14, s15, $0xb8;
	[tilespmem:$0x14000] =	vst v63  }
0x32: {  	s16 =	simm.s32 $0xC8;
	s17 =	simm.s32 $0x8C00  }
0x33: {  	[tilespmem:s17], [sflag:$0x6] =	stream.indirect.gather [hbm4b:s2+s15], $0x80, s16, s15, $0xb8;
	[tilespmem:$0x14000] =	vst v63  }
0x34: {  	s18 =	simm.s32 $0x14C8;
	s19 =	simm.s32 $0x10400;
	s16 =	simm.s32 $0x0  }
0x35: {  	[tilespmem:s19], [sflag:$0x6] =	stream.indirect.gather [hbm4b:s2+s15], $0x80, s18, s15, $0xb8;
	[tilespmem:$0x14000] =	vst v63  }
.LBB2_2:
0x36: {  	_ =	swait.ge [sflag:s20], $0x1400  }
0x37: {  	[sflag:s20] =	ssyncset.done $0x0  }
0x38: {  	[sflag:s20] =	ssyncadd.s32 $0xFFFFEC00  }
0x39: {  	_ =	swait.ge [sflag:s20], $0x1400  }
0x3a: {  	p1 =	seq.s32 s16, $0x0;
	[sflag:s20] =	ssyncset.done $0x0  }
0x3b: {  	s6 =	simm.s32 @!p1 $0x7;
	[sflag:s20] =	ssyncadd.s32 $0xFFFFEC00  }
0x3c: {  	_ =	swait.ge @!p1 [sflag:s6], $0x1400  }
0x3d: {  	[sflag:s6] =	ssyncset.done @!p1 $0x0  }
0x3e: {  	s17 =	simm.s32 $0x0;
	[sflag:s6] =	ssyncadd.s32 @!p1 $0xFFFFEC00  }
0x3f: {  	v0 =	vld [tilespmem:s17+$0x2870]  }
0x40: {  	v1 =	vld [tilespmem:s17+$0xA070]  }
0x41: {  	v2 =	vld [tilespmem:s17+$0x2800]  }
0x42: {  	v4 =	vld [tilespmem:s17+$0x2810]  }
0x43: {  	v5 =	vld [tilespmem:s17+$0xA010]  }
0x44: {  	v7 =	vld [tilespmem:s17+$0x2820]  }
0x45: {  	v9 =	vld [tilespmem:s17+$0xA020]  }
0x46: {  	v18 =	vld [tilespmem:s17+$0xA050];
	v6 =	vshll.u32 v0, $0x10  }
0x47: {  	v3 =	vld [tilespmem:s17+$0xA000];
	v8 =	vshll.u32 v1, $0x10;
	v0 =	vand.u32 $0xFFFF0000, v0;
	v1 =	vand.u32 $0xFFFF0000, v1  }
0x48: {  	v15 =	vld [tilespmem:s17+$0xA040];
	v10 =	vshll.u32 v2, $0x10;
	v2 =	vand.u32 $0xFFFF0000, v2;
	v12 =	vshll.u32 v4, $0x10  }
0x49: {  	v14 =	vshll.u32 v5, $0x10;
	v4 =	vand.u32 $0xFFFF0000, v4;
	v5 =	vand.u32 $0xFFFF0000, v5  }
0x4a: {  	v11 =	vld [tilespmem:s17+$0xA030];
	v16 =	vshll.u32 v7, $0x10;
	v17 =	vshll.u32 v9, $0x10;
	v7 =	vand.u32 $0xFFFF0000, v7  }
0x4b: {  	v13 =	vld [tilespmem:s17+$0x2840];
	v60 =	vshll.u32 v18, $0x10;
	v18 =	vand.u32 $0xFFFF0000, v18;
	v6 =	vsub.f32 v6, v8  }
0x4c: {  	v0 =	vsub.f32 v0, v1;
	v8 =	vshll.u32 v3, $0x10;
	v3 =	vand.u32 $0xFFFF0000, v3  }
0x4d: {  	v12 =	vsub.f32 v12, v14;
	v14 =	vshll.u32 v15, $0x10;
	v4 =	vsub.f32 v4, v5  }
0x4e: {  	v15 =	vand.u32 $0xFFFF0000, v15;
	v16 =	vsub.f32 v16, v17;
	v8 =	vsub.f32 v10, v8  }
0x4f: {  	v1 =	vld [tilespmem:s17+$0x2830];
	v10 =	vshll.u32 v11, $0x10;
	v11 =	vand.u32 $0xFFFF0000, v11;
	v2 =	vsub.f32 v2, v3  }
0x50: {  	v19 =	vld [tilespmem:s17+$0x2860];
	v3 =	vshll.u32 v13, $0x10;
	v6 =	vadd.s32 $0x8000, v6;
	v0 =	vadd.s32 $0x8000, v0  }
0x51: {  	v20 =	vld [tilespmem:s17+$0xA060];
	v3 =	vsub.f32 v3, v14;
	v6 =	vshrl.u32 v6, $0x10;
	v0 =	vand.u32 $0xFFFF0000, v0  }
0x52: {  	v13 =	vand.u32 $0xFFFF0000, v13;
	v14 =	vadd.s32 $0x8000, v12;
	v0 =	vor.u32 v0, v6  }
0x53: {  	v8 =	vadd.s32 $0x8000, v8;
	v63 =	vadd.s32 $0x8000, v3;
	[tilespmem:s17+$0x11870] =	vst v0;
	v0 =	vand.u32 $0xFFFF0000, v9  }
0x54: {  	v9 =	vshll.u32 v1, $0x10;
	v1 =	vand.u32 $0xFFFF0000, v1;
	v0 =	vsub.f32 v7, v0  }
0x55: {  	v7 =	vshll.u32 v19, $0x10;
	v19 =	vand.u32 $0xFFFF0000, v19;
	v9 =	vsub.f32 v9, v10  }
0x56: {  	v6 =	vld [tilespmem:s17+$0x2850];
	v10 =	vshll.u32 v20, $0x10;
	v20 =	vand.u32 $0xFFFF0000, v20;
	v1 =	vsub.f32 v1, v11  }
0x57: {  	v11 =	vadd.s32 $0x8000, v2;
	v2 =	vsub.f32 v13, v15;
	v15 =	vadd.s32 $0x8000, v16  }
0x58: {  	v7 =	vsub.f32 v7, v10;
	v10 =	vadd.s32 $0x8000, v4;
	v12 =	vsub.f32 v19, v20  }
0x59: {  	v0 =	vadd.s32 $0x8000, v0;
	v61 =	vadd.s32 $0x8000, v9;
	v62 =	vadd.s32 $0x8000, v1  }
0x5a: {  	v9 =	vshrl.u32 v8, $0x10;
	v10 =	vand.u32 $0xFFFF0000, v10;
	v8 =	vshrl.u32 v63, $0x10  }
0x5b: {  	v5 =	vshll.u32 v6, $0x10;
	v6 =	vand.u32 $0xFFFF0000, v6;
	v1 =	vadd.s32 $0x8000, v12  }
0x5c: {  	v12 =	vand.u32 $0xFFFF0000, v11;
	v13 =	vsub.f32 v5, v60;
	v6 =	vsub.f32 v6, v18  }
0x5d: {  	v11 =	vand.u32 $0xFFFF0000, v0;
	v5 =	vadd.s32 $0x8000, v2;
	v2 =	vadd.s32 $0x8000, v7  }
0x5e: {  	s18 =	simm.s32 $0x80;
	v7 =	vshrl.u32 v15, $0x10;
	v3 =	vadd.s32 $0x8000, v13;
	v4 =	vadd.s32 $0x8000, v6  }
0x5f: {  	s14 =	simm.s32 $0x400;
	v0 =	vld [tilespmem:s18+$0x2870];
	v6 =	vshrl.u32 v14, $0x10;
	v13 =	vshrl.u32 v61, $0x10;
	v14 =	vand.u32 $0xFFFF0000, v62  }
.LBB2_3:
0x60: {  	p0 =	sne.s32 s14, $0x4E00;
	v15 =	vld [tilespmem:s18+$0xA070];
	v5 =	vand.u32 $0xFFFF0000, v5;
	v3 =	vshrl.u32 v3, $0x10;
	v4 =	vand.u32 $0xFFFF0000, v4  }
0x61: {  	v9 =	vor.u32 v12, v9;
	v2 =	vshrl.u32 v2, $0x10;
	v1 =	vand.u32 $0xFFFF0000, v1;
	v16 =	vld [tilespmem:s18+$0x2800]  }
0x62: {  	v6 =	vor.u32 v10, v6;
	v7 =	vor.u32 v11, v7;
	v12 =	vld [tilespmem:s18+$0xA000];
	[tilespmem:s17+$0x11800] =	vst v9;
	v9 =	vor.u32 v14, v13  }
0x63: {  	v5 =	vor.u32 v5, v8;
	v3 =	vor.u32 v4, v3;
	v1 =	vor.u32 v1, v2;
	v10 =	vld [tilespmem:s18+$0x2810];
	[tilespmem:s17+$0x11810] =	vst v6  }
0x64: {  	v2 =	vld [tilespmem:s18+$0xA010];
	v4 =	vshll.u32 v0, $0x10;
	[tilespmem:s17+$0x11820] =	vst v7  }
0x65: {  	v0 =	vand.u32 $0xFFFF0000, v0;
	v6 =	vld [tilespmem:s18+$0x2820];
	v7 =	vshll.u32 v15, $0x10;
	v8 =	vand.u32 $0xFFFF0000, v15;
	[tilespmem:s17+$0x11830] =	vst v9  }
0x66: {  	v9 =	vshll.u32 v16, $0x10;
	v11 =	vld [tilespmem:s18+$0xA020];
	v4 =	vsub.f32 v4, v7;
	v0 =	vsub.f32 v0, v8;
	[tilespmem:s17+$0x11840] =	vst v5  }
0x67: {  	v7 =	vand.u32 $0xFFFF0000, v16;
	v5 =	vshll.u32 v12, $0x10;
	v8 =	vand.u32 $0xFFFF0000, v12;
	v12 =	vld [tilespmem:s18+$0x2830];
	[tilespmem:s17+$0x11850] =	vst v3  }
0x68: {  	v3 =	vshll.u32 v10, $0x10;
	v13 =	vld [tilespmem:s18+$0xA030];
	v4 =	vadd.s32 $0x8000, v4;
	v0 =	vadd.s32 $0x8000, v0;
	[tilespmem:s17+$0x11860] =	vst v1;
	s17 =	smov.u32 s18  }
0x69: {  	v1 =	vshll.u32 v2, $0x10;
	v14 =	vld [tilespmem:s17+$0x2840];
	v4 =	vshrl.u32 v4, $0x10;
	v0 =	vand.u32 $0xFFFF0000, v0  }
0x6a: {  	v10 =	vand.u32 $0xFFFF0000, v10;
	v2 =	vand.u32 $0xFFFF0000, v2;
	v15 =	vld [tilespmem:s17+$0xA040];
	v0 =	vor.u32 v0, v4  }
0x6b: {  	v4 =	vshll.u32 v6, $0x10;
	v6 =	vand.u32 $0xFFFF0000, v6;
	v16 =	vshll.u32 v11, $0x10;
	v17 =	vld [tilespmem:s17+$0x2850];
	[tilespmem:s17+$0x11870] =	vst v0  }
0x6c: {  	v0 =	vand.u32 $0xFFFF0000, v11;
	v11 =	vshll.u32 v12, $0x10;
	v12 =	vand.u32 $0xFFFF0000, v12;
	v18 =	vld [tilespmem:s17+$0xA050]  }
0x6d: {  	v5 =	vsub.f32 v9, v5;
	v9 =	vshll.u32 v13, $0x10;
	v13 =	vand.u32 $0xFFFF0000, v13;
	v19 =	vld [tilespmem:s17+$0x2860]  }
0x6e: {  	v7 =	vsub.f32 v7, v8;
	v8 =	vshll.u32 v14, $0x10;
	v14 =	vand.u32 $0xFFFF0000, v14;
	v20 =	vld [tilespmem:s17+$0xA060]  }
0x6f: {  	v1 =	vsub.f32 v3, v1;
	v3 =	vshll.u32 v15, $0x10;
	v15 =	vand.u32 $0xFFFF0000, v15  }
0x70: {  	v2 =	vsub.f32 v10, v2;
	v10 =	vshll.u32 v17, $0x10;
	v17 =	vand.u32 $0xFFFF0000, v17  }
0x71: {  	v4 =	vsub.f32 v4, v16;
	v16 =	vshll.u32 v18, $0x10;
	v18 =	vand.u32 $0xFFFF0000, v18  }
0x72: {  	v0 =	vsub.f32 v6, v0;
	v6 =	vshll.u32 v19, $0x10;
	v19 =	vand.u32 $0xFFFF0000, v19  }
0x73: {  	v9 =	vsub.f32 v11, v9;
	v11 =	vshll.u32 v20, $0x10;
	v20 =	vand.u32 $0xFFFF0000, v20  }
0x74: {  	v21 =	vadd.s32 $0x8000, v5;
	v5 =	vsub.f32 v12, v13;
	v3 =	vsub.f32 v8, v3  }
0x75: {  	v7 =	vadd.s32 $0x8000, v7;
	v8 =	vsub.f32 v14, v15;
	v10 =	vsub.f32 v10, v16  }
0x76: {  	v13 =	vadd.s32 $0x8000, v1;
	v1 =	vsub.f32 v17, v18;
	v6 =	vsub.f32 v6, v11  }
0x77: {  	v14 =	vadd.s32 $0x8000, v4;
	v11 =	vadd.s32 $0x8000, v2;
	v12 =	vsub.f32 v19, v20  }
0x78: {  	v0 =	vadd.s32 $0x8000, v0;
	v15 =	vadd.s32 $0x8000, v9;
	v16 =	vadd.s32 $0x8000, v5  }
.Ltmp2:
0x79: {  	v17 =	vadd.s32 $0x8000, v3;
	v5 =	vadd.s32 $0x8000, v8;
	v3 =	vadd.s32 $0x8000, v10;
	(pc) =	sbr.rel @p0 .LBB2_3-.Ltmp2, $4  }
0x7a: {  	v4 =	vadd.s32 $0x8000, v1;
	v2 =	vadd.s32 $0x8000, v6;
	v1 =	vadd.s32 $0x8000, v12  }
0x7b: {  	v9 =	vshrl.u32 v21, $0x10;
	v12 =	vand.u32 $0xFFFF0000, v7;
	v6 =	vshrl.u32 v13, $0x10  }
0x7c: {  	s18 =	sshra.s32 s14, $0x2;
	v10 =	vand.u32 $0xFFFF0000, v11;
	v11 =	vand.u32 $0xFFFF0000, v0;
	v7 =	vshrl.u32 v14, $0x10  }
0x7d: {  	s14 =	sadd.s32 $0x200, s14;
	v8 =	vshrl.u32 v17, $0x10;
	v13 =	vshrl.u32 v15, $0x10;
	v14 =	vand.u32 $0xFFFF0000, v16;
	v0 =	vld [tilespmem:s18+$0x2870]  }
0x7e: {  	v15 =	vld [tilespmem:s18+$0xA070]  }
0x7f: {  	v16 =	vld [tilespmem:s18+$0x2800];
	v9 =	vor.u32 v12, v9;
	v6 =	vor.u32 v10, v6;
	v5 =	vand.u32 $0xFFFF0000, v5  }
0x80: {  	v12 =	vld [tilespmem:s18+$0xA000];
	v3 =	vshrl.u32 v3, $0x10;
	v4 =	vand.u32 $0xFFFF0000, v4;
	v2 =	vshrl.u32 v2, $0x10;
	[tilespmem:s17+$0x11800] =	vst v9  }
0x81: {  	v1 =	vand.u32 $0xFFFF0000, v1;
	v5 =	vor.u32 v5, v8;
	v9 =	vld [tilespmem:s18+$0x2810];
	[tilespmem:s17+$0x11810] =	vst v6;
	v6 =	vor.u32 v11, v7  }
0x82: {  	v3 =	vor.u32 v4, v3;
	v7 =	vld [tilespmem:s18+$0xA010];
	[tilespmem:s17+$0x11820] =	vst v6;
	v6 =	vor.u32 v14, v13;
	v4 =	vshll.u32 v0, $0x10  }
0x83: {  	v10 =	vld [tilespmem:s18+$0x2820];
	[tilespmem:s17+$0x11830] =	vst v6;
	v0 =	vand.u32 $0xFFFF0000, v0;
	v8 =	vshll.u32 v15, $0x10;
	v11 =	vand.u32 $0xFFFF0000, v15  }
0x84: {  	v1 =	vor.u32 v1, v2;
	v6 =	vld [tilespmem:s18+$0xA020];
	[tilespmem:s17+$0x11840] =	vst v5;
	v2 =	vsub.f32 v4, v8;
	v0 =	vsub.f32 v0, v11  }
0x85: {  	v5 =	vld [tilespmem:s18+$0x2830];
	[tilespmem:s17+$0x11850] =	vst v3;
	v4 =	vshll.u32 v16, $0x10;
	v8 =	vshll.u32 v12, $0x10;
	v11 =	vand.u32 $0xFFFF0000, v16  }
0x86: {  	v3 =	vld [tilespmem:s18+$0xA030];
	[tilespmem:s17+$0x11860] =	vst v1;
	v1 =	vand.u32 $0xFFFF0000, v12;
	v13 =	vshll.u32 v9, $0x10;
	v9 =	vand.u32 $0xFFFF0000, v9  }
0x87: {  	v4 =	vsub.f32 v4, v8;
	v2 =	vadd.s32 $0x8000, v2;
	v0 =	vadd.s32 $0x8000, v0  }
0x88: {  	v15 =	vshll.u32 v7, $0x10;
	v7 =	vand.u32 $0xFFFF0000, v7;
	v1 =	vsub.f32 v11, v1  }
0x89: {  	v2 =	vshrl.u32 v2, $0x10;
	v0 =	vand.u32 $0xFFFF0000, v0;
	v53 =	vshll.u32 v10, $0x10  }
0x8a: {  	v12 =	vld [tilespmem:s18+$0x2840];
	v13 =	vsub.f32 v13, v15;
	v7 =	vsub.f32 v9, v7;
	v4 =	vadd.s32 $0x8000, v4  }
0x8b: {  	v14 =	vld [tilespmem:s18+$0xA040];
	v0 =	vor.u32 v0, v2;
	v17 =	vshll.u32 v6, $0x10;
	v6 =	vand.u32 $0xFFFF0000, v6  }
0x8c: {  	v18 =	vld [tilespmem:s18+$0xA050];
	v1 =	vadd.s32 $0x8000, v1;
	v4 =	vshrl.u32 v4, $0x10;
	[tilespmem:s18+$0x11870] =	vst v0;
	v0 =	vand.u32 $0xFFFF0000, v10  }
0x8d: {  	v19 =	vld [tilespmem:s18+$0x2860];
	v10 =	vshll.u32 v5, $0x10;
	v5 =	vand.u32 $0xFFFF0000, v5;
	v16 =	vsub.f32 v53, v17  }
0x8e: {  	v20 =	vld [tilespmem:s18+$0xA060];
	v7 =	vadd.s32 $0x8000, v7;
	v1 =	vand.u32 $0xFFFF0000, v1;
	v8 =	vshll.u32 v3, $0x10  }
0x8f: {  	v3 =	vand.u32 $0xFFFF0000, v3;
	v0 =	vsub.f32 v0, v6;
	v7 =	vand.u32 $0xFFFF0000, v7  }
0x90: {  	v1 =	vor.u32 v1, v4;
	v11 =	vshll.u32 v12, $0x10;
	v12 =	vand.u32 $0xFFFF0000, v12  }
0x91: {  	v2 =	vld [tilespmem:s18+$0x2850];
	v15 =	vshll.u32 v14, $0x10;
	v14 =	vand.u32 $0xFFFF0000, v14;
	v54 =	vshll.u32 v18, $0x10  }
0x92: {  	v18 =	vand.u32 $0xFFFF0000, v18;
	v6 =	vshll.u32 v19, $0x10;
	v19 =	vand.u32 $0xFFFF0000, v19  }
0x93: {  	v8 =	vsub.f32 v10, v8;
	v10 =	vshll.u32 v20, $0x10;
	v3 =	vsub.f32 v5, v3  }
0x94: {  	v20 =	vand.u32 $0xFFFF0000, v20;
	v5 =	vsub.f32 v11, v15;
	v11 =	vsub.f32 v12, v14  }
0x95: {  	v12 =	vadd.s32 $0x8000, v13;
	v6 =	vsub.f32 v6, v10;
	v10 =	vadd.s32 $0x8000, v16  }
0x96: {  	v13 =	vsub.f32 v19, v20;
	v0 =	vadd.s32 $0x8000, v0;
	v9 =	vshll.u32 v2, $0x10  }
0x97: {  	v2 =	vand.u32 $0xFFFF0000, v2;
	v8 =	vadd.s32 $0x8000, v8;
	v3 =	vadd.s32 $0x8000, v3  }
0x98: {  	v12 =	vshrl.u32 v12, $0x10;
	v4 =	vshrl.u32 v10, $0x10;
	v0 =	vand.u32 $0xFFFF0000, v0  }
0x99: {  	v9 =	vsub.f32 v9, v54;
	v2 =	vsub.f32 v2, v18;
	v5 =	vadd.s32 $0x8000, v5  }
0x9a: {  	v11 =	vadd.s32 $0x8000, v11;
	v6 =	vadd.s32 $0x8000, v6;
	v13 =	vadd.s32 $0x8000, v13  }
0x9b: {  	[tilespmem:s18+$0x11800] =	vst v1;
	v1 =	vor.u32 v7, v12;
	v7 =	vshrl.u32 v8, $0x10;
	v3 =	vand.u32 $0xFFFF0000, v3  }
0x9c: {  	v0 =	vor.u32 v0, v4;
	[tilespmem:s18+$0x11810] =	vst v1;
	v1 =	vshrl.u32 v5, $0x10;
	v4 =	vand.u32 $0xFFFF0000, v11  }
0x9d: {  	s17 =	smul.u32 $0xF0, s16;
	v3 =	vor.u32 v3, v7;
	[tilespmem:s18+$0x11820] =	vst v0;
	v9 =	vadd.s32 $0x8000, v9;
	v2 =	vadd.s32 $0x8000, v2  }
0x9e: {  	v1 =	vor.u32 v4, v1;
	[tilespmem:s18+$0x11830] =	vst v3;
	v3 =	vshrl.u32 v6, $0x10;
	v4 =	vand.u32 $0xFFFF0000, v13  }
0x9f: {  	s6 =	sadd.s32 s4, s17;
	v0 =	vshrl.u32 v9, $0x10;
	v2 =	vand.u32 $0xFFFF0000, v2;
	[tilespmem:s18+$0x11840] =	vst v1;
	v1 =	vor.u32 v4, v3  }
0xa0: {  	s6 =	sshll.u32 s6, $0x4;
	v0 =	vor.u32 v2, v0;
	[tilespmem:s18+$0x11860] =	vst v1  }
0xa1: {  	p0 =	seq.s32 s16, $0x14;
	s6 =	sadd.s32 s5, s6;
	[tilespmem:s18+$0x11850] =	vst v0  }
0xa2: {  	[hbm4b:s6+s3] =	stream.linear.scatter [tilespmem:s21], [sflag:$0x7], $0x1400, $0x38;
	[tilespmem:$0x14000] =	vst v63  }
0xa3: {  	s14 =	simm.s32 @!p0 $0x28;
	s18 =	simm.s32 @!p0 $0x2800;
	s6 =	sadd.s32 @!p0 $0xF0, s17  }
0xa4: {  	[tilespmem:s18], [sflag:$0x1] =	stream.indirect.gather @!p0 [hbm4b:s2+s14], $0x80, s6, s14, $0xb8;
	[tilespmem:$0x14000] =	vst v63  }
0xa5: {  	s6 =	sadd.s32 @!p0 $0x14F0, s17;
	s18 =	simm.s32 @!p0 $0xA000  }
0xa6: {  	[tilespmem:s18], [sflag:$0x1] =	stream.indirect.gather @!p0 [hbm4b:s2+s14], $0x80, s6, s14, $0xb8;
	[tilespmem:$0x14000] =	vst v63  }
0xa7: {  	_ =	swait.ge [sflag:s22], $0x1400  }
0xa8: {  	[sflag:s22] =	ssyncset.done $0x0  }
0xa9: {  	[sflag:s22] =	ssyncadd.s32 $0xFFFFEC00  }
0xaa: {  	_ =	swait.ge [sflag:s22], $0x1400  }
0xab: {  	[sflag:s22] =	ssyncset.done $0x0  }
0xac: {  	s6 =	simm.s32 @!p1 $0x8;
	[sflag:s22] =	ssyncadd.s32 $0xFFFFEC00  }
0xad: {  	_ =	swait.ge @!p1 [sflag:s6], $0x1400  }
0xae: {  	[sflag:s6] =	ssyncset.done @!p1 $0x0  }
0xaf: {  	s19 =	simm.s32 $0x0;
	[sflag:s6] =	ssyncadd.s32 @!p1 $0xFFFFEC00  }
0xb0: {  	v0 =	vld [tilespmem:s19+$0x3C70]  }
0xb1: {  	v1 =	vld [tilespmem:s19+$0xB470]  }
0xb2: {  	v2 =	vld [tilespmem:s19+$0x3C00]  }
0xb3: {  	v4 =	vld [tilespmem:s19+$0x3C10]  }
0xb4: {  	v5 =	vld [tilespmem:s19+$0xB410]  }
0xb5: {  	v7 =	vld [tilespmem:s19+$0x3C20]  }
0xb6: {  	v9 =	vld [tilespmem:s19+$0xB420]  }
0xb7: {  	v57 =	vld [tilespmem:s19+$0xB450]  }
0xb8: {  	v58 =	vld [tilespmem:s19+$0x3C60];
	v6 =	vshll.u32 v0, $0x10  }
0xb9: {  	v59 =	vld [tilespmem:s19+$0xB460];
	v8 =	vshll.u32 v1, $0x10;
	v0 =	vand.u32 $0xFFFF0000, v0;
	v1 =	vand.u32 $0xFFFF0000, v1  }
0xba: {  	v3 =	vld [tilespmem:s19+$0xB400];
	v10 =	vshll.u32 v2, $0x10;
	v2 =	vand.u32 $0xFFFF0000, v2;
	v12 =	vshll.u32 v4, $0x10  }
0xbb: {  	v15 =	vld [tilespmem:s19+$0xB440];
	v14 =	vshll.u32 v5, $0x10;
	v4 =	vand.u32 $0xFFFF0000, v4;
	v5 =	vand.u32 $0xFFFF0000, v5  }
0xbc: {  	v11 =	vld [tilespmem:s19+$0xB430];
	v55 =	vshll.u32 v7, $0x10;
	v56 =	vshll.u32 v9, $0x10;
	v7 =	vand.u32 $0xFFFF0000, v7  }
0xbd: {  	v13 =	vld [tilespmem:s19+$0x3C40];
	v60 =	vshll.u32 v57, $0x10;
	v18 =	vand.u32 $0xFFFF0000, v57;
	v19 =	vand.u32 $0xFFFF0000, v58  }
0xbe: {  	v20 =	vand.u32 $0xFFFF0000, v59;
	v6 =	vsub.f32 v6, v8;
	v0 =	vsub.f32 v0, v1  }
0xbf: {  	v8 =	vshll.u32 v3, $0x10;
	v3 =	vand.u32 $0xFFFF0000, v3;
	v12 =	vsub.f32 v12, v14  }
0xc0: {  	v14 =	vshll.u32 v15, $0x10;
	v15 =	vand.u32 $0xFFFF0000, v15;
	v4 =	vsub.f32 v4, v5  }
0xc1: {  	v16 =	vsub.f32 v55, v56;
	v8 =	vsub.f32 v10, v8;
	v10 =	vshll.u32 v11, $0x10  }
0xc2: {  	v1 =	vld [tilespmem:s19+$0x3C30];
	v11 =	vand.u32 $0xFFFF0000, v11;
	v2 =	vsub.f32 v2, v3;
	v3 =	vshll.u32 v13, $0x10  }
0xc3: {  	v13 =	vand.u32 $0xFFFF0000, v13;
	v6 =	vadd.s32 $0x8000, v6;
	v0 =	vadd.s32 $0x8000, v0  }
0xc4: {  	v3 =	vsub.f32 v3, v14;
	v14 =	vadd.s32 $0x8000, v12;
	v12 =	vsub.f32 v19, v20  }
0xc5: {  	v6 =	vshrl.u32 v6, $0x10;
	v0 =	vand.u32 $0xFFFF0000, v0;
	v8 =	vadd.s32 $0x8000, v8  }
0xc6: {  	v0 =	vor.u32 v0, v6;
	v63 =	vadd.s32 $0x8000, v3;
	v8 =	vshrl.u32 v8, $0x10  }
0xc7: {  	[tilespmem:s19+$0x12C70] =	vst v0;
	v0 =	vand.u32 $0xFFFF0000, v9;
	v9 =	vshll.u32 v1, $0x10;
	v1 =	vand.u32 $0xFFFF0000, v1  }
0xc8: {  	v6 =	vld [tilespmem:s19+$0x3C50];
	v0 =	vsub.f32 v7, v0;
	v7 =	vshll.u32 v58, $0x10;
	v9 =	vsub.f32 v9, v10  }
0xc9: {  	v10 =	vshll.u32 v59, $0x10;
	v1 =	vsub.f32 v1, v11;
	v11 =	vadd.s32 $0x8000, v2  }
0xca: {  	v2 =	vsub.f32 v13, v15;
	v15 =	vadd.s32 $0x8000, v16;
	v7 =	vsub.f32 v7, v10  }
0xcb: {  	v10 =	vadd.s32 $0x8000, v4;
	v0 =	vadd.s32 $0x8000, v0;
	v61 =	vadd.s32 $0x8000, v9  }
0xcc: {  	v62 =	vadd.s32 $0x8000, v1;
	v1 =	vadd.s32 $0x8000, v12;
	v12 =	vand.u32 $0xFFFF0000, v11  }
0xcd: {  	v9 =	vand.u32 $0xFFFF0000, v10;
	v5 =	vshll.u32 v6, $0x10;
	v6 =	vand.u32 $0xFFFF0000, v6  }
0xce: {  	v11 =	vshrl.u32 v63, $0x10;
	v13 =	vsub.f32 v5, v60;
	v6 =	vsub.f32 v6, v18  }
0xcf: {  	v10 =	vand.u32 $0xFFFF0000, v0;
	v5 =	vadd.s32 $0x8000, v2;
	v2 =	vadd.s32 $0x8000, v7  }
0xd0: {  	s18 =	sadd.s32 @!p0 $0x28, s17;
	s14 =	simm.s32 $0x80;
	v7 =	vshrl.u32 v15, $0x10;
	v3 =	vadd.s32 $0x8000, v13;
	v4 =	vadd.s32 $0x8000, v6  }
0xd1: {  	s18 =	simm.s32 @p0 $0x12E8;
	s6 =	simm.s32 $0x400;
	v0 =	vld [tilespmem:s14+$0x3C70];
	v6 =	vshrl.u32 v14, $0x10;
	v13 =	vshrl.u32 v61, $0x10;
	v14 =	vand.u32 $0xFFFF0000, v62  }
.LBB2_5:
0xd2: {  	p1 =	sne.s32 s6, $0x4E00;
	v15 =	vld [tilespmem:s14+$0xB470];
	v5 =	vand.u32 $0xFFFF0000, v5;
	v3 =	vshrl.u32 v3, $0x10;
	v4 =	vand.u32 $0xFFFF0000, v4  }
0xd3: {  	v8 =	vor.u32 v12, v8;
	v2 =	vshrl.u32 v2, $0x10;
	v1 =	vand.u32 $0xFFFF0000, v1;
	v16 =	vld [tilespmem:s14+$0x3C00]  }
0xd4: {  	v6 =	vor.u32 v9, v6;
	v7 =	vor.u32 v10, v7;
	v12 =	vld [tilespmem:s14+$0xB400];
	[tilespmem:s19+$0x12C00] =	vst v8;
	v8 =	vor.u32 v14, v13  }
0xd5: {  	v5 =	vor.u32 v5, v11;
	v3 =	vor.u32 v4, v3;
	v1 =	vor.u32 v1, v2;
	v9 =	vld [tilespmem:s14+$0x3C10];
	[tilespmem:s19+$0x12C10] =	vst v6  }
0xd6: {  	v2 =	vld [tilespmem:s14+$0xB410];
	v4 =	vshll.u32 v0, $0x10;
	[tilespmem:s19+$0x12C20] =	vst v7  }
0xd7: {  	v0 =	vand.u32 $0xFFFF0000, v0;
	v6 =	vld [tilespmem:s14+$0x3C20];
	v7 =	vshll.u32 v15, $0x10;
	v10 =	vand.u32 $0xFFFF0000, v15;
	[tilespmem:s19+$0x12C30] =	vst v8  }
0xd8: {  	v8 =	vshll.u32 v16, $0x10;
	v11 =	vld [tilespmem:s14+$0xB420];
	v4 =	vsub.f32 v4, v7;
	v0 =	vsub.f32 v0, v10;
	[tilespmem:s19+$0x12C40] =	vst v5  }
0xd9: {  	v7 =	vand.u32 $0xFFFF0000, v16;
	v5 =	vshll.u32 v12, $0x10;
	v10 =	vand.u32 $0xFFFF0000, v12;
	v12 =	vld [tilespmem:s14+$0x3C30];
	[tilespmem:s19+$0x12C50] =	vst v3  }
0xda: {  	v3 =	vshll.u32 v9, $0x10;
	v13 =	vld [tilespmem:s14+$0xB430];
	v4 =	vadd.s32 $0x8000, v4;
	v0 =	vadd.s32 $0x8000, v0;
	[tilespmem:s19+$0x12C60] =	vst v1;
	s19 =	smov.u32 s14  }
0xdb: {  	v1 =	vshll.u32 v2, $0x10;
	v14 =	vld [tilespmem:s19+$0x3C40];
	v4 =	vshrl.u32 v4, $0x10;
	v0 =	vand.u32 $0xFFFF0000, v0  }
0xdc: {  	v9 =	vand.u32 $0xFFFF0000, v9;
	v2 =	vand.u32 $0xFFFF0000, v2;
	v15 =	vld [tilespmem:s19+$0xB440];
	v0 =	vor.u32 v0, v4  }
0xdd: {  	v4 =	vshll.u32 v6, $0x10;
	v6 =	vand.u32 $0xFFFF0000, v6;
	v16 =	vshll.u32 v11, $0x10;
	v17 =	vld [tilespmem:s19+$0x3C50];
	[tilespmem:s19+$0x12C70] =	vst v0  }
0xde: {  	v0 =	vand.u32 $0xFFFF0000, v11;
	v11 =	vshll.u32 v12, $0x10;
	v12 =	vand.u32 $0xFFFF0000, v12;
	v18 =	vld [tilespmem:s19+$0xB450]  }
0xdf: {  	v5 =	vsub.f32 v8, v5;
	v8 =	vshll.u32 v13, $0x10;
	v13 =	vand.u32 $0xFFFF0000, v13;
	v19 =	vld [tilespmem:s19+$0x3C60]  }
0xe0: {  	v7 =	vsub.f32 v7, v10;
	v10 =	vshll.u32 v14, $0x10;
	v14 =	vand.u32 $0xFFFF0000, v14;
	v20 =	vld [tilespmem:s19+$0xB460]  }
0xe1: {  	v1 =	vsub.f32 v3, v1;
	v3 =	vshll.u32 v15, $0x10;
	v15 =	vand.u32 $0xFFFF0000, v15  }
0xe2: {  	v2 =	vsub.f32 v9, v2;
	v9 =	vshll.u32 v17, $0x10;
	v17 =	vand.u32 $0xFFFF0000, v17  }
0xe3: {  	v4 =	vsub.f32 v4, v16;
	v16 =	vshll.u32 v18, $0x10;
	v18 =	vand.u32 $0xFFFF0000, v18  }
0xe4: {  	v0 =	vsub.f32 v6, v0;
	v6 =	vshll.u32 v19, $0x10;
	v19 =	vand.u32 $0xFFFF0000, v19  }
0xe5: {  	v8 =	vsub.f32 v11, v8;
	v11 =	vshll.u32 v20, $0x10;
	v20 =	vand.u32 $0xFFFF0000, v20  }
0xe6: {  	v21 =	vadd.s32 $0x8000, v5;
	v5 =	vsub.f32 v12, v13;
	v3 =	vsub.f32 v10, v3  }
0xe7: {  	v7 =	vadd.s32 $0x8000, v7;
	v10 =	vsub.f32 v14, v15;
	v9 =	vsub.f32 v9, v16  }
0xe8: {  	v13 =	vadd.s32 $0x8000, v1;
	v1 =	vsub.f32 v17, v18;
	v6 =	vsub.f32 v6, v11  }
0xe9: {  	v14 =	vadd.s32 $0x8000, v4;
	v11 =	vadd.s32 $0x8000, v2;
	v12 =	vsub.f32 v19, v20  }
0xea: {  	v0 =	vadd.s32 $0x8000, v0;
	v15 =	vadd.s32 $0x8000, v8;
	v16 =	vadd.s32 $0x8000, v5  }
.Ltmp3:
0xeb: {  	v17 =	vadd.s32 $0x8000, v3;
	v5 =	vadd.s32 $0x8000, v10;
	v3 =	vadd.s32 $0x8000, v9;
	(pc) =	sbr.rel @p1 .LBB2_5-.Ltmp3, $4  }
0xec: {  	v4 =	vadd.s32 $0x8000, v1;
	v2 =	vadd.s32 $0x8000, v6;
	v1 =	vadd.s32 $0x8000, v12  }
0xed: {  	v8 =	vshrl.u32 v21, $0x10;
	v12 =	vand.u32 $0xFFFF0000, v7;
	v6 =	vshrl.u32 v13, $0x10  }
0xee: {  	s14 =	sshra.s32 s6, $0x2;
	v10 =	vand.u32 $0xFFFF0000, v0;
	v9 =	vand.u32 $0xFFFF0000, v11;
	v7 =	vshrl.u32 v14, $0x10  }
0xef: {  	s6 =	sadd.s32 $0x200, s6;
	v11 =	vshrl.u32 v17, $0x10;
	v13 =	vshrl.u32 v15, $0x10;
	v14 =	vand.u32 $0xFFFF0000, v16;
	v0 =	vld [tilespmem:s14+$0x3C70]  }
0xf0: {  	v15 =	vld [tilespmem:s14+$0xB470]  }
0xf1: {  	v16 =	vld [tilespmem:s14+$0x3C00];
	v8 =	vor.u32 v12, v8;
	v6 =	vor.u32 v9, v6;
	v5 =	vand.u32 $0xFFFF0000, v5  }
0xf2: {  	v12 =	vld [tilespmem:s14+$0xB400];
	v3 =	vshrl.u32 v3, $0x10;
	v4 =	vand.u32 $0xFFFF0000, v4;
	v2 =	vshrl.u32 v2, $0x10;
	[tilespmem:s19+$0x12C00] =	vst v8  }
0xf3: {  	v1 =	vand.u32 $0xFFFF0000, v1;
	v5 =	vor.u32 v5, v11;
	v8 =	vld [tilespmem:s14+$0x3C10];
	[tilespmem:s19+$0x12C10] =	vst v6;
	v6 =	vor.u32 v10, v7  }
0xf4: {  	v3 =	vor.u32 v4, v3;
	v7 =	vld [tilespmem:s14+$0xB410];
	[tilespmem:s19+$0x12C20] =	vst v6;
	v6 =	vor.u32 v14, v13;
	v4 =	vshll.u32 v0, $0x10  }
0xf5: {  	v9 =	vld [tilespmem:s14+$0x3C20];
	[tilespmem:s19+$0x12C30] =	vst v6;
	v0 =	vand.u32 $0xFFFF0000, v0;
	v10 =	vshll.u32 v15, $0x10;
	v11 =	vand.u32 $0xFFFF0000, v15  }
0xf6: {  	v1 =	vor.u32 v1, v2;
	v6 =	vld [tilespmem:s14+$0xB420];
	[tilespmem:s19+$0x12C40] =	vst v5;
	v2 =	vsub.f32 v4, v10;
	v0 =	vsub.f32 v0, v11  }
0xf7: {  	v5 =	vld [tilespmem:s14+$0x3C30];
	[tilespmem:s19+$0x12C50] =	vst v3;
	v4 =	vshll.u32 v16, $0x10;
	v10 =	vshll.u32 v12, $0x10;
	v11 =	vand.u32 $0xFFFF0000, v16  }
0xf8: {  	v3 =	vld [tilespmem:s14+$0xB430];
	[tilespmem:s19+$0x12C60] =	vst v1;
	v1 =	vand.u32 $0xFFFF0000, v12;
	v13 =	vshll.u32 v8, $0x10;
	v8 =	vand.u32 $0xFFFF0000, v8  }
0xf9: {  	v4 =	vsub.f32 v4, v10;
	v2 =	vadd.s32 $0x8000, v2;
	v0 =	vadd.s32 $0x8000, v0  }
0xfa: {  	v15 =	vshll.u32 v7, $0x10;
	v7 =	vand.u32 $0xFFFF0000, v7;
	v1 =	vsub.f32 v11, v1  }
0xfb: {  	v2 =	vshrl.u32 v2, $0x10;
	v0 =	vand.u32 $0xFFFF0000, v0;
	v53 =	vshll.u32 v9, $0x10  }
0xfc: {  	v12 =	vld [tilespmem:s14+$0x3C40];
	v13 =	vsub.f32 v13, v15;
	v7 =	vsub.f32 v8, v7;
	v4 =	vadd.s32 $0x8000, v4  }
0xfd: {  	v14 =	vld [tilespmem:s14+$0xB440];
	v0 =	vor.u32 v0, v2;
	v17 =	vshll.u32 v6, $0x10;
	v6 =	vand.u32 $0xFFFF0000, v6  }
0xfe: {  	v18 =	vld [tilespmem:s14+$0xB450];
	v1 =	vadd.s32 $0x8000, v1;
	v4 =	vshrl.u32 v4, $0x10;
	[tilespmem:s14+$0x12C70] =	vst v0;
	v0 =	vand.u32 $0xFFFF0000, v9  }
0xff: {  	v19 =	vld [tilespmem:s14+$0x3C60];
	v9 =	vshll.u32 v5, $0x10;
	v5 =	vand.u32 $0xFFFF0000, v5;
	v16 =	vsub.f32 v53, v17  }
0x100: {  	v20 =	vld [tilespmem:s14+$0xB460];
	v7 =	vadd.s32 $0x8000, v7;
	v1 =	vand.u32 $0xFFFF0000, v1;
	v10 =	vshll.u32 v3, $0x10  }
0x101: {  	v3 =	vand.u32 $0xFFFF0000, v3;
	v0 =	vsub.f32 v0, v6;
	v7 =	vand.u32 $0xFFFF0000, v7  }
0x102: {  	v1 =	vor.u32 v1, v4;
	v11 =	vshll.u32 v12, $0x10;
	v12 =	vand.u32 $0xFFFF0000, v12  }
0x103: {  	v2 =	vld [tilespmem:s14+$0x3C50];
	v15 =	vshll.u32 v14, $0x10;
	v14 =	vand.u32 $0xFFFF0000, v14;
	v54 =	vshll.u32 v18, $0x10  }
0x104: {  	v18 =	vand.u32 $0xFFFF0000, v18;
	v6 =	vshll.u32 v19, $0x10;
	v19 =	vand.u32 $0xFFFF0000, v19  }
0x105: {  	v9 =	vsub.f32 v9, v10;
	v10 =	vshll.u32 v20, $0x10;
	v3 =	vsub.f32 v5, v3  }
0x106: {  	v20 =	vand.u32 $0xFFFF0000, v20;
	v5 =	vsub.f32 v11, v15;
	v11 =	vsub.f32 v12, v14  }
0x107: {  	v12 =	vadd.s32 $0x8000, v13;
	v6 =	vsub.f32 v6, v10;
	v10 =	vadd.s32 $0x8000, v16  }
0x108: {  	v13 =	vsub.f32 v19, v20;
	v0 =	vadd.s32 $0x8000, v0;
	v8 =	vshll.u32 v2, $0x10  }
0x109: {  	v2 =	vand.u32 $0xFFFF0000, v2;
	v9 =	vadd.s32 $0x8000, v9;
	v3 =	vadd.s32 $0x8000, v3  }
0x10a: {  	v12 =	vshrl.u32 v12, $0x10;
	v4 =	vshrl.u32 v10, $0x10;
	v0 =	vand.u32 $0xFFFF0000, v0  }
0x10b: {  	v8 =	vsub.f32 v8, v54;
	v2 =	vsub.f32 v2, v18;
	v5 =	vadd.s32 $0x8000, v5  }
0x10c: {  	v11 =	vadd.s32 $0x8000, v11;
	v6 =	vadd.s32 $0x8000, v6;
	v13 =	vadd.s32 $0x8000, v13  }
0x10d: {  	[tilespmem:s14+$0x12C00] =	vst v1;
	v1 =	vor.u32 v7, v12;
	v7 =	vshrl.u32 v9, $0x10;
	v3 =	vand.u32 $0xFFFF0000, v3  }
0x10e: {  	v0 =	vor.u32 v0, v4;
	[tilespmem:s14+$0x12C10] =	vst v1;
	v1 =	vshrl.u32 v5, $0x10;
	v4 =	vand.u32 $0xFFFF0000, v11  }
0x10f: {  	v3 =	vor.u32 v3, v7;
	[tilespmem:s14+$0x12C20] =	vst v0;
	v8 =	vadd.s32 $0x8000, v8;
	v2 =	vadd.s32 $0x8000, v2  }
0x110: {  	v1 =	vor.u32 v4, v1;
	[tilespmem:s14+$0x12C30] =	vst v3;
	v3 =	vshrl.u32 v6, $0x10;
	v4 =	vand.u32 $0xFFFF0000, v13  }
0x111: {  	s6 =	sadd.s32 s4, s18;
	v0 =	vshrl.u32 v8, $0x10;
	v2 =	vand.u32 $0xFFFF0000, v2;
	[tilespmem:s14+$0x12C40] =	vst v1;
	v1 =	vor.u32 v4, v3  }
0x112: {  	s6 =	sshll.u32 s6, $0x4;
	v0 =	vor.u32 v2, v0;
	[tilespmem:s14+$0x12C60] =	vst v1  }
0x113: {  	s6 =	sadd.s32 s5, s6;
	[tilespmem:s14+$0x12C50] =	vst v0  }
0x114: {  	[hbm4b:s6+s3] =	stream.linear.scatter [tilespmem:s23], [sflag:$0x8], $0x1400, $0x38;
	[tilespmem:$0x14000] =	vst v63  }
0x115: {  	s18 =	simm.s32 @!p0 $0x3C00;
	s14 =	simm.s32 @!p0 $0x28;
	s6 =	sadd.s32 @!p0 $0x118, s17  }
0x116: {  	[tilespmem:s18], [sflag:$0x2] =	stream.indirect.gather @!p0 [hbm4b:s2+s14], $0x80, s6, s14, $0xb8;
	[tilespmem:$0x14000] =	vst v63  }
0x117: {  	s6 =	sadd.s32 @!p0 $0x1518, s17;
	s18 =	simm.s32 @!p0 $0xB400  }
0x118: {  	[tilespmem:s18], [sflag:$0x2] =	stream.indirect.gather @!p0 [hbm4b:s2+s14], $0x80, s6, s14, $0xb8;
	[tilespmem:$0x14000] =	vst v63  }
0x119: {  	_ =	swait.ge [sflag:s24], $0x1400  }
0x11a: {  	[sflag:s24] =	ssyncset.done $0x0  }
0x11b: {  	[sflag:s24] =	ssyncadd.s32 $0xFFFFEC00  }
0x11c: {  	_ =	swait.ge [sflag:s24], $0x1400  }
0x11d: {  	[sflag:s24] =	ssyncset.done $0x0  }
0x11e: {  	[sflag:s24] =	ssyncadd.s32 $0xFFFFEC00  }
0x11f: {  	_ =	swait.ge [sflag:s25], $0x1400  }
0x120: {  	[sflag:s25] =	ssyncset.done $0x0  }
0x121: {  	s18 =	simm.s32 $0x0;
	[sflag:s25] =	ssyncadd.s32 $0xFFFFEC00  }
0x122: {  	v0 =	vld [tilespmem:s18+$0x5070]  }
0x123: {  	v1 =	vld [tilespmem:s18+$0xC870]  }
0x124: {  	v2 =	vld [tilespmem:s18+$0x5000]  }
0x125: {  	v4 =	vld [tilespmem:s18+$0x5010]  }
0x126: {  	v5 =	vld [tilespmem:s18+$0xC810]  }
0x127: {  	v7 =	vld [tilespmem:s18+$0x5020]  }
0x128: {  	v9 =	vld [tilespmem:s18+$0xC820]  }
0x129: {  	v57 =	vld [tilespmem:s18+$0xC850]  }
0x12a: {  	v58 =	vld [tilespmem:s18+$0x5060];
	v6 =	vshll.u32 v0, $0x10  }
0x12b: {  	v59 =	vld [tilespmem:s18+$0xC860];
	v8 =	vshll.u32 v1, $0x10;
	v0 =	vand.u32 $0xFFFF0000, v0;
	v1 =	vand.u32 $0xFFFF0000, v1  }
0x12c: {  	v3 =	vld [tilespmem:s18+$0xC800];
	v10 =	vshll.u32 v2, $0x10;
	v2 =	vand.u32 $0xFFFF0000, v2;
	v12 =	vshll.u32 v4, $0x10  }
0x12d: {  	v15 =	vld [tilespmem:s18+$0xC840];
	v14 =	vshll.u32 v5, $0x10;
	v4 =	vand.u32 $0xFFFF0000, v4;
	v5 =	vand.u32 $0xFFFF0000, v5  }
0x12e: {  	v11 =	vld [tilespmem:s18+$0xC830];
	v55 =	vshll.u32 v7, $0x10;
	v56 =	vshll.u32 v9, $0x10;
	v7 =	vand.u32 $0xFFFF0000, v7  }
0x12f: {  	v13 =	vld [tilespmem:s18+$0x5040];
	v60 =	vshll.u32 v57, $0x10;
	v18 =	vand.u32 $0xFFFF0000, v57;
	v19 =	vand.u32 $0xFFFF0000, v58  }
0x130: {  	v20 =	vand.u32 $0xFFFF0000, v59;
	v6 =	vsub.f32 v6, v8;
	v0 =	vsub.f32 v0, v1  }
0x131: {  	v8 =	vshll.u32 v3, $0x10;
	v3 =	vand.u32 $0xFFFF0000, v3;
	v12 =	vsub.f32 v12, v14  }
0x132: {  	v14 =	vshll.u32 v15, $0x10;
	v15 =	vand.u32 $0xFFFF0000, v15;
	v4 =	vsub.f32 v4, v5  }
0x133: {  	v16 =	vsub.f32 v55, v56;
	v8 =	vsub.f32 v10, v8;
	v10 =	vshll.u32 v11, $0x10  }
0x134: {  	v1 =	vld [tilespmem:s18+$0x5030];
	v11 =	vand.u32 $0xFFFF0000, v11;
	v2 =	vsub.f32 v2, v3;
	v3 =	vshll.u32 v13, $0x10  }
0x135: {  	v13 =	vand.u32 $0xFFFF0000, v13;
	v6 =	vadd.s32 $0x8000, v6;
	v0 =	vadd.s32 $0x8000, v0  }
0x136: {  	v3 =	vsub.f32 v3, v14;
	v6 =	vshrl.u32 v6, $0x10;
	v0 =	vand.u32 $0xFFFF0000, v0  }
0x137: {  	v14 =	vadd.s32 $0x8000, v12;
	v12 =	vsub.f32 v19, v20;
	v0 =	vor.u32 v0, v6  }
0x138: {  	v8 =	vadd.s32 $0x8000, v8;
	v63 =	vadd.s32 $0x8000, v3;
	[tilespmem:s18+$0x11870] =	vst v0;
	v0 =	vand.u32 $0xFFFF0000, v9  }
0x139: {  	v9 =	vshll.u32 v1, $0x10;
	v1 =	vand.u32 $0xFFFF0000, v1;
	v0 =	vsub.f32 v7, v0  }
0x13a: {  	v6 =	vld [tilespmem:s18+$0x5050];
	v7 =	vshll.u32 v58, $0x10;
	v9 =	vsub.f32 v9, v10;
	v10 =	vshll.u32 v59, $0x10  }
0x13b: {  	v1 =	vsub.f32 v1, v11;
	v11 =	vadd.s32 $0x8000, v2;
	v2 =	vsub.f32 v13, v15  }
0x13c: {  	v15 =	vadd.s32 $0x8000, v16;
	v7 =	vsub.f32 v7, v10;
	v10 =	vadd.s32 $0x8000, v4  }
0x13d: {  	v0 =	vadd.s32 $0x8000, v0;
	v61 =	vadd.s32 $0x8000, v9;
	v62 =	vadd.s32 $0x8000, v1  }
0x13e: {  	v1 =	vadd.s32 $0x8000, v12;
	v9 =	vshrl.u32 v8, $0x10;
	v12 =	vand.u32 $0xFFFF0000, v11  }
0x13f: {  	v10 =	vand.u32 $0xFFFF0000, v10;
	v5 =	vshll.u32 v6, $0x10;
	v6 =	vand.u32 $0xFFFF0000, v6  }
0x140: {  	v8 =	vshrl.u32 v63, $0x10;
	v13 =	vsub.f32 v5, v60;
	v6 =	vsub.f32 v6, v18  }
0x141: {  	v11 =	vand.u32 $0xFFFF0000, v0;
	v5 =	vadd.s32 $0x8000, v2;
	v2 =	vadd.s32 $0x8000, v7  }
0x142: {  	s14 =	simm.s32 $0x80;
	v7 =	vshrl.u32 v15, $0x10;
	v3 =	vadd.s32 $0x8000, v13;
	v4 =	vadd.s32 $0x8000, v6  }
0x143: {  	s6 =	simm.s32 $0x400;
	v0 =	vld [tilespmem:s14+$0x5070];
	v6 =	vshrl.u32 v14, $0x10;
	v13 =	vshrl.u32 v61, $0x10;
	v14 =	vand.u32 $0xFFFF0000, v62  }
.LBB2_7:
0x144: {  	p1 =	sne.s32 s6, $0x4E00;
	v15 =	vld [tilespmem:s14+$0xC870];
	v5 =	vand.u32 $0xFFFF0000, v5;
	v3 =	vshrl.u32 v3, $0x10;
	v4 =	vand.u32 $0xFFFF0000, v4  }
0x145: {  	v9 =	vor.u32 v12, v9;
	v2 =	vshrl.u32 v2, $0x10;
	v1 =	vand.u32 $0xFFFF0000, v1;
	v16 =	vld [tilespmem:s14+$0x5000]  }
0x146: {  	v6 =	vor.u32 v10, v6;
	v7 =	vor.u32 v11, v7;
	v12 =	vld [tilespmem:s14+$0xC800];
	[tilespmem:s18+$0x11800] =	vst v9;
	v9 =	vor.u32 v14, v13  }
0x147: {  	v5 =	vor.u32 v5, v8;
	v3 =	vor.u32 v4, v3;
	v1 =	vor.u32 v1, v2;
	v10 =	vld [tilespmem:s14+$0x5010];
	[tilespmem:s18+$0x11810] =	vst v6  }
0x148: {  	v2 =	vld [tilespmem:s14+$0xC810];
	v4 =	vshll.u32 v0, $0x10;
	[tilespmem:s18+$0x11820] =	vst v7  }
0x149: {  	v0 =	vand.u32 $0xFFFF0000, v0;
	v6 =	vld [tilespmem:s14+$0x5020];
	v7 =	vshll.u32 v15, $0x10;
	v8 =	vand.u32 $0xFFFF0000, v15;
	[tilespmem:s18+$0x11830] =	vst v9  }
0x14a: {  	v9 =	vshll.u32 v16, $0x10;
	v11 =	vld [tilespmem:s14+$0xC820];
	v4 =	vsub.f32 v4, v7;
	v0 =	vsub.f32 v0, v8;
	[tilespmem:s18+$0x11840] =	vst v5  }
0x14b: {  	v7 =	vand.u32 $0xFFFF0000, v16;
	v5 =	vshll.u32 v12, $0x10;
	v8 =	vand.u32 $0xFFFF0000, v12;
	v12 =	vld [tilespmem:s14+$0x5030];
	[tilespmem:s18+$0x11850] =	vst v3  }
0x14c: {  	v3 =	vshll.u32 v10, $0x10;
	v13 =	vld [tilespmem:s14+$0xC830];
	v4 =	vadd.s32 $0x8000, v4;
	v0 =	vadd.s32 $0x8000, v0;
	[tilespmem:s18+$0x11860] =	vst v1;
	s18 =	smov.u32 s14  }
0x14d: {  	v1 =	vshll.u32 v2, $0x10;
	v14 =	vld [tilespmem:s18+$0x5040];
	v4 =	vshrl.u32 v4, $0x10;
	v0 =	vand.u32 $0xFFFF0000, v0  }
0x14e: {  	v10 =	vand.u32 $0xFFFF0000, v10;
	v2 =	vand.u32 $0xFFFF0000, v2;
	v15 =	vld [tilespmem:s18+$0xC840];
	v0 =	vor.u32 v0, v4  }
0x14f: {  	v4 =	vshll.u32 v6, $0x10;
	v6 =	vand.u32 $0xFFFF0000, v6;
	v16 =	vshll.u32 v11, $0x10;
	v17 =	vld [tilespmem:s18+$0x5050];
	[tilespmem:s18+$0x11870] =	vst v0  }
0x150: {  	v0 =	vand.u32 $0xFFFF0000, v11;
	v11 =	vshll.u32 v12, $0x10;
	v12 =	vand.u32 $0xFFFF0000, v12;
	v18 =	vld [tilespmem:s18+$0xC850]  }
0x151: {  	v5 =	vsub.f32 v9, v5;
	v9 =	vshll.u32 v13, $0x10;
	v13 =	vand.u32 $0xFFFF0000, v13;
	v19 =	vld [tilespmem:s18+$0x5060]  }
0x152: {  	v7 =	vsub.f32 v7, v8;
	v8 =	vshll.u32 v14, $0x10;
	v14 =	vand.u32 $0xFFFF0000, v14;
	v20 =	vld [tilespmem:s18+$0xC860]  }
0x153: {  	v1 =	vsub.f32 v3, v1;
	v3 =	vshll.u32 v15, $0x10;
	v15 =	vand.u32 $0xFFFF0000, v15  }
0x154: {  	v2 =	vsub.f32 v10, v2;
	v10 =	vshll.u32 v17, $0x10;
	v17 =	vand.u32 $0xFFFF0000, v17  }
0x155: {  	v4 =	vsub.f32 v4, v16;
	v16 =	vshll.u32 v18, $0x10;
	v18 =	vand.u32 $0xFFFF0000, v18  }
0x156: {  	v0 =	vsub.f32 v6, v0;
	v6 =	vshll.u32 v19, $0x10;
	v19 =	vand.u32 $0xFFFF0000, v19  }
0x157: {  	v9 =	vsub.f32 v11, v9;
	v11 =	vshll.u32 v20, $0x10;
	v20 =	vand.u32 $0xFFFF0000, v20  }
0x158: {  	v21 =	vadd.s32 $0x8000, v5;
	v5 =	vsub.f32 v12, v13;
	v3 =	vsub.f32 v8, v3  }
0x159: {  	v7 =	vadd.s32 $0x8000, v7;
	v8 =	vsub.f32 v14, v15;
	v10 =	vsub.f32 v10, v16  }
0x15a: {  	v13 =	vadd.s32 $0x8000, v1;
	v1 =	vsub.f32 v17, v18;
	v6 =	vsub.f32 v6, v11  }
0x15b: {  	v14 =	vadd.s32 $0x8000, v4;
	v11 =	vadd.s32 $0x8000, v2;
	v12 =	vsub.f32 v19, v20  }
0x15c: {  	v0 =	vadd.s32 $0x8000, v0;
	v15 =	vadd.s32 $0x8000, v9;
	v16 =	vadd.s32 $0x8000, v5  }
.Ltmp4:
0x15d: {  	v17 =	vadd.s32 $0x8000, v3;
	v5 =	vadd.s32 $0x8000, v8;
	v3 =	vadd.s32 $0x8000, v10;
	(pc) =	sbr.rel @p1 .LBB2_7-.Ltmp4, $4  }
0x15e: {  	v4 =	vadd.s32 $0x8000, v1;
	v2 =	vadd.s32 $0x8000, v6;
	v1 =	vadd.s32 $0x8000, v12  }
0x15f: {  	v9 =	vshrl.u32 v21, $0x10;
	v12 =	vand.u32 $0xFFFF0000, v7;
	v6 =	vshrl.u32 v13, $0x10  }
0x160: {  	s14 =	sshra.s32 s6, $0x2;
	v10 =	vand.u32 $0xFFFF0000, v11;
	v11 =	vand.u32 $0xFFFF0000, v0;
	v7 =	vshrl.u32 v14, $0x10  }
0x161: {  	s6 =	sadd.s32 $0x200, s6;
	v8 =	vshrl.u32 v17, $0x10;
	v13 =	vshrl.u32 v15, $0x10;
	v14 =	vand.u32 $0xFFFF0000, v16;
	v0 =	vld [tilespmem:s14+$0x5070]  }
0x162: {  	v15 =	vld [tilespmem:s14+$0xC870]  }
0x163: {  	v16 =	vld [tilespmem:s14+$0x5000];
	v9 =	vor.u32 v12, v9;
	v6 =	vor.u32 v10, v6;
	v5 =	vand.u32 $0xFFFF0000, v5  }
0x164: {  	v12 =	vld [tilespmem:s14+$0xC800];
	v3 =	vshrl.u32 v3, $0x10;
	v4 =	vand.u32 $0xFFFF0000, v4;
	v2 =	vshrl.u32 v2, $0x10;
	[tilespmem:s18+$0x11800] =	vst v9  }
0x165: {  	v1 =	vand.u32 $0xFFFF0000, v1;
	v5 =	vor.u32 v5, v8;
	v9 =	vld [tilespmem:s14+$0x5010];
	[tilespmem:s18+$0x11810] =	vst v6;
	v6 =	vor.u32 v11, v7  }
0x166: {  	v3 =	vor.u32 v4, v3;
	v7 =	vld [tilespmem:s14+$0xC810];
	[tilespmem:s18+$0x11820] =	vst v6;
	v6 =	vor.u32 v14, v13;
	v4 =	vshll.u32 v0, $0x10  }
0x167: {  	v10 =	vld [tilespmem:s14+$0x5020];
	[tilespmem:s18+$0x11830] =	vst v6;
	v0 =	vand.u32 $0xFFFF0000, v0;
	v8 =	vshll.u32 v15, $0x10;
	v11 =	vand.u32 $0xFFFF0000, v15  }
0x168: {  	v1 =	vor.u32 v1, v2;
	v6 =	vld [tilespmem:s14+$0xC820];
	[tilespmem:s18+$0x11840] =	vst v5;
	v2 =	vsub.f32 v4, v8;
	v0 =	vsub.f32 v0, v11  }
0x169: {  	v5 =	vld [tilespmem:s14+$0x5030];
	[tilespmem:s18+$0x11850] =	vst v3;
	v4 =	vshll.u32 v16, $0x10;
	v8 =	vshll.u32 v12, $0x10;
	v11 =	vand.u32 $0xFFFF0000, v16  }
0x16a: {  	v3 =	vld [tilespmem:s14+$0xC830];
	[tilespmem:s18+$0x11860] =	vst v1;
	v1 =	vand.u32 $0xFFFF0000, v12;
	v13 =	vshll.u32 v9, $0x10;
	v9 =	vand.u32 $0xFFFF0000, v9  }
0x16b: {  	v4 =	vsub.f32 v4, v8;
	v2 =	vadd.s32 $0x8000, v2;
	v0 =	vadd.s32 $0x8000, v0  }
0x16c: {  	v15 =	vshll.u32 v7, $0x10;
	v7 =	vand.u32 $0xFFFF0000, v7;
	v1 =	vsub.f32 v11, v1  }
0x16d: {  	v2 =	vshrl.u32 v2, $0x10;
	v0 =	vand.u32 $0xFFFF0000, v0;
	v53 =	vshll.u32 v10, $0x10  }
0x16e: {  	v12 =	vld [tilespmem:s14+$0x5040];
	v13 =	vsub.f32 v13, v15;
	v7 =	vsub.f32 v9, v7;
	v4 =	vadd.s32 $0x8000, v4  }
0x16f: {  	v14 =	vld [tilespmem:s14+$0xC840];
	v0 =	vor.u32 v0, v2;
	v17 =	vshll.u32 v6, $0x10;
	v6 =	vand.u32 $0xFFFF0000, v6  }
0x170: {  	v18 =	vld [tilespmem:s14+$0xC850];
	v1 =	vadd.s32 $0x8000, v1;
	v4 =	vshrl.u32 v4, $0x10;
	[tilespmem:s14+$0x11870] =	vst v0;
	v0 =	vand.u32 $0xFFFF0000, v10  }
0x171: {  	v19 =	vld [tilespmem:s14+$0x5060];
	v10 =	vshll.u32 v5, $0x10;
	v5 =	vand.u32 $0xFFFF0000, v5;
	v16 =	vsub.f32 v53, v17  }
0x172: {  	v20 =	vld [tilespmem:s14+$0xC860];
	v7 =	vadd.s32 $0x8000, v7;
	v1 =	vand.u32 $0xFFFF0000, v1;
	v8 =	vshll.u32 v3, $0x10  }
0x173: {  	v3 =	vand.u32 $0xFFFF0000, v3;
	v0 =	vsub.f32 v0, v6;
	v7 =	vand.u32 $0xFFFF0000, v7  }
0x174: {  	v1 =	vor.u32 v1, v4;
	v11 =	vshll.u32 v12, $0x10;
	v12 =	vand.u32 $0xFFFF0000, v12  }
0x175: {  	v2 =	vld [tilespmem:s14+$0x5050];
	v15 =	vshll.u32 v14, $0x10;
	v14 =	vand.u32 $0xFFFF0000, v14;
	v54 =	vshll.u32 v18, $0x10  }
0x176: {  	v18 =	vand.u32 $0xFFFF0000, v18;
	v6 =	vshll.u32 v19, $0x10;
	v19 =	vand.u32 $0xFFFF0000, v19  }
0x177: {  	v8 =	vsub.f32 v10, v8;
	v10 =	vshll.u32 v20, $0x10;
	v3 =	vsub.f32 v5, v3  }
0x178: {  	v20 =	vand.u32 $0xFFFF0000, v20;
	v5 =	vsub.f32 v11, v15;
	v11 =	vsub.f32 v12, v14  }
0x179: {  	v12 =	vadd.s32 $0x8000, v13;
	v6 =	vsub.f32 v6, v10;
	v10 =	vadd.s32 $0x8000, v16  }
0x17a: {  	v13 =	vsub.f32 v19, v20;
	v0 =	vadd.s32 $0x8000, v0;
	v9 =	vshll.u32 v2, $0x10  }
0x17b: {  	v2 =	vand.u32 $0xFFFF0000, v2;
	v8 =	vadd.s32 $0x8000, v8;
	v3 =	vadd.s32 $0x8000, v3  }
0x17c: {  	v12 =	vshrl.u32 v12, $0x10;
	v4 =	vshrl.u32 v10, $0x10;
	v0 =	vand.u32 $0xFFFF0000, v0  }
0x17d: {  	v9 =	vsub.f32 v9, v54;
	v2 =	vsub.f32 v2, v18;
	v5 =	vadd.s32 $0x8000, v5  }
0x17e: {  	v11 =	vadd.s32 $0x8000, v11;
	v6 =	vadd.s32 $0x8000, v6;
	v13 =	vadd.s32 $0x8000, v13  }
0x17f: {  	[tilespmem:s14+$0x11800] =	vst v1;
	v1 =	vor.u32 v7, v12;
	v7 =	vshrl.u32 v8, $0x10;
	v3 =	vand.u32 $0xFFFF0000, v3  }
0x180: {  	v0 =	vor.u32 v0, v4;
	[tilespmem:s14+$0x11810] =	vst v1;
	v1 =	vshrl.u32 v5, $0x10;
	v4 =	vand.u32 $0xFFFF0000, v11  }
0x181: {  	v3 =	vor.u32 v3, v7;
	[tilespmem:s14+$0x11820] =	vst v0;
	v9 =	vadd.s32 $0x8000, v9;
	v2 =	vadd.s32 $0x8000, v2  }
0x182: {  	v1 =	vor.u32 v4, v1;
	[tilespmem:s14+$0x11830] =	vst v3;
	v3 =	vshrl.u32 v6, $0x10;
	v4 =	vand.u32 $0xFFFF0000, v13  }
0x183: {  	s6 =	sadd.s32 s17, s8;
	v0 =	vshrl.u32 v9, $0x10;
	v2 =	vand.u32 $0xFFFF0000, v2;
	[tilespmem:s14+$0x11840] =	vst v1;
	v1 =	vor.u32 v4, v3  }
0x184: {  	s6 =	sshll.u32 s6, $0x4;
	v0 =	vor.u32 v2, v0;
	[tilespmem:s14+$0x11860] =	vst v1  }
0x185: {  	s6 =	sadd.s32 s5, s6;
	[tilespmem:s14+$0x11850] =	vst v0  }
0x186: {  	[hbm4b:s6+s3] =	stream.linear.scatter [tilespmem:s21], [sflag:$0x7], $0x1400, $0x38;
	[tilespmem:$0x14000] =	vst v63  }
0x187: {  	s18 =	simm.s32 @!p0 $0x5000;
	s14 =	simm.s32 @!p0 $0x28;
	s6 =	sadd.s32 @!p0 $0x140, s17  }
0x188: {  	[tilespmem:s18], [sflag:$0x3] =	stream.indirect.gather @!p0 [hbm4b:s2+s14], $0x80, s6, s14, $0xb8;
	[tilespmem:$0x14000] =	vst v63  }
0x189: {  	s6 =	sadd.s32 @!p0 $0x1540, s17;
	s18 =	simm.s32 @!p0 $0xC800  }
0x18a: {  	[tilespmem:s18], [sflag:$0x3] =	stream.indirect.gather @!p0 [hbm4b:s2+s14], $0x80, s6, s14, $0xb8;
	[tilespmem:$0x14000] =	vst v63  }
0x18b: {  	_ =	swait.ge [sflag:s26], $0x1400  }
0x18c: {  	[sflag:s26] =	ssyncset.done $0x0  }
0x18d: {  	[sflag:s26] =	ssyncadd.s32 $0xFFFFEC00  }
0x18e: {  	_ =	swait.ge [sflag:s26], $0x1400  }
0x18f: {  	[sflag:s26] =	ssyncset.done $0x0  }
0x190: {  	[sflag:s26] =	ssyncadd.s32 $0xFFFFEC00  }
0x191: {  	_ =	swait.ge [sflag:s28], $0x1400  }
0x192: {  	[sflag:s28] =	ssyncset.done $0x0  }
0x193: {  	s18 =	simm.s32 $0x0;
	[sflag:s28] =	ssyncadd.s32 $0xFFFFEC00  }
0x194: {  	v0 =	vld [tilespmem:s18+$0x6470]  }
0x195: {  	v1 =	vld [tilespmem:s18+$0xDC70]  }
0x196: {  	v2 =	vld [tilespmem:s18+$0x6400]  }
0x197: {  	v4 =	vld [tilespmem:s18+$0x6410]  }
0x198: {  	v5 =	vld [tilespmem:s18+$0xDC10]  }
0x199: {  	v7 =	vld [tilespmem:s18+$0x6420]  }
0x19a: {  	v9 =	vld [tilespmem:s18+$0xDC20]  }
0x19b: {  	v57 =	vld [tilespmem:s18+$0xDC50]  }
0x19c: {  	v58 =	vld [tilespmem:s18+$0x6460];
	v6 =	vshll.u32 v0, $0x10  }
0x19d: {  	v59 =	vld [tilespmem:s18+$0xDC60];
	v8 =	vshll.u32 v1, $0x10;
	v0 =	vand.u32 $0xFFFF0000, v0;
	v1 =	vand.u32 $0xFFFF0000, v1  }
0x19e: {  	v3 =	vld [tilespmem:s18+$0xDC00];
	v10 =	vshll.u32 v2, $0x10;
	v2 =	vand.u32 $0xFFFF0000, v2;
	v12 =	vshll.u32 v4, $0x10  }
0x19f: {  	v15 =	vld [tilespmem:s18+$0xDC40];
	v14 =	vshll.u32 v5, $0x10;
	v4 =	vand.u32 $0xFFFF0000, v4;
	v5 =	vand.u32 $0xFFFF0000, v5  }
0x1a0: {  	v11 =	vld [tilespmem:s18+$0xDC30];
	v55 =	vshll.u32 v7, $0x10;
	v56 =	vshll.u32 v9, $0x10;
	v7 =	vand.u32 $0xFFFF0000, v7  }
0x1a1: {  	v13 =	vld [tilespmem:s18+$0x6440];
	v60 =	vshll.u32 v57, $0x10;
	v18 =	vand.u32 $0xFFFF0000, v57;
	v19 =	vand.u32 $0xFFFF0000, v58  }
0x1a2: {  	v20 =	vand.u32 $0xFFFF0000, v59;
	v6 =	vsub.f32 v6, v8;
	v0 =	vsub.f32 v0, v1  }
0x1a3: {  	v8 =	vshll.u32 v3, $0x10;
	v3 =	vand.u32 $0xFFFF0000, v3;
	v12 =	vsub.f32 v12, v14  }
0x1a4: {  	v14 =	vshll.u32 v15, $0x10;
	v15 =	vand.u32 $0xFFFF0000, v15;
	v4 =	vsub.f32 v4, v5  }
0x1a5: {  	v16 =	vsub.f32 v55, v56;
	v8 =	vsub.f32 v10, v8;
	v10 =	vshll.u32 v11, $0x10  }
0x1a6: {  	v1 =	vld [tilespmem:s18+$0x6430];
	v11 =	vand.u32 $0xFFFF0000, v11;
	v2 =	vsub.f32 v2, v3;
	v3 =	vshll.u32 v13, $0x10  }
0x1a7: {  	v13 =	vand.u32 $0xFFFF0000, v13;
	v6 =	vadd.s32 $0x8000, v6;
	v0 =	vadd.s32 $0x8000, v0  }
0x1a8: {  	v3 =	vsub.f32 v3, v14;
	v6 =	vshrl.u32 v6, $0x10;
	v0 =	vand.u32 $0xFFFF0000, v0  }
0x1a9: {  	v14 =	vadd.s32 $0x8000, v12;
	v12 =	vsub.f32 v19, v20;
	v0 =	vor.u32 v0, v6  }
0x1aa: {  	v8 =	vadd.s32 $0x8000, v8;
	v63 =	vadd.s32 $0x8000, v3;
	[tilespmem:s18+$0x12C70] =	vst v0;
	v0 =	vand.u32 $0xFFFF0000, v9  }
0x1ab: {  	v9 =	vshll.u32 v1, $0x10;
	v1 =	vand.u32 $0xFFFF0000, v1;
	v0 =	vsub.f32 v7, v0  }
0x1ac: {  	v6 =	vld [tilespmem:s18+$0x6450];
	v7 =	vshll.u32 v58, $0x10;
	v9 =	vsub.f32 v9, v10;
	v10 =	vshll.u32 v59, $0x10  }
0x1ad: {  	v1 =	vsub.f32 v1, v11;
	v11 =	vadd.s32 $0x8000, v2;
	v2 =	vsub.f32 v13, v15  }
0x1ae: {  	v15 =	vadd.s32 $0x8000, v16;
	v7 =	vsub.f32 v7, v10;
	v10 =	vadd.s32 $0x8000, v4  }
0x1af: {  	v0 =	vadd.s32 $0x8000, v0;
	v61 =	vadd.s32 $0x8000, v9;
	v62 =	vadd.s32 $0x8000, v1  }
0x1b0: {  	v1 =	vadd.s32 $0x8000, v12;
	v9 =	vshrl.u32 v8, $0x10;
	v12 =	vand.u32 $0xFFFF0000, v11  }
0x1b1: {  	v10 =	vand.u32 $0xFFFF0000, v10;
	v5 =	vshll.u32 v6, $0x10;
	v6 =	vand.u32 $0xFFFF0000, v6  }
0x1b2: {  	v8 =	vshrl.u32 v63, $0x10;
	v13 =	vsub.f32 v5, v60;
	v6 =	vsub.f32 v6, v18  }
0x1b3: {  	v11 =	vand.u32 $0xFFFF0000, v0;
	v5 =	vadd.s32 $0x8000, v2;
	v2 =	vadd.s32 $0x8000, v7  }
0x1b4: {  	s14 =	simm.s32 $0x80;
	v7 =	vshrl.u32 v15, $0x10;
	v3 =	vadd.s32 $0x8000, v13;
	v4 =	vadd.s32 $0x8000, v6  }
0x1b5: {  	s6 =	simm.s32 $0x400;
	v0 =	vld [tilespmem:s14+$0x6470];
	v6 =	vshrl.u32 v14, $0x10;
	v13 =	vshrl.u32 v61, $0x10;
	v14 =	vand.u32 $0xFFFF0000, v62  }
.LBB2_9:
0x1b6: {  	p1 =	sne.s32 s6, $0x4E00;
	v15 =	vld [tilespmem:s14+$0xDC70];
	v5 =	vand.u32 $0xFFFF0000, v5;
	v3 =	vshrl.u32 v3, $0x10;
	v4 =	vand.u32 $0xFFFF0000, v4  }
0x1b7: {  	v9 =	vor.u32 v12, v9;
	v2 =	vshrl.u32 v2, $0x10;
	v1 =	vand.u32 $0xFFFF0000, v1;
	v16 =	vld [tilespmem:s14+$0x6400]  }
0x1b8: {  	v6 =	vor.u32 v10, v6;
	v7 =	vor.u32 v11, v7;
	v12 =	vld [tilespmem:s14+$0xDC00];
	[tilespmem:s18+$0x12C00] =	vst v9;
	v9 =	vor.u32 v14, v13  }
0x1b9: {  	v5 =	vor.u32 v5, v8;
	v3 =	vor.u32 v4, v3;
	v1 =	vor.u32 v1, v2;
	v10 =	vld [tilespmem:s14+$0x6410];
	[tilespmem:s18+$0x12C10] =	vst v6  }
0x1ba: {  	v2 =	vld [tilespmem:s14+$0xDC10];
	v4 =	vshll.u32 v0, $0x10;
	[tilespmem:s18+$0x12C20] =	vst v7  }
0x1bb: {  	v0 =	vand.u32 $0xFFFF0000, v0;
	v6 =	vld [tilespmem:s14+$0x6420];
	v7 =	vshll.u32 v15, $0x10;
	v8 =	vand.u32 $0xFFFF0000, v15;
	[tilespmem:s18+$0x12C30] =	vst v9  }
0x1bc: {  	v9 =	vshll.u32 v16, $0x10;
	v11 =	vld [tilespmem:s14+$0xDC20];
	v4 =	vsub.f32 v4, v7;
	v0 =	vsub.f32 v0, v8;
	[tilespmem:s18+$0x12C40] =	vst v5  }
0x1bd: {  	v7 =	vand.u32 $0xFFFF0000, v16;
	v5 =	vshll.u32 v12, $0x10;
	v8 =	vand.u32 $0xFFFF0000, v12;
	v12 =	vld [tilespmem:s14+$0x6430];
	[tilespmem:s18+$0x12C50] =	vst v3  }
0x1be: {  	v3 =	vshll.u32 v10, $0x10;
	v13 =	vld [tilespmem:s14+$0xDC30];
	v4 =	vadd.s32 $0x8000, v4;
	v0 =	vadd.s32 $0x8000, v0;
	[tilespmem:s18+$0x12C60] =	vst v1;
	s18 =	smov.u32 s14  }
0x1bf: {  	v1 =	vshll.u32 v2, $0x10;
	v14 =	vld [tilespmem:s18+$0x6440];
	v4 =	vshrl.u32 v4, $0x10;
	v0 =	vand.u32 $0xFFFF0000, v0  }
0x1c0: {  	v10 =	vand.u32 $0xFFFF0000, v10;
	v2 =	vand.u32 $0xFFFF0000, v2;
	v15 =	vld [tilespmem:s18+$0xDC40];
	v0 =	vor.u32 v0, v4  }
0x1c1: {  	v4 =	vshll.u32 v6, $0x10;
	v6 =	vand.u32 $0xFFFF0000, v6;
	v16 =	vshll.u32 v11, $0x10;
	v17 =	vld [tilespmem:s18+$0x6450];
	[tilespmem:s18+$0x12C70] =	vst v0  }
0x1c2: {  	v0 =	vand.u32 $0xFFFF0000, v11;
	v11 =	vshll.u32 v12, $0x10;
	v12 =	vand.u32 $0xFFFF0000, v12;
	v18 =	vld [tilespmem:s18+$0xDC50]  }
0x1c3: {  	v5 =	vsub.f32 v9, v5;
	v9 =	vshll.u32 v13, $0x10;
	v13 =	vand.u32 $0xFFFF0000, v13;
	v19 =	vld [tilespmem:s18+$0x6460]  }
0x1c4: {  	v7 =	vsub.f32 v7, v8;
	v8 =	vshll.u32 v14, $0x10;
	v14 =	vand.u32 $0xFFFF0000, v14;
	v20 =	vld [tilespmem:s18+$0xDC60]  }
0x1c5: {  	v1 =	vsub.f32 v3, v1;
	v3 =	vshll.u32 v15, $0x10;
	v15 =	vand.u32 $0xFFFF0000, v15  }
0x1c6: {  	v2 =	vsub.f32 v10, v2;
	v10 =	vshll.u32 v17, $0x10;
	v17 =	vand.u32 $0xFFFF0000, v17  }
0x1c7: {  	v4 =	vsub.f32 v4, v16;
	v16 =	vshll.u32 v18, $0x10;
	v18 =	vand.u32 $0xFFFF0000, v18  }
0x1c8: {  	v0 =	vsub.f32 v6, v0;
	v6 =	vshll.u32 v19, $0x10;
	v19 =	vand.u32 $0xFFFF0000, v19  }
0x1c9: {  	v9 =	vsub.f32 v11, v9;
	v11 =	vshll.u32 v20, $0x10;
	v20 =	vand.u32 $0xFFFF0000, v20  }
0x1ca: {  	v21 =	vadd.s32 $0x8000, v5;
	v5 =	vsub.f32 v12, v13;
	v3 =	vsub.f32 v8, v3  }
0x1cb: {  	v7 =	vadd.s32 $0x8000, v7;
	v8 =	vsub.f32 v14, v15;
	v10 =	vsub.f32 v10, v16  }
0x1cc: {  	v13 =	vadd.s32 $0x8000, v1;
	v1 =	vsub.f32 v17, v18;
	v6 =	vsub.f32 v6, v11  }
0x1cd: {  	v14 =	vadd.s32 $0x8000, v4;
	v11 =	vadd.s32 $0x8000, v2;
	v12 =	vsub.f32 v19, v20  }
0x1ce: {  	v0 =	vadd.s32 $0x8000, v0;
	v15 =	vadd.s32 $0x8000, v9;
	v16 =	vadd.s32 $0x8000, v5  }
.Ltmp5:
0x1cf: {  	v17 =	vadd.s32 $0x8000, v3;
	v5 =	vadd.s32 $0x8000, v8;
	v3 =	vadd.s32 $0x8000, v10;
	(pc) =	sbr.rel @p1 .LBB2_9-.Ltmp5, $4  }
0x1d0: {  	v4 =	vadd.s32 $0x8000, v1;
	v2 =	vadd.s32 $0x8000, v6;
	v1 =	vadd.s32 $0x8000, v12  }
0x1d1: {  	v9 =	vshrl.u32 v21, $0x10;
	v12 =	vand.u32 $0xFFFF0000, v7;
	v6 =	vshrl.u32 v13, $0x10  }
0x1d2: {  	s14 =	sshra.s32 s6, $0x2;
	v10 =	vand.u32 $0xFFFF0000, v11;
	v11 =	vand.u32 $0xFFFF0000, v0;
	v7 =	vshrl.u32 v14, $0x10  }
0x1d3: {  	s6 =	sadd.s32 $0x200, s6;
	v8 =	vshrl.u32 v17, $0x10;
	v13 =	vshrl.u32 v15, $0x10;
	v14 =	vand.u32 $0xFFFF0000, v16;
	v0 =	vld [tilespmem:s14+$0x6470]  }
0x1d4: {  	v15 =	vld [tilespmem:s14+$0xDC70]  }
0x1d5: {  	v16 =	vld [tilespmem:s14+$0x6400];
	v9 =	vor.u32 v12, v9;
	v6 =	vor.u32 v10, v6;
	v5 =	vand.u32 $0xFFFF0000, v5  }
0x1d6: {  	v12 =	vld [tilespmem:s14+$0xDC00];
	v3 =	vshrl.u32 v3, $0x10;
	v4 =	vand.u32 $0xFFFF0000, v4;
	v2 =	vshrl.u32 v2, $0x10;
	[tilespmem:s18+$0x12C00] =	vst v9  }
0x1d7: {  	v1 =	vand.u32 $0xFFFF0000, v1;
	v5 =	vor.u32 v5, v8;
	v9 =	vld [tilespmem:s14+$0x6410];
	[tilespmem:s18+$0x12C10] =	vst v6;
	v6 =	vor.u32 v11, v7  }
0x1d8: {  	v3 =	vor.u32 v4, v3;
	v7 =	vld [tilespmem:s14+$0xDC10];
	[tilespmem:s18+$0x12C20] =	vst v6;
	v6 =	vor.u32 v14, v13;
	v4 =	vshll.u32 v0, $0x10  }
0x1d9: {  	v10 =	vld [tilespmem:s14+$0x6420];
	[tilespmem:s18+$0x12C30] =	vst v6;
	v0 =	vand.u32 $0xFFFF0000, v0;
	v8 =	vshll.u32 v15, $0x10;
	v11 =	vand.u32 $0xFFFF0000, v15  }
0x1da: {  	v1 =	vor.u32 v1, v2;
	v6 =	vld [tilespmem:s14+$0xDC20];
	[tilespmem:s18+$0x12C40] =	vst v5;
	v2 =	vsub.f32 v4, v8;
	v0 =	vsub.f32 v0, v11  }
0x1db: {  	v5 =	vld [tilespmem:s14+$0x6430];
	[tilespmem:s18+$0x12C50] =	vst v3;
	v4 =	vshll.u32 v16, $0x10;
	v8 =	vshll.u32 v12, $0x10;
	v11 =	vand.u32 $0xFFFF0000, v16  }
0x1dc: {  	v3 =	vld [tilespmem:s14+$0xDC30];
	[tilespmem:s18+$0x12C60] =	vst v1;
	v1 =	vand.u32 $0xFFFF0000, v12;
	v13 =	vshll.u32 v9, $0x10;
	v9 =	vand.u32 $0xFFFF0000, v9  }
0x1dd: {  	v4 =	vsub.f32 v4, v8;
	v2 =	vadd.s32 $0x8000, v2;
	v0 =	vadd.s32 $0x8000, v0  }
0x1de: {  	v15 =	vshll.u32 v7, $0x10;
	v7 =	vand.u32 $0xFFFF0000, v7;
	v1 =	vsub.f32 v11, v1  }
0x1df: {  	v2 =	vshrl.u32 v2, $0x10;
	v0 =	vand.u32 $0xFFFF0000, v0;
	v53 =	vshll.u32 v10, $0x10  }
0x1e0: {  	v12 =	vld [tilespmem:s14+$0x6440];
	v13 =	vsub.f32 v13, v15;
	v7 =	vsub.f32 v9, v7;
	v4 =	vadd.s32 $0x8000, v4  }
0x1e1: {  	v14 =	vld [tilespmem:s14+$0xDC40];
	v0 =	vor.u32 v0, v2;
	v17 =	vshll.u32 v6, $0x10;
	v6 =	vand.u32 $0xFFFF0000, v6  }
0x1e2: {  	v18 =	vld [tilespmem:s14+$0xDC50];
	v1 =	vadd.s32 $0x8000, v1;
	v4 =	vshrl.u32 v4, $0x10;
	[tilespmem:s14+$0x12C70] =	vst v0;
	v0 =	vand.u32 $0xFFFF0000, v10  }
0x1e3: {  	v19 =	vld [tilespmem:s14+$0x6460];
	v10 =	vshll.u32 v5, $0x10;
	v5 =	vand.u32 $0xFFFF0000, v5;
	v16 =	vsub.f32 v53, v17  }
0x1e4: {  	v20 =	vld [tilespmem:s14+$0xDC60];
	v7 =	vadd.s32 $0x8000, v7;
	v1 =	vand.u32 $0xFFFF0000, v1;
	v8 =	vshll.u32 v3, $0x10  }
0x1e5: {  	v3 =	vand.u32 $0xFFFF0000, v3;
	v0 =	vsub.f32 v0, v6;
	v7 =	vand.u32 $0xFFFF0000, v7  }
0x1e6: {  	v1 =	vor.u32 v1, v4;
	v11 =	vshll.u32 v12, $0x10;
	v12 =	vand.u32 $0xFFFF0000, v12  }
0x1e7: {  	v2 =	vld [tilespmem:s14+$0x6450];
	v15 =	vshll.u32 v14, $0x10;
	v14 =	vand.u32 $0xFFFF0000, v14;
	v54 =	vshll.u32 v18, $0x10  }
0x1e8: {  	v18 =	vand.u32 $0xFFFF0000, v18;
	v6 =	vshll.u32 v19, $0x10;
	v19 =	vand.u32 $0xFFFF0000, v19  }
0x1e9: {  	v8 =	vsub.f32 v10, v8;
	v10 =	vshll.u32 v20, $0x10;
	v3 =	vsub.f32 v5, v3  }
0x1ea: {  	v20 =	vand.u32 $0xFFFF0000, v20;
	v5 =	vsub.f32 v11, v15;
	v11 =	vsub.f32 v12, v14  }
0x1eb: {  	v12 =	vadd.s32 $0x8000, v13;
	v6 =	vsub.f32 v6, v10;
	v10 =	vadd.s32 $0x8000, v16  }
0x1ec: {  	v13 =	vsub.f32 v19, v20;
	v0 =	vadd.s32 $0x8000, v0;
	v9 =	vshll.u32 v2, $0x10  }
0x1ed: {  	v2 =	vand.u32 $0xFFFF0000, v2;
	v8 =	vadd.s32 $0x8000, v8;
	v3 =	vadd.s32 $0x8000, v3  }
0x1ee: {  	v12 =	vshrl.u32 v12, $0x10;
	v4 =	vshrl.u32 v10, $0x10;
	v0 =	vand.u32 $0xFFFF0000, v0  }
0x1ef: {  	v9 =	vsub.f32 v9, v54;
	v2 =	vsub.f32 v2, v18;
	v5 =	vadd.s32 $0x8000, v5  }
0x1f0: {  	v11 =	vadd.s32 $0x8000, v11;
	v6 =	vadd.s32 $0x8000, v6;
	v13 =	vadd.s32 $0x8000, v13  }
0x1f1: {  	[tilespmem:s14+$0x12C00] =	vst v1;
	v1 =	vor.u32 v7, v12;
	v7 =	vshrl.u32 v8, $0x10;
	v3 =	vand.u32 $0xFFFF0000, v3  }
0x1f2: {  	v0 =	vor.u32 v0, v4;
	[tilespmem:s14+$0x12C10] =	vst v1;
	v1 =	vshrl.u32 v5, $0x10;
	v4 =	vand.u32 $0xFFFF0000, v11  }
0x1f3: {  	v3 =	vor.u32 v3, v7;
	[tilespmem:s14+$0x12C20] =	vst v0;
	v9 =	vadd.s32 $0x8000, v9;
	v2 =	vadd.s32 $0x8000, v2  }
0x1f4: {  	v1 =	vor.u32 v4, v1;
	[tilespmem:s14+$0x12C30] =	vst v3;
	v3 =	vshrl.u32 v6, $0x10;
	v4 =	vand.u32 $0xFFFF0000, v13  }
0x1f5: {  	s6 =	sadd.s32 s17, s9;
	v0 =	vshrl.u32 v9, $0x10;
	v2 =	vand.u32 $0xFFFF0000, v2;
	[tilespmem:s14+$0x12C40] =	vst v1;
	v1 =	vor.u32 v4, v3  }
0x1f6: {  	s6 =	sshll.u32 s6, $0x4;
	v0 =	vor.u32 v2, v0;
	[tilespmem:s14+$0x12C60] =	vst v1  }
0x1f7: {  	s6 =	sadd.s32 s5, s6;
	[tilespmem:s14+$0x12C50] =	vst v0  }
0x1f8: {  	[hbm4b:s6+s3] =	stream.linear.scatter [tilespmem:s23], [sflag:$0x8], $0x1400, $0x38;
	[tilespmem:$0x14000] =	vst v63  }
0x1f9: {  	s18 =	simm.s32 @!p0 $0x6400;
	s14 =	simm.s32 @!p0 $0x28;
	s6 =	sadd.s32 @!p0 $0x168, s17  }
0x1fa: {  	[tilespmem:s18], [sflag:$0x4] =	stream.indirect.gather @!p0 [hbm4b:s2+s14], $0x80, s6, s14, $0xb8;
	[tilespmem:$0x14000] =	vst v63  }
0x1fb: {  	s6 =	sadd.s32 @!p0 $0x1568, s17;
	s18 =	simm.s32 @!p0 $0xDC00  }
0x1fc: {  	[tilespmem:s18], [sflag:$0x4] =	stream.indirect.gather @!p0 [hbm4b:s2+s14], $0x80, s6, s14, $0xb8;
	[tilespmem:$0x14000] =	vst v63  }
0x1fd: {  	_ =	swait.ge [sflag:s29], $0x1400  }
0x1fe: {  	[sflag:s29] =	ssyncset.done $0x0  }
0x1ff: {  	[sflag:s29] =	ssyncadd.s32 $0xFFFFEC00  }
0x200: {  	_ =	swait.ge [sflag:s29], $0x1400  }
0x201: {  	[sflag:s29] =	ssyncset.done $0x0  }
0x202: {  	[sflag:s29] =	ssyncadd.s32 $0xFFFFEC00  }
0x203: {  	_ =	swait.ge [sflag:s25], $0x1400  }
0x204: {  	[sflag:s25] =	ssyncset.done $0x0  }
0x205: {  	s18 =	simm.s32 $0x0;
	[sflag:s25] =	ssyncadd.s32 $0xFFFFEC00  }
0x206: {  	v0 =	vld [tilespmem:s18+$0x7870]  }
0x207: {  	v1 =	vld [tilespmem:s18+$0xF070]  }
0x208: {  	v2 =	vld [tilespmem:s18+$0x7800]  }
0x209: {  	v4 =	vld [tilespmem:s18+$0x7810]  }
0x20a: {  	v5 =	vld [tilespmem:s18+$0xF010]  }
0x20b: {  	v7 =	vld [tilespmem:s18+$0x7820]  }
0x20c: {  	v9 =	vld [tilespmem:s18+$0xF020]  }
0x20d: {  	v57 =	vld [tilespmem:s18+$0xF050]  }
0x20e: {  	v58 =	vld [tilespmem:s18+$0x7860];
	v6 =	vshll.u32 v0, $0x10  }
0x20f: {  	v59 =	vld [tilespmem:s18+$0xF060];
	v8 =	vshll.u32 v1, $0x10;
	v0 =	vand.u32 $0xFFFF0000, v0;
	v1 =	vand.u32 $0xFFFF0000, v1  }
0x210: {  	v3 =	vld [tilespmem:s18+$0xF000];
	v10 =	vshll.u32 v2, $0x10;
	v2 =	vand.u32 $0xFFFF0000, v2;
	v12 =	vshll.u32 v4, $0x10  }
0x211: {  	v15 =	vld [tilespmem:s18+$0xF040];
	v14 =	vshll.u32 v5, $0x10;
	v4 =	vand.u32 $0xFFFF0000, v4;
	v5 =	vand.u32 $0xFFFF0000, v5  }
0x212: {  	v11 =	vld [tilespmem:s18+$0xF030];
	v55 =	vshll.u32 v7, $0x10;
	v56 =	vshll.u32 v9, $0x10;
	v7 =	vand.u32 $0xFFFF0000, v7  }
0x213: {  	v13 =	vld [tilespmem:s18+$0x7840];
	v60 =	vshll.u32 v57, $0x10;
	v18 =	vand.u32 $0xFFFF0000, v57;
	v19 =	vand.u32 $0xFFFF0000, v58  }
0x214: {  	v20 =	vand.u32 $0xFFFF0000, v59;
	v6 =	vsub.f32 v6, v8;
	v0 =	vsub.f32 v0, v1  }
0x215: {  	v8 =	vshll.u32 v3, $0x10;
	v3 =	vand.u32 $0xFFFF0000, v3;
	v12 =	vsub.f32 v12, v14  }
0x216: {  	v14 =	vshll.u32 v15, $0x10;
	v15 =	vand.u32 $0xFFFF0000, v15;
	v4 =	vsub.f32 v4, v5  }
0x217: {  	v16 =	vsub.f32 v55, v56;
	v8 =	vsub.f32 v10, v8;
	v10 =	vshll.u32 v11, $0x10  }
0x218: {  	v1 =	vld [tilespmem:s18+$0x7830];
	v11 =	vand.u32 $0xFFFF0000, v11;
	v2 =	vsub.f32 v2, v3;
	v3 =	vshll.u32 v13, $0x10  }
0x219: {  	v13 =	vand.u32 $0xFFFF0000, v13;
	v6 =	vadd.s32 $0x8000, v6;
	v0 =	vadd.s32 $0x8000, v0  }
0x21a: {  	v3 =	vsub.f32 v3, v14;
	v6 =	vshrl.u32 v6, $0x10;
	v0 =	vand.u32 $0xFFFF0000, v0  }
0x21b: {  	v14 =	vadd.s32 $0x8000, v12;
	v12 =	vsub.f32 v19, v20;
	v0 =	vor.u32 v0, v6  }
0x21c: {  	v8 =	vadd.s32 $0x8000, v8;
	v63 =	vadd.s32 $0x8000, v3;
	[tilespmem:s18+$0x11870] =	vst v0;
	v0 =	vand.u32 $0xFFFF0000, v9  }
0x21d: {  	v9 =	vshll.u32 v1, $0x10;
	v1 =	vand.u32 $0xFFFF0000, v1;
	v0 =	vsub.f32 v7, v0  }
0x21e: {  	v6 =	vld [tilespmem:s18+$0x7850];
	v7 =	vshll.u32 v58, $0x10;
	v9 =	vsub.f32 v9, v10;
	v10 =	vshll.u32 v59, $0x10  }
0x21f: {  	v1 =	vsub.f32 v1, v11;
	v11 =	vadd.s32 $0x8000, v2;
	v2 =	vsub.f32 v13, v15  }
0x220: {  	v15 =	vadd.s32 $0x8000, v16;
	v7 =	vsub.f32 v7, v10;
	v10 =	vadd.s32 $0x8000, v4  }
0x221: {  	v0 =	vadd.s32 $0x8000, v0;
	v61 =	vadd.s32 $0x8000, v9;
	v62 =	vadd.s32 $0x8000, v1  }
0x222: {  	v1 =	vadd.s32 $0x8000, v12;
	v9 =	vshrl.u32 v8, $0x10;
	v12 =	vand.u32 $0xFFFF0000, v11  }
0x223: {  	v10 =	vand.u32 $0xFFFF0000, v10;
	v5 =	vshll.u32 v6, $0x10;
	v6 =	vand.u32 $0xFFFF0000, v6  }
0x224: {  	v8 =	vshrl.u32 v63, $0x10;
	v13 =	vsub.f32 v5, v60;
	v6 =	vsub.f32 v6, v18  }
0x225: {  	v11 =	vand.u32 $0xFFFF0000, v0;
	v5 =	vadd.s32 $0x8000, v2;
	v2 =	vadd.s32 $0x8000, v7  }
0x226: {  	s14 =	simm.s32 $0x80;
	v7 =	vshrl.u32 v15, $0x10;
	v3 =	vadd.s32 $0x8000, v13;
	v4 =	vadd.s32 $0x8000, v6  }
0x227: {  	s6 =	simm.s32 $0x400;
	v0 =	vld [tilespmem:s14+$0x7870];
	v6 =	vshrl.u32 v14, $0x10;
	v13 =	vshrl.u32 v61, $0x10;
	v14 =	vand.u32 $0xFFFF0000, v62  }
.LBB2_11:
0x228: {  	p1 =	sne.s32 s6, $0x4E00;
	v15 =	vld [tilespmem:s14+$0xF070];
	v5 =	vand.u32 $0xFFFF0000, v5;
	v3 =	vshrl.u32 v3, $0x10;
	v4 =	vand.u32 $0xFFFF0000, v4  }
0x229: {  	v9 =	vor.u32 v12, v9;
	v2 =	vshrl.u32 v2, $0x10;
	v1 =	vand.u32 $0xFFFF0000, v1;
	v16 =	vld [tilespmem:s14+$0x7800]  }
0x22a: {  	v6 =	vor.u32 v10, v6;
	v7 =	vor.u32 v11, v7;
	v12 =	vld [tilespmem:s14+$0xF000];
	[tilespmem:s18+$0x11800] =	vst v9;
	v9 =	vor.u32 v14, v13  }
0x22b: {  	v5 =	vor.u32 v5, v8;
	v3 =	vor.u32 v4, v3;
	v1 =	vor.u32 v1, v2;
	v10 =	vld [tilespmem:s14+$0x7810];
	[tilespmem:s18+$0x11810] =	vst v6  }
0x22c: {  	v2 =	vld [tilespmem:s14+$0xF010];
	v4 =	vshll.u32 v0, $0x10;
	[tilespmem:s18+$0x11820] =	vst v7  }
0x22d: {  	v0 =	vand.u32 $0xFFFF0000, v0;
	v6 =	vld [tilespmem:s14+$0x7820];
	v7 =	vshll.u32 v15, $0x10;
	v8 =	vand.u32 $0xFFFF0000, v15;
	[tilespmem:s18+$0x11830] =	vst v9  }
0x22e: {  	v9 =	vshll.u32 v16, $0x10;
	v11 =	vld [tilespmem:s14+$0xF020];
	v4 =	vsub.f32 v4, v7;
	v0 =	vsub.f32 v0, v8;
	[tilespmem:s18+$0x11840] =	vst v5  }
0x22f: {  	v7 =	vand.u32 $0xFFFF0000, v16;
	v5 =	vshll.u32 v12, $0x10;
	v8 =	vand.u32 $0xFFFF0000, v12;
	v12 =	vld [tilespmem:s14+$0x7830];
	[tilespmem:s18+$0x11850] =	vst v3  }
0x230: {  	v3 =	vshll.u32 v10, $0x10;
	v13 =	vld [tilespmem:s14+$0xF030];
	v4 =	vadd.s32 $0x8000, v4;
	v0 =	vadd.s32 $0x8000, v0;
	[tilespmem:s18+$0x11860] =	vst v1;
	s18 =	smov.u32 s14  }
0x231: {  	v1 =	vshll.u32 v2, $0x10;
	v14 =	vld [tilespmem:s18+$0x7840];
	v4 =	vshrl.u32 v4, $0x10;
	v0 =	vand.u32 $0xFFFF0000, v0  }
0x232: {  	v10 =	vand.u32 $0xFFFF0000, v10;
	v2 =	vand.u32 $0xFFFF0000, v2;
	v15 =	vld [tilespmem:s18+$0xF040];
	v0 =	vor.u32 v0, v4  }
0x233: {  	v4 =	vshll.u32 v6, $0x10;
	v6 =	vand.u32 $0xFFFF0000, v6;
	v16 =	vshll.u32 v11, $0x10;
	v17 =	vld [tilespmem:s18+$0x7850];
	[tilespmem:s18+$0x11870] =	vst v0  }
0x234: {  	v0 =	vand.u32 $0xFFFF0000, v11;
	v11 =	vshll.u32 v12, $0x10;
	v12 =	vand.u32 $0xFFFF0000, v12;
	v18 =	vld [tilespmem:s18+$0xF050]  }
0x235: {  	v5 =	vsub.f32 v9, v5;
	v9 =	vshll.u32 v13, $0x10;
	v13 =	vand.u32 $0xFFFF0000, v13;
	v19 =	vld [tilespmem:s18+$0x7860]  }
0x236: {  	v7 =	vsub.f32 v7, v8;
	v8 =	vshll.u32 v14, $0x10;
	v14 =	vand.u32 $0xFFFF0000, v14;
	v20 =	vld [tilespmem:s18+$0xF060]  }
0x237: {  	v1 =	vsub.f32 v3, v1;
	v3 =	vshll.u32 v15, $0x10;
	v15 =	vand.u32 $0xFFFF0000, v15  }
0x238: {  	v2 =	vsub.f32 v10, v2;
	v10 =	vshll.u32 v17, $0x10;
	v17 =	vand.u32 $0xFFFF0000, v17  }
0x239: {  	v4 =	vsub.f32 v4, v16;
	v16 =	vshll.u32 v18, $0x10;
	v18 =	vand.u32 $0xFFFF0000, v18  }
0x23a: {  	v0 =	vsub.f32 v6, v0;
	v6 =	vshll.u32 v19, $0x10;
	v19 =	vand.u32 $0xFFFF0000, v19  }
0x23b: {  	v9 =	vsub.f32 v11, v9;
	v11 =	vshll.u32 v20, $0x10;
	v20 =	vand.u32 $0xFFFF0000, v20  }
0x23c: {  	v21 =	vadd.s32 $0x8000, v5;
	v5 =	vsub.f32 v12, v13;
	v3 =	vsub.f32 v8, v3  }
0x23d: {  	v7 =	vadd.s32 $0x8000, v7;
	v8 =	vsub.f32 v14, v15;
	v10 =	vsub.f32 v10, v16  }
0x23e: {  	v13 =	vadd.s32 $0x8000, v1;
	v1 =	vsub.f32 v17, v18;
	v6 =	vsub.f32 v6, v11  }
0x23f: {  	v14 =	vadd.s32 $0x8000, v4;
	v11 =	vadd.s32 $0x8000, v2;
	v12 =	vsub.f32 v19, v20  }
0x240: {  	v0 =	vadd.s32 $0x8000, v0;
	v15 =	vadd.s32 $0x8000, v9;
	v16 =	vadd.s32 $0x8000, v5  }
.Ltmp6:
0x241: {  	v17 =	vadd.s32 $0x8000, v3;
	v5 =	vadd.s32 $0x8000, v8;
	v3 =	vadd.s32 $0x8000, v10;
	(pc) =	sbr.rel @p1 .LBB2_11-.Ltmp6, $4  }
0x242: {  	v4 =	vadd.s32 $0x8000, v1;
	v2 =	vadd.s32 $0x8000, v6;
	v1 =	vadd.s32 $0x8000, v12  }
0x243: {  	v9 =	vshrl.u32 v21, $0x10;
	v12 =	vand.u32 $0xFFFF0000, v7;
	v6 =	vshrl.u32 v13, $0x10  }
0x244: {  	s14 =	sshra.s32 s6, $0x2;
	v10 =	vand.u32 $0xFFFF0000, v11;
	v11 =	vand.u32 $0xFFFF0000, v0;
	v7 =	vshrl.u32 v14, $0x10  }
0x245: {  	s6 =	sadd.s32 $0x200, s6;
	v8 =	vshrl.u32 v17, $0x10;
	v13 =	vshrl.u32 v15, $0x10;
	v14 =	vand.u32 $0xFFFF0000, v16;
	v0 =	vld [tilespmem:s14+$0x7870]  }
0x246: {  	v15 =	vld [tilespmem:s14+$0xF070]  }
0x247: {  	v16 =	vld [tilespmem:s14+$0x7800]  }
0x248: {  	v9 =	vor.u32 v12, v9;
	v21 =	vld [tilespmem:s14+$0xF000];
	v6 =	vor.u32 v10, v6;
	v22 =	vor.u32 v11, v7  }
0x249: {  	v24 =	vor.u32 v14, v13;
	v5 =	vand.u32 $0xFFFF0000, v5;
	v3 =	vshrl.u32 v3, $0x10;
	[tilespmem:s18+$0x11800] =	vst v9  }
0x24a: {  	v4 =	vand.u32 $0xFFFF0000, v4;
	v2 =	vshrl.u32 v2, $0x10;
	v1 =	vand.u32 $0xFFFF0000, v1;
	v9 =	vld [tilespmem:s14+$0x7810]  }
0x24b: {  	v5 =	vor.u32 v5, v8;
	v3 =	vor.u32 v4, v3;
	v1 =	vor.u32 v1, v2;
	[tilespmem:s18+$0x11810] =	vst v6  }
0x24c: {  	v23 =	vld [tilespmem:s14+$0xF010];
	[tilespmem:s18+$0x11820] =	vst v22;
	v26 =	vshll.u32 v0, $0x10;
	v28 =	vand.u32 $0xFFFF0000, v0;
	v27 =	vshll.u32 v15, $0x10  }
0x24d: {  	v25 =	vld [tilespmem:s14+$0x7820];
	[tilespmem:s18+$0x11830] =	vst v24;
	v29 =	vand.u32 $0xFFFF0000, v15;
	v31 =	vshll.u32 v16, $0x10;
	v32 =	vshll.u32 v21, $0x10  }
0x24e: {  	v6 =	vld [tilespmem:s14+$0xF020];
	[tilespmem:s18+$0x11840] =	vst v5;
	v33 =	vand.u32 $0xFFFF0000, v16;
	v34 =	vand.u32 $0xFFFF0000, v21;
	v30 =	vsub.f32 v26, v27  }
0x24f: {  	v5 =	vld [tilespmem:s14+$0x7830];
	[tilespmem:s18+$0x11850] =	vst v3;
	v0 =	vsub.f32 v28, v29;
	v4 =	vsub.f32 v31, v32;
	v36 =	vshll.u32 v9, $0x10  }
0x250: {  	v3 =	vld [tilespmem:s14+$0xF030];
	[tilespmem:s18+$0x11860] =	vst v1;
	v9 =	vand.u32 $0xFFFF0000, v9;
	v1 =	vsub.f32 v33, v34;
	v2 =	vadd.s32 $0x8000, v30  }
0x251: {  	v0 =	vadd.s32 $0x8000, v0;
	v38 =	vshll.u32 v23, $0x10;
	v7 =	vand.u32 $0xFFFF0000, v23  }
0x252: {  	v4 =	vadd.s32 $0x8000, v4;
	v2 =	vshrl.u32 v2, $0x10;
	v0 =	vand.u32 $0xFFFF0000, v0  }
0x253: {  	v35 =	vld [tilespmem:s14+$0x7840];
	v40 =	vshll.u32 v25, $0x10;
	v41 =	vand.u32 $0xFFFF0000, v25;
	v13 =	vsub.f32 v36, v38  }
0x254: {  	v37 =	vld [tilespmem:s14+$0xF040];
	v7 =	vsub.f32 v9, v7;
	v1 =	vadd.s32 $0x8000, v1;
	v4 =	vshrl.u32 v4, $0x10  }
0x255: {  	v39 =	vld [tilespmem:s14+$0x7850];
	v0 =	vor.u32 v0, v2;
	v17 =	vshll.u32 v6, $0x10;
	v6 =	vand.u32 $0xFFFF0000, v6  }
0x256: {  	v18 =	vld [tilespmem:s14+$0xF050];
	v1 =	vand.u32 $0xFFFF0000, v1;
	v42 =	vshll.u32 v5, $0x10;
	v5 =	vand.u32 $0xFFFF0000, v5  }
0x257: {  	v19 =	vld [tilespmem:s14+$0x7860];
	[tilespmem:s14+$0x11870] =	vst v0;
	v16 =	vsub.f32 v40, v17;
	v0 =	vsub.f32 v41, v6;
	v52 =	vadd.s32 $0x8000, v13  }
0x258: {  	v20 =	vld [tilespmem:s14+$0xF060];
	v7 =	vadd.s32 $0x8000, v7;
	v1 =	vor.u32 v1, v4;
	v43 =	vshll.u32 v3, $0x10  }
0x259: {  	v3 =	vand.u32 $0xFFFF0000, v3;
	v7 =	vand.u32 $0xFFFF0000, v7;
	v44 =	vshll.u32 v35, $0x10  }
0x25a: {  	v12 =	vand.u32 $0xFFFF0000, v35;
	v45 =	vshll.u32 v37, $0x10;
	v14 =	vand.u32 $0xFFFF0000, v37  }
0x25b: {  	v46 =	vshll.u32 v39, $0x10;
	v2 =	vand.u32 $0xFFFF0000, v39;
	v47 =	vshll.u32 v18, $0x10  }
0x25c: {  	v18 =	vand.u32 $0xFFFF0000, v18;
	v48 =	vshll.u32 v19, $0x10;
	v19 =	vand.u32 $0xFFFF0000, v19  }
0x25d: {  	v8 =	vsub.f32 v42, v43;
	v49 =	vshll.u32 v20, $0x10;
	v3 =	vsub.f32 v5, v3  }
0x25e: {  	v20 =	vand.u32 $0xFFFF0000, v20;
	v50 =	vsub.f32 v44, v45;
	v51 =	vsub.f32 v12, v14  }
0x25f: {  	v53 =	vadd.s32 $0x8000, v16;
	v9 =	vsub.f32 v46, v47;
	v2 =	vsub.f32 v2, v18  }
0x260: {  	v0 =	vadd.s32 $0x8000, v0;
	v6 =	vsub.f32 v48, v49;
	v54 =	vsub.f32 v19, v20  }
0x261: {  	v12 =	vshrl.u32 v52, $0x10;
	v55 =	vshrl.u32 v53, $0x10;
	v0 =	vand.u32 $0xFFFF0000, v0  }
0x262: {  	v8 =	vadd.s32 $0x8000, v8;
	v3 =	vadd.s32 $0x8000, v3;
	v56 =	vor.u32 v7, v12  }
0x263: {  	v0 =	vor.u32 v0, v55;
	v5 =	vadd.s32 $0x8000, v50;
	v11 =	vadd.s32 $0x8000, v51  }
0x264: {  	[tilespmem:s14+$0x11800] =	vst v1;
	v9 =	vadd.s32 $0x8000, v9;
	v2 =	vadd.s32 $0x8000, v2;
	v6 =	vadd.s32 $0x8000, v6  }
0x265: {  	v13 =	vadd.s32 $0x8000, v54;
	v57 =	vshrl.u32 v8, $0x10;
	v3 =	vand.u32 $0xFFFF0000, v3;
	[tilespmem:s14+$0x11810] =	vst v56  }
0x266: {  	[tilespmem:s14+$0x11820] =	vst v0;
	v58 =	vshrl.u32 v5, $0x10;
	v59 =	vand.u32 $0xFFFF0000, v11;
	v3 =	vor.u32 v3, v57  }
.Ltmp7:
0x267: {  	v60 =	vshrl.u32 v9, $0x10;
	v2 =	vand.u32 $0xFFFF0000, v2;
	v1 =	vor.u32 v59, v58;
	[tilespmem:s14+$0x11830] =	vst v3;
	(pc) =	sbr.rel @p0 .LBB2_16-.Ltmp7, $4  }
0x268: {  	s6 =	sadd.s32 s17, s10;
	v61 =	vshrl.u32 v6, $0x10;
	v62 =	vand.u32 $0xFFFF0000, v13;
	v0 =	vor.u32 v2, v60;
	[tilespmem:s14+$0x11840] =	vst v1  }
0x269: {  	s6 =	sshll.u32 s6, $0x4;
	v63 =	vor.u32 v62, v61;
	[tilespmem:s14+$0x11850] =	vst v0  }
0x26a: {  	s6 =	sadd.s32 s5, s6;
	[tilespmem:s14+$0x11860] =	vst v63  }
0x26b: {  	[hbm4b:s6+s3] =	stream.linear.scatter [tilespmem:s21], [sflag:$0x7], $0x1400, $0x38;
	[tilespmem:$0x14000] =	vst v63  }
0x26c: {  	s6 =	sadd.s32 $0x190, s17  }
0x26d: {  	[tilespmem:s31], [sflag:$0x5] =	stream.indirect.gather [hbm4b:s2+s15], $0x80, s6, s15, $0xb8;
	[tilespmem:$0x14000] =	vst v63  }
0x26e: {  	s19 =	sadd.s32 $0x1590, s17  }
0x26f: {  	[tilespmem:s0], [sflag:$0x5] =	stream.indirect.gather [hbm4b:s2+s15], $0x80, s19, s15, $0xb8;
	[tilespmem:$0x14000] =	vst v63  }
0x270: {  	_ =	swait.ge [sflag:s30], $0x1400  }
0x271: {  	[sflag:s30] =	ssyncset.done $0x0  }
0x272: {  	[sflag:s30] =	ssyncadd.s32 $0xFFFFEC00  }
0x273: {  	_ =	swait.ge [sflag:s30], $0x1400  }
0x274: {  	[sflag:s30] =	ssyncset.done $0x0  }
0x275: {  	[sflag:s30] =	ssyncadd.s32 $0xFFFFEC00  }
0x276: {  	_ =	swait.ge [sflag:s28], $0x1400  }
0x277: {  	[sflag:s28] =	ssyncset.done $0x0  }
0x278: {  	s18 =	simm.s32 $0x0;
	[sflag:s28] =	ssyncadd.s32 $0xFFFFEC00  }
0x279: {  	v0 =	vld [tilespmem:s18+$0x8C70]  }
0x27a: {  	v1 =	vld [tilespmem:s18+$0x10470]  }
0x27b: {  	v2 =	vld [tilespmem:s18+$0x8C00]  }
0x27c: {  	v4 =	vld [tilespmem:s18+$0x8C10]  }
0x27d: {  	v5 =	vld [tilespmem:s18+$0x10410]  }
0x27e: {  	v7 =	vld [tilespmem:s18+$0x8C20]  }
0x27f: {  	v9 =	vld [tilespmem:s18+$0x10420]  }
0x280: {  	v18 =	vld [tilespmem:s18+$0x10450];
	v6 =	vshll.u32 v0, $0x10  }
0x281: {  	v3 =	vld [tilespmem:s18+$0x10400];
	v8 =	vshll.u32 v1, $0x10;
	v0 =	vand.u32 $0xFFFF0000, v0;
	v1 =	vand.u32 $0xFFFF0000, v1  }
0x282: {  	v15 =	vld [tilespmem:s18+$0x10440];
	v10 =	vshll.u32 v2, $0x10;
	v2 =	vand.u32 $0xFFFF0000, v2;
	v12 =	vshll.u32 v4, $0x10  }
0x283: {  	v14 =	vshll.u32 v5, $0x10;
	v4 =	vand.u32 $0xFFFF0000, v4;
	v5 =	vand.u32 $0xFFFF0000, v5  }
0x284: {  	v11 =	vld [tilespmem:s18+$0x10430];
	v16 =	vshll.u32 v7, $0x10;
	v17 =	vshll.u32 v9, $0x10;
	v7 =	vand.u32 $0xFFFF0000, v7  }
0x285: {  	v13 =	vld [tilespmem:s18+$0x8C40];
	v60 =	vshll.u32 v18, $0x10;
	v18 =	vand.u32 $0xFFFF0000, v18;
	v6 =	vsub.f32 v6, v8  }
0x286: {  	v0 =	vsub.f32 v0, v1;
	v8 =	vshll.u32 v3, $0x10;
	v3 =	vand.u32 $0xFFFF0000, v3  }
0x287: {  	v12 =	vsub.f32 v12, v14;
	v14 =	vshll.u32 v15, $0x10;
	v4 =	vsub.f32 v4, v5  }
0x288: {  	v15 =	vand.u32 $0xFFFF0000, v15;
	v16 =	vsub.f32 v16, v17;
	v8 =	vsub.f32 v10, v8  }
0x289: {  	v1 =	vld [tilespmem:s18+$0x8C30];
	v10 =	vshll.u32 v11, $0x10;
	v11 =	vand.u32 $0xFFFF0000, v11;
	v2 =	vsub.f32 v2, v3  }
0x28a: {  	v19 =	vld [tilespmem:s18+$0x8C60];
	v3 =	vshll.u32 v13, $0x10;
	v6 =	vadd.s32 $0x8000, v6;
	v0 =	vadd.s32 $0x8000, v0  }
0x28b: {  	v20 =	vld [tilespmem:s18+$0x10460];
	v3 =	vsub.f32 v3, v14;
	v6 =	vshrl.u32 v6, $0x10;
	v0 =	vand.u32 $0xFFFF0000, v0  }
0x28c: {  	v13 =	vand.u32 $0xFFFF0000, v13;
	v14 =	vadd.s32 $0x8000, v12;
	v0 =	vor.u32 v0, v6  }
0x28d: {  	v8 =	vadd.s32 $0x8000, v8;
	v63 =	vadd.s32 $0x8000, v3;
	[tilespmem:s18+$0x12C70] =	vst v0;
	v0 =	vand.u32 $0xFFFF0000, v9  }
0x28e: {  	v9 =	vshll.u32 v1, $0x10;
	v1 =	vand.u32 $0xFFFF0000, v1;
	v0 =	vsub.f32 v7, v0  }
0x28f: {  	v7 =	vshll.u32 v19, $0x10;
	v19 =	vand.u32 $0xFFFF0000, v19;
	v9 =	vsub.f32 v9, v10  }
0x290: {  	v6 =	vld [tilespmem:s18+$0x8C50];
	v10 =	vshll.u32 v20, $0x10;
	v20 =	vand.u32 $0xFFFF0000, v20;
	v1 =	vsub.f32 v1, v11  }
0x291: {  	v11 =	vadd.s32 $0x8000, v2;
	v2 =	vsub.f32 v13, v15;
	v15 =	vadd.s32 $0x8000, v16  }
0x292: {  	v7 =	vsub.f32 v7, v10;
	v10 =	vadd.s32 $0x8000, v4;
	v12 =	vsub.f32 v19, v20  }
0x293: {  	v0 =	vadd.s32 $0x8000, v0;
	v61 =	vadd.s32 $0x8000, v9;
	v62 =	vadd.s32 $0x8000, v1  }
0x294: {  	v9 =	vshrl.u32 v8, $0x10;
	v10 =	vand.u32 $0xFFFF0000, v10;
	v8 =	vshrl.u32 v63, $0x10  }
0x295: {  	v5 =	vshll.u32 v6, $0x10;
	v6 =	vand.u32 $0xFFFF0000, v6;
	v1 =	vadd.s32 $0x8000, v12  }
0x296: {  	v12 =	vand.u32 $0xFFFF0000, v11;
	v13 =	vsub.f32 v5, v60;
	v6 =	vsub.f32 v6, v18  }
0x297: {  	v11 =	vand.u32 $0xFFFF0000, v0;
	v5 =	vadd.s32 $0x8000, v2;
	v2 =	vadd.s32 $0x8000, v7  }
0x298: {  	s14 =	simm.s32 $0x80;
	v7 =	vshrl.u32 v15, $0x10;
	v3 =	vadd.s32 $0x8000, v13;
	v4 =	vadd.s32 $0x8000, v6  }
0x299: {  	s6 =	simm.s32 $0x400;
	v0 =	vld [tilespmem:s14+$0x8C70];
	v6 =	vshrl.u32 v14, $0x10;
	v13 =	vshrl.u32 v61, $0x10;
	v14 =	vand.u32 $0xFFFF0000, v62  }
.LBB2_14:
0x29a: {  	p0 =	sne.s32 s6, $0x4E00;
	v15 =	vld [tilespmem:s14+$0x10470];
	v5 =	vand.u32 $0xFFFF0000, v5;
	v3 =	vshrl.u32 v3, $0x10;
	v4 =	vand.u32 $0xFFFF0000, v4  }
0x29b: {  	v9 =	vor.u32 v12, v9;
	v2 =	vshrl.u32 v2, $0x10;
	v1 =	vand.u32 $0xFFFF0000, v1;
	v16 =	vld [tilespmem:s14+$0x8C00]  }
0x29c: {  	v6 =	vor.u32 v10, v6;
	v7 =	vor.u32 v11, v7;
	v12 =	vld [tilespmem:s14+$0x10400];
	[tilespmem:s18+$0x12C00] =	vst v9;
	v9 =	vor.u32 v14, v13  }
0x29d: {  	v5 =	vor.u32 v5, v8;
	v3 =	vor.u32 v4, v3;
	v1 =	vor.u32 v1, v2;
	v10 =	vld [tilespmem:s14+$0x8C10];
	[tilespmem:s18+$0x12C10] =	vst v6  }
0x29e: {  	v2 =	vld [tilespmem:s14+$0x10410];
	v4 =	vshll.u32 v0, $0x10;
	[tilespmem:s18+$0x12C20] =	vst v7  }
0x29f: {  	v0 =	vand.u32 $0xFFFF0000, v0;
	v6 =	vld [tilespmem:s14+$0x8C20];
	v7 =	vshll.u32 v15, $0x10;
	v8 =	vand.u32 $0xFFFF0000, v15;
	[tilespmem:s18+$0x12C30] =	vst v9  }
0x2a0: {  	v9 =	vshll.u32 v16, $0x10;
	v11 =	vld [tilespmem:s14+$0x10420];
	v4 =	vsub.f32 v4, v7;
	v0 =	vsub.f32 v0, v8;
	[tilespmem:s18+$0x12C40] =	vst v5  }
0x2a1: {  	v7 =	vand.u32 $0xFFFF0000, v16;
	v5 =	vshll.u32 v12, $0x10;
	v8 =	vand.u32 $0xFFFF0000, v12;
	v12 =	vld [tilespmem:s14+$0x8C30];
	[tilespmem:s18+$0x12C50] =	vst v3  }
0x2a2: {  	v3 =	vshll.u32 v10, $0x10;
	v13 =	vld [tilespmem:s14+$0x10430];
	v4 =	vadd.s32 $0x8000, v4;
	v0 =	vadd.s32 $0x8000, v0;
	[tilespmem:s18+$0x12C60] =	vst v1;
	s18 =	smov.u32 s14  }
0x2a3: {  	v1 =	vshll.u32 v2, $0x10;
	v14 =	vld [tilespmem:s18+$0x8C40];
	v4 =	vshrl.u32 v4, $0x10;
	v0 =	vand.u32 $0xFFFF0000, v0  }
0x2a4: {  	v10 =	vand.u32 $0xFFFF0000, v10;
	v2 =	vand.u32 $0xFFFF0000, v2;
	v15 =	vld [tilespmem:s18+$0x10440];
	v0 =	vor.u32 v0, v4  }
0x2a5: {  	v4 =	vshll.u32 v6, $0x10;
	v6 =	vand.u32 $0xFFFF0000, v6;
	v16 =	vshll.u32 v11, $0x10;
	v17 =	vld [tilespmem:s18+$0x8C50];
	[tilespmem:s18+$0x12C70] =	vst v0  }
0x2a6: {  	v0 =	vand.u32 $0xFFFF0000, v11;
	v11 =	vshll.u32 v12, $0x10;
	v12 =	vand.u32 $0xFFFF0000, v12;
	v18 =	vld [tilespmem:s18+$0x10450]  }
0x2a7: {  	v5 =	vsub.f32 v9, v5;
	v9 =	vshll.u32 v13, $0x10;
	v13 =	vand.u32 $0xFFFF0000, v13;
	v19 =	vld [tilespmem:s18+$0x8C60]  }
0x2a8: {  	v7 =	vsub.f32 v7, v8;
	v8 =	vshll.u32 v14, $0x10;
	v14 =	vand.u32 $0xFFFF0000, v14;
	v20 =	vld [tilespmem:s18+$0x10460]  }
0x2a9: {  	v1 =	vsub.f32 v3, v1;
	v3 =	vshll.u32 v15, $0x10;
	v15 =	vand.u32 $0xFFFF0000, v15  }
0x2aa: {  	v2 =	vsub.f32 v10, v2;
	v10 =	vshll.u32 v17, $0x10;
	v17 =	vand.u32 $0xFFFF0000, v17  }
0x2ab: {  	v4 =	vsub.f32 v4, v16;
	v16 =	vshll.u32 v18, $0x10;
	v18 =	vand.u32 $0xFFFF0000, v18  }
0x2ac: {  	v0 =	vsub.f32 v6, v0;
	v6 =	vshll.u32 v19, $0x10;
	v19 =	vand.u32 $0xFFFF0000, v19  }
0x2ad: {  	v9 =	vsub.f32 v11, v9;
	v11 =	vshll.u32 v20, $0x10;
	v20 =	vand.u32 $0xFFFF0000, v20  }
0x2ae: {  	v21 =	vadd.s32 $0x8000, v5;
	v5 =	vsub.f32 v12, v13;
	v3 =	vsub.f32 v8, v3  }
0x2af: {  	v7 =	vadd.s32 $0x8000, v7;
	v8 =	vsub.f32 v14, v15;
	v10 =	vsub.f32 v10, v16  }
0x2b0: {  	v13 =	vadd.s32 $0x8000, v1;
	v1 =	vsub.f32 v17, v18;
	v6 =	vsub.f32 v6, v11  }
0x2b1: {  	v14 =	vadd.s32 $0x8000, v4;
	v11 =	vadd.s32 $0x8000, v2;
	v12 =	vsub.f32 v19, v20  }
0x2b2: {  	v0 =	vadd.s32 $0x8000, v0;
	v15 =	vadd.s32 $0x8000, v9;
	v16 =	vadd.s32 $0x8000, v5  }
.Ltmp8:
0x2b3: {  	v17 =	vadd.s32 $0x8000, v3;
	v5 =	vadd.s32 $0x8000, v8;
	v3 =	vadd.s32 $0x8000, v10;
	(pc) =	sbr.rel @p0 .LBB2_14-.Ltmp8, $4  }
0x2b4: {  	v4 =	vadd.s32 $0x8000, v1;
	v2 =	vadd.s32 $0x8000, v6;
	v1 =	vadd.s32 $0x8000, v12  }
0x2b5: {  	v9 =	vshrl.u32 v21, $0x10;
	v12 =	vand.u32 $0xFFFF0000, v7;
	v6 =	vshrl.u32 v13, $0x10  }
0x2b6: {  	s14 =	sshra.s32 s6, $0x2;
	v10 =	vand.u32 $0xFFFF0000, v11;
	v11 =	vand.u32 $0xFFFF0000, v0;
	v7 =	vshrl.u32 v14, $0x10  }
0x2b7: {  	s6 =	sadd.s32 $0x200, s6;
	v8 =	vshrl.u32 v17, $0x10;
	v13 =	vshrl.u32 v15, $0x10;
	v14 =	vand.u32 $0xFFFF0000, v16;
	v0 =	vld [tilespmem:s14+$0x8C70]  }
0x2b8: {  	v15 =	vld [tilespmem:s14+$0x10470]  }
0x2b9: {  	v16 =	vld [tilespmem:s14+$0x8C00]  }
0x2ba: {  	v9 =	vor.u32 v12, v9;
	v21 =	vld [tilespmem:s14+$0x10400];
	v6 =	vor.u32 v10, v6;
	v22 =	vor.u32 v11, v7  }
0x2bb: {  	v24 =	vor.u32 v14, v13;
	v5 =	vand.u32 $0xFFFF0000, v5;
	v3 =	vshrl.u32 v3, $0x10;
	[tilespmem:s18+$0x12C00] =	vst v9  }
0x2bc: {  	v4 =	vand.u32 $0xFFFF0000, v4;
	v2 =	vshrl.u32 v2, $0x10;
	v1 =	vand.u32 $0xFFFF0000, v1;
	v9 =	vld [tilespmem:s14+$0x8C10]  }
0x2bd: {  	v5 =	vor.u32 v5, v8;
	v3 =	vor.u32 v4, v3;
	v1 =	vor.u32 v1, v2;
	[tilespmem:s18+$0x12C10] =	vst v6  }
0x2be: {  	v23 =	vld [tilespmem:s14+$0x10410];
	[tilespmem:s18+$0x12C20] =	vst v22;
	v26 =	vshll.u32 v0, $0x10;
	v28 =	vand.u32 $0xFFFF0000, v0;
	v27 =	vshll.u32 v15, $0x10  }
0x2bf: {  	v25 =	vld [tilespmem:s14+$0x8C20];
	[tilespmem:s18+$0x12C30] =	vst v24;
	v29 =	vand.u32 $0xFFFF0000, v15;
	v31 =	vshll.u32 v16, $0x10;
	v32 =	vshll.u32 v21, $0x10  }
0x2c0: {  	v6 =	vld [tilespmem:s14+$0x10420];
	[tilespmem:s18+$0x12C40] =	vst v5;
	v33 =	vand.u32 $0xFFFF0000, v16;
	v34 =	vand.u32 $0xFFFF0000, v21;
	v30 =	vsub.f32 v26, v27  }
0x2c1: {  	v5 =	vld [tilespmem:s14+$0x8C30];
	[tilespmem:s18+$0x12C50] =	vst v3;
	v0 =	vsub.f32 v28, v29;
	v4 =	vsub.f32 v31, v32;
	v36 =	vshll.u32 v9, $0x10  }
0x2c2: {  	v3 =	vld [tilespmem:s14+$0x10430];
	[tilespmem:s18+$0x12C60] =	vst v1;
	v9 =	vand.u32 $0xFFFF0000, v9;
	v1 =	vsub.f32 v33, v34;
	v2 =	vadd.s32 $0x8000, v30  }
0x2c3: {  	v0 =	vadd.s32 $0x8000, v0;
	v38 =	vshll.u32 v23, $0x10;
	v7 =	vand.u32 $0xFFFF0000, v23  }
0x2c4: {  	v4 =	vadd.s32 $0x8000, v4;
	v2 =	vshrl.u32 v2, $0x10;
	v0 =	vand.u32 $0xFFFF0000, v0  }
0x2c5: {  	v35 =	vld [tilespmem:s14+$0x8C40];
	v40 =	vshll.u32 v25, $0x10;
	v41 =	vand.u32 $0xFFFF0000, v25;
	v13 =	vsub.f32 v36, v38  }
0x2c6: {  	v37 =	vld [tilespmem:s14+$0x10440];
	v7 =	vsub.f32 v9, v7;
	v1 =	vadd.s32 $0x8000, v1;
	v4 =	vshrl.u32 v4, $0x10  }
0x2c7: {  	v39 =	vld [tilespmem:s14+$0x8C50];
	v0 =	vor.u32 v0, v2;
	v17 =	vshll.u32 v6, $0x10;
	v6 =	vand.u32 $0xFFFF0000, v6  }
0x2c8: {  	v18 =	vld [tilespmem:s14+$0x10450];
	v1 =	vand.u32 $0xFFFF0000, v1;
	v42 =	vshll.u32 v5, $0x10;
	v5 =	vand.u32 $0xFFFF0000, v5  }
0x2c9: {  	v19 =	vld [tilespmem:s14+$0x8C60];
	[tilespmem:s14+$0x12C70] =	vst v0;
	v16 =	vsub.f32 v40, v17;
	v0 =	vsub.f32 v41, v6;
	v52 =	vadd.s32 $0x8000, v13  }
0x2ca: {  	v20 =	vld [tilespmem:s14+$0x10460];
	v7 =	vadd.s32 $0x8000, v7;
	v1 =	vor.u32 v1, v4;
	v43 =	vshll.u32 v3, $0x10  }
0x2cb: {  	v3 =	vand.u32 $0xFFFF0000, v3;
	v7 =	vand.u32 $0xFFFF0000, v7;
	v44 =	vshll.u32 v35, $0x10  }
0x2cc: {  	v12 =	vand.u32 $0xFFFF0000, v35;
	v45 =	vshll.u32 v37, $0x10;
	v14 =	vand.u32 $0xFFFF0000, v37  }
0x2cd: {  	v46 =	vshll.u32 v39, $0x10;
	v2 =	vand.u32 $0xFFFF0000, v39;
	v47 =	vshll.u32 v18, $0x10  }
0x2ce: {  	v18 =	vand.u32 $0xFFFF0000, v18;
	v48 =	vshll.u32 v19, $0x10;
	v19 =	vand.u32 $0xFFFF0000, v19  }
0x2cf: {  	v8 =	vsub.f32 v42, v43;
	v49 =	vshll.u32 v20, $0x10;
	v3 =	vsub.f32 v5, v3  }
0x2d0: {  	v20 =	vand.u32 $0xFFFF0000, v20;
	v50 =	vsub.f32 v44, v45;
	v51 =	vsub.f32 v12, v14  }
0x2d1: {  	v53 =	vadd.s32 $0x8000, v16;
	v9 =	vsub.f32 v46, v47;
	v2 =	vsub.f32 v2, v18  }
0x2d2: {  	v0 =	vadd.s32 $0x8000, v0;
	v6 =	vsub.f32 v48, v49;
	v54 =	vsub.f32 v19, v20  }
0x2d3: {  	v12 =	vshrl.u32 v52, $0x10;
	v55 =	vshrl.u32 v53, $0x10;
	v0 =	vand.u32 $0xFFFF0000, v0  }
0x2d4: {  	v8 =	vadd.s32 $0x8000, v8;
	v3 =	vadd.s32 $0x8000, v3;
	v56 =	vor.u32 v7, v12  }
0x2d5: {  	v0 =	vor.u32 v0, v55;
	v5 =	vadd.s32 $0x8000, v50;
	v11 =	vadd.s32 $0x8000, v51  }
0x2d6: {  	[tilespmem:s14+$0x12C00] =	vst v1;
	v9 =	vadd.s32 $0x8000, v9;
	v2 =	vadd.s32 $0x8000, v2;
	v6 =	vadd.s32 $0x8000, v6  }
0x2d7: {  	v13 =	vadd.s32 $0x8000, v54;
	v57 =	vshrl.u32 v8, $0x10;
	v3 =	vand.u32 $0xFFFF0000, v3;
	[tilespmem:s14+$0x12C10] =	vst v56  }
0x2d8: {  	[tilespmem:s14+$0x12C20] =	vst v0;
	v58 =	vshrl.u32 v5, $0x10;
	v59 =	vand.u32 $0xFFFF0000, v11;
	v3 =	vor.u32 v3, v57  }
0x2d9: {  	v60 =	vshrl.u32 v9, $0x10;
	v2 =	vand.u32 $0xFFFF0000, v2;
	v1 =	vor.u32 v59, v58;
	[tilespmem:s14+$0x12C30] =	vst v3  }
0x2da: {  	s6 =	sadd.s32 s17, s11;
	v61 =	vshrl.u32 v6, $0x10;
	v62 =	vand.u32 $0xFFFF0000, v13;
	v0 =	vor.u32 v2, v60;
	[tilespmem:s14+$0x12C40] =	vst v1  }
0x2db: {  	s6 =	sshll.u32 s6, $0x4;
	v63 =	vor.u32 v62, v61;
	[tilespmem:s14+$0x12C50] =	vst v0  }
0x2dc: {  	p0 =	sgt.u32 s16, $0x12;
	s6 =	sadd.s32 s5, s6;
	[tilespmem:s14+$0x12C60] =	vst v63  }
0x2dd: {  	[hbm4b:s6+s3] =	stream.linear.scatter [tilespmem:s23], [sflag:$0x8], $0x1400, $0x38;
	[tilespmem:$0x14000] =	vst v63  }
0x2de: {  	s18 =	simm.s32 @!p0 $0x8C00;
	s14 =	simm.s32 @!p0 $0x28;
	s6 =	sadd.s32 @!p0 $0x1B8, s17  }
0x2df: {  	[tilespmem:s18], [sflag:$0x6] =	stream.indirect.gather @!p0 [hbm4b:s2+s14], $0x80, s6, s14, $0xb8;
	[tilespmem:$0x14000] =	vst v63  }
0x2e0: {  	s16 =	sadd.s32 $0x1, s16;
	s6 =	sadd.s32 @!p0 $0x15B8, s17;
	s17 =	simm.s32 @!p0 $0x10400  }
0x2e1: {  	[tilespmem:s17], [sflag:$0x6] =	stream.indirect.gather @!p0 [hbm4b:s2+s14], $0x80, s6, s14, $0xb8;
	[tilespmem:$0x14000] =	vst v63  }
0x2e2: {  	p0 =	sne.s32 s16, $0x15  }
.Ltmp9:
0x2e3: {  	_ = 	snop;
	(pc) =	sbr.rel @p0 .LBB2_2-.Ltmp9, $4  }
.Ltmp10:
0x2e4: {  	_ = 	snop;
	(pc) =	sbr.rel @!p0 .LBB2_16-.Ltmp10, $4  }
0x2e5: {  	_ = 	snop  }
0x2e6: {  	_ = 	snop  }
0x2e7: {  	_ = 	snop  }
0x2e8: {  	_ = 	snop  }
.LBB2_17:
0x2e9: {  	_ =	sfence.sel $0x180000  }
0x2ea: {  	[bflag:$0x0] =	sbarrier.arrive $0xFFFF  }
0x2eb: {  	_ =	strace $0x90000047  }
0x2ec: {  	s0 =	stileid.u32;
	[bflag:$0x2] =	sbarrier.arrive $0xFFFF  }
0x2ed: {  	p0 =	sne.s32 s0, $0x0;
	s0 =	rddreg [dreg:$0x2]  }
0x2ee: {  	s0 =	sadd.s32 @!p0 $0x100000, s0  }
0x2ef: {  	[sflag:s0] =	ssyncadd.tile.s32 @!p0 $0x1;
	_ =	shalt  }
.Lfunc_end2:
_tile_overlayer_lowered:
.L_overlay_start_2:
0x2f0: {  	(tag) =	ssettag $0x2  }
0x2f1: {  	s0 =	rddreg [dreg:$0x0];
	s2 =	stileid.u32  }
0x2f2: {  	s1 =	rddreg [dreg:$0x1];
	p0 =	sne.s32 s2, $0x0  }
0x2f3: {  	s3 =	rddreg [dreg:$0x2];
	[bflag:$0x3] =	sbarrier.arrive $0xFFFF;
	s2 =	simm.s32 @!p0 $0x1C09  }
0x2f4: {  	[timem:s3], [sflag:s2] =	dma.local @!p0 [hbm:s0], s1  }
0x2f5: {  	s0 =	simm.s32 @!p0 $0x9  }
0x2f6: {  	_ =	swait.ge @!p0 [sflag:s0], s1  }
0x2f7: {  	s1 =	ssub.s32 @!p0 $0x0, s1;
	[sflag:s0] =	ssyncset.done @!p0 $0x0  }
0x2f8: {  	[sflag:s0] =	ssyncadd.s32 @!p0 s1  }
0x2f9: {  	[bflag:$0x3] =	sbarrier.arrive $0xFFFF  }
0x2fa: {  	_ =	shalt  }

</sc_bundles>
